<compile_context>
chip_gen: v7x
topology: tpu7x:2x2x1
jax: 0.10.2.dev20260603
libtpu: 0.0.44.dev20260713+nightly
codegen_flags: <defaults>
</compile_context>

<pallas_src>
import functools

import jax
import jax.numpy as jnp
from jax import lax
from jax.experimental import pallas as pl
from jax.experimental.pallas import tpu as pltpu
from jax.experimental.pallas import tpu_sc as plsc

_NUM_CORES = 2
_NUM_SUBCORES = 16
_NUM_WORKERS = _NUM_CORES * _NUM_SUBCORES

_LANES = 16
_K = 4
_UNIT_B = _K * 128


@functools.partial(jax.jit, static_argnums=(2, 3, 4))
def _sc_embed(idx_t, table, batch, hist, dim):
    n_btg = batch // _UNIT_B
    n_units = hist * n_btg
    upw = n_units // _NUM_WORKERS
    assert n_units % _NUM_WORKERS == 0 and upw % 2 == 0
    e_hi = dim // 8

    mesh = plsc.VectorSubcoreMesh(core_axis_name="c", subcore_axis_name="s")

    @functools.partial(
        pl.kernel,
        out_type=jax.ShapeDtypeStruct(
            (hist, e_hi, batch // 128, 8, 128), jnp.float32
        ),
        mesh=mesh,
        scratch_types=[
            pltpu.VMEM((_K, 128), jnp.int32),
            pltpu.VMEM((_K, 128), jnp.int32),
            pltpu.VMEM((_K, 128, dim), jnp.float32),
            pltpu.VMEM((_K, 128, dim), jnp.float32),
            pltpu.VMEM((_K * dim, 129), jnp.float32),
            pltpu.VMEM((_K * dim, 129), jnp.float32),
            pltpu.SemaphoreType.DMA,
            pltpu.SemaphoreType.DMA,
            pltpu.SemaphoreType.DMA,
            pltpu.SemaphoreType.DMA,
            pltpu.SemaphoreType.DMA,
            pltpu.SemaphoreType.DMA,
        ],
        compiler_params=pltpu.CompilerParams(
            use_tc_tiling_on_sc=False, needs_layout_passes=False
        ),
    )
    def k(idx_hbm, table_hbm, out_hbm,
          ib0, ib1, rb0, rb1, tb0, tb1, is0, is1, gs0, gs1, os0, os1):
        wid = lax.axis_index("s") * _NUM_CORES + lax.axis_index("c")
        u0 = wid * upw
        ibufs = (ib0, ib1)
        rbufs = (rb0, rb1)
        tbufs = (tb0, tb1)
        isems = (is0, is1)
        gsems = (gs0, gs1)
        osems = (os0, os1)
        iota = lax.iota(jnp.int32, _LANES)

        def idx_src(u):
            h = u // n_btg
            btg = u % n_btg
            return idx_hbm.at[h // 8, pl.ds(btg * _K, _K), h % 8]

        def unit_stores(u, tb, sem):
            h = u // n_btg
            btg = u % n_btg
            for ei in range(e_hi):
                for btl in range(_K):
                    src = tb.at[pl.ds(btl * dim + ei * 8, 8), pl.ds(0, 128)]
                    dst = out_hbm.at[h, ei, btg * _K + btl]
                    yield pltpu.make_async_copy(src, dst, sem)

        def gather_unit(ib, rb, sem):
            for q in range(_K):
                yield pltpu.make_async_copy(table_hbm.at[ib.at[q]], rb.at[q], sem)

        pltpu.sync_copy(idx_src(u0), ib0)
        for cp in gather_unit(ib0, rb0, gs0):
            cp.start()
        pltpu.async_copy(idx_src(u0 + 1), ib1, is1)

        def pair(p, carry):
            for ph in range(2):
                cur = ph
                nxt = 1 - ph
                i = p * 2 + ph
                u = u0 + i

                for cp in gather_unit(ibufs[cur], rbufs[cur], gsems[cur]):
                    cp.wait()

                @pl.when(i + 1 < upw)
                def _():
                    pltpu.make_async_copy(
                        idx_src(u + 1), ibufs[nxt], isems[nxt]
                    ).wait()
                    for cp in gather_unit(ibufs[nxt], rbufs[nxt], gsems[nxt]):
                        cp.start()

                @pl.when(i + 2 < upw)
                def _():
                    pltpu.async_copy(idx_src(u + 2), ibufs[cur], isems[cur])

                @pl.when(i >= 2)
                def _():
                    for cp in unit_stores(u, tbufs[cur], osems[cur]):
                        cp.wait()

                @plsc.parallel_loop(0, _UNIT_B, unroll=8)
                def _(r):
                    btl = r // 128
                    bl = r - btl * 128
                    colv = jnp.zeros((_LANES,), jnp.int32) + bl
                    for k2 in range(dim // _LANES):
                        v = rbufs[cur][btl, bl, pl.ds(k2 * _LANES, _LANES)]
                        rowv = iota + (k2 * _LANES + btl * dim)
                        plsc.store_scatter(tbufs[cur], [rowv, colv], v)

                for cp in unit_stores(u, tbufs[cur], osems[cur]):
                    cp.start()

            return carry

        lax.fori_loop(0, upw // 2, pair, 0)

        for cur in range(2):
            for cp in unit_stores(u0 + upw - 2 + cur, tbufs[cur], osems[cur]):
                cp.wait()

    return k(idx_t, table)


def kernel(inputs, embeddings):
    batch, hist = inputs.shape
    _, dim = embeddings.shape
    idx4 = (
        inputs.astype(jnp.int32)
        .reshape(batch // 128, 128, hist // 8, 8)
        .transpose(2, 0, 3, 1)
    )
    out5 = _sc_embed(idx4, embeddings, batch, hist, dim)
    return out5.transpose(2, 4, 0, 1, 3).reshape(batch, hist, dim)

# --- scband reference (transcript-rebuilt; emitter-appended) ---
"""Pipeline reference for scband-embed-12902081757544 (READ-ONLY COPY).

The authoritative reference and input builder live on the scoring server;
editing this copy changes nothing except your own understanding.
"""

import jax, jax.numpy as jnp
import numpy as np

VOCAB_SIZE = 100000
EMBED_DIM = 32
BATCH = 16384
HIST_LEN = 200

def setup_inputs(seed: int = 0) -> dict:
    key = jax.random.key(seed)
    k_idx, k_emb = jax.random.split(key)
    inputs = jax.random.randint(k_idx, (BATCH, HIST_LEN), 0, VOCAB_SIZE, dtype=jnp.int64 if jax.config.jax_enable_x64 else jnp.int32)
    # Embed uses a uniform(-1, 1) initializer by default for the dense embedding table
    embeddings = jax.random.uniform(k_emb, (VOCAB_SIZE, EMBED_DIM), dtype=jnp.float32, minval=-1.0, maxval=1.0)
    return {"inputs": inputs, "embeddings": embeddings}

def reference(inputs, embeddings):
    # tf.nn.embedding_lookup(self.embeddings, inputs) -> gather along axis 0
    # dropout=0.0 so self.dropout is None; no dropout applied
    embedded = jnp.take(embeddings, inputs, axis=0)
    return embedded

if __name__ == "__main__":
    import jax
    _d = setup_inputs()
    print(jax.jit(kernel)(*tuple(_d.values())))

</pallas_src>

<mosaic_0001>
#map = affine_map<(d0, d1) -> (0, 0, 0, 0)>
#map1 = affine_map<(d0, d1) -> (0, 0)>
#map2 = affine_map<(d0, d1) -> (0, 0, 0, 0, 0)>
module attributes {stable_mosaic.version = 14 : i64} {
  func.func @k(%arg0: i32, %arg1: i32, %arg2: memref<25x128x8x128xi32, #tpu.memory_space<hbm>>, %arg3: memref<100000x32xf32, #tpu.memory_space<hbm>>, %arg4: memref<200x4x128x8x128xf32, #tpu.memory_space<hbm>>, %arg5: memref<4x128xi32, #tpu.memory_space<vmem>>, %arg6: memref<4x128xi32, #tpu.memory_space<vmem>>, %arg7: memref<4x128x32xf32, #tpu.memory_space<vmem>>, %arg8: memref<4x128x32xf32, #tpu.memory_space<vmem>>, %arg9: memref<128x129xf32, #tpu.memory_space<vmem>>, %arg10: memref<128x129xf32, #tpu.memory_space<vmem>>, %arg11: memref<!tpu.dma_semaphore, #tpu.memory_space<semaphore_mem>>, %arg12: memref<!tpu.dma_semaphore, #tpu.memory_space<semaphore_mem>>, %arg13: memref<!tpu.dma_semaphore, #tpu.memory_space<semaphore_mem>>, %arg14: memref<!tpu.dma_semaphore, #tpu.memory_space<semaphore_mem>>, %arg15: memref<!tpu.dma_semaphore, #tpu.memory_space<semaphore_mem>>, %arg16: memref<!tpu.dma_semaphore, #tpu.memory_space<semaphore_mem>>) attributes {dimension_semantics = [#tpu.dimension_semantics<core_parallel>, #tpu.dimension_semantics<subcore_parallel>], iteration_bounds = array<i64: 2, 16>, scalar_prefetch = 0 : i64, scratch_operands = 12 : i64, tpu.core_type = #tpu.core_type<sc_vector_subcore>, window_params = [{transform_indices = #map}, {transform_indices = #map1}, {transform_indices = #map2}]} {
    %mul3A = arith.constant 2 : i32
    %mul3A_0 = arith.muli %arg1, %mul3A : i32
    %add3A = arith.addi %mul3A_0, %arg0 : i32
    %mul3A_1 = arith.constant 200 : i32
    %mul3A_2 = arith.muli %add3A, %mul3A_1 : i32
    %iota3A = tpu.iota {dimensions = array<i32: 0>} : vector<16xi32>
    %jit3A = arith.constant 32 : i32
    %div3A = arith.divsi %mul3A_2, %jit3A : i32
    %sign3A = arith.constant 0 : i32
    %sign3A_3 = arith.cmpi sgt, %mul3A_2, %sign3A : i32
    %sign3A_4 = arith.extui %sign3A_3 : i1 to i32
    %sign3A_5 = arith.constant 0 : i32
    %sign3A_6 = arith.cmpi slt, %mul3A_2, %sign3A_5 : i32
    %sign3A_7 = arith.extui %sign3A_6 : i1 to i32
    %sign3A_8 = arith.subi %sign3A_4, %sign3A_7 : i32
    %sign3A_9 = arith.constant 0 : i32
    %sign3A_10 = arith.cmpi sgt, %jit3A, %sign3A_9 : i32
    %sign3A_11 = arith.extui %sign3A_10 : i1 to i32
    %sign3A_12 = arith.constant 0 : i32
    %sign3A_13 = arith.cmpi slt, %jit3A, %sign3A_12 : i32
    %sign3A_14 = arith.extui %sign3A_13 : i1 to i32
    %sign3A_15 = arith.subi %sign3A_11, %sign3A_14 : i32
    %ne3A = arith.cmpi ne, %sign3A_8, %sign3A_15 : i32
    %rem3A = arith.remsi %mul3A_2, %jit3A : i32
    %ne3A_16 = arith.constant 0 : i32
    %ne3A_17 = arith.cmpi ne, %rem3A, %ne3A_16 : i32
    %and3A = arith.andi %ne3A, %ne3A_17 : i1
    %sub3A = arith.constant 1 : i32
    %sub3A_18 = arith.subi %div3A, %sub3A : i32
    %select_n3A = arith.select %and3A, %sub3A_18, %div3A : i32
    %jit3A_19 = arith.constant 32 : i32
    %eq3A = arith.constant 0 : i32
    %eq3A_20 = arith.cmpi eq, %jit3A_19, %eq3A : i32
    %jit3A_21 = arith.constant 1 : i32
    %select_n3A_22 = arith.select %eq3A_20, %jit3A_21, %jit3A_19 : i32
    %rem3A_23 = arith.remsi %mul3A_2, %select_n3A_22 : i32
    %ne3A_24 = arith.constant 0 : i32
    %ne3A_25 = arith.cmpi ne, %rem3A_23, %ne3A_24 : i32
    %lt3A = arith.constant 0 : i32
    %lt3A_26 = arith.cmpi slt, %rem3A_23, %lt3A : i32
    %lt3A_27 = arith.constant 0 : i32
    %lt3A_28 = arith.cmpi slt, %select_n3A_22, %lt3A_27 : i32
    %ne3A_29 = arith.xori %lt3A_26, %lt3A_28 : i1
    %and3A_30 = arith.andi %ne3A_29, %ne3A_25 : i1
    %add3A_31 = arith.addi %rem3A_23, %select_n3A_22 : i32
    %select_n3A_32 = arith.select %and3A_30, %add3A_31, %rem3A_23 : i32
    %jit3A_33 = arith.constant 8 : i32
    %div3A_34 = arith.divsi %select_n3A, %jit3A_33 : i32
    %sign3A_35 = arith.constant 0 : i32
    %sign3A_36 = arith.cmpi sgt, %select_n3A, %sign3A_35 : i32
    %sign3A_37 = arith.extui %sign3A_36 : i1 to i32
    %sign3A_38 = arith.constant 0 : i32
    %sign3A_39 = arith.cmpi slt, %select_n3A, %sign3A_38 : i32
    %sign3A_40 = arith.extui %sign3A_39 : i1 to i32
    %sign3A_41 = arith.subi %sign3A_37, %sign3A_40 : i32
    %sign3A_42 = arith.constant 0 : i32
    %sign3A_43 = arith.cmpi sgt, %jit3A_33, %sign3A_42 : i32
    %sign3A_44 = arith.extui %sign3A_43 : i1 to i32
    %sign3A_45 = arith.constant 0 : i32
    %sign3A_46 = arith.cmpi slt, %jit3A_33, %sign3A_45 : i32
    %sign3A_47 = arith.extui %sign3A_46 : i1 to i32
    %sign3A_48 = arith.subi %sign3A_44, %sign3A_47 : i32
    %ne3A_49 = arith.cmpi ne, %sign3A_41, %sign3A_48 : i32
    %rem3A_50 = arith.remsi %select_n3A, %jit3A_33 : i32
    %ne3A_51 = arith.constant 0 : i32
    %ne3A_52 = arith.cmpi ne, %rem3A_50, %ne3A_51 : i32
    %and3A_53 = arith.andi %ne3A_49, %ne3A_52 : i1
    %sub3A_54 = arith.constant 1 : i32
    %sub3A_55 = arith.subi %div3A_34, %sub3A_54 : i32
    %select_n3A_56 = arith.select %and3A_53, %sub3A_55, %div3A_34 : i32
    %mul3A_57 = arith.constant 4 : i32
    %mul3A_58 = arith.muli %select_n3A_32, %mul3A_57 : i32
    %jit3A_59 = arith.constant 8 : i32
    %eq3A_60 = arith.constant 0 : i32
    %eq3A_61 = arith.cmpi eq, %jit3A_59, %eq3A_60 : i32
    %jit3A_62 = arith.constant 1 : i32
    %select_n3A_63 = arith.select %eq3A_61, %jit3A_62, %jit3A_59 : i32
    %rem3A_64 = arith.remsi %select_n3A, %select_n3A_63 : i32
    %ne3A_65 = arith.constant 0 : i32
    %ne3A_66 = arith.cmpi ne, %rem3A_64, %ne3A_65 : i32
    %lt3A_67 = arith.constant 0 : i32
    %lt3A_68 = arith.cmpi slt, %rem3A_64, %lt3A_67 : i32
    %lt3A_69 = arith.constant 0 : i32
    %lt3A_70 = arith.cmpi slt, %select_n3A_63, %lt3A_69 : i32
    %ne3A_71 = arith.xori %lt3A_68, %lt3A_70 : i1
    %and3A_72 = arith.andi %ne3A_71, %ne3A_66 : i1
    %add3A_73 = arith.addi %rem3A_64, %select_n3A_63 : i32
    %select_n3A_74 = arith.select %and3A_72, %add3A_73, %rem3A_64 : i32
    "tpu.region"() ({
      %run_scoped3A = tpu.sem_alloc : memref<!tpu.dma_semaphore, #tpu.memory_space<semaphore_mem>>
      %dma_start3A_916 = arith.constant 0 : i32
      %dma_start3A_917 = tpu.memref_slice %arg2[%select_n3A_56, %mul3A_58, %select_n3A_74, %dma_start3A_916] : memref<25x128x8x128xi32, #tpu.memory_space<hbm>> -> memref<1x4x1x128xi32, #tpu.memory_space<hbm>>
      %dma_start3A_918 = tpu.memref_squeeze %dma_start3A_917 : memref<1x4x1x128xi32, #tpu.memory_space<hbm>> -> memref<4x128xi32, #tpu.memory_space<hbm>>
      %dma_start3A_919 = arith.constant 0 : i32
      %dma_start3A_920 = tpu.memref_slice %arg2[%select_n3A_56, %mul3A_58, %select_n3A_74, %dma_start3A_919] : memref<25x128x8x128xi32, #tpu.memory_space<hbm>> -> memref<1x4x1x128xi32, #tpu.memory_space<hbm>>
      %dma_start3A_921 = tpu.memref_squeeze %dma_start3A_920 : memref<1x4x1x128xi32, #tpu.memory_space<hbm>> -> memref<4x128xi32, #tpu.memory_space<hbm>>
      tpu.enqueue_dma source(%dma_start3A_921 : memref<4x128xi32, #tpu.memory_space<hbm>>) target(%arg5 : memref<4x128xi32, #tpu.memory_space<vmem>>) target_semaphore(%run_scoped3A : memref<!tpu.dma_semaphore, #tpu.memory_space<semaphore_mem>>)
      %dma_wait3A_922 = arith.constant 0 : i32
      %dma_wait3A_923 = tpu.memref_slice %arg2[%select_n3A_56, %mul3A_58, %select_n3A_74, %dma_wait3A_922] : memref<25x128x8x128xi32, #tpu.memory_space<hbm>> -> memref<1x4x1x128xi32, #tpu.memory_space<hbm>>
      %dma_wait3A_924 = tpu.memref_squeeze %dma_wait3A_923 : memref<1x4x1x128xi32, #tpu.memory_space<hbm>> -> memref<4x128xi32, #tpu.memory_space<hbm>>
      %dma_wait3A_925 = arith.constant 0 : i32
      %dma_wait3A_926 = tpu.memref_slice %arg2[%select_n3A_56, %mul3A_58, %select_n3A_74, %dma_wait3A_925] : memref<25x128x8x128xi32, #tpu.memory_space<hbm>> -> memref<1x4x1x128xi32, #tpu.memory_space<hbm>>
      %dma_wait3A_927 = tpu.memref_squeeze %dma_wait3A_926 : memref<1x4x1x128xi32, #tpu.memory_space<hbm>> -> memref<4x128xi32, #tpu.memory_space<hbm>>
      tpu.wait_dma2 semaphore(%run_scoped3A : memref<!tpu.dma_semaphore, #tpu.memory_space<semaphore_mem>>) src(%dma_wait3A_927 : memref<4x128xi32, #tpu.memory_space<hbm>>) dst(%arg5 : memref<4x128xi32, #tpu.memory_space<vmem>>)
      tpu.yield
    }) : () -> ()
    %dma_start3A = arith.constant 0 : i32
    %dma_start3A_75 = arith.constant 0 : i32
    %dma_start3A_76 = arith.constant 0 : i32
    %dma_start3A_77 = arith.constant 0 : i32
    %dma_start3A_78 = tpu.memref_slice %arg7[%dma_start3A_75, %dma_start3A_76, %dma_start3A_77] : memref<4x128x32xf32, #tpu.memory_space<vmem>> -> memref<1x128x32xf32, #tpu.memory_space<vmem>>
    %dma_start3A_79 = tpu.memref_squeeze %dma_start3A_78 : memref<1x128x32xf32, #tpu.memory_space<vmem>> -> memref<128x32xf32, #tpu.memory_space<vmem>>
    %dma_start3A_80 = arith.constant 0 : i32
    %dma_start3A_81 = tpu.memref_slice %arg5[%dma_start3A, %dma_start3A_80] : memref<4x128xi32, #tpu.memory_space<vmem>> -> memref<1x128xi32, #tpu.memory_space<vmem>>
    %dma_start3A_82 = tpu.memref_squeeze %dma_start3A_81 : memref<1x128xi32, #tpu.memory_space<vmem>> -> memref<128xi32, #tpu.memory_space<vmem>>
    %dma_start3A_83 = arith.constant 0 : i32
    %dma_start3A_84 = arith.constant 0 : i32
    %dma_start3A_85 = tpu.memref_slice %arg3[%dma_start3A_83, %dma_start3A_84] : memref<100000x32xf32, #tpu.memory_space<hbm>> -> memref<100000x32xf32, #tpu.memory_space<hbm>>
    tpu.enqueue_indirect_dma source(%dma_start3A_85 : memref<100000x32xf32, #tpu.memory_space<hbm>>) target(%dma_start3A_79 : memref<128x32xf32, #tpu.memory_space<vmem>>) offsets(%dma_start3A_82 : memref<128xi32, #tpu.memory_space<vmem>>) semaphore(%arg13 : memref<!tpu.dma_semaphore, #tpu.memory_space<semaphore_mem>>)
    %dma_start3A_86 = arith.constant 1 : i32
    %dma_start3A_87 = arith.constant 1 : i32
    %dma_start3A_88 = arith.constant 0 : i32
    %dma_start3A_89 = arith.constant 0 : i32
    %dma_start3A_90 = tpu.memref_slice %arg7[%dma_start3A_87, %dma_start3A_88, %dma_start3A_89] : memref<4x128x32xf32, #tpu.memory_space<vmem>> -> memref<1x128x32xf32, #tpu.memory_space<vmem>>
    %dma_start3A_91 = tpu.memref_squeeze %dma_start3A_90 : memref<1x128x32xf32, #tpu.memory_space<vmem>> -> memref<128x32xf32, #tpu.memory_space<vmem>>
    %dma_start3A_92 = arith.constant 0 : i32
    %dma_start3A_93 = tpu.memref_slice %arg5[%dma_start3A_86, %dma_start3A_92] : memref<4x128xi32, #tpu.memory_space<vmem>> -> memref<1x128xi32, #tpu.memory_space<vmem>>
    %dma_start3A_94 = tpu.memref_squeeze %dma_start3A_93 : memref<1x128xi32, #tpu.memory_space<vmem>> -> memref<128xi32, #tpu.memory_space<vmem>>
    %dma_start3A_95 = arith.constant 0 : i32
    %dma_start3A_96 = arith.constant 0 : i32
    %dma_start3A_97 = tpu.memref_slice %arg3[%dma_start3A_95, %dma_start3A_96] : memref<100000x32xf32, #tpu.memory_space<hbm>> -> memref<100000x32xf32, #tpu.memory_space<hbm>>
    tpu.enqueue_indirect_dma source(%dma_start3A_97 : memref<100000x32xf32, #tpu.memory_space<hbm>>) target(%dma_start3A_91 : memref<128x32xf32, #tpu.memory_space<vmem>>) offsets(%dma_start3A_94 : memref<128xi32, #tpu.memory_space<vmem>>) semaphore(%arg13 : memref<!tpu.dma_semaphore, #tpu.memory_space<semaphore_mem>>)
    %dma_start3A_98 = arith.constant 2 : i32
    %dma_start3A_99 = arith.constant 2 : i32
    %dma_start3A_100 = arith.constant 0 : i32
    %dma_start3A_101 = arith.constant 0 : i32
    %dma_start3A_102 = tpu.memref_slice %arg7[%dma_start3A_99, %dma_start3A_100, %dma_start3A_101] : memref<4x128x32xf32, #tpu.memory_space<vmem>> -> memref<1x128x32xf32, #tpu.memory_space<vmem>>
    %dma_start3A_103 = tpu.memref_squeeze %dma_start3A_102 : memref<1x128x32xf32, #tpu.memory_space<vmem>> -> memref<128x32xf32, #tpu.memory_space<vmem>>
    %dma_start3A_104 = arith.constant 0 : i32
    %dma_start3A_105 = tpu.memref_slice %arg5[%dma_start3A_98, %dma_start3A_104] : memref<4x128xi32, #tpu.memory_space<vmem>> -> memref<1x128xi32, #tpu.memory_space<vmem>>
    %dma_start3A_106 = tpu.memref_squeeze %dma_start3A_105 : memref<1x128xi32, #tpu.memory_space<vmem>> -> memref<128xi32, #tpu.memory_space<vmem>>
    %dma_start3A_107 = arith.constant 0 : i32
    %dma_start3A_108 = arith.constant 0 : i32
    %dma_start3A_109 = tpu.memref_slice %arg3[%dma_start3A_107, %dma_start3A_108] : memref<100000x32xf32, #tpu.memory_space<hbm>> -> memref<100000x32xf32, #tpu.memory_space<hbm>>
    tpu.enqueue_indirect_dma source(%dma_start3A_109 : memref<100000x32xf32, #tpu.memory_space<hbm>>) target(%dma_start3A_103 : memref<128x32xf32, #tpu.memory_space<vmem>>) offsets(%dma_start3A_106 : memref<128xi32, #tpu.memory_space<vmem>>) semaphore(%arg13 : memref<!tpu.dma_semaphore, #tpu.memory_space<semaphore_mem>>)
    %dma_start3A_110 = arith.constant 3 : i32
    %dma_start3A_111 = arith.constant 3 : i32
    %dma_start3A_112 = arith.constant 0 : i32
    %dma_start3A_113 = arith.constant 0 : i32
    %dma_start3A_114 = tpu.memref_slice %arg7[%dma_start3A_111, %dma_start3A_112, %dma_start3A_113] : memref<4x128x32xf32, #tpu.memory_space<vmem>> -> memref<1x128x32xf32, #tpu.memory_space<vmem>>
    %dma_start3A_115 = tpu.memref_squeeze %dma_start3A_114 : memref<1x128x32xf32, #tpu.memory_space<vmem>> -> memref<128x32xf32, #tpu.memory_space<vmem>>
    %dma_start3A_116 = arith.constant 0 : i32
    %dma_start3A_117 = tpu.memref_slice %arg5[%dma_start3A_110, %dma_start3A_116] : memref<4x128xi32, #tpu.memory_space<vmem>> -> memref<1x128xi32, #tpu.memory_space<vmem>>
    %dma_start3A_118 = tpu.memref_squeeze %dma_start3A_117 : memref<1x128xi32, #tpu.memory_space<vmem>> -> memref<128xi32, #tpu.memory_space<vmem>>
    %dma_start3A_119 = arith.constant 0 : i32
    %dma_start3A_120 = arith.constant 0 : i32
    %dma_start3A_121 = tpu.memref_slice %arg3[%dma_start3A_119, %dma_start3A_120] : memref<100000x32xf32, #tpu.memory_space<hbm>> -> memref<100000x32xf32, #tpu.memory_space<hbm>>
    tpu.enqueue_indirect_dma source(%dma_start3A_121 : memref<100000x32xf32, #tpu.memory_space<hbm>>) target(%dma_start3A_115 : memref<128x32xf32, #tpu.memory_space<vmem>>) offsets(%dma_start3A_118 : memref<128xi32, #tpu.memory_space<vmem>>) semaphore(%arg13 : memref<!tpu.dma_semaphore, #tpu.memory_space<semaphore_mem>>)
    %add3A_122 = arith.constant 1 : i32
    %add3A_123 = arith.addi %mul3A_2, %add3A_122 : i32
    %jit3A_124 = arith.constant 32 : i32
    %div3A_125 = arith.divsi %add3A_123, %jit3A_124 : i32
    %sign3A_126 = arith.constant 0 : i32
    %sign3A_127 = arith.cmpi sgt, %add3A_123, %sign3A_126 : i32
    %sign3A_128 = arith.extui %sign3A_127 : i1 to i32
    %sign3A_129 = arith.constant 0 : i32
    %sign3A_130 = arith.cmpi slt, %add3A_123, %sign3A_129 : i32
    %sign3A_131 = arith.extui %sign3A_130 : i1 to i32
    %sign3A_132 = arith.subi %sign3A_128, %sign3A_131 : i32
    %sign3A_133 = arith.constant 0 : i32
    %sign3A_134 = arith.cmpi sgt, %jit3A_124, %sign3A_133 : i32
    %sign3A_135 = arith.extui %sign3A_134 : i1 to i32
    %sign3A_136 = arith.constant 0 : i32
    %sign3A_137 = arith.cmpi slt, %jit3A_124, %sign3A_136 : i32
    %sign3A_138 = arith.extui %sign3A_137 : i1 to i32
    %sign3A_139 = arith.subi %sign3A_135, %sign3A_138 : i32
    %ne3A_140 = arith.cmpi ne, %sign3A_132, %sign3A_139 : i32
    %rem3A_141 = arith.remsi %add3A_123, %jit3A_124 : i32
    %ne3A_142 = arith.constant 0 : i32
    %ne3A_143 = arith.cmpi ne, %rem3A_141, %ne3A_142 : i32
    %and3A_144 = arith.andi %ne3A_140, %ne3A_143 : i1
    %sub3A_145 = arith.constant 1 : i32
    %sub3A_146 = arith.subi %div3A_125, %sub3A_145 : i32
    %select_n3A_147 = arith.select %and3A_144, %sub3A_146, %div3A_125 : i32
    %jit3A_148 = arith.constant 32 : i32
    %eq3A_149 = arith.constant 0 : i32
    %eq3A_150 = arith.cmpi eq, %jit3A_148, %eq3A_149 : i32
    %jit3A_151 = arith.constant 1 : i32
    %select_n3A_152 = arith.select %eq3A_150, %jit3A_151, %jit3A_148 : i32
    %rem3A_153 = arith.remsi %add3A_123, %select_n3A_152 : i32
    %ne3A_154 = arith.constant 0 : i32
    %ne3A_155 = arith.cmpi ne, %rem3A_153, %ne3A_154 : i32
    %lt3A_156 = arith.constant 0 : i32
    %lt3A_157 = arith.cmpi slt, %rem3A_153, %lt3A_156 : i32
    %lt3A_158 = arith.constant 0 : i32
    %lt3A_159 = arith.cmpi slt, %select_n3A_152, %lt3A_158 : i32
    %ne3A_160 = arith.xori %lt3A_157, %lt3A_159 : i1
    %and3A_161 = arith.andi %ne3A_160, %ne3A_155 : i1
    %add3A_162 = arith.addi %rem3A_153, %select_n3A_152 : i32
    %select_n3A_163 = arith.select %and3A_161, %add3A_162, %rem3A_153 : i32
    %jit3A_164 = arith.constant 8 : i32
    %div3A_165 = arith.divsi %select_n3A_147, %jit3A_164 : i32
    %sign3A_166 = arith.constant 0 : i32
    %sign3A_167 = arith.cmpi sgt, %select_n3A_147, %sign3A_166 : i32
    %sign3A_168 = arith.extui %sign3A_167 : i1 to i32
    %sign3A_169 = arith.constant 0 : i32
    %sign3A_170 = arith.cmpi slt, %select_n3A_147, %sign3A_169 : i32
    %sign3A_171 = arith.extui %sign3A_170 : i1 to i32
    %sign3A_172 = arith.subi %sign3A_168, %sign3A_171 : i32
    %sign3A_173 = arith.constant 0 : i32
    %sign3A_174 = arith.cmpi sgt, %jit3A_164, %sign3A_173 : i32
    %sign3A_175 = arith.extui %sign3A_174 : i1 to i32
    %sign3A_176 = arith.constant 0 : i32
    %sign3A_177 = arith.cmpi slt, %jit3A_164, %sign3A_176 : i32
    %sign3A_178 = arith.extui %sign3A_177 : i1 to i32
    %sign3A_179 = arith.subi %sign3A_175, %sign3A_178 : i32
    %ne3A_180 = arith.cmpi ne, %sign3A_172, %sign3A_179 : i32
    %rem3A_181 = arith.remsi %select_n3A_147, %jit3A_164 : i32
    %ne3A_182 = arith.constant 0 : i32
    %ne3A_183 = arith.cmpi ne, %rem3A_181, %ne3A_182 : i32
    %and3A_184 = arith.andi %ne3A_180, %ne3A_183 : i1
    %sub3A_185 = arith.constant 1 : i32
    %sub3A_186 = arith.subi %div3A_165, %sub3A_185 : i32
    %select_n3A_187 = arith.select %and3A_184, %sub3A_186, %div3A_165 : i32
    %mul3A_188 = arith.constant 4 : i32
    %mul3A_189 = arith.muli %select_n3A_163, %mul3A_188 : i32
    %jit3A_190 = arith.constant 8 : i32
    %eq3A_191 = arith.constant 0 : i32
    %eq3A_192 = arith.cmpi eq, %jit3A_190, %eq3A_191 : i32
    %jit3A_193 = arith.constant 1 : i32
    %select_n3A_194 = arith.select %eq3A_192, %jit3A_193, %jit3A_190 : i32
    %rem3A_195 = arith.remsi %select_n3A_147, %select_n3A_194 : i32
    %ne3A_196 = arith.constant 0 : i32
    %ne3A_197 = arith.cmpi ne, %rem3A_195, %ne3A_196 : i32
    %lt3A_198 = arith.constant 0 : i32
    %lt3A_199 = arith.cmpi slt, %rem3A_195, %lt3A_198 : i32
    %lt3A_200 = arith.constant 0 : i32
    %lt3A_201 = arith.cmpi slt, %select_n3A_194, %lt3A_200 : i32
    %ne3A_202 = arith.xori %lt3A_199, %lt3A_201 : i1
    %and3A_203 = arith.andi %ne3A_202, %ne3A_197 : i1
    %add3A_204 = arith.addi %rem3A_195, %select_n3A_194 : i32
    %select_n3A_205 = arith.select %and3A_203, %add3A_204, %rem3A_195 : i32
    %dma_start3A_206 = arith.constant 0 : i32
    %dma_start3A_207 = tpu.memref_slice %arg2[%select_n3A_187, %mul3A_189, %select_n3A_205, %dma_start3A_206] : memref<25x128x8x128xi32, #tpu.memory_space<hbm>> -> memref<1x4x1x128xi32, #tpu.memory_space<hbm>>
    %dma_start3A_208 = tpu.memref_squeeze %dma_start3A_207 : memref<1x4x1x128xi32, #tpu.memory_space<hbm>> -> memref<4x128xi32, #tpu.memory_space<hbm>>
    %dma_start3A_209 = arith.constant 0 : i32
    %dma_start3A_210 = tpu.memref_slice %arg2[%select_n3A_187, %mul3A_189, %select_n3A_205, %dma_start3A_209] : memref<25x128x8x128xi32, #tpu.memory_space<hbm>> -> memref<1x4x1x128xi32, #tpu.memory_space<hbm>>
    %dma_start3A_211 = tpu.memref_squeeze %dma_start3A_210 : memref<1x4x1x128xi32, #tpu.memory_space<hbm>> -> memref<4x128xi32, #tpu.memory_space<hbm>>
    tpu.enqueue_dma source(%dma_start3A_211 : memref<4x128xi32, #tpu.memory_space<hbm>>) target(%arg6 : memref<4x128xi32, #tpu.memory_space<vmem>>) target_semaphore(%arg12 : memref<!tpu.dma_semaphore, #tpu.memory_space<semaphore_mem>>)
    %scan3A = arith.constant 0 : i32
    %scan3A_212 = arith.constant 0 : i32
    %scan3A_213 = arith.constant 100 : i32
    %scan3A_214 = arith.addi %scan3A_212, %scan3A_213 : i32
    %scan3A_215 = arith.constant 1 : i32
    scf.for %scan3A_916 = %scan3A_212 to %scan3A_214 step %scan3A_215  : i32 {
      %mul3A_917 = arith.constant 2 : i32
      %mul3A_918 = arith.muli %scan3A_916, %mul3A_917 : i32
      %add3A_919 = arith.constant 0 : i32
      %add3A_920 = arith.addi %mul3A_918, %add3A_919 : i32
      %add3A_921 = arith.addi %mul3A_2, %add3A_920 : i32
      %dma_wait3A_922 = arith.constant 0 : i32
      %dma_wait3A_923 = arith.constant 0 : i32
      %dma_wait3A_924 = arith.constant 0 : i32
      %dma_wait3A_925 = arith.constant 0 : i32
      %dma_wait3A_926 = tpu.memref_slice %arg7[%dma_wait3A_923, %dma_wait3A_924, %dma_wait3A_925] : memref<4x128x32xf32, #tpu.memory_space<vmem>> -> memref<1x128x32xf32, #tpu.memory_space<vmem>>
      %dma_wait3A_927 = tpu.memref_squeeze %dma_wait3A_926 : memref<1x128x32xf32, #tpu.memory_space<vmem>> -> memref<128x32xf32, #tpu.memory_space<vmem>>
      %dma_wait3A_928 = arith.constant 0 : i32
      %dma_wait3A_929 = tpu.memref_slice %arg5[%dma_wait3A_922, %dma_wait3A_928] : memref<4x128xi32, #tpu.memory_space<vmem>> -> memref<1x128xi32, #tpu.memory_space<vmem>>
      %dma_wait3A_930 = tpu.memref_squeeze %dma_wait3A_929 : memref<1x128xi32, #tpu.memory_space<vmem>> -> memref<128xi32, #tpu.memory_space<vmem>>
      %dma_wait3A_931 = arith.constant 0 : i32
      %dma_wait3A_932 = arith.constant 0 : i32
      %dma_wait3A_933 = tpu.memref_slice %arg3[%dma_wait3A_931, %dma_wait3A_932] : memref<100000x32xf32, #tpu.memory_space<hbm>> -> memref<100000x32xf32, #tpu.memory_space<hbm>>
      tpu.wait_indirect_dma semaphore(%arg13 : memref<!tpu.dma_semaphore, #tpu.memory_space<semaphore_mem>>) src(%dma_wait3A_933 : memref<100000x32xf32, #tpu.memory_space<hbm>>) dst(%dma_wait3A_927 : memref<128x32xf32, #tpu.memory_space<vmem>>)
      %dma_wait3A_934 = arith.constant 1 : i32
      %dma_wait3A_935 = arith.constant 1 : i32
      %dma_wait3A_936 = arith.constant 0 : i32
      %dma_wait3A_937 = arith.constant 0 : i32
      %dma_wait3A_938 = tpu.memref_slice %arg7[%dma_wait3A_935, %dma_wait3A_936, %dma_wait3A_937] : memref<4x128x32xf32, #tpu.memory_space<vmem>> -> memref<1x128x32xf32, #tpu.memory_space<vmem>>
      %dma_wait3A_939 = tpu.memref_squeeze %dma_wait3A_938 : memref<1x128x32xf32, #tpu.memory_space<vmem>> -> memref<128x32xf32, #tpu.memory_space<vmem>>
      %dma_wait3A_940 = arith.constant 0 : i32
      %dma_wait3A_941 = tpu.memref_slice %arg5[%dma_wait3A_934, %dma_wait3A_940] : memref<4x128xi32, #tpu.memory_space<vmem>> -> memref<1x128xi32, #tpu.memory_space<vmem>>
      %dma_wait3A_942 = tpu.memref_squeeze %dma_wait3A_941 : memref<1x128xi32, #tpu.memory_space<vmem>> -> memref<128xi32, #tpu.memory_space<vmem>>
      %dma_wait3A_943 = arith.constant 0 : i32
      %dma_wait3A_944 = arith.constant 0 : i32
      %dma_wait3A_945 = tpu.memref_slice %arg3[%dma_wait3A_943, %dma_wait3A_944] : memref<100000x32xf32, #tpu.memory_space<hbm>> -> memref<100000x32xf32, #tpu.memory_space<hbm>>
      tpu.wait_indirect_dma semaphore(%arg13 : memref<!tpu.dma_semaphore, #tpu.memory_space<semaphore_mem>>) src(%dma_wait3A_945 : memref<100000x32xf32, #tpu.memory_space<hbm>>) dst(%dma_wait3A_939 : memref<128x32xf32, #tpu.memory_space<vmem>>)
      %dma_wait3A_946 = arith.constant 2 : i32
      %dma_wait3A_947 = arith.constant 2 : i32
      %dma_wait3A_948 = arith.constant 0 : i32
      %dma_wait3A_949 = arith.constant 0 : i32
      %dma_wait3A_950 = tpu.memref_slice %arg7[%dma_wait3A_947, %dma_wait3A_948, %dma_wait3A_949] : memref<4x128x32xf32, #tpu.memory_space<vmem>> -> memref<1x128x32xf32, #tpu.memory_space<vmem>>
      %dma_wait3A_951 = tpu.memref_squeeze %dma_wait3A_950 : memref<1x128x32xf32, #tpu.memory_space<vmem>> -> memref<128x32xf32, #tpu.memory_space<vmem>>
      %dma_wait3A_952 = arith.constant 0 : i32
      %dma_wait3A_953 = tpu.memref_slice %arg5[%dma_wait3A_946, %dma_wait3A_952] : memref<4x128xi32, #tpu.memory_space<vmem>> -> memref<1x128xi32, #tpu.memory_space<vmem>>
      %dma_wait3A_954 = tpu.memref_squeeze %dma_wait3A_953 : memref<1x128xi32, #tpu.memory_space<vmem>> -> memref<128xi32, #tpu.memory_space<vmem>>
      %dma_wait3A_955 = arith.constant 0 : i32
      %dma_wait3A_956 = arith.constant 0 : i32
      %dma_wait3A_957 = tpu.memref_slice %arg3[%dma_wait3A_955, %dma_wait3A_956] : memref<100000x32xf32, #tpu.memory_space<hbm>> -> memref<100000x32xf32, #tpu.memory_space<hbm>>
      tpu.wait_indirect_dma semaphore(%arg13 : memref<!tpu.dma_semaphore, #tpu.memory_space<semaphore_mem>>) src(%dma_wait3A_957 : memref<100000x32xf32, #tpu.memory_space<hbm>>) dst(%dma_wait3A_951 : memref<128x32xf32, #tpu.memory_space<vmem>>)
      %dma_wait3A_958 = arith.constant 3 : i32
      %dma_wait3A_959 = arith.constant 3 : i32
      %dma_wait3A_960 = arith.constant 0 : i32
      %dma_wait3A_961 = arith.constant 0 : i32
      %dma_wait3A_962 = tpu.memref_slice %arg7[%dma_wait3A_959, %dma_wait3A_960, %dma_wait3A_961] : memref<4x128x32xf32, #tpu.memory_space<vmem>> -> memref<1x128x32xf32, #tpu.memory_space<vmem>>
      %dma_wait3A_963 = tpu.memref_squeeze %dma_wait3A_962 : memref<1x128x32xf32, #tpu.memory_space<vmem>> -> memref<128x32xf32, #tpu.memory_space<vmem>>
      %dma_wait3A_964 = arith.constant 0 : i32
      %dma_wait3A_965 = tpu.memref_slice %arg5[%dma_wait3A_958, %dma_wait3A_964] : memref<4x128xi32, #tpu.memory_space<vmem>> -> memref<1x128xi32, #tpu.memory_space<vmem>>
      %dma_wait3A_966 = tpu.memref_squeeze %dma_wait3A_965 : memref<1x128xi32, #tpu.memory_space<vmem>> -> memref<128xi32, #tpu.memory_space<vmem>>
      %dma_wait3A_967 = arith.constant 0 : i32
      %dma_wait3A_968 = arith.constant 0 : i32
      %dma_wait3A_969 = tpu.memref_slice %arg3[%dma_wait3A_967, %dma_wait3A_968] : memref<100000x32xf32, #tpu.memory_space<hbm>> -> memref<100000x32xf32, #tpu.memory_space<hbm>>
      tpu.wait_indirect_dma semaphore(%arg13 : memref<!tpu.dma_semaphore, #tpu.memory_space<semaphore_mem>>) src(%dma_wait3A_969 : memref<100000x32xf32, #tpu.memory_space<hbm>>) dst(%dma_wait3A_963 : memref<128x32xf32, #tpu.memory_space<vmem>>)
      %add3A_970 = arith.constant 1 : i32
      %add3A_971 = arith.addi %add3A_920, %add3A_970 : i32
      %lt3A_972 = arith.constant 200 : i32
      %lt3A_973 = arith.cmpi slt, %add3A_971, %lt3A_972 : i32
      %convert_element_type3A = arith.extui %lt3A_973 : i1 to i32
      %cond3A = arith.constant 0 : i32
      %cond3A_974 = arith.cmpi ne, %convert_element_type3A, %cond3A : i32
      scf.if %cond3A_974 {
        %add3A_1751 = arith.constant 1 : i32
        %add3A_1752 = arith.addi %add3A_921, %add3A_1751 : i32
        %jit3A_1753 = arith.constant 32 : i32
        %div3A_1754 = arith.divsi %add3A_1752, %jit3A_1753 : i32
        %sign3A_1755 = arith.constant 0 : i32
        %sign3A_1756 = arith.cmpi sgt, %add3A_1752, %sign3A_1755 : i32
        %sign3A_1757 = arith.extui %sign3A_1756 : i1 to i32
        %sign3A_1758 = arith.constant 0 : i32
        %sign3A_1759 = arith.cmpi slt, %add3A_1752, %sign3A_1758 : i32
        %sign3A_1760 = arith.extui %sign3A_1759 : i1 to i32
        %sign3A_1761 = arith.subi %sign3A_1757, %sign3A_1760 : i32
        %sign3A_1762 = arith.constant 0 : i32
        %sign3A_1763 = arith.cmpi sgt, %jit3A_1753, %sign3A_1762 : i32
        %sign3A_1764 = arith.extui %sign3A_1763 : i1 to i32
        %sign3A_1765 = arith.constant 0 : i32
        %sign3A_1766 = arith.cmpi slt, %jit3A_1753, %sign3A_1765 : i32
        %sign3A_1767 = arith.extui %sign3A_1766 : i1 to i32
        %sign3A_1768 = arith.subi %sign3A_1764, %sign3A_1767 : i32
        %ne3A_1769 = arith.cmpi ne, %sign3A_1761, %sign3A_1768 : i32
        %rem3A_1770 = arith.remsi %add3A_1752, %jit3A_1753 : i32
        %ne3A_1771 = arith.constant 0 : i32
        %ne3A_1772 = arith.cmpi ne, %rem3A_1770, %ne3A_1771 : i32
        %and3A_1773 = arith.andi %ne3A_1769, %ne3A_1772 : i1
        %sub3A_1774 = arith.constant 1 : i32
        %sub3A_1775 = arith.subi %div3A_1754, %sub3A_1774 : i32
        %select_n3A_1776 = arith.select %and3A_1773, %sub3A_1775, %div3A_1754 : i32
        %jit3A_1777 = arith.constant 32 : i32
        %eq3A_1778 = arith.constant 0 : i32
        %eq3A_1779 = arith.cmpi eq, %jit3A_1777, %eq3A_1778 : i32
        %jit3A_1780 = arith.constant 1 : i32
        %select_n3A_1781 = arith.select %eq3A_1779, %jit3A_1780, %jit3A_1777 : i32
        %rem3A_1782 = arith.remsi %add3A_1752, %select_n3A_1781 : i32
        %ne3A_1783 = arith.constant 0 : i32
        %ne3A_1784 = arith.cmpi ne, %rem3A_1782, %ne3A_1783 : i32
        %lt3A_1785 = arith.constant 0 : i32
        %lt3A_1786 = arith.cmpi slt, %rem3A_1782, %lt3A_1785 : i32
        %lt3A_1787 = arith.constant 0 : i32
        %lt3A_1788 = arith.cmpi slt, %select_n3A_1781, %lt3A_1787 : i32
        %ne3A_1789 = arith.xori %lt3A_1786, %lt3A_1788 : i1
        %and3A_1790 = arith.andi %ne3A_1789, %ne3A_1784 : i1
        %add3A_1791 = arith.addi %rem3A_1782, %select_n3A_1781 : i32
        %select_n3A_1792 = arith.select %and3A_1790, %add3A_1791, %rem3A_1782 : i32
        %jit3A_1793 = arith.constant 8 : i32
        %div3A_1794 = arith.divsi %select_n3A_1776, %jit3A_1793 : i32
        %sign3A_1795 = arith.constant 0 : i32
        %sign3A_1796 = arith.cmpi sgt, %select_n3A_1776, %sign3A_1795 : i32
        %sign3A_1797 = arith.extui %sign3A_1796 : i1 to i32
        %sign3A_1798 = arith.constant 0 : i32
        %sign3A_1799 = arith.cmpi slt, %select_n3A_1776, %sign3A_1798 : i32
        %sign3A_1800 = arith.extui %sign3A_1799 : i1 to i32
        %sign3A_1801 = arith.subi %sign3A_1797, %sign3A_1800 : i32
        %sign3A_1802 = arith.constant 0 : i32
        %sign3A_1803 = arith.cmpi sgt, %jit3A_1793, %sign3A_1802 : i32
        %sign3A_1804 = arith.extui %sign3A_1803 : i1 to i32
        %sign3A_1805 = arith.constant 0 : i32
        %sign3A_1806 = arith.cmpi slt, %jit3A_1793, %sign3A_1805 : i32
        %sign3A_1807 = arith.extui %sign3A_1806 : i1 to i32
        %sign3A_1808 = arith.subi %sign3A_1804, %sign3A_1807 : i32
        %ne3A_1809 = arith.cmpi ne, %sign3A_1801, %sign3A_1808 : i32
        %rem3A_1810 = arith.remsi %select_n3A_1776, %jit3A_1793 : i32
        %ne3A_1811 = arith.constant 0 : i32
        %ne3A_1812 = arith.cmpi ne, %rem3A_1810, %ne3A_1811 : i32
        %and3A_1813 = arith.andi %ne3A_1809, %ne3A_1812 : i1
        %sub3A_1814 = arith.constant 1 : i32
        %sub3A_1815 = arith.subi %div3A_1794, %sub3A_1814 : i32
        %select_n3A_1816 = arith.select %and3A_1813, %sub3A_1815, %div3A_1794 : i32
        %mul3A_1817 = arith.constant 4 : i32
        %mul3A_1818 = arith.muli %select_n3A_1792, %mul3A_1817 : i32
        %jit3A_1819 = arith.constant 8 : i32
        %eq3A_1820 = arith.constant 0 : i32
        %eq3A_1821 = arith.cmpi eq, %jit3A_1819, %eq3A_1820 : i32
        %jit3A_1822 = arith.constant 1 : i32
        %select_n3A_1823 = arith.select %eq3A_1821, %jit3A_1822, %jit3A_1819 : i32
        %rem3A_1824 = arith.remsi %select_n3A_1776, %select_n3A_1823 : i32
        %ne3A_1825 = arith.constant 0 : i32
        %ne3A_1826 = arith.cmpi ne, %rem3A_1824, %ne3A_1825 : i32
        %lt3A_1827 = arith.constant 0 : i32
        %lt3A_1828 = arith.cmpi slt, %rem3A_1824, %lt3A_1827 : i32
        %lt3A_1829 = arith.constant 0 : i32
        %lt3A_1830 = arith.cmpi slt, %select_n3A_1823, %lt3A_1829 : i32
        %ne3A_1831 = arith.xori %lt3A_1828, %lt3A_1830 : i1
        %and3A_1832 = arith.andi %ne3A_1831, %ne3A_1826 : i1
        %add3A_1833 = arith.addi %rem3A_1824, %select_n3A_1823 : i32
        %select_n3A_1834 = arith.select %and3A_1832, %add3A_1833, %rem3A_1824 : i32
        %dma_wait3A_1835 = arith.constant 0 : i32
        %dma_wait3A_1836 = tpu.memref_slice %arg2[%select_n3A_1816, %mul3A_1818, %select_n3A_1834, %dma_wait3A_1835] : memref<25x128x8x128xi32, #tpu.memory_space<hbm>> -> memref<1x4x1x128xi32, #tpu.memory_space<hbm>>
        %dma_wait3A_1837 = tpu.memref_squeeze %dma_wait3A_1836 : memref<1x4x1x128xi32, #tpu.memory_space<hbm>> -> memref<4x128xi32, #tpu.memory_space<hbm>>
        %dma_wait3A_1838 = arith.constant 0 : i32
        %dma_wait3A_1839 = tpu.memref_slice %arg2[%select_n3A_1816, %mul3A_1818, %select_n3A_1834, %dma_wait3A_1838] : memref<25x128x8x128xi32, #tpu.memory_space<hbm>> -> memref<1x4x1x128xi32, #tpu.memory_space<hbm>>
        %dma_wait3A_1840 = tpu.memref_squeeze %dma_wait3A_1839 : memref<1x4x1x128xi32, #tpu.memory_space<hbm>> -> memref<4x128xi32, #tpu.memory_space<hbm>>
        tpu.wait_dma2 semaphore(%arg12 : memref<!tpu.dma_semaphore, #tpu.memory_space<semaphore_mem>>) src(%dma_wait3A_1840 : memref<4x128xi32, #tpu.memory_space<hbm>>) dst(%arg6 : memref<4x128xi32, #tpu.memory_space<vmem>>)
        %dma_start3A_1841 = arith.constant 0 : i32
        %dma_start3A_1842 = arith.constant 0 : i32
        %dma_start3A_1843 = arith.constant 0 : i32
        %dma_start3A_1844 = arith.constant 0 : i32
        %dma_start3A_1845 = tpu.memref_slice %arg8[%dma_start3A_1842, %dma_start3A_1843, %dma_start3A_1844] : memref<4x128x32xf32, #tpu.memory_space<vmem>> -> memref<1x128x32xf32, #tpu.memory_space<vmem>>
        %dma_start3A_1846 = tpu.memref_squeeze %dma_start3A_1845 : memref<1x128x32xf32, #tpu.memory_space<vmem>> -> memref<128x32xf32, #tpu.memory_space<vmem>>
        %dma_start3A_1847 = arith.constant 0 : i32
        %dma_start3A_1848 = tpu.memref_slice %arg6[%dma_start3A_1841, %dma_start3A_1847] : memref<4x128xi32, #tpu.memory_space<vmem>> -> memref<1x128xi32, #tpu.memory_space<vmem>>
        %dma_start3A_1849 = tpu.memref_squeeze %dma_start3A_1848 : memref<1x128xi32, #tpu.memory_space<vmem>> -> memref<128xi32, #tpu.memory_space<vmem>>
        %dma_start3A_1850 = arith.constant 0 : i32
        %dma_start3A_1851 = arith.constant 0 : i32
        %dma_start3A_1852 = tpu.memref_slice %arg3[%dma_start3A_1850, %dma_start3A_1851] : memref<100000x32xf32, #tpu.memory_space<hbm>> -> memref<100000x32xf32, #tpu.memory_space<hbm>>
        tpu.enqueue_indirect_dma source(%dma_start3A_1852 : memref<100000x32xf32, #tpu.memory_space<hbm>>) target(%dma_start3A_1846 : memref<128x32xf32, #tpu.memory_space<vmem>>) offsets(%dma_start3A_1849 : memref<128xi32, #tpu.memory_space<vmem>>) semaphore(%arg14 : memref<!tpu.dma_semaphore, #tpu.memory_space<semaphore_mem>>)
        %dma_start3A_1853 = arith.constant 1 : i32
        %dma_start3A_1854 = arith.constant 1 : i32
        %dma_start3A_1855 = arith.constant 0 : i32
        %dma_start3A_1856 = arith.constant 0 : i32
        %dma_start3A_1857 = tpu.memref_slice %arg8[%dma_start3A_1854, %dma_start3A_1855, %dma_start3A_1856] : memref<4x128x32xf32, #tpu.memory_space<vmem>> -> memref<1x128x32xf32, #tpu.memory_space<vmem>>
        %dma_start3A_1858 = tpu.memref_squeeze %dma_start3A_1857 : memref<1x128x32xf32, #tpu.memory_space<vmem>> -> memref<128x32xf32, #tpu.memory_space<vmem>>
        %dma_start3A_1859 = arith.constant 0 : i32
        %dma_start3A_1860 = tpu.memref_slice %arg6[%dma_start3A_1853, %dma_start3A_1859] : memref<4x128xi32, #tpu.memory_space<vmem>> -> memref<1x128xi32, #tpu.memory_space<vmem>>
        %dma_start3A_1861 = tpu.memref_squeeze %dma_start3A_1860 : memref<1x128xi32, #tpu.memory_space<vmem>> -> memref<128xi32, #tpu.memory_space<vmem>>
        %dma_start3A_1862 = arith.constant 0 : i32
        %dma_start3A_1863 = arith.constant 0 : i32
        %dma_start3A_1864 = tpu.memref_slice %arg3[%dma_start3A_1862, %dma_start3A_1863] : memref<100000x32xf32, #tpu.memory_space<hbm>> -> memref<100000x32xf32, #tpu.memory_space<hbm>>
        tpu.enqueue_indirect_dma source(%dma_start3A_1864 : memref<100000x32xf32, #tpu.memory_space<hbm>>) target(%dma_start3A_1858 : memref<128x32xf32, #tpu.memory_space<vmem>>) offsets(%dma_start3A_1861 : memref<128xi32, #tpu.memory_space<vmem>>) semaphore(%arg14 : memref<!tpu.dma_semaphore, #tpu.memory_space<semaphore_mem>>)
        %dma_start3A_1865 = arith.constant 2 : i32
        %dma_start3A_1866 = arith.constant 2 : i32
        %dma_start3A_1867 = arith.constant 0 : i32
        %dma_start3A_1868 = arith.constant 0 : i32
        %dma_start3A_1869 = tpu.memref_slice %arg8[%dma_start3A_1866, %dma_start3A_1867, %dma_start3A_1868] : memref<4x128x32xf32, #tpu.memory_space<vmem>> -> memref<1x128x32xf32, #tpu.memory_space<vmem>>
        %dma_start3A_1870 = tpu.memref_squeeze %dma_start3A_1869 : memref<1x128x32xf32, #tpu.memory_space<vmem>> -> memref<128x32xf32, #tpu.memory_space<vmem>>
        %dma_start3A_1871 = arith.constant 0 : i32
        %dma_start3A_1872 = tpu.memref_slice %arg6[%dma_start3A_1865, %dma_start3A_1871] : memref<4x128xi32, #tpu.memory_space<vmem>> -> memref<1x128xi32, #tpu.memory_space<vmem>>
        %dma_start3A_1873 = tpu.memref_squeeze %dma_start3A_1872 : memref<1x128xi32, #tpu.memory_space<vmem>> -> memref<128xi32, #tpu.memory_space<vmem>>
        %dma_start3A_1874 = arith.constant 0 : i32
        %dma_start3A_1875 = arith.constant 0 : i32
        %dma_start3A_1876 = tpu.memref_slice %arg3[%dma_start3A_1874, %dma_start3A_1875] : memref<100000x32xf32, #tpu.memory_space<hbm>> -> memref<100000x32xf32, #tpu.memory_space<hbm>>
        tpu.enqueue_indirect_dma source(%dma_start3A_1876 : memref<100000x32xf32, #tpu.memory_space<hbm>>) target(%dma_start3A_1870 : memref<128x32xf32, #tpu.memory_space<vmem>>) offsets(%dma_start3A_1873 : memref<128xi32, #tpu.memory_space<vmem>>) semaphore(%arg14 : memref<!tpu.dma_semaphore, #tpu.memory_space<semaphore_mem>>)
        %dma_start3A_1877 = arith.constant 3 : i32
        %dma_start3A_1878 = arith.constant 3 : i32
        %dma_start3A_1879 = arith.constant 0 : i32
        %dma_start3A_1880 = arith.constant 0 : i32
        %dma_start3A_1881 = tpu.memref_slice %arg8[%dma_start3A_1878, %dma_start3A_1879, %dma_start3A_1880] : memref<4x128x32xf32, #tpu.memory_space<vmem>> -> memref<1x128x32xf32, #tpu.memory_space<vmem>>
        %dma_start3A_1882 = tpu.memref_squeeze %dma_start3A_1881 : memref<1x128x32xf32, #tpu.memory_space<vmem>> -> memref<128x32xf32, #tpu.memory_space<vmem>>
        %dma_start3A_1883 = arith.constant 0 : i32
        %dma_start3A_1884 = tpu.memref_slice %arg6[%dma_start3A_1877, %dma_start3A_1883] : memref<4x128xi32, #tpu.memory_space<vmem>> -> memref<1x128xi32, #tpu.memory_space<vmem>>
        %dma_start3A_1885 = tpu.memref_squeeze %dma_start3A_1884 : memref<1x128xi32, #tpu.memory_space<vmem>> -> memref<128xi32, #tpu.memory_space<vmem>>
        %dma_start3A_1886 = arith.constant 0 : i32
        %dma_start3A_1887 = arith.constant 0 : i32
        %dma_start3A_1888 = tpu.memref_slice %arg3[%dma_start3A_1886, %dma_start3A_1887] : memref<100000x32xf32, #tpu.memory_space<hbm>> -> memref<100000x32xf32, #tpu.memory_space<hbm>>
        tpu.enqueue_indirect_dma source(%dma_start3A_1888 : memref<100000x32xf32, #tpu.memory_space<hbm>>) target(%dma_start3A_1882 : memref<128x32xf32, #tpu.memory_space<vmem>>) offsets(%dma_start3A_1885 : memref<128xi32, #tpu.memory_space<vmem>>) semaphore(%arg14 : memref<!tpu.dma_semaphore, #tpu.memory_space<semaphore_mem>>)
      } else {
      }
      %add3A_975 = arith.constant 2 : i32
      %add3A_976 = arith.addi %add3A_920, %add3A_975 : i32
      %lt3A_977 = arith.constant 200 : i32
      %lt3A_978 = arith.cmpi slt, %add3A_976, %lt3A_977 : i32
      %convert_element_type3A_979 = arith.extui %lt3A_978 : i1 to i32
      %cond3A_980 = arith.constant 0 : i32
      %cond3A_981 = arith.cmpi ne, %convert_element_type3A_979, %cond3A_980 : i32
      scf.if %cond3A_981 {
        %add3A_1751 = arith.constant 2 : i32
        %add3A_1752 = arith.addi %add3A_921, %add3A_1751 : i32
        %jit3A_1753 = arith.constant 32 : i32
        %div3A_1754 = arith.divsi %add3A_1752, %jit3A_1753 : i32
        %sign3A_1755 = arith.constant 0 : i32
        %sign3A_1756 = arith.cmpi sgt, %add3A_1752, %sign3A_1755 : i32
        %sign3A_1757 = arith.extui %sign3A_1756 : i1 to i32
        %sign3A_1758 = arith.constant 0 : i32
        %sign3A_1759 = arith.cmpi slt, %add3A_1752, %sign3A_1758 : i32
        %sign3A_1760 = arith.extui %sign3A_1759 : i1 to i32
        %sign3A_1761 = arith.subi %sign3A_1757, %sign3A_1760 : i32
        %sign3A_1762 = arith.constant 0 : i32
        %sign3A_1763 = arith.cmpi sgt, %jit3A_1753, %sign3A_1762 : i32
        %sign3A_1764 = arith.extui %sign3A_1763 : i1 to i32
        %sign3A_1765 = arith.constant 0 : i32
        %sign3A_1766 = arith.cmpi slt, %jit3A_1753, %sign3A_1765 : i32
        %sign3A_1767 = arith.extui %sign3A_1766 : i1 to i32
        %sign3A_1768 = arith.subi %sign3A_1764, %sign3A_1767 : i32
        %ne3A_1769 = arith.cmpi ne, %sign3A_1761, %sign3A_1768 : i32
        %rem3A_1770 = arith.remsi %add3A_1752, %jit3A_1753 : i32
        %ne3A_1771 = arith.constant 0 : i32
        %ne3A_1772 = arith.cmpi ne, %rem3A_1770, %ne3A_1771 : i32
        %and3A_1773 = arith.andi %ne3A_1769, %ne3A_1772 : i1
        %sub3A_1774 = arith.constant 1 : i32
        %sub3A_1775 = arith.subi %div3A_1754, %sub3A_1774 : i32
        %select_n3A_1776 = arith.select %and3A_1773, %sub3A_1775, %div3A_1754 : i32
        %jit3A_1777 = arith.constant 32 : i32
        %eq3A_1778 = arith.constant 0 : i32
        %eq3A_1779 = arith.cmpi eq, %jit3A_1777, %eq3A_1778 : i32
        %jit3A_1780 = arith.constant 1 : i32
        %select_n3A_1781 = arith.select %eq3A_1779, %jit3A_1780, %jit3A_1777 : i32
        %rem3A_1782 = arith.remsi %add3A_1752, %select_n3A_1781 : i32
        %ne3A_1783 = arith.constant 0 : i32
        %ne3A_1784 = arith.cmpi ne, %rem3A_1782, %ne3A_1783 : i32
        %lt3A_1785 = arith.constant 0 : i32
        %lt3A_1786 = arith.cmpi slt, %rem3A_1782, %lt3A_1785 : i32
        %lt3A_1787 = arith.constant 0 : i32
        %lt3A_1788 = arith.cmpi slt, %select_n3A_1781, %lt3A_1787 : i32
        %ne3A_1789 = arith.xori %lt3A_1786, %lt3A_1788 : i1
        %and3A_1790 = arith.andi %ne3A_1789, %ne3A_1784 : i1
        %add3A_1791 = arith.addi %rem3A_1782, %select_n3A_1781 : i32
        %select_n3A_1792 = arith.select %and3A_1790, %add3A_1791, %rem3A_1782 : i32
        %jit3A_1793 = arith.constant 8 : i32
        %div3A_1794 = arith.divsi %select_n3A_1776, %jit3A_1793 : i32
        %sign3A_1795 = arith.constant 0 : i32
        %sign3A_1796 = arith.cmpi sgt, %select_n3A_1776, %sign3A_1795 : i32
        %sign3A_1797 = arith.extui %sign3A_1796 : i1 to i32
        %sign3A_1798 = arith.constant 0 : i32
        %sign3A_1799 = arith.cmpi slt, %select_n3A_1776, %sign3A_1798 : i32
        %sign3A_1800 = arith.extui %sign3A_1799 : i1 to i32
        %sign3A_1801 = arith.subi %sign3A_1797, %sign3A_1800 : i32
        %sign3A_1802 = arith.constant 0 : i32
        %sign3A_1803 = arith.cmpi sgt, %jit3A_1793, %sign3A_1802 : i32
        %sign3A_1804 = arith.extui %sign3A_1803 : i1 to i32
        %sign3A_1805 = arith.constant 0 : i32
        %sign3A_1806 = arith.cmpi slt, %jit3A_1793, %sign3A_1805 : i32
        %sign3A_1807 = arith.extui %sign3A_1806 : i1 to i32
        %sign3A_1808 = arith.subi %sign3A_1804, %sign3A_1807 : i32
        %ne3A_1809 = arith.cmpi ne, %sign3A_1801, %sign3A_1808 : i32
        %rem3A_1810 = arith.remsi %select_n3A_1776, %jit3A_1793 : i32
        %ne3A_1811 = arith.constant 0 : i32
        %ne3A_1812 = arith.cmpi ne, %rem3A_1810, %ne3A_1811 : i32
        %and3A_1813 = arith.andi %ne3A_1809, %ne3A_1812 : i1
        %sub3A_1814 = arith.constant 1 : i32
        %sub3A_1815 = arith.subi %div3A_1794, %sub3A_1814 : i32
        %select_n3A_1816 = arith.select %and3A_1813, %sub3A_1815, %div3A_1794 : i32
        %mul3A_1817 = arith.constant 4 : i32
        %mul3A_1818 = arith.muli %select_n3A_1792, %mul3A_1817 : i32
        %jit3A_1819 = arith.constant 8 : i32
        %eq3A_1820 = arith.constant 0 : i32
        %eq3A_1821 = arith.cmpi eq, %jit3A_1819, %eq3A_1820 : i32
        %jit3A_1822 = arith.constant 1 : i32
        %select_n3A_1823 = arith.select %eq3A_1821, %jit3A_1822, %jit3A_1819 : i32
        %rem3A_1824 = arith.remsi %select_n3A_1776, %select_n3A_1823 : i32
        %ne3A_1825 = arith.constant 0 : i32
        %ne3A_1826 = arith.cmpi ne, %rem3A_1824, %ne3A_1825 : i32
        %lt3A_1827 = arith.constant 0 : i32
        %lt3A_1828 = arith.cmpi slt, %rem3A_1824, %lt3A_1827 : i32
        %lt3A_1829 = arith.constant 0 : i32
        %lt3A_1830 = arith.cmpi slt, %select_n3A_1823, %lt3A_1829 : i32
        %ne3A_1831 = arith.xori %lt3A_1828, %lt3A_1830 : i1
        %and3A_1832 = arith.andi %ne3A_1831, %ne3A_1826 : i1
        %add3A_1833 = arith.addi %rem3A_1824, %select_n3A_1823 : i32
        %select_n3A_1834 = arith.select %and3A_1832, %add3A_1833, %rem3A_1824 : i32
        %dma_start3A_1835 = arith.constant 0 : i32
        %dma_start3A_1836 = tpu.memref_slice %arg2[%select_n3A_1816, %mul3A_1818, %select_n3A_1834, %dma_start3A_1835] : memref<25x128x8x128xi32, #tpu.memory_space<hbm>> -> memref<1x4x1x128xi32, #tpu.memory_space<hbm>>
        %dma_start3A_1837 = tpu.memref_squeeze %dma_start3A_1836 : memref<1x4x1x128xi32, #tpu.memory_space<hbm>> -> memref<4x128xi32, #tpu.memory_space<hbm>>
        %dma_start3A_1838 = arith.constant 0 : i32
        %dma_start3A_1839 = tpu.memref_slice %arg2[%select_n3A_1816, %mul3A_1818, %select_n3A_1834, %dma_start3A_1838] : memref<25x128x8x128xi32, #tpu.memory_space<hbm>> -> memref<1x4x1x128xi32, #tpu.memory_space<hbm>>
        %dma_start3A_1840 = tpu.memref_squeeze %dma_start3A_1839 : memref<1x4x1x128xi32, #tpu.memory_space<hbm>> -> memref<4x128xi32, #tpu.memory_space<hbm>>
        tpu.enqueue_dma source(%dma_start3A_1840 : memref<4x128xi32, #tpu.memory_space<hbm>>) target(%arg5 : memref<4x128xi32, #tpu.memory_space<vmem>>) target_semaphore(%arg11 : memref<!tpu.dma_semaphore, #tpu.memory_space<semaphore_mem>>)
      } else {
      }
      %ge3A = arith.constant 2 : i32
      %ge3A_982 = arith.cmpi sge, %add3A_920, %ge3A : i32
      %convert_element_type3A_983 = arith.extui %ge3A_982 : i1 to i32
      %cond3A_984 = arith.constant 0 : i32
      %cond3A_985 = arith.cmpi ne, %convert_element_type3A_983, %cond3A_984 : i32
      scf.if %cond3A_985 {
        %jit3A_1751 = arith.constant 32 : i32
        %div3A_1752 = arith.divsi %add3A_921, %jit3A_1751 : i32
        %sign3A_1753 = arith.constant 0 : i32
        %sign3A_1754 = arith.cmpi sgt, %add3A_921, %sign3A_1753 : i32
        %sign3A_1755 = arith.extui %sign3A_1754 : i1 to i32
        %sign3A_1756 = arith.constant 0 : i32
        %sign3A_1757 = arith.cmpi slt, %add3A_921, %sign3A_1756 : i32
        %sign3A_1758 = arith.extui %sign3A_1757 : i1 to i32
        %sign3A_1759 = arith.subi %sign3A_1755, %sign3A_1758 : i32
        %sign3A_1760 = arith.constant 0 : i32
        %sign3A_1761 = arith.cmpi sgt, %jit3A_1751, %sign3A_1760 : i32
        %sign3A_1762 = arith.extui %sign3A_1761 : i1 to i32
        %sign3A_1763 = arith.constant 0 : i32
        %sign3A_1764 = arith.cmpi slt, %jit3A_1751, %sign3A_1763 : i32
        %sign3A_1765 = arith.extui %sign3A_1764 : i1 to i32
        %sign3A_1766 = arith.subi %sign3A_1762, %sign3A_1765 : i32
        %ne3A_1767 = arith.cmpi ne, %sign3A_1759, %sign3A_1766 : i32
        %rem3A_1768 = arith.remsi %add3A_921, %jit3A_1751 : i32
        %ne3A_1769 = arith.constant 0 : i32
        %ne3A_1770 = arith.cmpi ne, %rem3A_1768, %ne3A_1769 : i32
        %and3A_1771 = arith.andi %ne3A_1767, %ne3A_1770 : i1
        %sub3A_1772 = arith.constant 1 : i32
        %sub3A_1773 = arith.subi %div3A_1752, %sub3A_1772 : i32
        %select_n3A_1774 = arith.select %and3A_1771, %sub3A_1773, %div3A_1752 : i32
        %jit3A_1775 = arith.constant 32 : i32
        %eq3A_1776 = arith.constant 0 : i32
        %eq3A_1777 = arith.cmpi eq, %jit3A_1775, %eq3A_1776 : i32
        %jit3A_1778 = arith.constant 1 : i32
        %select_n3A_1779 = arith.select %eq3A_1777, %jit3A_1778, %jit3A_1775 : i32
        %rem3A_1780 = arith.remsi %add3A_921, %select_n3A_1779 : i32
        %ne3A_1781 = arith.constant 0 : i32
        %ne3A_1782 = arith.cmpi ne, %rem3A_1780, %ne3A_1781 : i32
        %lt3A_1783 = arith.constant 0 : i32
        %lt3A_1784 = arith.cmpi slt, %rem3A_1780, %lt3A_1783 : i32
        %lt3A_1785 = arith.constant 0 : i32
        %lt3A_1786 = arith.cmpi slt, %select_n3A_1779, %lt3A_1785 : i32
        %ne3A_1787 = arith.xori %lt3A_1784, %lt3A_1786 : i1
        %and3A_1788 = arith.andi %ne3A_1787, %ne3A_1782 : i1
        %add3A_1789 = arith.addi %rem3A_1780, %select_n3A_1779 : i32
        %select_n3A_1790 = arith.select %and3A_1788, %add3A_1789, %rem3A_1780 : i32
        %mul3A_1791 = arith.constant 4 : i32
        %mul3A_1792 = arith.muli %select_n3A_1790, %mul3A_1791 : i32
        %add3A_1793 = arith.constant 0 : i32
        %add3A_1794 = arith.addi %mul3A_1792, %add3A_1793 : i32
        %dma_wait3A_1795 = arith.constant 0 : i32
        %dma_wait3A_1796 = arith.constant 0 : i32
        %dma_wait3A_1797 = arith.constant 0 : i32
        %dma_wait3A_1798 = tpu.memref_slice %arg9[%dma_wait3A_1796, %dma_wait3A_1797] : memref<128x129xf32, #tpu.memory_space<vmem>> -> memref<8x128xf32, #tpu.memory_space<vmem>>
        %dma_wait3A_1799 = arith.constant 0 : i32
        %dma_wait3A_1800 = arith.constant 0 : i32
        %dma_wait3A_1801 = tpu.memref_slice %arg4[%select_n3A_1774, %dma_wait3A_1795, %add3A_1794, %dma_wait3A_1799, %dma_wait3A_1800] : memref<200x4x128x8x128xf32, #tpu.memory_space<hbm>> -> memref<1x1x1x8x128xf32, #tpu.memory_space<hbm>>
        %dma_wait3A_1802 = tpu.memref_squeeze %dma_wait3A_1801 : memref<1x1x1x8x128xf32, #tpu.memory_space<hbm>> -> memref<8x128xf32, #tpu.memory_space<hbm>>
        %dma_wait3A_1803 = arith.constant 0 : i32
        %dma_wait3A_1804 = arith.constant 0 : i32
        %dma_wait3A_1805 = tpu.memref_slice %arg4[%select_n3A_1774, %dma_wait3A_1795, %add3A_1794, %dma_wait3A_1803, %dma_wait3A_1804] : memref<200x4x128x8x128xf32, #tpu.memory_space<hbm>> -> memref<1x1x1x8x128xf32, #tpu.memory_space<hbm>>
        %dma_wait3A_1806 = tpu.memref_squeeze %dma_wait3A_1805 : memref<1x1x1x8x128xf32, #tpu.memory_space<hbm>> -> memref<8x128xf32, #tpu.memory_space<hbm>>
        %dma_wait3A_1807 = arith.constant 0 : i32
        %dma_wait3A_1808 = arith.constant 0 : i32
        %dma_wait3A_1809 = tpu.memref_slice %arg9[%dma_wait3A_1807, %dma_wait3A_1808] : memref<128x129xf32, #tpu.memory_space<vmem>> -> memref<8x128xf32, #tpu.memory_space<vmem>>
        tpu.wait_dma2 semaphore(%arg15 : memref<!tpu.dma_semaphore, #tpu.memory_space<semaphore_mem>>) src(%dma_wait3A_1809 : memref<8x128xf32, #tpu.memory_space<vmem>>) dst(%dma_wait3A_1806 : memref<8x128xf32, #tpu.memory_space<hbm>>)
        %mul3A_1810 = arith.constant 4 : i32
        %mul3A_1811 = arith.muli %select_n3A_1790, %mul3A_1810 : i32
        %add3A_1812 = arith.constant 1 : i32
        %add3A_1813 = arith.addi %mul3A_1811, %add3A_1812 : i32
        %dma_wait3A_1814 = arith.constant 0 : i32
        %dma_wait3A_1815 = arith.constant 32 : i32
        %dma_wait3A_1816 = arith.constant 0 : i32
        %dma_wait3A_1817 = tpu.memref_slice %arg9[%dma_wait3A_1815, %dma_wait3A_1816] : memref<128x129xf32, #tpu.memory_space<vmem>> -> memref<8x128xf32, #tpu.memory_space<vmem>>
        %dma_wait3A_1818 = arith.constant 0 : i32
        %dma_wait3A_1819 = arith.constant 0 : i32
        %dma_wait3A_1820 = tpu.memref_slice %arg4[%select_n3A_1774, %dma_wait3A_1814, %add3A_1813, %dma_wait3A_1818, %dma_wait3A_1819] : memref<200x4x128x8x128xf32, #tpu.memory_space<hbm>> -> memref<1x1x1x8x128xf32, #tpu.memory_space<hbm>>
        %dma_wait3A_1821 = tpu.memref_squeeze %dma_wait3A_1820 : memref<1x1x1x8x128xf32, #tpu.memory_space<hbm>> -> memref<8x128xf32, #tpu.memory_space<hbm>>
        %dma_wait3A_1822 = arith.constant 0 : i32
        %dma_wait3A_1823 = arith.constant 0 : i32
        %dma_wait3A_1824 = tpu.memref_slice %arg4[%select_n3A_1774, %dma_wait3A_1814, %add3A_1813, %dma_wait3A_1822, %dma_wait3A_1823] : memref<200x4x128x8x128xf32, #tpu.memory_space<hbm>> -> memref<1x1x1x8x128xf32, #tpu.memory_space<hbm>>
        %dma_wait3A_1825 = tpu.memref_squeeze %dma_wait3A_1824 : memref<1x1x1x8x128xf32, #tpu.memory_space<hbm>> -> memref<8x128xf32, #tpu.memory_space<hbm>>
        %dma_wait3A_1826 = arith.constant 32 : i32
        %dma_wait3A_1827 = arith.constant 0 : i32
        %dma_wait3A_1828 = tpu.memref_slice %arg9[%dma_wait3A_1826, %dma_wait3A_1827] : memref<128x129xf32, #tpu.memory_space<vmem>> -> memref<8x128xf32, #tpu.memory_space<vmem>>
        tpu.wait_dma2 semaphore(%arg15 : memref<!tpu.dma_semaphore, #tpu.memory_space<semaphore_mem>>) src(%dma_wait3A_1828 : memref<8x128xf32, #tpu.memory_space<vmem>>) dst(%dma_wait3A_1825 : memref<8x128xf32, #tpu.memory_space<hbm>>)
        %mul3A_1829 = arith.constant 4 : i32
        %mul3A_1830 = arith.muli %select_n3A_1790, %mul3A_1829 : i32
        %add3A_1831 = arith.constant 2 : i32
        %add3A_1832 = arith.addi %mul3A_1830, %add3A_1831 : i32
        %dma_wait3A_1833 = arith.constant 0 : i32
        %dma_wait3A_1834 = arith.constant 64 : i32
        %dma_wait3A_1835 = arith.constant 0 : i32
        %dma_wait3A_1836 = tpu.memref_slice %arg9[%dma_wait3A_1834, %dma_wait3A_1835] : memref<128x129xf32, #tpu.memory_space<vmem>> -> memref<8x128xf32, #tpu.memory_space<vmem>>
        %dma_wait3A_1837 = arith.constant 0 : i32
        %dma_wait3A_1838 = arith.constant 0 : i32
        %dma_wait3A_1839 = tpu.memref_slice %arg4[%select_n3A_1774, %dma_wait3A_1833, %add3A_1832, %dma_wait3A_1837, %dma_wait3A_1838] : memref<200x4x128x8x128xf32, #tpu.memory_space<hbm>> -> memref<1x1x1x8x128xf32, #tpu.memory_space<hbm>>
        %dma_wait3A_1840 = tpu.memref_squeeze %dma_wait3A_1839 : memref<1x1x1x8x128xf32, #tpu.memory_space<hbm>> -> memref<8x128xf32, #tpu.memory_space<hbm>>
        %dma_wait3A_1841 = arith.constant 0 : i32
        %dma_wait3A_1842 = arith.constant 0 : i32
        %dma_wait3A_1843 = tpu.memref_slice %arg4[%select_n3A_1774, %dma_wait3A_1833, %add3A_1832, %dma_wait3A_1841, %dma_wait3A_1842] : memref<200x4x128x8x128xf32, #tpu.memory_space<hbm>> -> memref<1x1x1x8x128xf32, #tpu.memory_space<hbm>>
        %dma_wait3A_1844 = tpu.memref_squeeze %dma_wait3A_1843 : memref<1x1x1x8x128xf32, #tpu.memory_space<hbm>> -> memref<8x128xf32, #tpu.memory_space<hbm>>
        %dma_wait3A_1845 = arith.constant 64 : i32
        %dma_wait3A_1846 = arith.constant 0 : i32
        %dma_wait3A_1847 = tpu.memref_slice %arg9[%dma_wait3A_1845, %dma_wait3A_1846] : memref<128x129xf32, #tpu.memory_space<vmem>> -> memref<8x128xf32, #tpu.memory_space<vmem>>
        tpu.wait_dma2 semaphore(%arg15 : memref<!tpu.dma_semaphore, #tpu.memory_space<semaphore_mem>>) src(%dma_wait3A_1847 : memref<8x128xf32, #tpu.memory_space<vmem>>) dst(%dma_wait3A_1844 : memref<8x128xf32, #tpu.memory_space<hbm>>)
        %mul3A_1848 = arith.constant 4 : i32
        %mul3A_1849 = arith.muli %select_n3A_1790, %mul3A_1848 : i32
        %add3A_1850 = arith.constant 3 : i32
        %add3A_1851 = arith.addi %mul3A_1849, %add3A_1850 : i32
        %dma_wait3A_1852 = arith.constant 0 : i32
        %dma_wait3A_1853 = arith.constant 96 : i32
        %dma_wait3A_1854 = arith.constant 0 : i32
        %dma_wait3A_1855 = tpu.memref_slice %arg9[%dma_wait3A_1853, %dma_wait3A_1854] : memref<128x129xf32, #tpu.memory_space<vmem>> -> memref<8x128xf32, #tpu.memory_space<vmem>>
        %dma_wait3A_1856 = arith.constant 0 : i32
        %dma_wait3A_1857 = arith.constant 0 : i32
        %dma_wait3A_1858 = tpu.memref_slice %arg4[%select_n3A_1774, %dma_wait3A_1852, %add3A_1851, %dma_wait3A_1856, %dma_wait3A_1857] : memref<200x4x128x8x128xf32, #tpu.memory_space<hbm>> -> memref<1x1x1x8x128xf32, #tpu.memory_space<hbm>>
        %dma_wait3A_1859 = tpu.memref_squeeze %dma_wait3A_1858 : memref<1x1x1x8x128xf32, #tpu.memory_space<hbm>> -> memref<8x128xf32, #tpu.memory_space<hbm>>
        %dma_wait3A_1860 = arith.constant 0 : i32
        %dma_wait3A_1861 = arith.constant 0 : i32
        %dma_wait3A_1862 = tpu.memref_slice %arg4[%select_n3A_1774, %dma_wait3A_1852, %add3A_1851, %dma_wait3A_1860, %dma_wait3A_1861] : memref<200x4x128x8x128xf32, #tpu.memory_space<hbm>> -> memref<1x1x1x8x128xf32, #tpu.memory_space<hbm>>
        %dma_wait3A_1863 = tpu.memref_squeeze %dma_wait3A_1862 : memref<1x1x1x8x128xf32, #tpu.memory_space<hbm>> -> memref<8x128xf32, #tpu.memory_space<hbm>>
        %dma_wait3A_1864 = arith.constant 96 : i32
        %dma_wait3A_1865 = arith.constant 0 : i32
        %dma_wait3A_1866 = tpu.memref_slice %arg9[%dma_wait3A_1864, %dma_wait3A_1865] : memref<128x129xf32, #tpu.memory_space<vmem>> -> memref<8x128xf32, #tpu.memory_space<vmem>>
        tpu.wait_dma2 semaphore(%arg15 : memref<!tpu.dma_semaphore, #tpu.memory_space<semaphore_mem>>) src(%dma_wait3A_1866 : memref<8x128xf32, #tpu.memory_space<vmem>>) dst(%dma_wait3A_1863 : memref<8x128xf32, #tpu.memory_space<hbm>>)
        %mul3A_1867 = arith.constant 4 : i32
        %mul3A_1868 = arith.muli %select_n3A_1790, %mul3A_1867 : i32
        %add3A_1869 = arith.constant 0 : i32
        %add3A_1870 = arith.addi %mul3A_1868, %add3A_1869 : i32
        %dma_wait3A_1871 = arith.constant 1 : i32
        %dma_wait3A_1872 = arith.constant 8 : i32
        %dma_wait3A_1873 = arith.constant 0 : i32
        %dma_wait3A_1874 = tpu.memref_slice %arg9[%dma_wait3A_1872, %dma_wait3A_1873] : memref<128x129xf32, #tpu.memory_space<vmem>> -> memref<8x128xf32, #tpu.memory_space<vmem>>
        %dma_wait3A_1875 = arith.constant 0 : i32
        %dma_wait3A_1876 = arith.constant 0 : i32
        %dma_wait3A_1877 = tpu.memref_slice %arg4[%select_n3A_1774, %dma_wait3A_1871, %add3A_1870, %dma_wait3A_1875, %dma_wait3A_1876] : memref<200x4x128x8x128xf32, #tpu.memory_space<hbm>> -> memref<1x1x1x8x128xf32, #tpu.memory_space<hbm>>
        %dma_wait3A_1878 = tpu.memref_squeeze %dma_wait3A_1877 : memref<1x1x1x8x128xf32, #tpu.memory_space<hbm>> -> memref<8x128xf32, #tpu.memory_space<hbm>>
        %dma_wait3A_1879 = arith.constant 0 : i32
        %dma_wait3A_1880 = arith.constant 0 : i32
        %dma_wait3A_1881 = tpu.memref_slice %arg4[%select_n3A_1774, %dma_wait3A_1871, %add3A_1870, %dma_wait3A_1879, %dma_wait3A_1880] : memref<200x4x128x8x128xf32, #tpu.memory_space<hbm>> -> memref<1x1x1x8x128xf32, #tpu.memory_space<hbm>>
        %dma_wait3A_1882 = tpu.memref_squeeze %dma_wait3A_1881 : memref<1x1x1x8x128xf32, #tpu.memory_space<hbm>> -> memref<8x128xf32, #tpu.memory_space<hbm>>
        %dma_wait3A_1883 = arith.constant 8 : i32
        %dma_wait3A_1884 = arith.constant 0 : i32
        %dma_wait3A_1885 = tpu.memref_slice %arg9[%dma_wait3A_1883, %dma_wait3A_1884] : memref<128x129xf32, #tpu.memory_space<vmem>> -> memref<8x128xf32, #tpu.memory_space<vmem>>
        tpu.wait_dma2 semaphore(%arg15 : memref<!tpu.dma_semaphore, #tpu.memory_space<semaphore_mem>>) src(%dma_wait3A_1885 : memref<8x128xf32, #tpu.memory_space<vmem>>) dst(%dma_wait3A_1882 : memref<8x128xf32, #tpu.memory_space<hbm>>)
        %mul3A_1886 = arith.constant 4 : i32
        %mul3A_1887 = arith.muli %select_n3A_1790, %mul3A_1886 : i32
        %add3A_1888 = arith.constant 1 : i32
        %add3A_1889 = arith.addi %mul3A_1887, %add3A_1888 : i32
        %dma_wait3A_1890 = arith.constant 1 : i32
        %dma_wait3A_1891 = arith.constant 40 : i32
        %dma_wait3A_1892 = arith.constant 0 : i32
        %dma_wait3A_1893 = tpu.memref_slice %arg9[%dma_wait3A_1891, %dma_wait3A_1892] : memref<128x129xf32, #tpu.memory_space<vmem>> -> memref<8x128xf32, #tpu.memory_space<vmem>>
        %dma_wait3A_1894 = arith.constant 0 : i32
        %dma_wait3A_1895 = arith.constant 0 : i32
        %dma_wait3A_1896 = tpu.memref_slice %arg4[%select_n3A_1774, %dma_wait3A_1890, %add3A_1889, %dma_wait3A_1894, %dma_wait3A_1895] : memref<200x4x128x8x128xf32, #tpu.memory_space<hbm>> -> memref<1x1x1x8x128xf32, #tpu.memory_space<hbm>>
        %dma_wait3A_1897 = tpu.memref_squeeze %dma_wait3A_1896 : memref<1x1x1x8x128xf32, #tpu.memory_space<hbm>> -> memref<8x128xf32, #tpu.memory_space<hbm>>
        %dma_wait3A_1898 = arith.constant 0 : i32
        %dma_wait3A_1899 = arith.constant 0 : i32
        %dma_wait3A_1900 = tpu.memref_slice %arg4[%select_n3A_1774, %dma_wait3A_1890, %add3A_1889, %dma_wait3A_1898, %dma_wait3A_1899] : memref<200x4x128x8x128xf32, #tpu.memory_space<hbm>> -> memref<1x1x1x8x128xf32, #tpu.memory_space<hbm>>
        %dma_wait3A_1901 = tpu.memref_squeeze %dma_wait3A_1900 : memref<1x1x1x8x128xf32, #tpu.memory_space<hbm>> -> memref<8x128xf32, #tpu.memory_space<hbm>>
        %dma_wait3A_1902 = arith.constant 40 : i32
        %dma_wait3A_1903 = arith.constant 0 : i32
        %dma_wait3A_1904 = tpu.memref_slice %arg9[%dma_wait3A_1902, %dma_wait3A_1903] : memref<128x129xf32, #tpu.memory_space<vmem>> -> memref<8x128xf32, #tpu.memory_space<vmem>>
        tpu.wait_dma2 semaphore(%arg15 : memref<!tpu.dma_semaphore, #tpu.memory_space<semaphore_mem>>) src(%dma_wait3A_1904 : memref<8x128xf32, #tpu.memory_space<vmem>>) dst(%dma_wait3A_1901 : memref<8x128xf32, #tpu.memory_space<hbm>>)
        %mul3A_1905 = arith.constant 4 : i32
        %mul3A_1906 = arith.muli %select_n3A_1790, %mul3A_1905 : i32
        %add3A_1907 = arith.constant 2 : i32
        %add3A_1908 = arith.addi %mul3A_1906, %add3A_1907 : i32
        %dma_wait3A_1909 = arith.constant 1 : i32
        %dma_wait3A_1910 = arith.constant 72 : i32
        %dma_wait3A_1911 = arith.constant 0 : i32
        %dma_wait3A_1912 = tpu.memref_slice %arg9[%dma_wait3A_1910, %dma_wait3A_1911] : memref<128x129xf32, #tpu.memory_space<vmem>> -> memref<8x128xf32, #tpu.memory_space<vmem>>
        %dma_wait3A_1913 = arith.constant 0 : i32
        %dma_wait3A_1914 = arith.constant 0 : i32
        %dma_wait3A_1915 = tpu.memref_slice %arg4[%select_n3A_1774, %dma_wait3A_1909, %add3A_1908, %dma_wait3A_1913, %dma_wait3A_1914] : memref<200x4x128x8x128xf32, #tpu.memory_space<hbm>> -> memref<1x1x1x8x128xf32, #tpu.memory_space<hbm>>
        %dma_wait3A_1916 = tpu.memref_squeeze %dma_wait3A_1915 : memref<1x1x1x8x128xf32, #tpu.memory_space<hbm>> -> memref<8x128xf32, #tpu.memory_space<hbm>>
        %dma_wait3A_1917 = arith.constant 0 : i32
        %dma_wait3A_1918 = arith.constant 0 : i32
        %dma_wait3A_1919 = tpu.memref_slice %arg4[%select_n3A_1774, %dma_wait3A_1909, %add3A_1908, %dma_wait3A_1917, %dma_wait3A_1918] : memref<200x4x128x8x128xf32, #tpu.memory_space<hbm>> -> memref<1x1x1x8x128xf32, #tpu.memory_space<hbm>>
        %dma_wait3A_1920 = tpu.memref_squeeze %dma_wait3A_1919 : memref<1x1x1x8x128xf32, #tpu.memory_space<hbm>> -> memref<8x128xf32, #tpu.memory_space<hbm>>
        %dma_wait3A_1921 = arith.constant 72 : i32
        %dma_wait3A_1922 = arith.constant 0 : i32
        %dma_wait3A_1923 = tpu.memref_slice %arg9[%dma_wait3A_1921, %dma_wait3A_1922] : memref<128x129xf32, #tpu.memory_space<vmem>> -> memref<8x128xf32, #tpu.memory_space<vmem>>
        tpu.wait_dma2 semaphore(%arg15 : memref<!tpu.dma_semaphore, #tpu.memory_space<semaphore_mem>>) src(%dma_wait3A_1923 : memref<8x128xf32, #tpu.memory_space<vmem>>) dst(%dma_wait3A_1920 : memref<8x128xf32, #tpu.memory_space<hbm>>)
        %mul3A_1924 = arith.constant 4 : i32
        %mul3A_1925 = arith.muli %select_n3A_1790, %mul3A_1924 : i32
        %add3A_1926 = arith.constant 3 : i32
        %add3A_1927 = arith.addi %mul3A_1925, %add3A_1926 : i32
        %dma_wait3A_1928 = arith.constant 1 : i32
        %dma_wait3A_1929 = arith.constant 104 : i32
        %dma_wait3A_1930 = arith.constant 0 : i32
        %dma_wait3A_1931 = tpu.memref_slice %arg9[%dma_wait3A_1929, %dma_wait3A_1930] : memref<128x129xf32, #tpu.memory_space<vmem>> -> memref<8x128xf32, #tpu.memory_space<vmem>>
        %dma_wait3A_1932 = arith.constant 0 : i32
        %dma_wait3A_1933 = arith.constant 0 : i32
        %dma_wait3A_1934 = tpu.memref_slice %arg4[%select_n3A_1774, %dma_wait3A_1928, %add3A_1927, %dma_wait3A_1932, %dma_wait3A_1933] : memref<200x4x128x8x128xf32, #tpu.memory_space<hbm>> -> memref<1x1x1x8x128xf32, #tpu.memory_space<hbm>>
        %dma_wait3A_1935 = tpu.memref_squeeze %dma_wait3A_1934 : memref<1x1x1x8x128xf32, #tpu.memory_space<hbm>> -> memref<8x128xf32, #tpu.memory_space<hbm>>
        %dma_wait3A_1936 = arith.constant 0 : i32
        %dma_wait3A_1937 = arith.constant 0 : i32
        %dma_wait3A_1938 = tpu.memref_slice %arg4[%select_n3A_1774, %dma_wait3A_1928, %add3A_1927, %dma_wait3A_1936, %dma_wait3A_1937] : memref<200x4x128x8x128xf32, #tpu.memory_space<hbm>> -> memref<1x1x1x8x128xf32, #tpu.memory_space<hbm>>
        %dma_wait3A_1939 = tpu.memref_squeeze %dma_wait3A_1938 : memref<1x1x1x8x128xf32, #tpu.memory_space<hbm>> -> memref<8x128xf32, #tpu.memory_space<hbm>>
        %dma_wait3A_1940 = arith.constant 104 : i32
        %dma_wait3A_1941 = arith.constant 0 : i32
        %dma_wait3A_1942 = tpu.memref_slice %arg9[%dma_wait3A_1940, %dma_wait3A_1941] : memref<128x129xf32, #tpu.memory_space<vmem>> -> memref<8x128xf32, #tpu.memory_space<vmem>>
        tpu.wait_dma2 semaphore(%arg15 : memref<!tpu.dma_semaphore, #tpu.memory_space<semaphore_mem>>) src(%dma_wait3A_1942 : memref<8x128xf32, #tpu.memory_space<vmem>>) dst(%dma_wait3A_1939 : memref<8x128xf32, #tpu.memory_space<hbm>>)
        %mul3A_1943 = arith.constant 4 : i32
        %mul3A_1944 = arith.muli %select_n3A_1790, %mul3A_1943 : i32
        %add3A_1945 = arith.constant 0 : i32
        %add3A_1946 = arith.addi %mul3A_1944, %add3A_1945 : i32
        %dma_wait3A_1947 = arith.constant 2 : i32
        %dma_wait3A_1948 = arith.constant 16 : i32
        %dma_wait3A_1949 = arith.constant 0 : i32
        %dma_wait3A_1950 = tpu.memref_slice %arg9[%dma_wait3A_1948, %dma_wait3A_1949] : memref<128x129xf32, #tpu.memory_space<vmem>> -> memref<8x128xf32, #tpu.memory_space<vmem>>
        %dma_wait3A_1951 = arith.constant 0 : i32
        %dma_wait3A_1952 = arith.constant 0 : i32
        %dma_wait3A_1953 = tpu.memref_slice %arg4[%select_n3A_1774, %dma_wait3A_1947, %add3A_1946, %dma_wait3A_1951, %dma_wait3A_1952] : memref<200x4x128x8x128xf32, #tpu.memory_space<hbm>> -> memref<1x1x1x8x128xf32, #tpu.memory_space<hbm>>
        %dma_wait3A_1954 = tpu.memref_squeeze %dma_wait3A_1953 : memref<1x1x1x8x128xf32, #tpu.memory_space<hbm>> -> memref<8x128xf32, #tpu.memory_space<hbm>>
        %dma_wait3A_1955 = arith.constant 0 : i32
        %dma_wait3A_1956 = arith.constant 0 : i32
        %dma_wait3A_1957 = tpu.memref_slice %arg4[%select_n3A_1774, %dma_wait3A_1947, %add3A_1946, %dma_wait3A_1955, %dma_wait3A_1956] : memref<200x4x128x8x128xf32, #tpu.memory_space<hbm>> -> memref<1x1x1x8x128xf32, #tpu.memory_space<hbm>>
        %dma_wait3A_1958 = tpu.memref_squeeze %dma_wait3A_1957 : memref<1x1x1x8x128xf32, #tpu.memory_space<hbm>> -> memref<8x128xf32, #tpu.memory_space<hbm>>
        %dma_wait3A_1959 = arith.constant 16 : i32
        %dma_wait3A_1960 = arith.constant 0 : i32
        %dma_wait3A_1961 = tpu.memref_slice %arg9[%dma_wait3A_1959, %dma_wait3A_1960] : memref<128x129xf32, #tpu.memory_space<vmem>> -> memref<8x128xf32, #tpu.memory_space<vmem>>
        tpu.wait_dma2 semaphore(%arg15 : memref<!tpu.dma_semaphore, #tpu.memory_space<semaphore_mem>>) src(%dma_wait3A_1961 : memref<8x128xf32, #tpu.memory_space<vmem>>) dst(%dma_wait3A_1958 : memref<8x128xf32, #tpu.memory_space<hbm>>)
        %mul3A_1962 = arith.constant 4 : i32
        %mul3A_1963 = arith.muli %select_n3A_1790, %mul3A_1962 : i32
        %add3A_1964 = arith.constant 1 : i32
        %add3A_1965 = arith.addi %mul3A_1963, %add3A_1964 : i32
        %dma_wait3A_1966 = arith.constant 2 : i32
        %dma_wait3A_1967 = arith.constant 48 : i32
        %dma_wait3A_1968 = arith.constant 0 : i32
        %dma_wait3A_1969 = tpu.memref_slice %arg9[%dma_wait3A_1967, %dma_wait3A_1968] : memref<128x129xf32, #tpu.memory_space<vmem>> -> memref<8x128xf32, #tpu.memory_space<vmem>>
        %dma_wait3A_1970 = arith.constant 0 : i32
        %dma_wait3A_1971 = arith.constant 0 : i32
        %dma_wait3A_1972 = tpu.memref_slice %arg4[%select_n3A_1774, %dma_wait3A_1966, %add3A_1965, %dma_wait3A_1970, %dma_wait3A_1971] : memref<200x4x128x8x128xf32, #tpu.memory_space<hbm>> -> memref<1x1x1x8x128xf32, #tpu.memory_space<hbm>>
        %dma_wait3A_1973 = tpu.memref_squeeze %dma_wait3A_1972 : memref<1x1x1x8x128xf32, #tpu.memory_space<hbm>> -> memref<8x128xf32, #tpu.memory_space<hbm>>
        %dma_wait3A_1974 = arith.constant 0 : i32
        %dma_wait3A_1975 = arith.constant 0 : i32
        %dma_wait3A_1976 = tpu.memref_slice %arg4[%select_n3A_1774, %dma_wait3A_1966, %add3A_1965, %dma_wait3A_1974, %dma_wait3A_1975] : memref<200x4x128x8x128xf32, #tpu.memory_space<hbm>> -> memref<1x1x1x8x128xf32, #tpu.memory_space<hbm>>
        %dma_wait3A_1977 = tpu.memref_squeeze %dma_wait3A_1976 : memref<1x1x1x8x128xf32, #tpu.memory_space<hbm>> -> memref<8x128xf32, #tpu.memory_space<hbm>>
        %dma_wait3A_1978 = arith.constant 48 : i32
        %dma_wait3A_1979 = arith.constant 0 : i32
        %dma_wait3A_1980 = tpu.memref_slice %arg9[%dma_wait3A_1978, %dma_wait3A_1979] : memref<128x129xf32, #tpu.memory_space<vmem>> -> memref<8x128xf32, #tpu.memory_space<vmem>>
        tpu.wait_dma2 semaphore(%arg15 : memref<!tpu.dma_semaphore, #tpu.memory_space<semaphore_mem>>) src(%dma_wait3A_1980 : memref<8x128xf32, #tpu.memory_space<vmem>>) dst(%dma_wait3A_1977 : memref<8x128xf32, #tpu.memory_space<hbm>>)
        %mul3A_1981 = arith.constant 4 : i32
        %mul3A_1982 = arith.muli %select_n3A_1790, %mul3A_1981 : i32
        %add3A_1983 = arith.constant 2 : i32
        %add3A_1984 = arith.addi %mul3A_1982, %add3A_1983 : i32
        %dma_wait3A_1985 = arith.constant 2 : i32
        %dma_wait3A_1986 = arith.constant 80 : i32
        %dma_wait3A_1987 = arith.constant 0 : i32
        %dma_wait3A_1988 = tpu.memref_slice %arg9[%dma_wait3A_1986, %dma_wait3A_1987] : memref<128x129xf32, #tpu.memory_space<vmem>> -> memref<8x128xf32, #tpu.memory_space<vmem>>
        %dma_wait3A_1989 = arith.constant 0 : i32
        %dma_wait3A_1990 = arith.constant 0 : i32
        %dma_wait3A_1991 = tpu.memref_slice %arg4[%select_n3A_1774, %dma_wait3A_1985, %add3A_1984, %dma_wait3A_1989, %dma_wait3A_1990] : memref<200x4x128x8x128xf32, #tpu.memory_space<hbm>> -> memref<1x1x1x8x128xf32, #tpu.memory_space<hbm>>
        %dma_wait3A_1992 = tpu.memref_squeeze %dma_wait3A_1991 : memref<1x1x1x8x128xf32, #tpu.memory_space<hbm>> -> memref<8x128xf32, #tpu.memory_space<hbm>>
        %dma_wait3A_1993 = arith.constant 0 : i32
        %dma_wait3A_1994 = arith.constant 0 : i32
        %dma_wait3A_1995 = tpu.memref_slice %arg4[%select_n3A_1774, %dma_wait3A_1985, %add3A_1984, %dma_wait3A_1993, %dma_wait3A_1994] : memref<200x4x128x8x128xf32, #tpu.memory_space<hbm>> -> memref<1x1x1x8x128xf32, #tpu.memory_space<hbm>>
        %dma_wait3A_1996 = tpu.memref_squeeze %dma_wait3A_1995 : memref<1x1x1x8x128xf32, #tpu.memory_space<hbm>> -> memref<8x128xf32, #tpu.memory_space<hbm>>
        %dma_wait3A_1997 = arith.constant 80 : i32
        %dma_wait3A_1998 = arith.constant 0 : i32
        %dma_wait3A_1999 = tpu.memref_slice %arg9[%dma_wait3A_1997, %dma_wait3A_1998] : memref<128x129xf32, #tpu.memory_space<vmem>> -> memref<8x128xf32, #tpu.memory_space<vmem>>
        tpu.wait_dma2 semaphore(%arg15 : memref<!tpu.dma_semaphore, #tpu.memory_space<semaphore_mem>>) src(%dma_wait3A_1999 : memref<8x128xf32, #tpu.memory_space<vmem>>) dst(%dma_wait3A_1996 : memref<8x128xf32, #tpu.memory_space<hbm>>)
        %mul3A_2000 = arith.constant 4 : i32
        %mul3A_2001 = arith.muli %select_n3A_1790, %mul3A_2000 : i32
        %add3A_2002 = arith.constant 3 : i32
        %add3A_2003 = arith.addi %mul3A_2001, %add3A_2002 : i32
        %dma_wait3A_2004 = arith.constant 2 : i32
        %dma_wait3A_2005 = arith.constant 112 : i32
        %dma_wait3A_2006 = arith.constant 0 : i32
        %dma_wait3A_2007 = tpu.memref_slice %arg9[%dma_wait3A_2005, %dma_wait3A_2006] : memref<128x129xf32, #tpu.memory_space<vmem>> -> memref<8x128xf32, #tpu.memory_space<vmem>>
        %dma_wait3A_2008 = arith.constant 0 : i32
        %dma_wait3A_2009 = arith.constant 0 : i32
        %dma_wait3A_2010 = tpu.memref_slice %arg4[%select_n3A_1774, %dma_wait3A_2004, %add3A_2003, %dma_wait3A_2008, %dma_wait3A_2009] : memref<200x4x128x8x128xf32, #tpu.memory_space<hbm>> -> memref<1x1x1x8x128xf32, #tpu.memory_space<hbm>>
        %dma_wait3A_2011 = tpu.memref_squeeze %dma_wait3A_2010 : memref<1x1x1x8x128xf32, #tpu.memory_space<hbm>> -> memref<8x128xf32, #tpu.memory_space<hbm>>
        %dma_wait3A_2012 = arith.constant 0 : i32
        %dma_wait3A_2013 = arith.constant 0 : i32
        %dma_wait3A_2014 = tpu.memref_slice %arg4[%select_n3A_1774, %dma_wait3A_2004, %add3A_2003, %dma_wait3A_2012, %dma_wait3A_2013] : memref<200x4x128x8x128xf32, #tpu.memory_space<hbm>> -> memref<1x1x1x8x128xf32, #tpu.memory_space<hbm>>
        %dma_wait3A_2015 = tpu.memref_squeeze %dma_wait3A_2014 : memref<1x1x1x8x128xf32, #tpu.memory_space<hbm>> -> memref<8x128xf32, #tpu.memory_space<hbm>>
        %dma_wait3A_2016 = arith.constant 112 : i32
        %dma_wait3A_2017 = arith.constant 0 : i32
        %dma_wait3A_2018 = tpu.memref_slice %arg9[%dma_wait3A_2016, %dma_wait3A_2017] : memref<128x129xf32, #tpu.memory_space<vmem>> -> memref<8x128xf32, #tpu.memory_space<vmem>>
        tpu.wait_dma2 semaphore(%arg15 : memref<!tpu.dma_semaphore, #tpu.memory_space<semaphore_mem>>) src(%dma_wait3A_2018 : memref<8x128xf32, #tpu.memory_space<vmem>>) dst(%dma_wait3A_2015 : memref<8x128xf32, #tpu.memory_space<hbm>>)
        %mul3A_2019 = arith.constant 4 : i32
        %mul3A_2020 = arith.muli %select_n3A_1790, %mul3A_2019 : i32
        %add3A_2021 = arith.constant 0 : i32
        %add3A_2022 = arith.addi %mul3A_2020, %add3A_2021 : i32
        %dma_wait3A_2023 = arith.constant 3 : i32
        %dma_wait3A_2024 = arith.constant 24 : i32
        %dma_wait3A_2025 = arith.constant 0 : i32
        %dma_wait3A_2026 = tpu.memref_slice %arg9[%dma_wait3A_2024, %dma_wait3A_2025] : memref<128x129xf32, #tpu.memory_space<vmem>> -> memref<8x128xf32, #tpu.memory_space<vmem>>
        %dma_wait3A_2027 = arith.constant 0 : i32
        %dma_wait3A_2028 = arith.constant 0 : i32
        %dma_wait3A_2029 = tpu.memref_slice %arg4[%select_n3A_1774, %dma_wait3A_2023, %add3A_2022, %dma_wait3A_2027, %dma_wait3A_2028] : memref<200x4x128x8x128xf32, #tpu.memory_space<hbm>> -> memref<1x1x1x8x128xf32, #tpu.memory_space<hbm>>
        %dma_wait3A_2030 = tpu.memref_squeeze %dma_wait3A_2029 : memref<1x1x1x8x128xf32, #tpu.memory_space<hbm>> -> memref<8x128xf32, #tpu.memory_space<hbm>>
        %dma_wait3A_2031 = arith.constant 0 : i32
        %dma_wait3A_2032 = arith.constant 0 : i32
        %dma_wait3A_2033 = tpu.memref_slice %arg4[%select_n3A_1774, %dma_wait3A_2023, %add3A_2022, %dma_wait3A_2031, %dma_wait3A_2032] : memref<200x4x128x8x128xf32, #tpu.memory_space<hbm>> -> memref<1x1x1x8x128xf32, #tpu.memory_space<hbm>>
        %dma_wait3A_2034 = tpu.memref_squeeze %dma_wait3A_2033 : memref<1x1x1x8x128xf32, #tpu.memory_space<hbm>> -> memref<8x128xf32, #tpu.memory_space<hbm>>
        %dma_wait3A_2035 = arith.constant 24 : i32
        %dma_wait3A_2036 = arith.constant 0 : i32
        %dma_wait3A_2037 = tpu.memref_slice %arg9[%dma_wait3A_2035, %dma_wait3A_2036] : memref<128x129xf32, #tpu.memory_space<vmem>> -> memref<8x128xf32, #tpu.memory_space<vmem>>
        tpu.wait_dma2 semaphore(%arg15 : memref<!tpu.dma_semaphore, #tpu.memory_space<semaphore_mem>>) src(%dma_wait3A_2037 : memref<8x128xf32, #tpu.memory_space<vmem>>) dst(%dma_wait3A_2034 : memref<8x128xf32, #tpu.memory_space<hbm>>)
        %mul3A_2038 = arith.constant 4 : i32
        %mul3A_2039 = arith.muli %select_n3A_1790, %mul3A_2038 : i32
        %add3A_2040 = arith.constant 1 : i32
        %add3A_2041 = arith.addi %mul3A_2039, %add3A_2040 : i32
        %dma_wait3A_2042 = arith.constant 3 : i32
        %dma_wait3A_2043 = arith.constant 56 : i32
        %dma_wait3A_2044 = arith.constant 0 : i32
        %dma_wait3A_2045 = tpu.memref_slice %arg9[%dma_wait3A_2043, %dma_wait3A_2044] : memref<128x129xf32, #tpu.memory_space<vmem>> -> memref<8x128xf32, #tpu.memory_space<vmem>>
        %dma_wait3A_2046 = arith.constant 0 : i32
        %dma_wait3A_2047 = arith.constant 0 : i32
        %dma_wait3A_2048 = tpu.memref_slice %arg4[%select_n3A_1774, %dma_wait3A_2042, %add3A_2041, %dma_wait3A_2046, %dma_wait3A_2047] : memref<200x4x128x8x128xf32, #tpu.memory_space<hbm>> -> memref<1x1x1x8x128xf32, #tpu.memory_space<hbm>>
        %dma_wait3A_2049 = tpu.memref_squeeze %dma_wait3A_2048 : memref<1x1x1x8x128xf32, #tpu.memory_space<hbm>> -> memref<8x128xf32, #tpu.memory_space<hbm>>
        %dma_wait3A_2050 = arith.constant 0 : i32
        %dma_wait3A_2051 = arith.constant 0 : i32
        %dma_wait3A_2052 = tpu.memref_slice %arg4[%select_n3A_1774, %dma_wait3A_2042, %add3A_2041, %dma_wait3A_2050, %dma_wait3A_2051] : memref<200x4x128x8x128xf32, #tpu.memory_space<hbm>> -> memref<1x1x1x8x128xf32, #tpu.memory_space<hbm>>
        %dma_wait3A_2053 = tpu.memref_squeeze %dma_wait3A_2052 : memref<1x1x1x8x128xf32, #tpu.memory_space<hbm>> -> memref<8x128xf32, #tpu.memory_space<hbm>>
        %dma_wait3A_2054 = arith.constant 56 : i32
        %dma_wait3A_2055 = arith.constant 0 : i32
        %dma_wait3A_2056 = tpu.memref_slice %arg9[%dma_wait3A_2054, %dma_wait3A_2055] : memref<128x129xf32, #tpu.memory_space<vmem>> -> memref<8x128xf32, #tpu.memory_space<vmem>>
        tpu.wait_dma2 semaphore(%arg15 : memref<!tpu.dma_semaphore, #tpu.memory_space<semaphore_mem>>) src(%dma_wait3A_2056 : memref<8x128xf32, #tpu.memory_space<vmem>>) dst(%dma_wait3A_2053 : memref<8x128xf32, #tpu.memory_space<hbm>>)
        %mul3A_2057 = arith.constant 4 : i32
        %mul3A_2058 = arith.muli %select_n3A_1790, %mul3A_2057 : i32
        %add3A_2059 = arith.constant 2 : i32
        %add3A_2060 = arith.addi %mul3A_2058, %add3A_2059 : i32
        %dma_wait3A_2061 = arith.constant 3 : i32
        %dma_wait3A_2062 = arith.constant 88 : i32
        %dma_wait3A_2063 = arith.constant 0 : i32
        %dma_wait3A_2064 = tpu.memref_slice %arg9[%dma_wait3A_2062, %dma_wait3A_2063] : memref<128x129xf32, #tpu.memory_space<vmem>> -> memref<8x128xf32, #tpu.memory_space<vmem>>
        %dma_wait3A_2065 = arith.constant 0 : i32
        %dma_wait3A_2066 = arith.constant 0 : i32
        %dma_wait3A_2067 = tpu.memref_slice %arg4[%select_n3A_1774, %dma_wait3A_2061, %add3A_2060, %dma_wait3A_2065, %dma_wait3A_2066] : memref<200x4x128x8x128xf32, #tpu.memory_space<hbm>> -> memref<1x1x1x8x128xf32, #tpu.memory_space<hbm>>
        %dma_wait3A_2068 = tpu.memref_squeeze %dma_wait3A_2067 : memref<1x1x1x8x128xf32, #tpu.memory_space<hbm>> -> memref<8x128xf32, #tpu.memory_space<hbm>>
        %dma_wait3A_2069 = arith.constant 0 : i32
        %dma_wait3A_2070 = arith.constant 0 : i32
        %dma_wait3A_2071 = tpu.memref_slice %arg4[%select_n3A_1774, %dma_wait3A_2061, %add3A_2060, %dma_wait3A_2069, %dma_wait3A_2070] : memref<200x4x128x8x128xf32, #tpu.memory_space<hbm>> -> memref<1x1x1x8x128xf32, #tpu.memory_space<hbm>>
        %dma_wait3A_2072 = tpu.memref_squeeze %dma_wait3A_2071 : memref<1x1x1x8x128xf32, #tpu.memory_space<hbm>> -> memref<8x128xf32, #tpu.memory_space<hbm>>
        %dma_wait3A_2073 = arith.constant 88 : i32
        %dma_wait3A_2074 = arith.constant 0 : i32
        %dma_wait3A_2075 = tpu.memref_slice %arg9[%dma_wait3A_2073, %dma_wait3A_2074] : memref<128x129xf32, #tpu.memory_space<vmem>> -> memref<8x128xf32, #tpu.memory_space<vmem>>
        tpu.wait_dma2 semaphore(%arg15 : memref<!tpu.dma_semaphore, #tpu.memory_space<semaphore_mem>>) src(%dma_wait3A_2075 : memref<8x128xf32, #tpu.memory_space<vmem>>) dst(%dma_wait3A_2072 : memref<8x128xf32, #tpu.memory_space<hbm>>)
        %mul3A_2076 = arith.constant 4 : i32
        %mul3A_2077 = arith.muli %select_n3A_1790, %mul3A_2076 : i32
        %add3A_2078 = arith.constant 3 : i32
        %add3A_2079 = arith.addi %mul3A_2077, %add3A_2078 : i32
        %dma_wait3A_2080 = arith.constant 3 : i32
        %dma_wait3A_2081 = arith.constant 120 : i32
        %dma_wait3A_2082 = arith.constant 0 : i32
        %dma_wait3A_2083 = tpu.memref_slice %arg9[%dma_wait3A_2081, %dma_wait3A_2082] : memref<128x129xf32, #tpu.memory_space<vmem>> -> memref<8x128xf32, #tpu.memory_space<vmem>>
        %dma_wait3A_2084 = arith.constant 0 : i32
        %dma_wait3A_2085 = arith.constant 0 : i32
        %dma_wait3A_2086 = tpu.memref_slice %arg4[%select_n3A_1774, %dma_wait3A_2080, %add3A_2079, %dma_wait3A_2084, %dma_wait3A_2085] : memref<200x4x128x8x128xf32, #tpu.memory_space<hbm>> -> memref<1x1x1x8x128xf32, #tpu.memory_space<hbm>>
        %dma_wait3A_2087 = tpu.memref_squeeze %dma_wait3A_2086 : memref<1x1x1x8x128xf32, #tpu.memory_space<hbm>> -> memref<8x128xf32, #tpu.memory_space<hbm>>
        %dma_wait3A_2088 = arith.constant 0 : i32
        %dma_wait3A_2089 = arith.constant 0 : i32
        %dma_wait3A_2090 = tpu.memref_slice %arg4[%select_n3A_1774, %dma_wait3A_2080, %add3A_2079, %dma_wait3A_2088, %dma_wait3A_2089] : memref<200x4x128x8x128xf32, #tpu.memory_space<hbm>> -> memref<1x1x1x8x128xf32, #tpu.memory_space<hbm>>
        %dma_wait3A_2091 = tpu.memref_squeeze %dma_wait3A_2090 : memref<1x1x1x8x128xf32, #tpu.memory_space<hbm>> -> memref<8x128xf32, #tpu.memory_space<hbm>>
        %dma_wait3A_2092 = arith.constant 120 : i32
        %dma_wait3A_2093 = arith.constant 0 : i32
        %dma_wait3A_2094 = tpu.memref_slice %arg9[%dma_wait3A_2092, %dma_wait3A_2093] : memref<128x129xf32, #tpu.memory_space<vmem>> -> memref<8x128xf32, #tpu.memory_space<vmem>>
        tpu.wait_dma2 semaphore(%arg15 : memref<!tpu.dma_semaphore, #tpu.memory_space<semaphore_mem>>) src(%dma_wait3A_2094 : memref<8x128xf32, #tpu.memory_space<vmem>>) dst(%dma_wait3A_2091 : memref<8x128xf32, #tpu.memory_space<hbm>>)
      } else {
      }
      %parallel_loop3A = arith.constant 0 : i32
      %parallel_loop3A_986 = arith.constant 512 : i32
      %parallel_loop3A_987 = arith.constant 1 : i32
      scf.for %parallel_loop3A_1751 = %parallel_loop3A to %parallel_loop3A_986 step %parallel_loop3A_987  : i32 {
        %parallel_loop3A_1752 = arith.constant 128 : i32
        %parallel_loop3A_1753 = arith.divsi %parallel_loop3A_1751, %parallel_loop3A_1752 : i32
        %parallel_loop3A_1754 = arith.constant 0 : i32
        %parallel_loop3A_1755 = arith.cmpi sgt, %parallel_loop3A_1751, %parallel_loop3A_1754 : i32
        %parallel_loop3A_1756 = arith.extui %parallel_loop3A_1755 : i1 to i32
        %parallel_loop3A_1757 = arith.constant 0 : i32
        %parallel_loop3A_1758 = arith.cmpi slt, %parallel_loop3A_1751, %parallel_loop3A_1757 : i32
        %parallel_loop3A_1759 = arith.extui %parallel_loop3A_1758 : i1 to i32
        %parallel_loop3A_1760 = arith.subi %parallel_loop3A_1756, %parallel_loop3A_1759 : i32
        %parallel_loop3A_1761 = arith.constant 0 : i32
        %parallel_loop3A_1762 = arith.cmpi sgt, %parallel_loop3A_1752, %parallel_loop3A_1761 : i32
        %parallel_loop3A_1763 = arith.extui %parallel_loop3A_1762 : i1 to i32
        %parallel_loop3A_1764 = arith.constant 0 : i32
        %parallel_loop3A_1765 = arith.cmpi slt, %parallel_loop3A_1752, %parallel_loop3A_1764 : i32
        %parallel_loop3A_1766 = arith.extui %parallel_loop3A_1765 : i1 to i32
        %parallel_loop3A_1767 = arith.subi %parallel_loop3A_1763, %parallel_loop3A_1766 : i32
        %parallel_loop3A_1768 = arith.cmpi ne, %parallel_loop3A_1760, %parallel_loop3A_1767 : i32
        %parallel_loop3A_1769 = arith.remsi %parallel_loop3A_1751, %parallel_loop3A_1752 : i32
        %parallel_loop3A_1770 = arith.constant 0 : i32
        %parallel_loop3A_1771 = arith.cmpi ne, %parallel_loop3A_1769, %parallel_loop3A_1770 : i32
        %parallel_loop3A_1772 = arith.andi %parallel_loop3A_1768, %parallel_loop3A_1771 : i1
        %parallel_loop3A_1773 = arith.constant 1 : i32
        %parallel_loop3A_1774 = arith.subi %parallel_loop3A_1753, %parallel_loop3A_1773 : i32
        %parallel_loop3A_1775 = arith.select %parallel_loop3A_1772, %parallel_loop3A_1774, %parallel_loop3A_1753 : i32
        %parallel_loop3A_1776 = arith.constant 128 : i32
        %parallel_loop3A_1777 = arith.muli %parallel_loop3A_1775, %parallel_loop3A_1776 : i32
        %parallel_loop3A_1778 = arith.subi %parallel_loop3A_1751, %parallel_loop3A_1777 : i32
        %parallel_loop3A_1779 = arith.constant 0 : i32
        %parallel_loop3A_1780 = vector.broadcast %parallel_loop3A_1779 : i32 to vector<16xi32>
        %parallel_loop3A_1781 = vector.broadcast %parallel_loop3A_1778 : i32 to vector<16xi32>
        %parallel_loop3A_1782 = arith.addi %parallel_loop3A_1780, %parallel_loop3A_1781 : vector<16xi32>
        %parallel_loop3A_1783 = arith.index_cast %parallel_loop3A_1775 : i32 to index
        %parallel_loop3A_1784 = arith.index_cast %parallel_loop3A_1778 : i32 to index
        %parallel_loop3A_1785 = arith.constant 0 : index
        %parallel_loop3A_1786 = tpu.vector_load %arg7[%parallel_loop3A_1783, %parallel_loop3A_1784, %parallel_loop3A_1785] {strides = array<i32>} : memref<4x128x32xf32, #tpu.memory_space<vmem>>, vector<16xf32>,
        %parallel_loop3A_1787 = arith.constant 32 : i32
        %parallel_loop3A_1788 = arith.muli %parallel_loop3A_1775, %parallel_loop3A_1787 : i32
        %parallel_loop3A_1789 = arith.constant 0 : i32
        %parallel_loop3A_1790 = arith.addi %parallel_loop3A_1789, %parallel_loop3A_1788 : i32
        %parallel_loop3A_1791 = vector.broadcast %parallel_loop3A_1790 : i32 to vector<16xi32>
        %parallel_loop3A_1792 = arith.addi %iota3A, %parallel_loop3A_1791 : vector<16xi32>
        tpu.vector_store_idx %arg9[%parallel_loop3A_1792, %parallel_loop3A_1782], %parallel_loop3A_1786 : memref<128x129xf32, #tpu.memory_space<vmem>>[vector<16xi32>, vector<16xi32>], vector<16xf32>,
        %parallel_loop3A_1793 = arith.index_cast %parallel_loop3A_1775 : i32 to index
        %parallel_loop3A_1794 = arith.index_cast %parallel_loop3A_1778 : i32 to index
        %parallel_loop3A_1795 = arith.constant 16 : index
        %parallel_loop3A_1796 = tpu.vector_load %arg7[%parallel_loop3A_1793, %parallel_loop3A_1794, %parallel_loop3A_1795] {strides = array<i32>} : memref<4x128x32xf32, #tpu.memory_space<vmem>>, vector<16xf32>,
        %parallel_loop3A_1797 = arith.constant 32 : i32
        %parallel_loop3A_1798 = arith.muli %parallel_loop3A_1775, %parallel_loop3A_1797 : i32
        %parallel_loop3A_1799 = arith.constant 16 : i32
        %parallel_loop3A_1800 = arith.addi %parallel_loop3A_1799, %parallel_loop3A_1798 : i32
        %parallel_loop3A_1801 = vector.broadcast %parallel_loop3A_1800 : i32 to vector<16xi32>
        %parallel_loop3A_1802 = arith.addi %iota3A, %parallel_loop3A_1801 : vector<16xi32>
        tpu.vector_store_idx %arg9[%parallel_loop3A_1802, %parallel_loop3A_1782], %parallel_loop3A_1796 : memref<128x129xf32, #tpu.memory_space<vmem>>[vector<16xi32>, vector<16xi32>], vector<16xf32>,
      } {sc.loop_unroll_factor = 8 : i64, sc.parallel_access}
      %jit3A_988 = arith.constant 32 : i32
      %div3A_989 = arith.divsi %add3A_921, %jit3A_988 : i32
      %sign3A_990 = arith.constant 0 : i32
      %sign3A_991 = arith.cmpi sgt, %add3A_921, %sign3A_990 : i32
      %sign3A_992 = arith.extui %sign3A_991 : i1 to i32
      %sign3A_993 = arith.constant 0 : i32
      %sign3A_994 = arith.cmpi slt, %add3A_921, %sign3A_993 : i32
      %sign3A_995 = arith.extui %sign3A_994 : i1 to i32
      %sign3A_996 = arith.subi %sign3A_992, %sign3A_995 : i32
      %sign3A_997 = arith.constant 0 : i32
      %sign3A_998 = arith.cmpi sgt, %jit3A_988, %sign3A_997 : i32
      %sign3A_999 = arith.extui %sign3A_998 : i1 to i32
      %sign3A_1000 = arith.constant 0 : i32
      %sign3A_1001 = arith.cmpi slt, %jit3A_988, %sign3A_1000 : i32
      %sign3A_1002 = arith.extui %sign3A_1001 : i1 to i32
      %sign3A_1003 = arith.subi %sign3A_999, %sign3A_1002 : i32
      %ne3A_1004 = arith.cmpi ne, %sign3A_996, %sign3A_1003 : i32
      %rem3A_1005 = arith.remsi %add3A_921, %jit3A_988 : i32
      %ne3A_1006 = arith.constant 0 : i32
      %ne3A_1007 = arith.cmpi ne, %rem3A_1005, %ne3A_1006 : i32
      %and3A_1008 = arith.andi %ne3A_1004, %ne3A_1007 : i1
      %sub3A_1009 = arith.constant 1 : i32
      %sub3A_1010 = arith.subi %div3A_989, %sub3A_1009 : i32
      %select_n3A_1011 = arith.select %and3A_1008, %sub3A_1010, %div3A_989 : i32
      %jit3A_1012 = arith.constant 32 : i32
      %eq3A_1013 = arith.constant 0 : i32
      %eq3A_1014 = arith.cmpi eq, %jit3A_1012, %eq3A_1013 : i32
      %jit3A_1015 = arith.constant 1 : i32
      %select_n3A_1016 = arith.select %eq3A_1014, %jit3A_1015, %jit3A_1012 : i32
      %rem3A_1017 = arith.remsi %add3A_921, %select_n3A_1016 : i32
      %ne3A_1018 = arith.constant 0 : i32
      %ne3A_1019 = arith.cmpi ne, %rem3A_1017, %ne3A_1018 : i32
      %lt3A_1020 = arith.constant 0 : i32
      %lt3A_1021 = arith.cmpi slt, %rem3A_1017, %lt3A_1020 : i32
      %lt3A_1022 = arith.constant 0 : i32
      %lt3A_1023 = arith.cmpi slt, %select_n3A_1016, %lt3A_1022 : i32
      %ne3A_1024 = arith.xori %lt3A_1021, %lt3A_1023 : i1
      %and3A_1025 = arith.andi %ne3A_1024, %ne3A_1019 : i1
      %add3A_1026 = arith.addi %rem3A_1017, %select_n3A_1016 : i32
      %select_n3A_1027 = arith.select %and3A_1025, %add3A_1026, %rem3A_1017 : i32
      %mul3A_1028 = arith.constant 4 : i32
      %mul3A_1029 = arith.muli %select_n3A_1027, %mul3A_1028 : i32
      %add3A_1030 = arith.constant 0 : i32
      %add3A_1031 = arith.addi %mul3A_1029, %add3A_1030 : i32
      %dma_start3A_1032 = arith.constant 0 : i32
      %dma_start3A_1033 = arith.constant 0 : i32
      %dma_start3A_1034 = arith.constant 0 : i32
      %dma_start3A_1035 = tpu.memref_slice %arg9[%dma_start3A_1033, %dma_start3A_1034] : memref<128x129xf32, #tpu.memory_space<vmem>> -> memref<8x128xf32, #tpu.memory_space<vmem>>
      %dma_start3A_1036 = arith.constant 0 : i32
      %dma_start3A_1037 = arith.constant 0 : i32
      %dma_start3A_1038 = tpu.memref_slice %arg4[%select_n3A_1011, %dma_start3A_1032, %add3A_1031, %dma_start3A_1036, %dma_start3A_1037] : memref<200x4x128x8x128xf32, #tpu.memory_space<hbm>> -> memref<1x1x1x8x128xf32, #tpu.memory_space<hbm>>
      %dma_start3A_1039 = tpu.memref_squeeze %dma_start3A_1038 : memref<1x1x1x8x128xf32, #tpu.memory_space<hbm>> -> memref<8x128xf32, #tpu.memory_space<hbm>>
      %dma_start3A_1040 = arith.constant 0 : i32
      %dma_start3A_1041 = arith.constant 0 : i32
      %dma_start3A_1042 = tpu.memref_slice %arg4[%select_n3A_1011, %dma_start3A_1032, %add3A_1031, %dma_start3A_1040, %dma_start3A_1041] : memref<200x4x128x8x128xf32, #tpu.memory_space<hbm>> -> memref<1x1x1x8x128xf32, #tpu.memory_space<hbm>>
      %dma_start3A_1043 = tpu.memref_squeeze %dma_start3A_1042 : memref<1x1x1x8x128xf32, #tpu.memory_space<hbm>> -> memref<8x128xf32, #tpu.memory_space<hbm>>
      %dma_start3A_1044 = arith.constant 0 : i32
      %dma_start3A_1045 = arith.constant 0 : i32
      %dma_start3A_1046 = tpu.memref_slice %arg9[%dma_start3A_1044, %dma_start3A_1045] : memref<128x129xf32, #tpu.memory_space<vmem>> -> memref<8x128xf32, #tpu.memory_space<vmem>>
      tpu.enqueue_dma source(%dma_start3A_1046 : memref<8x128xf32, #tpu.memory_space<vmem>>) target(%dma_start3A_1043 : memref<8x128xf32, #tpu.memory_space<hbm>>) target_semaphore(%arg15 : memref<!tpu.dma_semaphore, #tpu.memory_space<semaphore_mem>>)
      %mul3A_1047 = arith.constant 4 : i32
      %mul3A_1048 = arith.muli %select_n3A_1027, %mul3A_1047 : i32
      %add3A_1049 = arith.constant 1 : i32
      %add3A_1050 = arith.addi %mul3A_1048, %add3A_1049 : i32
      %dma_start3A_1051 = arith.constant 0 : i32
      %dma_start3A_1052 = arith.constant 32 : i32
      %dma_start3A_1053 = arith.constant 0 : i32
      %dma_start3A_1054 = tpu.memref_slice %arg9[%dma_start3A_1052, %dma_start3A_1053] : memref<128x129xf32, #tpu.memory_space<vmem>> -> memref<8x128xf32, #tpu.memory_space<vmem>>
      %dma_start3A_1055 = arith.constant 0 : i32
      %dma_start3A_1056 = arith.constant 0 : i32
      %dma_start3A_1057 = tpu.memref_slice %arg4[%select_n3A_1011, %dma_start3A_1051, %add3A_1050, %dma_start3A_1055, %dma_start3A_1056] : memref<200x4x128x8x128xf32, #tpu.memory_space<hbm>> -> memref<1x1x1x8x128xf32, #tpu.memory_space<hbm>>
      %dma_start3A_1058 = tpu.memref_squeeze %dma_start3A_1057 : memref<1x1x1x8x128xf32, #tpu.memory_space<hbm>> -> memref<8x128xf32, #tpu.memory_space<hbm>>
      %dma_start3A_1059 = arith.constant 0 : i32
      %dma_start3A_1060 = arith.constant 0 : i32
      %dma_start3A_1061 = tpu.memref_slice %arg4[%select_n3A_1011, %dma_start3A_1051, %add3A_1050, %dma_start3A_1059, %dma_start3A_1060] : memref<200x4x128x8x128xf32, #tpu.memory_space<hbm>> -> memref<1x1x1x8x128xf32, #tpu.memory_space<hbm>>
      %dma_start3A_1062 = tpu.memref_squeeze %dma_start3A_1061 : memref<1x1x1x8x128xf32, #tpu.memory_space<hbm>> -> memref<8x128xf32, #tpu.memory_space<hbm>>
      %dma_start3A_1063 = arith.constant 32 : i32
      %dma_start3A_1064 = arith.constant 0 : i32
      %dma_start3A_1065 = tpu.memref_slice %arg9[%dma_start3A_1063, %dma_start3A_1064] : memref<128x129xf32, #tpu.memory_space<vmem>> -> memref<8x128xf32, #tpu.memory_space<vmem>>
      tpu.enqueue_dma source(%dma_start3A_1065 : memref<8x128xf32, #tpu.memory_space<vmem>>) target(%dma_start3A_1062 : memref<8x128xf32, #tpu.memory_space<hbm>>) target_semaphore(%arg15 : memref<!tpu.dma_semaphore, #tpu.memory_space<semaphore_mem>>)
      %mul3A_1066 = arith.constant 4 : i32
      %mul3A_1067 = arith.muli %select_n3A_1027, %mul3A_1066 : i32
      %add3A_1068 = arith.constant 2 : i32
      %add3A_1069 = arith.addi %mul3A_1067, %add3A_1068 : i32
      %dma_start3A_1070 = arith.constant 0 : i32
      %dma_start3A_1071 = arith.constant 64 : i32
      %dma_start3A_1072 = arith.constant 0 : i32
      %dma_start3A_1073 = tpu.memref_slice %arg9[%dma_start3A_1071, %dma_start3A_1072] : memref<128x129xf32, #tpu.memory_space<vmem>> -> memref<8x128xf32, #tpu.memory_space<vmem>>
      %dma_start3A_1074 = arith.constant 0 : i32
      %dma_start3A_1075 = arith.constant 0 : i32
      %dma_start3A_1076 = tpu.memref_slice %arg4[%select_n3A_1011, %dma_start3A_1070, %add3A_1069, %dma_start3A_1074, %dma_start3A_1075] : memref<200x4x128x8x128xf32, #tpu.memory_space<hbm>> -> memref<1x1x1x8x128xf32, #tpu.memory_space<hbm>>
      %dma_start3A_1077 = tpu.memref_squeeze %dma_start3A_1076 : memref<1x1x1x8x128xf32, #tpu.memory_space<hbm>> -> memref<8x128xf32, #tpu.memory_space<hbm>>
      %dma_start3A_1078 = arith.constant 0 : i32
      %dma_start3A_1079 = arith.constant 0 : i32
      %dma_start3A_1080 = tpu.memref_slice %arg4[%select_n3A_1011, %dma_start3A_1070, %add3A_1069, %dma_start3A_1078, %dma_start3A_1079] : memref<200x4x128x8x128xf32, #tpu.memory_space<hbm>> -> memref<1x1x1x8x128xf32, #tpu.memory_space<hbm>>
      %dma_start3A_1081 = tpu.memref_squeeze %dma_start3A_1080 : memref<1x1x1x8x128xf32, #tpu.memory_space<hbm>> -> memref<8x128xf32, #tpu.memory_space<hbm>>
      %dma_start3A_1082 = arith.constant 64 : i32
      %dma_start3A_1083 = arith.constant 0 : i32
      %dma_start3A_1084 = tpu.memref_slice %arg9[%dma_start3A_1082, %dma_start3A_1083] : memref<128x129xf32, #tpu.memory_space<vmem>> -> memref<8x128xf32, #tpu.memory_space<vmem>>
      tpu.enqueue_dma source(%dma_start3A_1084 : memref<8x128xf32, #tpu.memory_space<vmem>>) target(%dma_start3A_1081 : memref<8x128xf32, #tpu.memory_space<hbm>>) target_semaphore(%arg15 : memref<!tpu.dma_semaphore, #tpu.memory_space<semaphore_mem>>)
      %mul3A_1085 = arith.constant 4 : i32
      %mul3A_1086 = arith.muli %select_n3A_1027, %mul3A_1085 : i32
      %add3A_1087 = arith.constant 3 : i32
      %add3A_1088 = arith.addi %mul3A_1086, %add3A_1087 : i32
      %dma_start3A_1089 = arith.constant 0 : i32
      %dma_start3A_1090 = arith.constant 96 : i32
      %dma_start3A_1091 = arith.constant 0 : i32
      %dma_start3A_1092 = tpu.memref_slice %arg9[%dma_start3A_1090, %dma_start3A_1091] : memref<128x129xf32, #tpu.memory_space<vmem>> -> memref<8x128xf32, #tpu.memory_space<vmem>>
      %dma_start3A_1093 = arith.constant 0 : i32
      %dma_start3A_1094 = arith.constant 0 : i32
      %dma_start3A_1095 = tpu.memref_slice %arg4[%select_n3A_1011, %dma_start3A_1089, %add3A_1088, %dma_start3A_1093, %dma_start3A_1094] : memref<200x4x128x8x128xf32, #tpu.memory_space<hbm>> -> memref<1x1x1x8x128xf32, #tpu.memory_space<hbm>>
      %dma_start3A_1096 = tpu.memref_squeeze %dma_start3A_1095 : memref<1x1x1x8x128xf32, #tpu.memory_space<hbm>> -> memref<8x128xf32, #tpu.memory_space<hbm>>
      %dma_start3A_1097 = arith.constant 0 : i32
      %dma_start3A_1098 = arith.constant 0 : i32
      %dma_start3A_1099 = tpu.memref_slice %arg4[%select_n3A_1011, %dma_start3A_1089, %add3A_1088, %dma_start3A_1097, %dma_start3A_1098] : memref<200x4x128x8x128xf32, #tpu.memory_space<hbm>> -> memref<1x1x1x8x128xf32, #tpu.memory_space<hbm>>
      %dma_start3A_1100 = tpu.memref_squeeze %dma_start3A_1099 : memref<1x1x1x8x128xf32, #tpu.memory_space<hbm>> -> memref<8x128xf32, #tpu.memory_space<hbm>>
      %dma_start3A_1101 = arith.constant 96 : i32
      %dma_start3A_1102 = arith.constant 0 : i32
      %dma_start3A_1103 = tpu.memref_slice %arg9[%dma_start3A_1101, %dma_start3A_1102] : memref<128x129xf32, #tpu.memory_space<vmem>> -> memref<8x128xf32, #tpu.memory_space<vmem>>
      tpu.enqueue_dma source(%dma_start3A_1103 : memref<8x128xf32, #tpu.memory_space<vmem>>) target(%dma_start3A_1100 : memref<8x128xf32, #tpu.memory_space<hbm>>) target_semaphore(%arg15 : memref<!tpu.dma_semaphore, #tpu.memory_space<semaphore_mem>>)
      %mul3A_1104 = arith.constant 4 : i32
      %mul3A_1105 = arith.muli %select_n3A_1027, %mul3A_1104 : i32
      %add3A_1106 = arith.constant 0 : i32
      %add3A_1107 = arith.addi %mul3A_1105, %add3A_1106 : i32
      %dma_start3A_1108 = arith.constant 1 : i32
      %dma_start3A_1109 = arith.constant 8 : i32
      %dma_start3A_1110 = arith.constant 0 : i32
      %dma_start3A_1111 = tpu.memref_slice %arg9[%dma_start3A_1109, %dma_start3A_1110] : memref<128x129xf32, #tpu.memory_space<vmem>> -> memref<8x128xf32, #tpu.memory_space<vmem>>
      %dma_start3A_1112 = arith.constant 0 : i32
      %dma_start3A_1113 = arith.constant 0 : i32
      %dma_start3A_1114 = tpu.memref_slice %arg4[%select_n3A_1011, %dma_start3A_1108, %add3A_1107, %dma_start3A_1112, %dma_start3A_1113] : memref<200x4x128x8x128xf32, #tpu.memory_space<hbm>> -> memref<1x1x1x8x128xf32, #tpu.memory_space<hbm>>
      %dma_start3A_1115 = tpu.memref_squeeze %dma_start3A_1114 : memref<1x1x1x8x128xf32, #tpu.memory_space<hbm>> -> memref<8x128xf32, #tpu.memory_space<hbm>>
      %dma_start3A_1116 = arith.constant 0 : i32
      %dma_start3A_1117 = arith.constant 0 : i32
      %dma_start3A_1118 = tpu.memref_slice %arg4[%select_n3A_1011, %dma_start3A_1108, %add3A_1107, %dma_start3A_1116, %dma_start3A_1117] : memref<200x4x128x8x128xf32, #tpu.memory_space<hbm>> -> memref<1x1x1x8x128xf32, #tpu.memory_space<hbm>>
      %dma_start3A_1119 = tpu.memref_squeeze %dma_start3A_1118 : memref<1x1x1x8x128xf32, #tpu.memory_space<hbm>> -> memref<8x128xf32, #tpu.memory_space<hbm>>
      %dma_start3A_1120 = arith.constant 8 : i32
      %dma_start3A_1121 = arith.constant 0 : i32
      %dma_start3A_1122 = tpu.memref_slice %arg9[%dma_start3A_1120, %dma_start3A_1121] : memref<128x129xf32, #tpu.memory_space<vmem>> -> memref<8x128xf32, #tpu.memory_space<vmem>>
      tpu.enqueue_dma source(%dma_start3A_1122 : memref<8x128xf32, #tpu.memory_space<vmem>>) target(%dma_start3A_1119 : memref<8x128xf32, #tpu.memory_space<hbm>>) target_semaphore(%arg15 : memref<!tpu.dma_semaphore, #tpu.memory_space<semaphore_mem>>)
      %mul3A_1123 = arith.constant 4 : i32
      %mul3A_1124 = arith.muli %select_n3A_1027, %mul3A_1123 : i32
      %add3A_1125 = arith.constant 1 : i32
      %add3A_1126 = arith.addi %mul3A_1124, %add3A_1125 : i32
      %dma_start3A_1127 = arith.constant 1 : i32
      %dma_start3A_1128 = arith.constant 40 : i32
      %dma_start3A_1129 = arith.constant 0 : i32
      %dma_start3A_1130 = tpu.memref_slice %arg9[%dma_start3A_1128, %dma_start3A_1129] : memref<128x129xf32, #tpu.memory_space<vmem>> -> memref<8x128xf32, #tpu.memory_space<vmem>>
      %dma_start3A_1131 = arith.constant 0 : i32
      %dma_start3A_1132 = arith.constant 0 : i32
      %dma_start3A_1133 = tpu.memref_slice %arg4[%select_n3A_1011, %dma_start3A_1127, %add3A_1126, %dma_start3A_1131, %dma_start3A_1132] : memref<200x4x128x8x128xf32, #tpu.memory_space<hbm>> -> memref<1x1x1x8x128xf32, #tpu.memory_space<hbm>>
      %dma_start3A_1134 = tpu.memref_squeeze %dma_start3A_1133 : memref<1x1x1x8x128xf32, #tpu.memory_space<hbm>> -> memref<8x128xf32, #tpu.memory_space<hbm>>
      %dma_start3A_1135 = arith.constant 0 : i32
      %dma_start3A_1136 = arith.constant 0 : i32
      %dma_start3A_1137 = tpu.memref_slice %arg4[%select_n3A_1011, %dma_start3A_1127, %add3A_1126, %dma_start3A_1135, %dma_start3A_1136] : memref<200x4x128x8x128xf32, #tpu.memory_space<hbm>> -> memref<1x1x1x8x128xf32, #tpu.memory_space<hbm>>
      %dma_start3A_1138 = tpu.memref_squeeze %dma_start3A_1137 : memref<1x1x1x8x128xf32, #tpu.memory_space<hbm>> -> memref<8x128xf32, #tpu.memory_space<hbm>>
      %dma_start3A_1139 = arith.constant 40 : i32
      %dma_start3A_1140 = arith.constant 0 : i32
      %dma_start3A_1141 = tpu.memref_slice %arg9[%dma_start3A_1139, %dma_start3A_1140] : memref<128x129xf32, #tpu.memory_space<vmem>> -> memref<8x128xf32, #tpu.memory_space<vmem>>
      tpu.enqueue_dma source(%dma_start3A_1141 : memref<8x128xf32, #tpu.memory_space<vmem>>) target(%dma_start3A_1138 : memref<8x128xf32, #tpu.memory_space<hbm>>) target_semaphore(%arg15 : memref<!tpu.dma_semaphore, #tpu.memory_space<semaphore_mem>>)
      %mul3A_1142 = arith.constant 4 : i32
      %mul3A_1143 = arith.muli %select_n3A_1027, %mul3A_1142 : i32
      %add3A_1144 = arith.constant 2 : i32
      %add3A_1145 = arith.addi %mul3A_1143, %add3A_1144 : i32
      %dma_start3A_1146 = arith.constant 1 : i32
      %dma_start3A_1147 = arith.constant 72 : i32
      %dma_start3A_1148 = arith.constant 0 : i32
      %dma_start3A_1149 = tpu.memref_slice %arg9[%dma_start3A_1147, %dma_start3A_1148] : memref<128x129xf32, #tpu.memory_space<vmem>> -> memref<8x128xf32, #tpu.memory_space<vmem>>
      %dma_start3A_1150 = arith.constant 0 : i32
      %dma_start3A_1151 = arith.constant 0 : i32
      %dma_start3A_1152 = tpu.memref_slice %arg4[%select_n3A_1011, %dma_start3A_1146, %add3A_1145, %dma_start3A_1150, %dma_start3A_1151] : memref<200x4x128x8x128xf32, #tpu.memory_space<hbm>> -> memref<1x1x1x8x128xf32, #tpu.memory_space<hbm>>
      %dma_start3A_1153 = tpu.memref_squeeze %dma_start3A_1152 : memref<1x1x1x8x128xf32, #tpu.memory_space<hbm>> -> memref<8x128xf32, #tpu.memory_space<hbm>>
      %dma_start3A_1154 = arith.constant 0 : i32
      %dma_start3A_1155 = arith.constant 0 : i32
      %dma_start3A_1156 = tpu.memref_slice %arg4[%select_n3A_1011, %dma_start3A_1146, %add3A_1145, %dma_start3A_1154, %dma_start3A_1155] : memref<200x4x128x8x128xf32, #tpu.memory_space<hbm>> -> memref<1x1x1x8x128xf32, #tpu.memory_space<hbm>>
      %dma_start3A_1157 = tpu.memref_squeeze %dma_start3A_1156 : memref<1x1x1x8x128xf32, #tpu.memory_space<hbm>> -> memref<8x128xf32, #tpu.memory_space<hbm>>
      %dma_start3A_1158 = arith.constant 72 : i32
      %dma_start3A_1159 = arith.constant 0 : i32
      %dma_start3A_1160 = tpu.memref_slice %arg9[%dma_start3A_1158, %dma_start3A_1159] : memref<128x129xf32, #tpu.memory_space<vmem>> -> memref<8x128xf32, #tpu.memory_space<vmem>>
      tpu.enqueue_dma source(%dma_start3A_1160 : memref<8x128xf32, #tpu.memory_space<vmem>>) target(%dma_start3A_1157 : memref<8x128xf32, #tpu.memory_space<hbm>>) target_semaphore(%arg15 : memref<!tpu.dma_semaphore, #tpu.memory_space<semaphore_mem>>)
      %mul3A_1161 = arith.constant 4 : i32
      %mul3A_1162 = arith.muli %select_n3A_1027, %mul3A_1161 : i32
      %add3A_1163 = arith.constant 3 : i32
      %add3A_1164 = arith.addi %mul3A_1162, %add3A_1163 : i32
      %dma_start3A_1165 = arith.constant 1 : i32
      %dma_start3A_1166 = arith.constant 104 : i32
      %dma_start3A_1167 = arith.constant 0 : i32
      %dma_start3A_1168 = tpu.memref_slice %arg9[%dma_start3A_1166, %dma_start3A_1167] : memref<128x129xf32, #tpu.memory_space<vmem>> -> memref<8x128xf32, #tpu.memory_space<vmem>>
      %dma_start3A_1169 = arith.constant 0 : i32
      %dma_start3A_1170 = arith.constant 0 : i32
      %dma_start3A_1171 = tpu.memref_slice %arg4[%select_n3A_1011, %dma_start3A_1165, %add3A_1164, %dma_start3A_1169, %dma_start3A_1170] : memref<200x4x128x8x128xf32, #tpu.memory_space<hbm>> -> memref<1x1x1x8x128xf32, #tpu.memory_space<hbm>>
      %dma_start3A_1172 = tpu.memref_squeeze %dma_start3A_1171 : memref<1x1x1x8x128xf32, #tpu.memory_space<hbm>> -> memref<8x128xf32, #tpu.memory_space<hbm>>
      %dma_start3A_1173 = arith.constant 0 : i32
      %dma_start3A_1174 = arith.constant 0 : i32
      %dma_start3A_1175 = tpu.memref_slice %arg4[%select_n3A_1011, %dma_start3A_1165, %add3A_1164, %dma_start3A_1173, %dma_start3A_1174] : memref<200x4x128x8x128xf32, #tpu.memory_space<hbm>> -> memref<1x1x1x8x128xf32, #tpu.memory_space<hbm>>
      %dma_start3A_1176 = tpu.memref_squeeze %dma_start3A_1175 : memref<1x1x1x8x128xf32, #tpu.memory_space<hbm>> -> memref<8x128xf32, #tpu.memory_space<hbm>>
      %dma_start3A_1177 = arith.constant 104 : i32
      %dma_start3A_1178 = arith.constant 0 : i32
      %dma_start3A_1179 = tpu.memref_slice %arg9[%dma_start3A_1177, %dma_start3A_1178] : memref<128x129xf32, #tpu.memory_space<vmem>> -> memref<8x128xf32, #tpu.memory_space<vmem>>
      tpu.enqueue_dma source(%dma_start3A_1179 : memref<8x128xf32, #tpu.memory_space<vmem>>) target(%dma_start3A_1176 : memref<8x128xf32, #tpu.memory_space<hbm>>) target_semaphore(%arg15 : memref<!tpu.dma_semaphore, #tpu.memory_space<semaphore_mem>>)
      %mul3A_1180 = arith.constant 4 : i32
      %mul3A_1181 = arith.muli %select_n3A_1027, %mul3A_1180 : i32
      %add3A_1182 = arith.constant 0 : i32
      %add3A_1183 = arith.addi %mul3A_1181, %add3A_1182 : i32
      %dma_start3A_1184 = arith.constant 2 : i32
      %dma_start3A_1185 = arith.constant 16 : i32
      %dma_start3A_1186 = arith.constant 0 : i32
      %dma_start3A_1187 = tpu.memref_slice %arg9[%dma_start3A_1185, %dma_start3A_1186] : memref<128x129xf32, #tpu.memory_space<vmem>> -> memref<8x128xf32, #tpu.memory_space<vmem>>
      %dma_start3A_1188 = arith.constant 0 : i32
      %dma_start3A_1189 = arith.constant 0 : i32
      %dma_start3A_1190 = tpu.memref_slice %arg4[%select_n3A_1011, %dma_start3A_1184, %add3A_1183, %dma_start3A_1188, %dma_start3A_1189] : memref<200x4x128x8x128xf32, #tpu.memory_space<hbm>> -> memref<1x1x1x8x128xf32, #tpu.memory_space<hbm>>
      %dma_start3A_1191 = tpu.memref_squeeze %dma_start3A_1190 : memref<1x1x1x8x128xf32, #tpu.memory_space<hbm>> -> memref<8x128xf32, #tpu.memory_space<hbm>>
      %dma_start3A_1192 = arith.constant 0 : i32
      %dma_start3A_1193 = arith.constant 0 : i32
      %dma_start3A_1194 = tpu.memref_slice %arg4[%select_n3A_1011, %dma_start3A_1184, %add3A_1183, %dma_start3A_1192, %dma_start3A_1193] : memref<200x4x128x8x128xf32, #tpu.memory_space<hbm>> -> memref<1x1x1x8x128xf32, #tpu.memory_space<hbm>>
      %dma_start3A_1195 = tpu.memref_squeeze %dma_start3A_1194 : memref<1x1x1x8x128xf32, #tpu.memory_space<hbm>> -> memref<8x128xf32, #tpu.memory_space<hbm>>
      %dma_start3A_1196 = arith.constant 16 : i32
      %dma_start3A_1197 = arith.constant 0 : i32
      %dma_start3A_1198 = tpu.memref_slice %arg9[%dma_start3A_1196, %dma_start3A_1197] : memref<128x129xf32, #tpu.memory_space<vmem>> -> memref<8x128xf32, #tpu.memory_space<vmem>>
      tpu.enqueue_dma source(%dma_start3A_1198 : memref<8x128xf32, #tpu.memory_space<vmem>>) target(%dma_start3A_1195 : memref<8x128xf32, #tpu.memory_space<hbm>>) target_semaphore(%arg15 : memref<!tpu.dma_semaphore, #tpu.memory_space<semaphore_mem>>)
      %mul3A_1199 = arith.constant 4 : i32
      %mul3A_1200 = arith.muli %select_n3A_1027, %mul3A_1199 : i32
      %add3A_1201 = arith.constant 1 : i32
      %add3A_1202 = arith.addi %mul3A_1200, %add3A_1201 : i32
      %dma_start3A_1203 = arith.constant 2 : i32
      %dma_start3A_1204 = arith.constant 48 : i32
      %dma_start3A_1205 = arith.constant 0 : i32
      %dma_start3A_1206 = tpu.memref_slice %arg9[%dma_start3A_1204, %dma_start3A_1205] : memref<128x129xf32, #tpu.memory_space<vmem>> -> memref<8x128xf32, #tpu.memory_space<vmem>>
      %dma_start3A_1207 = arith.constant 0 : i32
      %dma_start3A_1208 = arith.constant 0 : i32
      %dma_start3A_1209 = tpu.memref_slice %arg4[%select_n3A_1011, %dma_start3A_1203, %add3A_1202, %dma_start3A_1207, %dma_start3A_1208] : memref<200x4x128x8x128xf32, #tpu.memory_space<hbm>> -> memref<1x1x1x8x128xf32, #tpu.memory_space<hbm>>
      %dma_start3A_1210 = tpu.memref_squeeze %dma_start3A_1209 : memref<1x1x1x8x128xf32, #tpu.memory_space<hbm>> -> memref<8x128xf32, #tpu.memory_space<hbm>>
      %dma_start3A_1211 = arith.constant 0 : i32
      %dma_start3A_1212 = arith.constant 0 : i32
      %dma_start3A_1213 = tpu.memref_slice %arg4[%select_n3A_1011, %dma_start3A_1203, %add3A_1202, %dma_start3A_1211, %dma_start3A_1212] : memref<200x4x128x8x128xf32, #tpu.memory_space<hbm>> -> memref<1x1x1x8x128xf32, #tpu.memory_space<hbm>>
      %dma_start3A_1214 = tpu.memref_squeeze %dma_start3A_1213 : memref<1x1x1x8x128xf32, #tpu.memory_space<hbm>> -> memref<8x128xf32, #tpu.memory_space<hbm>>
      %dma_start3A_1215 = arith.constant 48 : i32
      %dma_start3A_1216 = arith.constant 0 : i32
      %dma_start3A_1217 = tpu.memref_slice %arg9[%dma_start3A_1215, %dma_start3A_1216] : memref<128x129xf32, #tpu.memory_space<vmem>> -> memref<8x128xf32, #tpu.memory_space<vmem>>
      tpu.enqueue_dma source(%dma_start3A_1217 : memref<8x128xf32, #tpu.memory_space<vmem>>) target(%dma_start3A_1214 : memref<8x128xf32, #tpu.memory_space<hbm>>) target_semaphore(%arg15 : memref<!tpu.dma_semaphore, #tpu.memory_space<semaphore_mem>>)
      %mul3A_1218 = arith.constant 4 : i32
      %mul3A_1219 = arith.muli %select_n3A_1027, %mul3A_1218 : i32
      %add3A_1220 = arith.constant 2 : i32
      %add3A_1221 = arith.addi %mul3A_1219, %add3A_1220 : i32
      %dma_start3A_1222 = arith.constant 2 : i32
      %dma_start3A_1223 = arith.constant 80 : i32
      %dma_start3A_1224 = arith.constant 0 : i32
      %dma_start3A_1225 = tpu.memref_slice %arg9[%dma_start3A_1223, %dma_start3A_1224] : memref<128x129xf32, #tpu.memory_space<vmem>> -> memref<8x128xf32, #tpu.memory_space<vmem>>
      %dma_start3A_1226 = arith.constant 0 : i32
      %dma_start3A_1227 = arith.constant 0 : i32
      %dma_start3A_1228 = tpu.memref_slice %arg4[%select_n3A_1011, %dma_start3A_1222, %add3A_1221, %dma_start3A_1226, %dma_start3A_1227] : memref<200x4x128x8x128xf32, #tpu.memory_space<hbm>> -> memref<1x1x1x8x128xf32, #tpu.memory_space<hbm>>
      %dma_start3A_1229 = tpu.memref_squeeze %dma_start3A_1228 : memref<1x1x1x8x128xf32, #tpu.memory_space<hbm>> -> memref<8x128xf32, #tpu.memory_space<hbm>>
      %dma_start3A_1230 = arith.constant 0 : i32
      %dma_start3A_1231 = arith.constant 0 : i32
      %dma_start3A_1232 = tpu.memref_slice %arg4[%select_n3A_1011, %dma_start3A_1222, %add3A_1221, %dma_start3A_1230, %dma_start3A_1231] : memref<200x4x128x8x128xf32, #tpu.memory_space<hbm>> -> memref<1x1x1x8x128xf32, #tpu.memory_space<hbm>>
      %dma_start3A_1233 = tpu.memref_squeeze %dma_start3A_1232 : memref<1x1x1x8x128xf32, #tpu.memory_space<hbm>> -> memref<8x128xf32, #tpu.memory_space<hbm>>
      %dma_start3A_1234 = arith.constant 80 : i32
      %dma_start3A_1235 = arith.constant 0 : i32
      %dma_start3A_1236 = tpu.memref_slice %arg9[%dma_start3A_1234, %dma_start3A_1235] : memref<128x129xf32, #tpu.memory_space<vmem>> -> memref<8x128xf32, #tpu.memory_space<vmem>>
      tpu.enqueue_dma source(%dma_start3A_1236 : memref<8x128xf32, #tpu.memory_space<vmem>>) target(%dma_start3A_1233 : memref<8x128xf32, #tpu.memory_space<hbm>>) target_semaphore(%arg15 : memref<!tpu.dma_semaphore, #tpu.memory_space<semaphore_mem>>)
      %mul3A_1237 = arith.constant 4 : i32
      %mul3A_1238 = arith.muli %select_n3A_1027, %mul3A_1237 : i32
      %add3A_1239 = arith.constant 3 : i32
      %add3A_1240 = arith.addi %mul3A_1238, %add3A_1239 : i32
      %dma_start3A_1241 = arith.constant 2 : i32
      %dma_start3A_1242 = arith.constant 112 : i32
      %dma_start3A_1243 = arith.constant 0 : i32
      %dma_start3A_1244 = tpu.memref_slice %arg9[%dma_start3A_1242, %dma_start3A_1243] : memref<128x129xf32, #tpu.memory_space<vmem>> -> memref<8x128xf32, #tpu.memory_space<vmem>>
      %dma_start3A_1245 = arith.constant 0 : i32
      %dma_start3A_1246 = arith.constant 0 : i32
      %dma_start3A_1247 = tpu.memref_slice %arg4[%select_n3A_1011, %dma_start3A_1241, %add3A_1240, %dma_start3A_1245, %dma_start3A_1246] : memref<200x4x128x8x128xf32, #tpu.memory_space<hbm>> -> memref<1x1x1x8x128xf32, #tpu.memory_space<hbm>>
      %dma_start3A_1248 = tpu.memref_squeeze %dma_start3A_1247 : memref<1x1x1x8x128xf32, #tpu.memory_space<hbm>> -> memref<8x128xf32, #tpu.memory_space<hbm>>
      %dma_start3A_1249 = arith.constant 0 : i32
      %dma_start3A_1250 = arith.constant 0 : i32
      %dma_start3A_1251 = tpu.memref_slice %arg4[%select_n3A_1011, %dma_start3A_1241, %add3A_1240, %dma_start3A_1249, %dma_start3A_1250] : memref<200x4x128x8x128xf32, #tpu.memory_space<hbm>> -> memref<1x1x1x8x128xf32, #tpu.memory_space<hbm>>
      %dma_start3A_1252 = tpu.memref_squeeze %dma_start3A_1251 : memref<1x1x1x8x128xf32, #tpu.memory_space<hbm>> -> memref<8x128xf32, #tpu.memory_space<hbm>>
      %dma_start3A_1253 = arith.constant 112 : i32
      %dma_start3A_1254 = arith.constant 0 : i32
      %dma_start3A_1255 = tpu.memref_slice %arg9[%dma_start3A_1253, %dma_start3A_1254] : memref<128x129xf32, #tpu.memory_space<vmem>> -> memref<8x128xf32, #tpu.memory_space<vmem>>
      tpu.enqueue_dma source(%dma_start3A_1255 : memref<8x128xf32, #tpu.memory_space<vmem>>) target(%dma_start3A_1252 : memref<8x128xf32, #tpu.memory_space<hbm>>) target_semaphore(%arg15 : memref<!tpu.dma_semaphore, #tpu.memory_space<semaphore_mem>>)
      %mul3A_1256 = arith.constant 4 : i32
      %mul3A_1257 = arith.muli %select_n3A_1027, %mul3A_1256 : i32
      %add3A_1258 = arith.constant 0 : i32
      %add3A_1259 = arith.addi %mul3A_1257, %add3A_1258 : i32
      %dma_start3A_1260 = arith.constant 3 : i32
      %dma_start3A_1261 = arith.constant 24 : i32
      %dma_start3A_1262 = arith.constant 0 : i32
      %dma_start3A_1263 = tpu.memref_slice %arg9[%dma_start3A_1261, %dma_start3A_1262] : memref<128x129xf32, #tpu.memory_space<vmem>> -> memref<8x128xf32, #tpu.memory_space<vmem>>
      %dma_start3A_1264 = arith.constant 0 : i32
      %dma_start3A_1265 = arith.constant 0 : i32
      %dma_start3A_1266 = tpu.memref_slice %arg4[%select_n3A_1011, %dma_start3A_1260, %add3A_1259, %dma_start3A_1264, %dma_start3A_1265] : memref<200x4x128x8x128xf32, #tpu.memory_space<hbm>> -> memref<1x1x1x8x128xf32, #tpu.memory_space<hbm>>
      %dma_start3A_1267 = tpu.memref_squeeze %dma_start3A_1266 : memref<1x1x1x8x128xf32, #tpu.memory_space<hbm>> -> memref<8x128xf32, #tpu.memory_space<hbm>>
      %dma_start3A_1268 = arith.constant 0 : i32
      %dma_start3A_1269 = arith.constant 0 : i32
      %dma_start3A_1270 = tpu.memref_slice %arg4[%select_n3A_1011, %dma_start3A_1260, %add3A_1259, %dma_start3A_1268, %dma_start3A_1269] : memref<200x4x128x8x128xf32, #tpu.memory_space<hbm>> -> memref<1x1x1x8x128xf32, #tpu.memory_space<hbm>>
      %dma_start3A_1271 = tpu.memref_squeeze %dma_start3A_1270 : memref<1x1x1x8x128xf32, #tpu.memory_space<hbm>> -> memref<8x128xf32, #tpu.memory_space<hbm>>
      %dma_start3A_1272 = arith.constant 24 : i32
      %dma_start3A_1273 = arith.constant 0 : i32
      %dma_start3A_1274 = tpu.memref_slice %arg9[%dma_start3A_1272, %dma_start3A_1273] : memref<128x129xf32, #tpu.memory_space<vmem>> -> memref<8x128xf32, #tpu.memory_space<vmem>>
      tpu.enqueue_dma source(%dma_start3A_1274 : memref<8x128xf32, #tpu.memory_space<vmem>>) target(%dma_start3A_1271 : memref<8x128xf32, #tpu.memory_space<hbm>>) target_semaphore(%arg15 : memref<!tpu.dma_semaphore, #tpu.memory_space<semaphore_mem>>)
      %mul3A_1275 = arith.constant 4 : i32
      %mul3A_1276 = arith.muli %select_n3A_1027, %mul3A_1275 : i32
      %add3A_1277 = arith.constant 1 : i32
      %add3A_1278 = arith.addi %mul3A_1276, %add3A_1277 : i32
      %dma_start3A_1279 = arith.constant 3 : i32
      %dma_start3A_1280 = arith.constant 56 : i32
      %dma_start3A_1281 = arith.constant 0 : i32
      %dma_start3A_1282 = tpu.memref_slice %arg9[%dma_start3A_1280, %dma_start3A_1281] : memref<128x129xf32, #tpu.memory_space<vmem>> -> memref<8x128xf32, #tpu.memory_space<vmem>>
      %dma_start3A_1283 = arith.constant 0 : i32
      %dma_start3A_1284 = arith.constant 0 : i32
      %dma_start3A_1285 = tpu.memref_slice %arg4[%select_n3A_1011, %dma_start3A_1279, %add3A_1278, %dma_start3A_1283, %dma_start3A_1284] : memref<200x4x128x8x128xf32, #tpu.memory_space<hbm>> -> memref<1x1x1x8x128xf32, #tpu.memory_space<hbm>>
      %dma_start3A_1286 = tpu.memref_squeeze %dma_start3A_1285 : memref<1x1x1x8x128xf32, #tpu.memory_space<hbm>> -> memref<8x128xf32, #tpu.memory_space<hbm>>
      %dma_start3A_1287 = arith.constant 0 : i32
      %dma_start3A_1288 = arith.constant 0 : i32
      %dma_start3A_1289 = tpu.memref_slice %arg4[%select_n3A_1011, %dma_start3A_1279, %add3A_1278, %dma_start3A_1287, %dma_start3A_1288] : memref<200x4x128x8x128xf32, #tpu.memory_space<hbm>> -> memref<1x1x1x8x128xf32, #tpu.memory_space<hbm>>
      %dma_start3A_1290 = tpu.memref_squeeze %dma_start3A_1289 : memref<1x1x1x8x128xf32, #tpu.memory_space<hbm>> -> memref<8x128xf32, #tpu.memory_space<hbm>>
      %dma_start3A_1291 = arith.constant 56 : i32
      %dma_start3A_1292 = arith.constant 0 : i32
      %dma_start3A_1293 = tpu.memref_slice %arg9[%dma_start3A_1291, %dma_start3A_1292] : memref<128x129xf32, #tpu.memory_space<vmem>> -> memref<8x128xf32, #tpu.memory_space<vmem>>
      tpu.enqueue_dma source(%dma_start3A_1293 : memref<8x128xf32, #tpu.memory_space<vmem>>) target(%dma_start3A_1290 : memref<8x128xf32, #tpu.memory_space<hbm>>) target_semaphore(%arg15 : memref<!tpu.dma_semaphore, #tpu.memory_space<semaphore_mem>>)
      %mul3A_1294 = arith.constant 4 : i32
      %mul3A_1295 = arith.muli %select_n3A_1027, %mul3A_1294 : i32
      %add3A_1296 = arith.constant 2 : i32
      %add3A_1297 = arith.addi %mul3A_1295, %add3A_1296 : i32
      %dma_start3A_1298 = arith.constant 3 : i32
      %dma_start3A_1299 = arith.constant 88 : i32
      %dma_start3A_1300 = arith.constant 0 : i32
      %dma_start3A_1301 = tpu.memref_slice %arg9[%dma_start3A_1299, %dma_start3A_1300] : memref<128x129xf32, #tpu.memory_space<vmem>> -> memref<8x128xf32, #tpu.memory_space<vmem>>
      %dma_start3A_1302 = arith.constant 0 : i32
      %dma_start3A_1303 = arith.constant 0 : i32
      %dma_start3A_1304 = tpu.memref_slice %arg4[%select_n3A_1011, %dma_start3A_1298, %add3A_1297, %dma_start3A_1302, %dma_start3A_1303] : memref<200x4x128x8x128xf32, #tpu.memory_space<hbm>> -> memref<1x1x1x8x128xf32, #tpu.memory_space<hbm>>
      %dma_start3A_1305 = tpu.memref_squeeze %dma_start3A_1304 : memref<1x1x1x8x128xf32, #tpu.memory_space<hbm>> -> memref<8x128xf32, #tpu.memory_space<hbm>>
      %dma_start3A_1306 = arith.constant 0 : i32
      %dma_start3A_1307 = arith.constant 0 : i32
      %dma_start3A_1308 = tpu.memref_slice %arg4[%select_n3A_1011, %dma_start3A_1298, %add3A_1297, %dma_start3A_1306, %dma_start3A_1307] : memref<200x4x128x8x128xf32, #tpu.memory_space<hbm>> -> memref<1x1x1x8x128xf32, #tpu.memory_space<hbm>>
      %dma_start3A_1309 = tpu.memref_squeeze %dma_start3A_1308 : memref<1x1x1x8x128xf32, #tpu.memory_space<hbm>> -> memref<8x128xf32, #tpu.memory_space<hbm>>
      %dma_start3A_1310 = arith.constant 88 : i32
      %dma_start3A_1311 = arith.constant 0 : i32
      %dma_start3A_1312 = tpu.memref_slice %arg9[%dma_start3A_1310, %dma_start3A_1311] : memref<128x129xf32, #tpu.memory_space<vmem>> -> memref<8x128xf32, #tpu.memory_space<vmem>>
      tpu.enqueue_dma source(%dma_start3A_1312 : memref<8x128xf32, #tpu.memory_space<vmem>>) target(%dma_start3A_1309 : memref<8x128xf32, #tpu.memory_space<hbm>>) target_semaphore(%arg15 : memref<!tpu.dma_semaphore, #tpu.memory_space<semaphore_mem>>)
      %mul3A_1313 = arith.constant 4 : i32
      %mul3A_1314 = arith.muli %select_n3A_1027, %mul3A_1313 : i32
      %add3A_1315 = arith.constant 3 : i32
      %add3A_1316 = arith.addi %mul3A_1314, %add3A_1315 : i32
      %dma_start3A_1317 = arith.constant 3 : i32
      %dma_start3A_1318 = arith.constant 120 : i32
      %dma_start3A_1319 = arith.constant 0 : i32
      %dma_start3A_1320 = tpu.memref_slice %arg9[%dma_start3A_1318, %dma_start3A_1319] : memref<128x129xf32, #tpu.memory_space<vmem>> -> memref<8x128xf32, #tpu.memory_space<vmem>>
      %dma_start3A_1321 = arith.constant 0 : i32
      %dma_start3A_1322 = arith.constant 0 : i32
      %dma_start3A_1323 = tpu.memref_slice %arg4[%select_n3A_1011, %dma_start3A_1317, %add3A_1316, %dma_start3A_1321, %dma_start3A_1322] : memref<200x4x128x8x128xf32, #tpu.memory_space<hbm>> -> memref<1x1x1x8x128xf32, #tpu.memory_space<hbm>>
      %dma_start3A_1324 = tpu.memref_squeeze %dma_start3A_1323 : memref<1x1x1x8x128xf32, #tpu.memory_space<hbm>> -> memref<8x128xf32, #tpu.memory_space<hbm>>
      %dma_start3A_1325 = arith.constant 0 : i32
      %dma_start3A_1326 = arith.constant 0 : i32
      %dma_start3A_1327 = tpu.memref_slice %arg4[%select_n3A_1011, %dma_start3A_1317, %add3A_1316, %dma_start3A_1325, %dma_start3A_1326] : memref<200x4x128x8x128xf32, #tpu.memory_space<hbm>> -> memref<1x1x1x8x128xf32, #tpu.memory_space<hbm>>
      %dma_start3A_1328 = tpu.memref_squeeze %dma_start3A_1327 : memref<1x1x1x8x128xf32, #tpu.memory_space<hbm>> -> memref<8x128xf32, #tpu.memory_space<hbm>>
      %dma_start3A_1329 = arith.constant 120 : i32
      %dma_start3A_1330 = arith.constant 0 : i32
      %dma_start3A_1331 = tpu.memref_slice %arg9[%dma_start3A_1329, %dma_start3A_1330] : memref<128x129xf32, #tpu.memory_space<vmem>> -> memref<8x128xf32, #tpu.memory_space<vmem>>
      tpu.enqueue_dma source(%dma_start3A_1331 : memref<8x128xf32, #tpu.memory_space<vmem>>) target(%dma_start3A_1328 : memref<8x128xf32, #tpu.memory_space<hbm>>) target_semaphore(%arg15 : memref<!tpu.dma_semaphore, #tpu.memory_space<semaphore_mem>>)
      %mul3A_1332 = arith.constant 2 : i32
      %mul3A_1333 = arith.muli %scan3A_916, %mul3A_1332 : i32
      %add3A_1334 = arith.constant 1 : i32
      %add3A_1335 = arith.addi %mul3A_1333, %add3A_1334 : i32
      %add3A_1336 = arith.addi %mul3A_2, %add3A_1335 : i32
      %dma_wait3A_1337 = arith.constant 0 : i32
      %dma_wait3A_1338 = arith.constant 0 : i32
      %dma_wait3A_1339 = arith.constant 0 : i32
      %dma_wait3A_1340 = arith.constant 0 : i32
      %dma_wait3A_1341 = tpu.memref_slice %arg8[%dma_wait3A_1338, %dma_wait3A_1339, %dma_wait3A_1340] : memref<4x128x32xf32, #tpu.memory_space<vmem>> -> memref<1x128x32xf32, #tpu.memory_space<vmem>>
      %dma_wait3A_1342 = tpu.memref_squeeze %dma_wait3A_1341 : memref<1x128x32xf32, #tpu.memory_space<vmem>> -> memref<128x32xf32, #tpu.memory_space<vmem>>
      %dma_wait3A_1343 = arith.constant 0 : i32
      %dma_wait3A_1344 = tpu.memref_slice %arg6[%dma_wait3A_1337, %dma_wait3A_1343] : memref<4x128xi32, #tpu.memory_space<vmem>> -> memref<1x128xi32, #tpu.memory_space<vmem>>
      %dma_wait3A_1345 = tpu.memref_squeeze %dma_wait3A_1344 : memref<1x128xi32, #tpu.memory_space<vmem>> -> memref<128xi32, #tpu.memory_space<vmem>>
      %dma_wait3A_1346 = arith.constant 0 : i32
      %dma_wait3A_1347 = arith.constant 0 : i32
      %dma_wait3A_1348 = tpu.memref_slice %arg3[%dma_wait3A_1346, %dma_wait3A_1347] : memref<100000x32xf32, #tpu.memory_space<hbm>> -> memref<100000x32xf32, #tpu.memory_space<hbm>>
      tpu.wait_indirect_dma semaphore(%arg14 : memref<!tpu.dma_semaphore, #tpu.memory_space<semaphore_mem>>) src(%dma_wait3A_1348 : memref<100000x32xf32, #tpu.memory_space<hbm>>) dst(%dma_wait3A_1342 : memref<128x32xf32, #tpu.memory_space<vmem>>)
      %dma_wait3A_1349 = arith.constant 1 : i32
      %dma_wait3A_1350 = arith.constant 1 : i32
      %dma_wait3A_1351 = arith.constant 0 : i32
      %dma_wait3A_1352 = arith.constant 0 : i32
      %dma_wait3A_1353 = tpu.memref_slice %arg8[%dma_wait3A_1350, %dma_wait3A_1351, %dma_wait3A_1352] : memref<4x128x32xf32, #tpu.memory_space<vmem>> -> memref<1x128x32xf32, #tpu.memory_space<vmem>>
      %dma_wait3A_1354 = tpu.memref_squeeze %dma_wait3A_1353 : memref<1x128x32xf32, #tpu.memory_space<vmem>> -> memref<128x32xf32, #tpu.memory_space<vmem>>
      %dma_wait3A_1355 = arith.constant 0 : i32
      %dma_wait3A_1356 = tpu.memref_slice %arg6[%dma_wait3A_1349, %dma_wait3A_1355] : memref<4x128xi32, #tpu.memory_space<vmem>> -> memref<1x128xi32, #tpu.memory_space<vmem>>
      %dma_wait3A_1357 = tpu.memref_squeeze %dma_wait3A_1356 : memref<1x128xi32, #tpu.memory_space<vmem>> -> memref<128xi32, #tpu.memory_space<vmem>>
      %dma_wait3A_1358 = arith.constant 0 : i32
      %dma_wait3A_1359 = arith.constant 0 : i32
      %dma_wait3A_1360 = tpu.memref_slice %arg3[%dma_wait3A_1358, %dma_wait3A_1359] : memref<100000x32xf32, #tpu.memory_space<hbm>> -> memref<100000x32xf32, #tpu.memory_space<hbm>>
      tpu.wait_indirect_dma semaphore(%arg14 : memref<!tpu.dma_semaphore, #tpu.memory_space<semaphore_mem>>) src(%dma_wait3A_1360 : memref<100000x32xf32, #tpu.memory_space<hbm>>) dst(%dma_wait3A_1354 : memref<128x32xf32, #tpu.memory_space<vmem>>)
      %dma_wait3A_1361 = arith.constant 2 : i32
      %dma_wait3A_1362 = arith.constant 2 : i32
      %dma_wait3A_1363 = arith.constant 0 : i32
      %dma_wait3A_1364 = arith.constant 0 : i32
      %dma_wait3A_1365 = tpu.memref_slice %arg8[%dma_wait3A_1362, %dma_wait3A_1363, %dma_wait3A_1364] : memref<4x128x32xf32, #tpu.memory_space<vmem>> -> memref<1x128x32xf32, #tpu.memory_space<vmem>>
      %dma_wait3A_1366 = tpu.memref_squeeze %dma_wait3A_1365 : memref<1x128x32xf32, #tpu.memory_space<vmem>> -> memref<128x32xf32, #tpu.memory_space<vmem>>
      %dma_wait3A_1367 = arith.constant 0 : i32
      %dma_wait3A_1368 = tpu.memref_slice %arg6[%dma_wait3A_1361, %dma_wait3A_1367] : memref<4x128xi32, #tpu.memory_space<vmem>> -> memref<1x128xi32, #tpu.memory_space<vmem>>
      %dma_wait3A_1369 = tpu.memref_squeeze %dma_wait3A_1368 : memref<1x128xi32, #tpu.memory_space<vmem>> -> memref<128xi32, #tpu.memory_space<vmem>>
      %dma_wait3A_1370 = arith.constant 0 : i32
      %dma_wait3A_1371 = arith.constant 0 : i32
      %dma_wait3A_1372 = tpu.memref_slice %arg3[%dma_wait3A_1370, %dma_wait3A_1371] : memref<100000x32xf32, #tpu.memory_space<hbm>> -> memref<100000x32xf32, #tpu.memory_space<hbm>>
      tpu.wait_indirect_dma semaphore(%arg14 : memref<!tpu.dma_semaphore, #tpu.memory_space<semaphore_mem>>) src(%dma_wait3A_1372 : memref<100000x32xf32, #tpu.memory_space<hbm>>) dst(%dma_wait3A_1366 : memref<128x32xf32, #tpu.memory_space<vmem>>)
      %dma_wait3A_1373 = arith.constant 3 : i32
      %dma_wait3A_1374 = arith.constant 3 : i32
      %dma_wait3A_1375 = arith.constant 0 : i32
      %dma_wait3A_1376 = arith.constant 0 : i32
      %dma_wait3A_1377 = tpu.memref_slice %arg8[%dma_wait3A_1374, %dma_wait3A_1375, %dma_wait3A_1376] : memref<4x128x32xf32, #tpu.memory_space<vmem>> -> memref<1x128x32xf32, #tpu.memory_space<vmem>>
      %dma_wait3A_1378 = tpu.memref_squeeze %dma_wait3A_1377 : memref<1x128x32xf32, #tpu.memory_space<vmem>> -> memref<128x32xf32, #tpu.memory_space<vmem>>
      %dma_wait3A_1379 = arith.constant 0 : i32
      %dma_wait3A_1380 = tpu.memref_slice %arg6[%dma_wait3A_1373, %dma_wait3A_1379] : memref<4x128xi32, #tpu.memory_space<vmem>> -> memref<1x128xi32, #tpu.memory_space<vmem>>
      %dma_wait3A_1381 = tpu.memref_squeeze %dma_wait3A_1380 : memref<1x128xi32, #tpu.memory_space<vmem>> -> memref<128xi32, #tpu.memory_space<vmem>>
      %dma_wait3A_1382 = arith.constant 0 : i32
      %dma_wait3A_1383 = arith.constant 0 : i32
      %dma_wait3A_1384 = tpu.memref_slice %arg3[%dma_wait3A_1382, %dma_wait3A_1383] : memref<100000x32xf32, #tpu.memory_space<hbm>> -> memref<100000x32xf32, #tpu.memory_space<hbm>>
      tpu.wait_indirect_dma semaphore(%arg14 : memref<!tpu.dma_semaphore, #tpu.memory_space<semaphore_mem>>) src(%dma_wait3A_1384 : memref<100000x32xf32, #tpu.memory_space<hbm>>) dst(%dma_wait3A_1378 : memref<128x32xf32, #tpu.memory_space<vmem>>)
      %add3A_1385 = arith.constant 1 : i32
      %add3A_1386 = arith.addi %add3A_1335, %add3A_1385 : i32
      %lt3A_1387 = arith.constant 200 : i32
      %lt3A_1388 = arith.cmpi slt, %add3A_1386, %lt3A_1387 : i32
      %convert_element_type3A_1389 = arith.extui %lt3A_1388 : i1 to i32
      %cond3A_1390 = arith.constant 0 : i32
      %cond3A_1391 = arith.cmpi ne, %convert_element_type3A_1389, %cond3A_1390 : i32
      scf.if %cond3A_1391 {
        %add3A_1751 = arith.constant 1 : i32
        %add3A_1752 = arith.addi %add3A_1336, %add3A_1751 : i32
        %jit3A_1753 = arith.constant 32 : i32
        %div3A_1754 = arith.divsi %add3A_1752, %jit3A_1753 : i32
        %sign3A_1755 = arith.constant 0 : i32
        %sign3A_1756 = arith.cmpi sgt, %add3A_1752, %sign3A_1755 : i32
        %sign3A_1757 = arith.extui %sign3A_1756 : i1 to i32
        %sign3A_1758 = arith.constant 0 : i32
        %sign3A_1759 = arith.cmpi slt, %add3A_1752, %sign3A_1758 : i32
        %sign3A_1760 = arith.extui %sign3A_1759 : i1 to i32
        %sign3A_1761 = arith.subi %sign3A_1757, %sign3A_1760 : i32
        %sign3A_1762 = arith.constant 0 : i32
        %sign3A_1763 = arith.cmpi sgt, %jit3A_1753, %sign3A_1762 : i32
        %sign3A_1764 = arith.extui %sign3A_1763 : i1 to i32
        %sign3A_1765 = arith.constant 0 : i32
        %sign3A_1766 = arith.cmpi slt, %jit3A_1753, %sign3A_1765 : i32
        %sign3A_1767 = arith.extui %sign3A_1766 : i1 to i32
        %sign3A_1768 = arith.subi %sign3A_1764, %sign3A_1767 : i32
        %ne3A_1769 = arith.cmpi ne, %sign3A_1761, %sign3A_1768 : i32
        %rem3A_1770 = arith.remsi %add3A_1752, %jit3A_1753 : i32
        %ne3A_1771 = arith.constant 0 : i32
        %ne3A_1772 = arith.cmpi ne, %rem3A_1770, %ne3A_1771 : i32
        %and3A_1773 = arith.andi %ne3A_1769, %ne3A_1772 : i1
        %sub3A_1774 = arith.constant 1 : i32
        %sub3A_1775 = arith.subi %div3A_1754, %sub3A_1774 : i32
        %select_n3A_1776 = arith.select %and3A_1773, %sub3A_1775, %div3A_1754 : i32
        %jit3A_1777 = arith.constant 32 : i32
        %eq3A_1778 = arith.constant 0 : i32
        %eq3A_1779 = arith.cmpi eq, %jit3A_1777, %eq3A_1778 : i32
        %jit3A_1780 = arith.constant 1 : i32
        %select_n3A_1781 = arith.select %eq3A_1779, %jit3A_1780, %jit3A_1777 : i32
        %rem3A_1782 = arith.remsi %add3A_1752, %select_n3A_1781 : i32
        %ne3A_1783 = arith.constant 0 : i32
        %ne3A_1784 = arith.cmpi ne, %rem3A_1782, %ne3A_1783 : i32
        %lt3A_1785 = arith.constant 0 : i32
        %lt3A_1786 = arith.cmpi slt, %rem3A_1782, %lt3A_1785 : i32
        %lt3A_1787 = arith.constant 0 : i32
        %lt3A_1788 = arith.cmpi slt, %select_n3A_1781, %lt3A_1787 : i32
        %ne3A_1789 = arith.xori %lt3A_1786, %lt3A_1788 : i1
        %and3A_1790 = arith.andi %ne3A_1789, %ne3A_1784 : i1
        %add3A_1791 = arith.addi %rem3A_1782, %select_n3A_1781 : i32
        %select_n3A_1792 = arith.select %and3A_1790, %add3A_1791, %rem3A_1782 : i32
        %jit3A_1793 = arith.constant 8 : i32
        %div3A_1794 = arith.divsi %select_n3A_1776, %jit3A_1793 : i32
        %sign3A_1795 = arith.constant 0 : i32
        %sign3A_1796 = arith.cmpi sgt, %select_n3A_1776, %sign3A_1795 : i32
        %sign3A_1797 = arith.extui %sign3A_1796 : i1 to i32
        %sign3A_1798 = arith.constant 0 : i32
        %sign3A_1799 = arith.cmpi slt, %select_n3A_1776, %sign3A_1798 : i32
        %sign3A_1800 = arith.extui %sign3A_1799 : i1 to i32
        %sign3A_1801 = arith.subi %sign3A_1797, %sign3A_1800 : i32
        %sign3A_1802 = arith.constant 0 : i32
        %sign3A_1803 = arith.cmpi sgt, %jit3A_1793, %sign3A_1802 : i32
        %sign3A_1804 = arith.extui %sign3A_1803 : i1 to i32
        %sign3A_1805 = arith.constant 0 : i32
        %sign3A_1806 = arith.cmpi slt, %jit3A_1793, %sign3A_1805 : i32
        %sign3A_1807 = arith.extui %sign3A_1806 : i1 to i32
        %sign3A_1808 = arith.subi %sign3A_1804, %sign3A_1807 : i32
        %ne3A_1809 = arith.cmpi ne, %sign3A_1801, %sign3A_1808 : i32
        %rem3A_1810 = arith.remsi %select_n3A_1776, %jit3A_1793 : i32
        %ne3A_1811 = arith.constant 0 : i32
        %ne3A_1812 = arith.cmpi ne, %rem3A_1810, %ne3A_1811 : i32
        %and3A_1813 = arith.andi %ne3A_1809, %ne3A_1812 : i1
        %sub3A_1814 = arith.constant 1 : i32
        %sub3A_1815 = arith.subi %div3A_1794, %sub3A_1814 : i32
        %select_n3A_1816 = arith.select %and3A_1813, %sub3A_1815, %div3A_1794 : i32
        %mul3A_1817 = arith.constant 4 : i32
        %mul3A_1818 = arith.muli %select_n3A_1792, %mul3A_1817 : i32
        %jit3A_1819 = arith.constant 8 : i32
        %eq3A_1820 = arith.constant 0 : i32
        %eq3A_1821 = arith.cmpi eq, %jit3A_1819, %eq3A_1820 : i32
        %jit3A_1822 = arith.constant 1 : i32
        %select_n3A_1823 = arith.select %eq3A_1821, %jit3A_1822, %jit3A_1819 : i32
        %rem3A_1824 = arith.remsi %select_n3A_1776, %select_n3A_1823 : i32
        %ne3A_1825 = arith.constant 0 : i32
        %ne3A_1826 = arith.cmpi ne, %rem3A_1824, %ne3A_1825 : i32
        %lt3A_1827 = arith.constant 0 : i32
        %lt3A_1828 = arith.cmpi slt, %rem3A_1824, %lt3A_1827 : i32
        %lt3A_1829 = arith.constant 0 : i32
        %lt3A_1830 = arith.cmpi slt, %select_n3A_1823, %lt3A_1829 : i32
        %ne3A_1831 = arith.xori %lt3A_1828, %lt3A_1830 : i1
        %and3A_1832 = arith.andi %ne3A_1831, %ne3A_1826 : i1
        %add3A_1833 = arith.addi %rem3A_1824, %select_n3A_1823 : i32
        %select_n3A_1834 = arith.select %and3A_1832, %add3A_1833, %rem3A_1824 : i32
        %dma_wait3A_1835 = arith.constant 0 : i32
        %dma_wait3A_1836 = tpu.memref_slice %arg2[%select_n3A_1816, %mul3A_1818, %select_n3A_1834, %dma_wait3A_1835] : memref<25x128x8x128xi32, #tpu.memory_space<hbm>> -> memref<1x4x1x128xi32, #tpu.memory_space<hbm>>
        %dma_wait3A_1837 = tpu.memref_squeeze %dma_wait3A_1836 : memref<1x4x1x128xi32, #tpu.memory_space<hbm>> -> memref<4x128xi32, #tpu.memory_space<hbm>>
        %dma_wait3A_1838 = arith.constant 0 : i32
        %dma_wait3A_1839 = tpu.memref_slice %arg2[%select_n3A_1816, %mul3A_1818, %select_n3A_1834, %dma_wait3A_1838] : memref<25x128x8x128xi32, #tpu.memory_space<hbm>> -> memref<1x4x1x128xi32, #tpu.memory_space<hbm>>
        %dma_wait3A_1840 = tpu.memref_squeeze %dma_wait3A_1839 : memref<1x4x1x128xi32, #tpu.memory_space<hbm>> -> memref<4x128xi32, #tpu.memory_space<hbm>>
        tpu.wait_dma2 semaphore(%arg11 : memref<!tpu.dma_semaphore, #tpu.memory_space<semaphore_mem>>) src(%dma_wait3A_1840 : memref<4x128xi32, #tpu.memory_space<hbm>>) dst(%arg5 : memref<4x128xi32, #tpu.memory_space<vmem>>)
        %dma_start3A_1841 = arith.constant 0 : i32
        %dma_start3A_1842 = arith.constant 0 : i32
        %dma_start3A_1843 = arith.constant 0 : i32
        %dma_start3A_1844 = arith.constant 0 : i32
        %dma_start3A_1845 = tpu.memref_slice %arg7[%dma_start3A_1842, %dma_start3A_1843, %dma_start3A_1844] : memref<4x128x32xf32, #tpu.memory_space<vmem>> -> memref<1x128x32xf32, #tpu.memory_space<vmem>>
        %dma_start3A_1846 = tpu.memref_squeeze %dma_start3A_1845 : memref<1x128x32xf32, #tpu.memory_space<vmem>> -> memref<128x32xf32, #tpu.memory_space<vmem>>
        %dma_start3A_1847 = arith.constant 0 : i32
        %dma_start3A_1848 = tpu.memref_slice %arg5[%dma_start3A_1841, %dma_start3A_1847] : memref<4x128xi32, #tpu.memory_space<vmem>> -> memref<1x128xi32, #tpu.memory_space<vmem>>
        %dma_start3A_1849 = tpu.memref_squeeze %dma_start3A_1848 : memref<1x128xi32, #tpu.memory_space<vmem>> -> memref<128xi32, #tpu.memory_space<vmem>>
        %dma_start3A_1850 = arith.constant 0 : i32
        %dma_start3A_1851 = arith.constant 0 : i32
        %dma_start3A_1852 = tpu.memref_slice %arg3[%dma_start3A_1850, %dma_start3A_1851] : memref<100000x32xf32, #tpu.memory_space<hbm>> -> memref<100000x32xf32, #tpu.memory_space<hbm>>
        tpu.enqueue_indirect_dma source(%dma_start3A_1852 : memref<100000x32xf32, #tpu.memory_space<hbm>>) target(%dma_start3A_1846 : memref<128x32xf32, #tpu.memory_space<vmem>>) offsets(%dma_start3A_1849 : memref<128xi32, #tpu.memory_space<vmem>>) semaphore(%arg13 : memref<!tpu.dma_semaphore, #tpu.memory_space<semaphore_mem>>)
        %dma_start3A_1853 = arith.constant 1 : i32
        %dma_start3A_1854 = arith.constant 1 : i32
        %dma_start3A_1855 = arith.constant 0 : i32
        %dma_start3A_1856 = arith.constant 0 : i32
        %dma_start3A_1857 = tpu.memref_slice %arg7[%dma_start3A_1854, %dma_start3A_1855, %dma_start3A_1856] : memref<4x128x32xf32, #tpu.memory_space<vmem>> -> memref<1x128x32xf32, #tpu.memory_space<vmem>>
        %dma_start3A_1858 = tpu.memref_squeeze %dma_start3A_1857 : memref<1x128x32xf32, #tpu.memory_space<vmem>> -> memref<128x32xf32, #tpu.memory_space<vmem>>
        %dma_start3A_1859 = arith.constant 0 : i32
        %dma_start3A_1860 = tpu.memref_slice %arg5[%dma_start3A_1853, %dma_start3A_1859] : memref<4x128xi32, #tpu.memory_space<vmem>> -> memref<1x128xi32, #tpu.memory_space<vmem>>
        %dma_start3A_1861 = tpu.memref_squeeze %dma_start3A_1860 : memref<1x128xi32, #tpu.memory_space<vmem>> -> memref<128xi32, #tpu.memory_space<vmem>>
        %dma_start3A_1862 = arith.constant 0 : i32
        %dma_start3A_1863 = arith.constant 0 : i32
        %dma_start3A_1864 = tpu.memref_slice %arg3[%dma_start3A_1862, %dma_start3A_1863] : memref<100000x32xf32, #tpu.memory_space<hbm>> -> memref<100000x32xf32, #tpu.memory_space<hbm>>
        tpu.enqueue_indirect_dma source(%dma_start3A_1864 : memref<100000x32xf32, #tpu.memory_space<hbm>>) target(%dma_start3A_1858 : memref<128x32xf32, #tpu.memory_space<vmem>>) offsets(%dma_start3A_1861 : memref<128xi32, #tpu.memory_space<vmem>>) semaphore(%arg13 : memref<!tpu.dma_semaphore, #tpu.memory_space<semaphore_mem>>)
        %dma_start3A_1865 = arith.constant 2 : i32
        %dma_start3A_1866 = arith.constant 2 : i32
        %dma_start3A_1867 = arith.constant 0 : i32
        %dma_start3A_1868 = arith.constant 0 : i32
        %dma_start3A_1869 = tpu.memref_slice %arg7[%dma_start3A_1866, %dma_start3A_1867, %dma_start3A_1868] : memref<4x128x32xf32, #tpu.memory_space<vmem>> -> memref<1x128x32xf32, #tpu.memory_space<vmem>>
        %dma_start3A_1870 = tpu.memref_squeeze %dma_start3A_1869 : memref<1x128x32xf32, #tpu.memory_space<vmem>> -> memref<128x32xf32, #tpu.memory_space<vmem>>
        %dma_start3A_1871 = arith.constant 0 : i32
        %dma_start3A_1872 = tpu.memref_slice %arg5[%dma_start3A_1865, %dma_start3A_1871] : memref<4x128xi32, #tpu.memory_space<vmem>> -> memref<1x128xi32, #tpu.memory_space<vmem>>
        %dma_start3A_1873 = tpu.memref_squeeze %dma_start3A_1872 : memref<1x128xi32, #tpu.memory_space<vmem>> -> memref<128xi32, #tpu.memory_space<vmem>>
        %dma_start3A_1874 = arith.constant 0 : i32
        %dma_start3A_1875 = arith.constant 0 : i32
        %dma_start3A_1876 = tpu.memref_slice %arg3[%dma_start3A_1874, %dma_start3A_1875] : memref<100000x32xf32, #tpu.memory_space<hbm>> -> memref<100000x32xf32, #tpu.memory_space<hbm>>
        tpu.enqueue_indirect_dma source(%dma_start3A_1876 : memref<100000x32xf32, #tpu.memory_space<hbm>>) target(%dma_start3A_1870 : memref<128x32xf32, #tpu.memory_space<vmem>>) offsets(%dma_start3A_1873 : memref<128xi32, #tpu.memory_space<vmem>>) semaphore(%arg13 : memref<!tpu.dma_semaphore, #tpu.memory_space<semaphore_mem>>)
        %dma_start3A_1877 = arith.constant 3 : i32
        %dma_start3A_1878 = arith.constant 3 : i32
        %dma_start3A_1879 = arith.constant 0 : i32
        %dma_start3A_1880 = arith.constant 0 : i32
        %dma_start3A_1881 = tpu.memref_slice %arg7[%dma_start3A_1878, %dma_start3A_1879, %dma_start3A_1880] : memref<4x128x32xf32, #tpu.memory_space<vmem>> -> memref<1x128x32xf32, #tpu.memory_space<vmem>>
        %dma_start3A_1882 = tpu.memref_squeeze %dma_start3A_1881 : memref<1x128x32xf32, #tpu.memory_space<vmem>> -> memref<128x32xf32, #tpu.memory_space<vmem>>
        %dma_start3A_1883 = arith.constant 0 : i32
        %dma_start3A_1884 = tpu.memref_slice %arg5[%dma_start3A_1877, %dma_start3A_1883] : memref<4x128xi32, #tpu.memory_space<vmem>> -> memref<1x128xi32, #tpu.memory_space<vmem>>
        %dma_start3A_1885 = tpu.memref_squeeze %dma_start3A_1884 : memref<1x128xi32, #tpu.memory_space<vmem>> -> memref<128xi32, #tpu.memory_space<vmem>>
        %dma_start3A_1886 = arith.constant 0 : i32
        %dma_start3A_1887 = arith.constant 0 : i32
        %dma_start3A_1888 = tpu.memref_slice %arg3[%dma_start3A_1886, %dma_start3A_1887] : memref<100000x32xf32, #tpu.memory_space<hbm>> -> memref<100000x32xf32, #tpu.memory_space<hbm>>
        tpu.enqueue_indirect_dma source(%dma_start3A_1888 : memref<100000x32xf32, #tpu.memory_space<hbm>>) target(%dma_start3A_1882 : memref<128x32xf32, #tpu.memory_space<vmem>>) offsets(%dma_start3A_1885 : memref<128xi32, #tpu.memory_space<vmem>>) semaphore(%arg13 : memref<!tpu.dma_semaphore, #tpu.memory_space<semaphore_mem>>)
      } else {
      }
      %add3A_1392 = arith.constant 2 : i32
      %add3A_1393 = arith.addi %add3A_1335, %add3A_1392 : i32
      %lt3A_1394 = arith.constant 200 : i32
      %lt3A_1395 = arith.cmpi slt, %add3A_1393, %lt3A_1394 : i32
      %convert_element_type3A_1396 = arith.extui %lt3A_1395 : i1 to i32
      %cond3A_1397 = arith.constant 0 : i32
      %cond3A_1398 = arith.cmpi ne, %convert_element_type3A_1396, %cond3A_1397 : i32
      scf.if %cond3A_1398 {
        %add3A_1751 = arith.constant 2 : i32
        %add3A_1752 = arith.addi %add3A_1336, %add3A_1751 : i32
        %jit3A_1753 = arith.constant 32 : i32
        %div3A_1754 = arith.divsi %add3A_1752, %jit3A_1753 : i32
        %sign3A_1755 = arith.constant 0 : i32
        %sign3A_1756 = arith.cmpi sgt, %add3A_1752, %sign3A_1755 : i32
        %sign3A_1757 = arith.extui %sign3A_1756 : i1 to i32
        %sign3A_1758 = arith.constant 0 : i32
        %sign3A_1759 = arith.cmpi slt, %add3A_1752, %sign3A_1758 : i32
        %sign3A_1760 = arith.extui %sign3A_1759 : i1 to i32
        %sign3A_1761 = arith.subi %sign3A_1757, %sign3A_1760 : i32
        %sign3A_1762 = arith.constant 0 : i32
        %sign3A_1763 = arith.cmpi sgt, %jit3A_1753, %sign3A_1762 : i32
        %sign3A_1764 = arith.extui %sign3A_1763 : i1 to i32
        %sign3A_1765 = arith.constant 0 : i32
        %sign3A_1766 = arith.cmpi slt, %jit3A_1753, %sign3A_1765 : i32
        %sign3A_1767 = arith.extui %sign3A_1766 : i1 to i32
        %sign3A_1768 = arith.subi %sign3A_1764, %sign3A_1767 : i32
        %ne3A_1769 = arith.cmpi ne, %sign3A_1761, %sign3A_1768 : i32
        %rem3A_1770 = arith.remsi %add3A_1752, %jit3A_1753 : i32
        %ne3A_1771 = arith.constant 0 : i32
        %ne3A_1772 = arith.cmpi ne, %rem3A_1770, %ne3A_1771 : i32
        %and3A_1773 = arith.andi %ne3A_1769, %ne3A_1772 : i1
        %sub3A_1774 = arith.constant 1 : i32
        %sub3A_1775 = arith.subi %div3A_1754, %sub3A_1774 : i32
        %select_n3A_1776 = arith.select %and3A_1773, %sub3A_1775, %div3A_1754 : i32
        %jit3A_1777 = arith.constant 32 : i32
        %eq3A_1778 = arith.constant 0 : i32
        %eq3A_1779 = arith.cmpi eq, %jit3A_1777, %eq3A_1778 : i32
        %jit3A_1780 = arith.constant 1 : i32
        %select_n3A_1781 = arith.select %eq3A_1779, %jit3A_1780, %jit3A_1777 : i32
        %rem3A_1782 = arith.remsi %add3A_1752, %select_n3A_1781 : i32
        %ne3A_1783 = arith.constant 0 : i32
        %ne3A_1784 = arith.cmpi ne, %rem3A_1782, %ne3A_1783 : i32
        %lt3A_1785 = arith.constant 0 : i32
        %lt3A_1786 = arith.cmpi slt, %rem3A_1782, %lt3A_1785 : i32
        %lt3A_1787 = arith.constant 0 : i32
        %lt3A_1788 = arith.cmpi slt, %select_n3A_1781, %lt3A_1787 : i32
        %ne3A_1789 = arith.xori %lt3A_1786, %lt3A_1788 : i1
        %and3A_1790 = arith.andi %ne3A_1789, %ne3A_1784 : i1
        %add3A_1791 = arith.addi %rem3A_1782, %select_n3A_1781 : i32
        %select_n3A_1792 = arith.select %and3A_1790, %add3A_1791, %rem3A_1782 : i32
        %jit3A_1793 = arith.constant 8 : i32
        %div3A_1794 = arith.divsi %select_n3A_1776, %jit3A_1793 : i32
        %sign3A_1795 = arith.constant 0 : i32
        %sign3A_1796 = arith.cmpi sgt, %select_n3A_1776, %sign3A_1795 : i32
        %sign3A_1797 = arith.extui %sign3A_1796 : i1 to i32
        %sign3A_1798 = arith.constant 0 : i32
        %sign3A_1799 = arith.cmpi slt, %select_n3A_1776, %sign3A_1798 : i32
        %sign3A_1800 = arith.extui %sign3A_1799 : i1 to i32
        %sign3A_1801 = arith.subi %sign3A_1797, %sign3A_1800 : i32
        %sign3A_1802 = arith.constant 0 : i32
        %sign3A_1803 = arith.cmpi sgt, %jit3A_1793, %sign3A_1802 : i32
        %sign3A_1804 = arith.extui %sign3A_1803 : i1 to i32
        %sign3A_1805 = arith.constant 0 : i32
        %sign3A_1806 = arith.cmpi slt, %jit3A_1793, %sign3A_1805 : i32
        %sign3A_1807 = arith.extui %sign3A_1806 : i1 to i32
        %sign3A_1808 = arith.subi %sign3A_1804, %sign3A_1807 : i32
        %ne3A_1809 = arith.cmpi ne, %sign3A_1801, %sign3A_1808 : i32
        %rem3A_1810 = arith.remsi %select_n3A_1776, %jit3A_1793 : i32
        %ne3A_1811 = arith.constant 0 : i32
        %ne3A_1812 = arith.cmpi ne, %rem3A_1810, %ne3A_1811 : i32
        %and3A_1813 = arith.andi %ne3A_1809, %ne3A_1812 : i1
        %sub3A_1814 = arith.constant 1 : i32
        %sub3A_1815 = arith.subi %div3A_1794, %sub3A_1814 : i32
        %select_n3A_1816 = arith.select %and3A_1813, %sub3A_1815, %div3A_1794 : i32
        %mul3A_1817 = arith.constant 4 : i32
        %mul3A_1818 = arith.muli %select_n3A_1792, %mul3A_1817 : i32
        %jit3A_1819 = arith.constant 8 : i32
        %eq3A_1820 = arith.constant 0 : i32
        %eq3A_1821 = arith.cmpi eq, %jit3A_1819, %eq3A_1820 : i32
        %jit3A_1822 = arith.constant 1 : i32
        %select_n3A_1823 = arith.select %eq3A_1821, %jit3A_1822, %jit3A_1819 : i32
        %rem3A_1824 = arith.remsi %select_n3A_1776, %select_n3A_1823 : i32
        %ne3A_1825 = arith.constant 0 : i32
        %ne3A_1826 = arith.cmpi ne, %rem3A_1824, %ne3A_1825 : i32
        %lt3A_1827 = arith.constant 0 : i32
        %lt3A_1828 = arith.cmpi slt, %rem3A_1824, %lt3A_1827 : i32
        %lt3A_1829 = arith.constant 0 : i32
        %lt3A_1830 = arith.cmpi slt, %select_n3A_1823, %lt3A_1829 : i32
        %ne3A_1831 = arith.xori %lt3A_1828, %lt3A_1830 : i1
        %and3A_1832 = arith.andi %ne3A_1831, %ne3A_1826 : i1
        %add3A_1833 = arith.addi %rem3A_1824, %select_n3A_1823 : i32
        %select_n3A_1834 = arith.select %and3A_1832, %add3A_1833, %rem3A_1824 : i32
        %dma_start3A_1835 = arith.constant 0 : i32
        %dma_start3A_1836 = tpu.memref_slice %arg2[%select_n3A_1816, %mul3A_1818, %select_n3A_1834, %dma_start3A_1835] : memref<25x128x8x128xi32, #tpu.memory_space<hbm>> -> memref<1x4x1x128xi32, #tpu.memory_space<hbm>>
        %dma_start3A_1837 = tpu.memref_squeeze %dma_start3A_1836 : memref<1x4x1x128xi32, #tpu.memory_space<hbm>> -> memref<4x128xi32, #tpu.memory_space<hbm>>
        %dma_start3A_1838 = arith.constant 0 : i32
        %dma_start3A_1839 = tpu.memref_slice %arg2[%select_n3A_1816, %mul3A_1818, %select_n3A_1834, %dma_start3A_1838] : memref<25x128x8x128xi32, #tpu.memory_space<hbm>> -> memref<1x4x1x128xi32, #tpu.memory_space<hbm>>
        %dma_start3A_1840 = tpu.memref_squeeze %dma_start3A_1839 : memref<1x4x1x128xi32, #tpu.memory_space<hbm>> -> memref<4x128xi32, #tpu.memory_space<hbm>>
        tpu.enqueue_dma source(%dma_start3A_1840 : memref<4x128xi32, #tpu.memory_space<hbm>>) target(%arg6 : memref<4x128xi32, #tpu.memory_space<vmem>>) target_semaphore(%arg12 : memref<!tpu.dma_semaphore, #tpu.memory_space<semaphore_mem>>)
      } else {
      }
      %ge3A_1399 = arith.constant 2 : i32
      %ge3A_1400 = arith.cmpi sge, %add3A_1335, %ge3A_1399 : i32
      %convert_element_type3A_1401 = arith.extui %ge3A_1400 : i1 to i32
      %cond3A_1402 = arith.constant 0 : i32
      %cond3A_1403 = arith.cmpi ne, %convert_element_type3A_1401, %cond3A_1402 : i32
      scf.if %cond3A_1403 {
        %jit3A_1751 = arith.constant 32 : i32
        %div3A_1752 = arith.divsi %add3A_1336, %jit3A_1751 : i32
        %sign3A_1753 = arith.constant 0 : i32
        %sign3A_1754 = arith.cmpi sgt, %add3A_1336, %sign3A_1753 : i32
        %sign3A_1755 = arith.extui %sign3A_1754 : i1 to i32
        %sign3A_1756 = arith.constant 0 : i32
        %sign3A_1757 = arith.cmpi slt, %add3A_1336, %sign3A_1756 : i32
        %sign3A_1758 = arith.extui %sign3A_1757 : i1 to i32
        %sign3A_1759 = arith.subi %sign3A_1755, %sign3A_1758 : i32
        %sign3A_1760 = arith.constant 0 : i32
        %sign3A_1761 = arith.cmpi sgt, %jit3A_1751, %sign3A_1760 : i32
        %sign3A_1762 = arith.extui %sign3A_1761 : i1 to i32
        %sign3A_1763 = arith.constant 0 : i32
        %sign3A_1764 = arith.cmpi slt, %jit3A_1751, %sign3A_1763 : i32
        %sign3A_1765 = arith.extui %sign3A_1764 : i1 to i32
        %sign3A_1766 = arith.subi %sign3A_1762, %sign3A_1765 : i32
        %ne3A_1767 = arith.cmpi ne, %sign3A_1759, %sign3A_1766 : i32
        %rem3A_1768 = arith.remsi %add3A_1336, %jit3A_1751 : i32
        %ne3A_1769 = arith.constant 0 : i32
        %ne3A_1770 = arith.cmpi ne, %rem3A_1768, %ne3A_1769 : i32
        %and3A_1771 = arith.andi %ne3A_1767, %ne3A_1770 : i1
        %sub3A_1772 = arith.constant 1 : i32
        %sub3A_1773 = arith.subi %div3A_1752, %sub3A_1772 : i32
        %select_n3A_1774 = arith.select %and3A_1771, %sub3A_1773, %div3A_1752 : i32
        %jit3A_1775 = arith.constant 32 : i32
        %eq3A_1776 = arith.constant 0 : i32
        %eq3A_1777 = arith.cmpi eq, %jit3A_1775, %eq3A_1776 : i32
        %jit3A_1778 = arith.constant 1 : i32
        %select_n3A_1779 = arith.select %eq3A_1777, %jit3A_1778, %jit3A_1775 : i32
        %rem3A_1780 = arith.remsi %add3A_1336, %select_n3A_1779 : i32
        %ne3A_1781 = arith.constant 0 : i32
        %ne3A_1782 = arith.cmpi ne, %rem3A_1780, %ne3A_1781 : i32
        %lt3A_1783 = arith.constant 0 : i32
        %lt3A_1784 = arith.cmpi slt, %rem3A_1780, %lt3A_1783 : i32
        %lt3A_1785 = arith.constant 0 : i32
        %lt3A_1786 = arith.cmpi slt, %select_n3A_1779, %lt3A_1785 : i32
        %ne3A_1787 = arith.xori %lt3A_1784, %lt3A_1786 : i1
        %and3A_1788 = arith.andi %ne3A_1787, %ne3A_1782 : i1
        %add3A_1789 = arith.addi %rem3A_1780, %select_n3A_1779 : i32
        %select_n3A_1790 = arith.select %and3A_1788, %add3A_1789, %rem3A_1780 : i32
        %mul3A_1791 = arith.constant 4 : i32
        %mul3A_1792 = arith.muli %select_n3A_1790, %mul3A_1791 : i32
        %add3A_1793 = arith.constant 0 : i32
        %add3A_1794 = arith.addi %mul3A_1792, %add3A_1793 : i32
        %dma_wait3A_1795 = arith.constant 0 : i32
        %dma_wait3A_1796 = arith.constant 0 : i32
        %dma_wait3A_1797 = arith.constant 0 : i32
        %dma_wait3A_1798 = tpu.memref_slice %arg10[%dma_wait3A_1796, %dma_wait3A_1797] : memref<128x129xf32, #tpu.memory_space<vmem>> -> memref<8x128xf32, #tpu.memory_space<vmem>>
        %dma_wait3A_1799 = arith.constant 0 : i32
        %dma_wait3A_1800 = arith.constant 0 : i32
        %dma_wait3A_1801 = tpu.memref_slice %arg4[%select_n3A_1774, %dma_wait3A_1795, %add3A_1794, %dma_wait3A_1799, %dma_wait3A_1800] : memref<200x4x128x8x128xf32, #tpu.memory_space<hbm>> -> memref<1x1x1x8x128xf32, #tpu.memory_space<hbm>>
        %dma_wait3A_1802 = tpu.memref_squeeze %dma_wait3A_1801 : memref<1x1x1x8x128xf32, #tpu.memory_space<hbm>> -> memref<8x128xf32, #tpu.memory_space<hbm>>
        %dma_wait3A_1803 = arith.constant 0 : i32
        %dma_wait3A_1804 = arith.constant 0 : i32
        %dma_wait3A_1805 = tpu.memref_slice %arg4[%select_n3A_1774, %dma_wait3A_1795, %add3A_1794, %dma_wait3A_1803, %dma_wait3A_1804] : memref<200x4x128x8x128xf32, #tpu.memory_space<hbm>> -> memref<1x1x1x8x128xf32, #tpu.memory_space<hbm>>
        %dma_wait3A_1806 = tpu.memref_squeeze %dma_wait3A_1805 : memref<1x1x1x8x128xf32, #tpu.memory_space<hbm>> -> memref<8x128xf32, #tpu.memory_space<hbm>>
        %dma_wait3A_1807 = arith.constant 0 : i32
        %dma_wait3A_1808 = arith.constant 0 : i32
        %dma_wait3A_1809 = tpu.memref_slice %arg10[%dma_wait3A_1807, %dma_wait3A_1808] : memref<128x129xf32, #tpu.memory_space<vmem>> -> memref<8x128xf32, #tpu.memory_space<vmem>>
        tpu.wait_dma2 semaphore(%arg16 : memref<!tpu.dma_semaphore, #tpu.memory_space<semaphore_mem>>) src(%dma_wait3A_1809 : memref<8x128xf32, #tpu.memory_space<vmem>>) dst(%dma_wait3A_1806 : memref<8x128xf32, #tpu.memory_space<hbm>>)
        %mul3A_1810 = arith.constant 4 : i32
        %mul3A_1811 = arith.muli %select_n3A_1790, %mul3A_1810 : i32
        %add3A_1812 = arith.constant 1 : i32
        %add3A_1813 = arith.addi %mul3A_1811, %add3A_1812 : i32
        %dma_wait3A_1814 = arith.constant 0 : i32
        %dma_wait3A_1815 = arith.constant 32 : i32
        %dma_wait3A_1816 = arith.constant 0 : i32
        %dma_wait3A_1817 = tpu.memref_slice %arg10[%dma_wait3A_1815, %dma_wait3A_1816] : memref<128x129xf32, #tpu.memory_space<vmem>> -> memref<8x128xf32, #tpu.memory_space<vmem>>
        %dma_wait3A_1818 = arith.constant 0 : i32
        %dma_wait3A_1819 = arith.constant 0 : i32
        %dma_wait3A_1820 = tpu.memref_slice %arg4[%select_n3A_1774, %dma_wait3A_1814, %add3A_1813, %dma_wait3A_1818, %dma_wait3A_1819] : memref<200x4x128x8x128xf32, #tpu.memory_space<hbm>> -> memref<1x1x1x8x128xf32, #tpu.memory_space<hbm>>
        %dma_wait3A_1821 = tpu.memref_squeeze %dma_wait3A_1820 : memref<1x1x1x8x128xf32, #tpu.memory_space<hbm>> -> memref<8x128xf32, #tpu.memory_space<hbm>>
        %dma_wait3A_1822 = arith.constant 0 : i32
        %dma_wait3A_1823 = arith.constant 0 : i32
        %dma_wait3A_1824 = tpu.memref_slice %arg4[%select_n3A_1774, %dma_wait3A_1814, %add3A_1813, %dma_wait3A_1822, %dma_wait3A_1823] : memref<200x4x128x8x128xf32, #tpu.memory_space<hbm>> -> memref<1x1x1x8x128xf32, #tpu.memory_space<hbm>>
        %dma_wait3A_1825 = tpu.memref_squeeze %dma_wait3A_1824 : memref<1x1x1x8x128xf32, #tpu.memory_space<hbm>> -> memref<8x128xf32, #tpu.memory_space<hbm>>
        %dma_wait3A_1826 = arith.constant 32 : i32
        %dma_wait3A_1827 = arith.constant 0 : i32
        %dma_wait3A_1828 = tpu.memref_slice %arg10[%dma_wait3A_1826, %dma_wait3A_1827] : memref<128x129xf32, #tpu.memory_space<vmem>> -> memref<8x128xf32, #tpu.memory_space<vmem>>
        tpu.wait_dma2 semaphore(%arg16 : memref<!tpu.dma_semaphore, #tpu.memory_space<semaphore_mem>>) src(%dma_wait3A_1828 : memref<8x128xf32, #tpu.memory_space<vmem>>) dst(%dma_wait3A_1825 : memref<8x128xf32, #tpu.memory_space<hbm>>)
        %mul3A_1829 = arith.constant 4 : i32
        %mul3A_1830 = arith.muli %select_n3A_1790, %mul3A_1829 : i32
        %add3A_1831 = arith.constant 2 : i32
        %add3A_1832 = arith.addi %mul3A_1830, %add3A_1831 : i32
        %dma_wait3A_1833 = arith.constant 0 : i32
        %dma_wait3A_1834 = arith.constant 64 : i32
        %dma_wait3A_1835 = arith.constant 0 : i32
        %dma_wait3A_1836 = tpu.memref_slice %arg10[%dma_wait3A_1834, %dma_wait3A_1835] : memref<128x129xf32, #tpu.memory_space<vmem>> -> memref<8x128xf32, #tpu.memory_space<vmem>>
        %dma_wait3A_1837 = arith.constant 0 : i32
        %dma_wait3A_1838 = arith.constant 0 : i32
        %dma_wait3A_1839 = tpu.memref_slice %arg4[%select_n3A_1774, %dma_wait3A_1833, %add3A_1832, %dma_wait3A_1837, %dma_wait3A_1838] : memref<200x4x128x8x128xf32, #tpu.memory_space<hbm>> -> memref<1x1x1x8x128xf32, #tpu.memory_space<hbm>>
        %dma_wait3A_1840 = tpu.memref_squeeze %dma_wait3A_1839 : memref<1x1x1x8x128xf32, #tpu.memory_space<hbm>> -> memref<8x128xf32, #tpu.memory_space<hbm>>
        %dma_wait3A_1841 = arith.constant 0 : i32
        %dma_wait3A_1842 = arith.constant 0 : i32
        %dma_wait3A_1843 = tpu.memref_slice %arg4[%select_n3A_1774, %dma_wait3A_1833, %add3A_1832, %dma_wait3A_1841, %dma_wait3A_1842] : memref<200x4x128x8x128xf32, #tpu.memory_space<hbm>> -> memref<1x1x1x8x128xf32, #tpu.memory_space<hbm>>
        %dma_wait3A_1844 = tpu.memref_squeeze %dma_wait3A_1843 : memref<1x1x1x8x128xf32, #tpu.memory_space<hbm>> -> memref<8x128xf32, #tpu.memory_space<hbm>>
        %dma_wait3A_1845 = arith.constant 64 : i32
        %dma_wait3A_1846 = arith.constant 0 : i32
        %dma_wait3A_1847 = tpu.memref_slice %arg10[%dma_wait3A_1845, %dma_wait3A_1846] : memref<128x129xf32, #tpu.memory_space<vmem>> -> memref<8x128xf32, #tpu.memory_space<vmem>>
        tpu.wait_dma2 semaphore(%arg16 : memref<!tpu.dma_semaphore, #tpu.memory_space<semaphore_mem>>) src(%dma_wait3A_1847 : memref<8x128xf32, #tpu.memory_space<vmem>>) dst(%dma_wait3A_1844 : memref<8x128xf32, #tpu.memory_space<hbm>>)
        %mul3A_1848 = arith.constant 4 : i32
        %mul3A_1849 = arith.muli %select_n3A_1790, %mul3A_1848 : i32
        %add3A_1850 = arith.constant 3 : i32
        %add3A_1851 = arith.addi %mul3A_1849, %add3A_1850 : i32
        %dma_wait3A_1852 = arith.constant 0 : i32
        %dma_wait3A_1853 = arith.constant 96 : i32
        %dma_wait3A_1854 = arith.constant 0 : i32
        %dma_wait3A_1855 = tpu.memref_slice %arg10[%dma_wait3A_1853, %dma_wait3A_1854] : memref<128x129xf32, #tpu.memory_space<vmem>> -> memref<8x128xf32, #tpu.memory_space<vmem>>
        %dma_wait3A_1856 = arith.constant 0 : i32
        %dma_wait3A_1857 = arith.constant 0 : i32
        %dma_wait3A_1858 = tpu.memref_slice %arg4[%select_n3A_1774, %dma_wait3A_1852, %add3A_1851, %dma_wait3A_1856, %dma_wait3A_1857] : memref<200x4x128x8x128xf32, #tpu.memory_space<hbm>> -> memref<1x1x1x8x128xf32, #tpu.memory_space<hbm>>
        %dma_wait3A_1859 = tpu.memref_squeeze %dma_wait3A_1858 : memref<1x1x1x8x128xf32, #tpu.memory_space<hbm>> -> memref<8x128xf32, #tpu.memory_space<hbm>>
        %dma_wait3A_1860 = arith.constant 0 : i32
        %dma_wait3A_1861 = arith.constant 0 : i32
        %dma_wait3A_1862 = tpu.memref_slice %arg4[%select_n3A_1774, %dma_wait3A_1852, %add3A_1851, %dma_wait3A_1860, %dma_wait3A_1861] : memref<200x4x128x8x128xf32, #tpu.memory_space<hbm>> -> memref<1x1x1x8x128xf32, #tpu.memory_space<hbm>>
        %dma_wait3A_1863 = tpu.memref_squeeze %dma_wait3A_1862 : memref<1x1x1x8x128xf32, #tpu.memory_space<hbm>> -> memref<8x128xf32, #tpu.memory_space<hbm>>
        %dma_wait3A_1864 = arith.constant 96 : i32
        %dma_wait3A_1865 = arith.constant 0 : i32
        %dma_wait3A_1866 = tpu.memref_slice %arg10[%dma_wait3A_1864, %dma_wait3A_1865] : memref<128x129xf32, #tpu.memory_space<vmem>> -> memref<8x128xf32, #tpu.memory_space<vmem>>
        tpu.wait_dma2 semaphore(%arg16 : memref<!tpu.dma_semaphore, #tpu.memory_space<semaphore_mem>>) src(%dma_wait3A_1866 : memref<8x128xf32, #tpu.memory_space<vmem>>) dst(%dma_wait3A_1863 : memref<8x128xf32, #tpu.memory_space<hbm>>)
        %mul3A_1867 = arith.constant 4 : i32
        %mul3A_1868 = arith.muli %select_n3A_1790, %mul3A_1867 : i32
        %add3A_1869 = arith.constant 0 : i32
        %add3A_1870 = arith.addi %mul3A_1868, %add3A_1869 : i32
        %dma_wait3A_1871 = arith.constant 1 : i32
        %dma_wait3A_1872 = arith.constant 8 : i32
        %dma_wait3A_1873 = arith.constant 0 : i32
        %dma_wait3A_1874 = tpu.memref_slice %arg10[%dma_wait3A_1872, %dma_wait3A_1873] : memref<128x129xf32, #tpu.memory_space<vmem>> -> memref<8x128xf32, #tpu.memory_space<vmem>>
        %dma_wait3A_1875 = arith.constant 0 : i32
        %dma_wait3A_1876 = arith.constant 0 : i32
        %dma_wait3A_1877 = tpu.memref_slice %arg4[%select_n3A_1774, %dma_wait3A_1871, %add3A_1870, %dma_wait3A_1875, %dma_wait3A_1876] : memref<200x4x128x8x128xf32, #tpu.memory_space<hbm>> -> memref<1x1x1x8x128xf32, #tpu.memory_space<hbm>>
        %dma_wait3A_1878 = tpu.memref_squeeze %dma_wait3A_1877 : memref<1x1x1x8x128xf32, #tpu.memory_space<hbm>> -> memref<8x128xf32, #tpu.memory_space<hbm>>
        %dma_wait3A_1879 = arith.constant 0 : i32
        %dma_wait3A_1880 = arith.constant 0 : i32
        %dma_wait3A_1881 = tpu.memref_slice %arg4[%select_n3A_1774, %dma_wait3A_1871, %add3A_1870, %dma_wait3A_1879, %dma_wait3A_1880] : memref<200x4x128x8x128xf32, #tpu.memory_space<hbm>> -> memref<1x1x1x8x128xf32, #tpu.memory_space<hbm>>
        %dma_wait3A_1882 = tpu.memref_squeeze %dma_wait3A_1881 : memref<1x1x1x8x128xf32, #tpu.memory_space<hbm>> -> memref<8x128xf32, #tpu.memory_space<hbm>>
        %dma_wait3A_1883 = arith.constant 8 : i32
        %dma_wait3A_1884 = arith.constant 0 : i32
        %dma_wait3A_1885 = tpu.memref_slice %arg10[%dma_wait3A_1883, %dma_wait3A_1884] : memref<128x129xf32, #tpu.memory_space<vmem>> -> memref<8x128xf32, #tpu.memory_space<vmem>>
        tpu.wait_dma2 semaphore(%arg16 : memref<!tpu.dma_semaphore, #tpu.memory_space<semaphore_mem>>) src(%dma_wait3A_1885 : memref<8x128xf32, #tpu.memory_space<vmem>>) dst(%dma_wait3A_1882 : memref<8x128xf32, #tpu.memory_space<hbm>>)
        %mul3A_1886 = arith.constant 4 : i32
        %mul3A_1887 = arith.muli %select_n3A_1790, %mul3A_1886 : i32
        %add3A_1888 = arith.constant 1 : i32
        %add3A_1889 = arith.addi %mul3A_1887, %add3A_1888 : i32
        %dma_wait3A_1890 = arith.constant 1 : i32
        %dma_wait3A_1891 = arith.constant 40 : i32
        %dma_wait3A_1892 = arith.constant 0 : i32
        %dma_wait3A_1893 = tpu.memref_slice %arg10[%dma_wait3A_1891, %dma_wait3A_1892] : memref<128x129xf32, #tpu.memory_space<vmem>> -> memref<8x128xf32, #tpu.memory_space<vmem>>
        %dma_wait3A_1894 = arith.constant 0 : i32
        %dma_wait3A_1895 = arith.constant 0 : i32
        %dma_wait3A_1896 = tpu.memref_slice %arg4[%select_n3A_1774, %dma_wait3A_1890, %add3A_1889, %dma_wait3A_1894, %dma_wait3A_1895] : memref<200x4x128x8x128xf32, #tpu.memory_space<hbm>> -> memref<1x1x1x8x128xf32, #tpu.memory_space<hbm>>
        %dma_wait3A_1897 = tpu.memref_squeeze %dma_wait3A_1896 : memref<1x1x1x8x128xf32, #tpu.memory_space<hbm>> -> memref<8x128xf32, #tpu.memory_space<hbm>>
        %dma_wait3A_1898 = arith.constant 0 : i32
        %dma_wait3A_1899 = arith.constant 0 : i32
        %dma_wait3A_1900 = tpu.memref_slice %arg4[%select_n3A_1774, %dma_wait3A_1890, %add3A_1889, %dma_wait3A_1898, %dma_wait3A_1899] : memref<200x4x128x8x128xf32, #tpu.memory_space<hbm>> -> memref<1x1x1x8x128xf32, #tpu.memory_space<hbm>>
        %dma_wait3A_1901 = tpu.memref_squeeze %dma_wait3A_1900 : memref<1x1x1x8x128xf32, #tpu.memory_space<hbm>> -> memref<8x128xf32, #tpu.memory_space<hbm>>
        %dma_wait3A_1902 = arith.constant 40 : i32
        %dma_wait3A_1903 = arith.constant 0 : i32
        %dma_wait3A_1904 = tpu.memref_slice %arg10[%dma_wait3A_1902, %dma_wait3A_1903] : memref<128x129xf32, #tpu.memory_space<vmem>> -> memref<8x128xf32, #tpu.memory_space<vmem>>
        tpu.wait_dma2 semaphore(%arg16 : memref<!tpu.dma_semaphore, #tpu.memory_space<semaphore_mem>>) src(%dma_wait3A_1904 : memref<8x128xf32, #tpu.memory_space<vmem>>) dst(%dma_wait3A_1901 : memref<8x128xf32, #tpu.memory_space<hbm>>)
        %mul3A_1905 = arith.constant 4 : i32
        %mul3A_1906 = arith.muli %select_n3A_1790, %mul3A_1905 : i32
        %add3A_1907 = arith.constant 2 : i32
        %add3A_1908 = arith.addi %mul3A_1906, %add3A_1907 : i32
        %dma_wait3A_1909 = arith.constant 1 : i32
        %dma_wait3A_1910 = arith.constant 72 : i32
        %dma_wait3A_1911 = arith.constant 0 : i32
        %dma_wait3A_1912 = tpu.memref_slice %arg10[%dma_wait3A_1910, %dma_wait3A_1911] : memref<128x129xf32, #tpu.memory_space<vmem>> -> memref<8x128xf32, #tpu.memory_space<vmem>>
        %dma_wait3A_1913 = arith.constant 0 : i32
        %dma_wait3A_1914 = arith.constant 0 : i32
        %dma_wait3A_1915 = tpu.memref_slice %arg4[%select_n3A_1774, %dma_wait3A_1909, %add3A_1908, %dma_wait3A_1913, %dma_wait3A_1914] : memref<200x4x128x8x128xf32, #tpu.memory_space<hbm>> -> memref<1x1x1x8x128xf32, #tpu.memory_space<hbm>>
        %dma_wait3A_1916 = tpu.memref_squeeze %dma_wait3A_1915 : memref<1x1x1x8x128xf32, #tpu.memory_space<hbm>> -> memref<8x128xf32, #tpu.memory_space<hbm>>
        %dma_wait3A_1917 = arith.constant 0 : i32
        %dma_wait3A_1918 = arith.constant 0 : i32
        %dma_wait3A_1919 = tpu.memref_slice %arg4[%select_n3A_1774, %dma_wait3A_1909, %add3A_1908, %dma_wait3A_1917, %dma_wait3A_1918] : memref<200x4x128x8x128xf32, #tpu.memory_space<hbm>> -> memref<1x1x1x8x128xf32, #tpu.memory_space<hbm>>
        %dma_wait3A_1920 = tpu.memref_squeeze %dma_wait3A_1919 : memref<1x1x1x8x128xf32, #tpu.memory_space<hbm>> -> memref<8x128xf32, #tpu.memory_space<hbm>>
        %dma_wait3A_1921 = arith.constant 72 : i32
        %dma_wait3A_1922 = arith.constant 0 : i32
        %dma_wait3A_1923 = tpu.memref_slice %arg10[%dma_wait3A_1921, %dma_wait3A_1922] : memref<128x129xf32, #tpu.memory_space<vmem>> -> memref<8x128xf32, #tpu.memory_space<vmem>>
        tpu.wait_dma2 semaphore(%arg16 : memref<!tpu.dma_semaphore, #tpu.memory_space<semaphore_mem>>) src(%dma_wait3A_1923 : memref<8x128xf32, #tpu.memory_space<vmem>>) dst(%dma_wait3A_1920 : memref<8x128xf32, #tpu.memory_space<hbm>>)
        %mul3A_1924 = arith.constant 4 : i32
        %mul3A_1925 = arith.muli %select_n3A_1790, %mul3A_1924 : i32
        %add3A_1926 = arith.constant 3 : i32
        %add3A_1927 = arith.addi %mul3A_1925, %add3A_1926 : i32
        %dma_wait3A_1928 = arith.constant 1 : i32
        %dma_wait3A_1929 = arith.constant 104 : i32
        %dma_wait3A_1930 = arith.constant 0 : i32
        %dma_wait3A_1931 = tpu.memref_slice %arg10[%dma_wait3A_1929, %dma_wait3A_1930] : memref<128x129xf32, #tpu.memory_space<vmem>> -> memref<8x128xf32, #tpu.memory_space<vmem>>
        %dma_wait3A_1932 = arith.constant 0 : i32
        %dma_wait3A_1933 = arith.constant 0 : i32
        %dma_wait3A_1934 = tpu.memref_slice %arg4[%select_n3A_1774, %dma_wait3A_1928, %add3A_1927, %dma_wait3A_1932, %dma_wait3A_1933] : memref<200x4x128x8x128xf32, #tpu.memory_space<hbm>> -> memref<1x1x1x8x128xf32, #tpu.memory_space<hbm>>
        %dma_wait3A_1935 = tpu.memref_squeeze %dma_wait3A_1934 : memref<1x1x1x8x128xf32, #tpu.memory_space<hbm>> -> memref<8x128xf32, #tpu.memory_space<hbm>>
        %dma_wait3A_1936 = arith.constant 0 : i32
        %dma_wait3A_1937 = arith.constant 0 : i32
        %dma_wait3A_1938 = tpu.memref_slice %arg4[%select_n3A_1774, %dma_wait3A_1928, %add3A_1927, %dma_wait3A_1936, %dma_wait3A_1937] : memref<200x4x128x8x128xf32, #tpu.memory_space<hbm>> -> memref<1x1x1x8x128xf32, #tpu.memory_space<hbm>>
        %dma_wait3A_1939 = tpu.memref_squeeze %dma_wait3A_1938 : memref<1x1x1x8x128xf32, #tpu.memory_space<hbm>> -> memref<8x128xf32, #tpu.memory_space<hbm>>
        %dma_wait3A_1940 = arith.constant 104 : i32
        %dma_wait3A_1941 = arith.constant 0 : i32
        %dma_wait3A_1942 = tpu.memref_slice %arg10[%dma_wait3A_1940, %dma_wait3A_1941] : memref<128x129xf32, #tpu.memory_space<vmem>> -> memref<8x128xf32, #tpu.memory_space<vmem>>
        tpu.wait_dma2 semaphore(%arg16 : memref<!tpu.dma_semaphore, #tpu.memory_space<semaphore_mem>>) src(%dma_wait3A_1942 : memref<8x128xf32, #tpu.memory_space<vmem>>) dst(%dma_wait3A_1939 : memref<8x128xf32, #tpu.memory_space<hbm>>)
        %mul3A_1943 = arith.constant 4 : i32
        %mul3A_1944 = arith.muli %select_n3A_1790, %mul3A_1943 : i32
        %add3A_1945 = arith.constant 0 : i32
        %add3A_1946 = arith.addi %mul3A_1944, %add3A_1945 : i32
        %dma_wait3A_1947 = arith.constant 2 : i32
        %dma_wait3A_1948 = arith.constant 16 : i32
        %dma_wait3A_1949 = arith.constant 0 : i32
        %dma_wait3A_1950 = tpu.memref_slice %arg10[%dma_wait3A_1948, %dma_wait3A_1949] : memref<128x129xf32, #tpu.memory_space<vmem>> -> memref<8x128xf32, #tpu.memory_space<vmem>>
        %dma_wait3A_1951 = arith.constant 0 : i32
        %dma_wait3A_1952 = arith.constant 0 : i32
        %dma_wait3A_1953 = tpu.memref_slice %arg4[%select_n3A_1774, %dma_wait3A_1947, %add3A_1946, %dma_wait3A_1951, %dma_wait3A_1952] : memref<200x4x128x8x128xf32, #tpu.memory_space<hbm>> -> memref<1x1x1x8x128xf32, #tpu.memory_space<hbm>>
        %dma_wait3A_1954 = tpu.memref_squeeze %dma_wait3A_1953 : memref<1x1x1x8x128xf32, #tpu.memory_space<hbm>> -> memref<8x128xf32, #tpu.memory_space<hbm>>
        %dma_wait3A_1955 = arith.constant 0 : i32
        %dma_wait3A_1956 = arith.constant 0 : i32
        %dma_wait3A_1957 = tpu.memref_slice %arg4[%select_n3A_1774, %dma_wait3A_1947, %add3A_1946, %dma_wait3A_1955, %dma_wait3A_1956] : memref<200x4x128x8x128xf32, #tpu.memory_space<hbm>> -> memref<1x1x1x8x128xf32, #tpu.memory_space<hbm>>
        %dma_wait3A_1958 = tpu.memref_squeeze %dma_wait3A_1957 : memref<1x1x1x8x128xf32, #tpu.memory_space<hbm>> -> memref<8x128xf32, #tpu.memory_space<hbm>>
        %dma_wait3A_1959 = arith.constant 16 : i32
        %dma_wait3A_1960 = arith.constant 0 : i32
        %dma_wait3A_1961 = tpu.memref_slice %arg10[%dma_wait3A_1959, %dma_wait3A_1960] : memref<128x129xf32, #tpu.memory_space<vmem>> -> memref<8x128xf32, #tpu.memory_space<vmem>>
        tpu.wait_dma2 semaphore(%arg16 : memref<!tpu.dma_semaphore, #tpu.memory_space<semaphore_mem>>) src(%dma_wait3A_1961 : memref<8x128xf32, #tpu.memory_space<vmem>>) dst(%dma_wait3A_1958 : memref<8x128xf32, #tpu.memory_space<hbm>>)
        %mul3A_1962 = arith.constant 4 : i32
        %mul3A_1963 = arith.muli %select_n3A_1790, %mul3A_1962 : i32
        %add3A_1964 = arith.constant 1 : i32
        %add3A_1965 = arith.addi %mul3A_1963, %add3A_1964 : i32
        %dma_wait3A_1966 = arith.constant 2 : i32
        %dma_wait3A_1967 = arith.constant 48 : i32
        %dma_wait3A_1968 = arith.constant 0 : i32
        %dma_wait3A_1969 = tpu.memref_slice %arg10[%dma_wait3A_1967, %dma_wait3A_1968] : memref<128x129xf32, #tpu.memory_space<vmem>> -> memref<8x128xf32, #tpu.memory_space<vmem>>
        %dma_wait3A_1970 = arith.constant 0 : i32
        %dma_wait3A_1971 = arith.constant 0 : i32
        %dma_wait3A_1972 = tpu.memref_slice %arg4[%select_n3A_1774, %dma_wait3A_1966, %add3A_1965, %dma_wait3A_1970, %dma_wait3A_1971] : memref<200x4x128x8x128xf32, #tpu.memory_space<hbm>> -> memref<1x1x1x8x128xf32, #tpu.memory_space<hbm>>
        %dma_wait3A_1973 = tpu.memref_squeeze %dma_wait3A_1972 : memref<1x1x1x8x128xf32, #tpu.memory_space<hbm>> -> memref<8x128xf32, #tpu.memory_space<hbm>>
        %dma_wait3A_1974 = arith.constant 0 : i32
        %dma_wait3A_1975 = arith.constant 0 : i32
        %dma_wait3A_1976 = tpu.memref_slice %arg4[%select_n3A_1774, %dma_wait3A_1966, %add3A_1965, %dma_wait3A_1974, %dma_wait3A_1975] : memref<200x4x128x8x128xf32, #tpu.memory_space<hbm>> -> memref<1x1x1x8x128xf32, #tpu.memory_space<hbm>>
        %dma_wait3A_1977 = tpu.memref_squeeze %dma_wait3A_1976 : memref<1x1x1x8x128xf32, #tpu.memory_space<hbm>> -> memref<8x128xf32, #tpu.memory_space<hbm>>
        %dma_wait3A_1978 = arith.constant 48 : i32
        %dma_wait3A_1979 = arith.constant 0 : i32
        %dma_wait3A_1980 = tpu.memref_slice %arg10[%dma_wait3A_1978, %dma_wait3A_1979] : memref<128x129xf32, #tpu.memory_space<vmem>> -> memref<8x128xf32, #tpu.memory_space<vmem>>
        tpu.wait_dma2 semaphore(%arg16 : memref<!tpu.dma_semaphore, #tpu.memory_space<semaphore_mem>>) src(%dma_wait3A_1980 : memref<8x128xf32, #tpu.memory_space<vmem>>) dst(%dma_wait3A_1977 : memref<8x128xf32, #tpu.memory_space<hbm>>)
        %mul3A_1981 = arith.constant 4 : i32
        %mul3A_1982 = arith.muli %select_n3A_1790, %mul3A_1981 : i32
        %add3A_1983 = arith.constant 2 : i32
        %add3A_1984 = arith.addi %mul3A_1982, %add3A_1983 : i32
        %dma_wait3A_1985 = arith.constant 2 : i32
        %dma_wait3A_1986 = arith.constant 80 : i32
        %dma_wait3A_1987 = arith.constant 0 : i32
        %dma_wait3A_1988 = tpu.memref_slice %arg10[%dma_wait3A_1986, %dma_wait3A_1987] : memref<128x129xf32, #tpu.memory_space<vmem>> -> memref<8x128xf32, #tpu.memory_space<vmem>>
        %dma_wait3A_1989 = arith.constant 0 : i32
        %dma_wait3A_1990 = arith.constant 0 : i32
        %dma_wait3A_1991 = tpu.memref_slice %arg4[%select_n3A_1774, %dma_wait3A_1985, %add3A_1984, %dma_wait3A_1989, %dma_wait3A_1990] : memref<200x4x128x8x128xf32, #tpu.memory_space<hbm>> -> memref<1x1x1x8x128xf32, #tpu.memory_space<hbm>>
        %dma_wait3A_1992 = tpu.memref_squeeze %dma_wait3A_1991 : memref<1x1x1x8x128xf32, #tpu.memory_space<hbm>> -> memref<8x128xf32, #tpu.memory_space<hbm>>
        %dma_wait3A_1993 = arith.constant 0 : i32
        %dma_wait3A_1994 = arith.constant 0 : i32
        %dma_wait3A_1995 = tpu.memref_slice %arg4[%select_n3A_1774, %dma_wait3A_1985, %add3A_1984, %dma_wait3A_1993, %dma_wait3A_1994] : memref<200x4x128x8x128xf32, #tpu.memory_space<hbm>> -> memref<1x1x1x8x128xf32, #tpu.memory_space<hbm>>
        %dma_wait3A_1996 = tpu.memref_squeeze %dma_wait3A_1995 : memref<1x1x1x8x128xf32, #tpu.memory_space<hbm>> -> memref<8x128xf32, #tpu.memory_space<hbm>>
        %dma_wait3A_1997 = arith.constant 80 : i32
        %dma_wait3A_1998 = arith.constant 0 : i32
        %dma_wait3A_1999 = tpu.memref_slice %arg10[%dma_wait3A_1997, %dma_wait3A_1998] : memref<128x129xf32, #tpu.memory_space<vmem>> -> memref<8x128xf32, #tpu.memory_space<vmem>>
        tpu.wait_dma2 semaphore(%arg16 : memref<!tpu.dma_semaphore, #tpu.memory_space<semaphore_mem>>) src(%dma_wait3A_1999 : memref<8x128xf32, #tpu.memory_space<vmem>>) dst(%dma_wait3A_1996 : memref<8x128xf32, #tpu.memory_space<hbm>>)
        %mul3A_2000 = arith.constant 4 : i32
        %mul3A_2001 = arith.muli %select_n3A_1790, %mul3A_2000 : i32
        %add3A_2002 = arith.constant 3 : i32
        %add3A_2003 = arith.addi %mul3A_2001, %add3A_2002 : i32
        %dma_wait3A_2004 = arith.constant 2 : i32
        %dma_wait3A_2005 = arith.constant 112 : i32
        %dma_wait3A_2006 = arith.constant 0 : i32
        %dma_wait3A_2007 = tpu.memref_slice %arg10[%dma_wait3A_2005, %dma_wait3A_2006] : memref<128x129xf32, #tpu.memory_space<vmem>> -> memref<8x128xf32, #tpu.memory_space<vmem>>
        %dma_wait3A_2008 = arith.constant 0 : i32
        %dma_wait3A_2009 = arith.constant 0 : i32
        %dma_wait3A_2010 = tpu.memref_slice %arg4[%select_n3A_1774, %dma_wait3A_2004, %add3A_2003, %dma_wait3A_2008, %dma_wait3A_2009] : memref<200x4x128x8x128xf32, #tpu.memory_space<hbm>> -> memref<1x1x1x8x128xf32, #tpu.memory_space<hbm>>
        %dma_wait3A_2011 = tpu.memref_squeeze %dma_wait3A_2010 : memref<1x1x1x8x128xf32, #tpu.memory_space<hbm>> -> memref<8x128xf32, #tpu.memory_space<hbm>>
        %dma_wait3A_2012 = arith.constant 0 : i32
        %dma_wait3A_2013 = arith.constant 0 : i32
        %dma_wait3A_2014 = tpu.memref_slice %arg4[%select_n3A_1774, %dma_wait3A_2004, %add3A_2003, %dma_wait3A_2012, %dma_wait3A_2013] : memref<200x4x128x8x128xf32, #tpu.memory_space<hbm>> -> memref<1x1x1x8x128xf32, #tpu.memory_space<hbm>>
        %dma_wait3A_2015 = tpu.memref_squeeze %dma_wait3A_2014 : memref<1x1x1x8x128xf32, #tpu.memory_space<hbm>> -> memref<8x128xf32, #tpu.memory_space<hbm>>
        %dma_wait3A_2016 = arith.constant 112 : i32
        %dma_wait3A_2017 = arith.constant 0 : i32
        %dma_wait3A_2018 = tpu.memref_slice %arg10[%dma_wait3A_2016, %dma_wait3A_2017] : memref<128x129xf32, #tpu.memory_space<vmem>> -> memref<8x128xf32, #tpu.memory_space<vmem>>
        tpu.wait_dma2 semaphore(%arg16 : memref<!tpu.dma_semaphore, #tpu.memory_space<semaphore_mem>>) src(%dma_wait3A_2018 : memref<8x128xf32, #tpu.memory_space<vmem>>) dst(%dma_wait3A_2015 : memref<8x128xf32, #tpu.memory_space<hbm>>)
        %mul3A_2019 = arith.constant 4 : i32
        %mul3A_2020 = arith.muli %select_n3A_1790, %mul3A_2019 : i32
        %add3A_2021 = arith.constant 0 : i32
        %add3A_2022 = arith.addi %mul3A_2020, %add3A_2021 : i32
        %dma_wait3A_2023 = arith.constant 3 : i32
        %dma_wait3A_2024 = arith.constant 24 : i32
        %dma_wait3A_2025 = arith.constant 0 : i32
        %dma_wait3A_2026 = tpu.memref_slice %arg10[%dma_wait3A_2024, %dma_wait3A_2025] : memref<128x129xf32, #tpu.memory_space<vmem>> -> memref<8x128xf32, #tpu.memory_space<vmem>>
        %dma_wait3A_2027 = arith.constant 0 : i32
        %dma_wait3A_2028 = arith.constant 0 : i32
        %dma_wait3A_2029 = tpu.memref_slice %arg4[%select_n3A_1774, %dma_wait3A_2023, %add3A_2022, %dma_wait3A_2027, %dma_wait3A_2028] : memref<200x4x128x8x128xf32, #tpu.memory_space<hbm>> -> memref<1x1x1x8x128xf32, #tpu.memory_space<hbm>>
        %dma_wait3A_2030 = tpu.memref_squeeze %dma_wait3A_2029 : memref<1x1x1x8x128xf32, #tpu.memory_space<hbm>> -> memref<8x128xf32, #tpu.memory_space<hbm>>
        %dma_wait3A_2031 = arith.constant 0 : i32
        %dma_wait3A_2032 = arith.constant 0 : i32
        %dma_wait3A_2033 = tpu.memref_slice %arg4[%select_n3A_1774, %dma_wait3A_2023, %add3A_2022, %dma_wait3A_2031, %dma_wait3A_2032] : memref<200x4x128x8x128xf32, #tpu.memory_space<hbm>> -> memref<1x1x1x8x128xf32, #tpu.memory_space<hbm>>
        %dma_wait3A_2034 = tpu.memref_squeeze %dma_wait3A_2033 : memref<1x1x1x8x128xf32, #tpu.memory_space<hbm>> -> memref<8x128xf32, #tpu.memory_space<hbm>>
        %dma_wait3A_2035 = arith.constant 24 : i32
        %dma_wait3A_2036 = arith.constant 0 : i32
        %dma_wait3A_2037 = tpu.memref_slice %arg10[%dma_wait3A_2035, %dma_wait3A_2036] : memref<128x129xf32, #tpu.memory_space<vmem>> -> memref<8x128xf32, #tpu.memory_space<vmem>>
        tpu.wait_dma2 semaphore(%arg16 : memref<!tpu.dma_semaphore, #tpu.memory_space<semaphore_mem>>) src(%dma_wait3A_2037 : memref<8x128xf32, #tpu.memory_space<vmem>>) dst(%dma_wait3A_2034 : memref<8x128xf32, #tpu.memory_space<hbm>>)
        %mul3A_2038 = arith.constant 4 : i32
        %mul3A_2039 = arith.muli %select_n3A_1790, %mul3A_2038 : i32
        %add3A_2040 = arith.constant 1 : i32
        %add3A_2041 = arith.addi %mul3A_2039, %add3A_2040 : i32
        %dma_wait3A_2042 = arith.constant 3 : i32
        %dma_wait3A_2043 = arith.constant 56 : i32
        %dma_wait3A_2044 = arith.constant 0 : i32
        %dma_wait3A_2045 = tpu.memref_slice %arg10[%dma_wait3A_2043, %dma_wait3A_2044] : memref<128x129xf32, #tpu.memory_space<vmem>> -> memref<8x128xf32, #tpu.memory_space<vmem>>
        %dma_wait3A_2046 = arith.constant 0 : i32
        %dma_wait3A_2047 = arith.constant 0 : i32
        %dma_wait3A_2048 = tpu.memref_slice %arg4[%select_n3A_1774, %dma_wait3A_2042, %add3A_2041, %dma_wait3A_2046, %dma_wait3A_2047] : memref<200x4x128x8x128xf32, #tpu.memory_space<hbm>> -> memref<1x1x1x8x128xf32, #tpu.memory_space<hbm>>
        %dma_wait3A_2049 = tpu.memref_squeeze %dma_wait3A_2048 : memref<1x1x1x8x128xf32, #tpu.memory_space<hbm>> -> memref<8x128xf32, #tpu.memory_space<hbm>>
        %dma_wait3A_2050 = arith.constant 0 : i32
        %dma_wait3A_2051 = arith.constant 0 : i32
        %dma_wait3A_2052 = tpu.memref_slice %arg4[%select_n3A_1774, %dma_wait3A_2042, %add3A_2041, %dma_wait3A_2050, %dma_wait3A_2051] : memref<200x4x128x8x128xf32, #tpu.memory_space<hbm>> -> memref<1x1x1x8x128xf32, #tpu.memory_space<hbm>>
        %dma_wait3A_2053 = tpu.memref_squeeze %dma_wait3A_2052 : memref<1x1x1x8x128xf32, #tpu.memory_space<hbm>> -> memref<8x128xf32, #tpu.memory_space<hbm>>
        %dma_wait3A_2054 = arith.constant 56 : i32
        %dma_wait3A_2055 = arith.constant 0 : i32
        %dma_wait3A_2056 = tpu.memref_slice %arg10[%dma_wait3A_2054, %dma_wait3A_2055] : memref<128x129xf32, #tpu.memory_space<vmem>> -> memref<8x128xf32, #tpu.memory_space<vmem>>
        tpu.wait_dma2 semaphore(%arg16 : memref<!tpu.dma_semaphore, #tpu.memory_space<semaphore_mem>>) src(%dma_wait3A_2056 : memref<8x128xf32, #tpu.memory_space<vmem>>) dst(%dma_wait3A_2053 : memref<8x128xf32, #tpu.memory_space<hbm>>)
        %mul3A_2057 = arith.constant 4 : i32
        %mul3A_2058 = arith.muli %select_n3A_1790, %mul3A_2057 : i32
        %add3A_2059 = arith.constant 2 : i32
        %add3A_2060 = arith.addi %mul3A_2058, %add3A_2059 : i32
        %dma_wait3A_2061 = arith.constant 3 : i32
        %dma_wait3A_2062 = arith.constant 88 : i32
        %dma_wait3A_2063 = arith.constant 0 : i32
        %dma_wait3A_2064 = tpu.memref_slice %arg10[%dma_wait3A_2062, %dma_wait3A_2063] : memref<128x129xf32, #tpu.memory_space<vmem>> -> memref<8x128xf32, #tpu.memory_space<vmem>>
        %dma_wait3A_2065 = arith.constant 0 : i32
        %dma_wait3A_2066 = arith.constant 0 : i32
        %dma_wait3A_2067 = tpu.memref_slice %arg4[%select_n3A_1774, %dma_wait3A_2061, %add3A_2060, %dma_wait3A_2065, %dma_wait3A_2066] : memref<200x4x128x8x128xf32, #tpu.memory_space<hbm>> -> memref<1x1x1x8x128xf32, #tpu.memory_space<hbm>>
        %dma_wait3A_2068 = tpu.memref_squeeze %dma_wait3A_2067 : memref<1x1x1x8x128xf32, #tpu.memory_space<hbm>> -> memref<8x128xf32, #tpu.memory_space<hbm>>
        %dma_wait3A_2069 = arith.constant 0 : i32
        %dma_wait3A_2070 = arith.constant 0 : i32
        %dma_wait3A_2071 = tpu.memref_slice %arg4[%select_n3A_1774, %dma_wait3A_2061, %add3A_2060, %dma_wait3A_2069, %dma_wait3A_2070] : memref<200x4x128x8x128xf32, #tpu.memory_space<hbm>> -> memref<1x1x1x8x128xf32, #tpu.memory_space<hbm>>
        %dma_wait3A_2072 = tpu.memref_squeeze %dma_wait3A_2071 : memref<1x1x1x8x128xf32, #tpu.memory_space<hbm>> -> memref<8x128xf32, #tpu.memory_space<hbm>>
        %dma_wait3A_2073 = arith.constant 88 : i32
        %dma_wait3A_2074 = arith.constant 0 : i32
        %dma_wait3A_2075 = tpu.memref_slice %arg10[%dma_wait3A_2073, %dma_wait3A_2074] : memref<128x129xf32, #tpu.memory_space<vmem>> -> memref<8x128xf32, #tpu.memory_space<vmem>>
        tpu.wait_dma2 semaphore(%arg16 : memref<!tpu.dma_semaphore, #tpu.memory_space<semaphore_mem>>) src(%dma_wait3A_2075 : memref<8x128xf32, #tpu.memory_space<vmem>>) dst(%dma_wait3A_2072 : memref<8x128xf32, #tpu.memory_space<hbm>>)
        %mul3A_2076 = arith.constant 4 : i32
        %mul3A_2077 = arith.muli %select_n3A_1790, %mul3A_2076 : i32
        %add3A_2078 = arith.constant 3 : i32
        %add3A_2079 = arith.addi %mul3A_2077, %add3A_2078 : i32
        %dma_wait3A_2080 = arith.constant 3 : i32
        %dma_wait3A_2081 = arith.constant 120 : i32
        %dma_wait3A_2082 = arith.constant 0 : i32
        %dma_wait3A_2083 = tpu.memref_slice %arg10[%dma_wait3A_2081, %dma_wait3A_2082] : memref<128x129xf32, #tpu.memory_space<vmem>> -> memref<8x128xf32, #tpu.memory_space<vmem>>
        %dma_wait3A_2084 = arith.constant 0 : i32
        %dma_wait3A_2085 = arith.constant 0 : i32
        %dma_wait3A_2086 = tpu.memref_slice %arg4[%select_n3A_1774, %dma_wait3A_2080, %add3A_2079, %dma_wait3A_2084, %dma_wait3A_2085] : memref<200x4x128x8x128xf32, #tpu.memory_space<hbm>> -> memref<1x1x1x8x128xf32, #tpu.memory_space<hbm>>
        %dma_wait3A_2087 = tpu.memref_squeeze %dma_wait3A_2086 : memref<1x1x1x8x128xf32, #tpu.memory_space<hbm>> -> memref<8x128xf32, #tpu.memory_space<hbm>>
        %dma_wait3A_2088 = arith.constant 0 : i32
        %dma_wait3A_2089 = arith.constant 0 : i32
        %dma_wait3A_2090 = tpu.memref_slice %arg4[%select_n3A_1774, %dma_wait3A_2080, %add3A_2079, %dma_wait3A_2088, %dma_wait3A_2089] : memref<200x4x128x8x128xf32, #tpu.memory_space<hbm>> -> memref<1x1x1x8x128xf32, #tpu.memory_space<hbm>>
        %dma_wait3A_2091 = tpu.memref_squeeze %dma_wait3A_2090 : memref<1x1x1x8x128xf32, #tpu.memory_space<hbm>> -> memref<8x128xf32, #tpu.memory_space<hbm>>
        %dma_wait3A_2092 = arith.constant 120 : i32
        %dma_wait3A_2093 = arith.constant 0 : i32
        %dma_wait3A_2094 = tpu.memref_slice %arg10[%dma_wait3A_2092, %dma_wait3A_2093] : memref<128x129xf32, #tpu.memory_space<vmem>> -> memref<8x128xf32, #tpu.memory_space<vmem>>
        tpu.wait_dma2 semaphore(%arg16 : memref<!tpu.dma_semaphore, #tpu.memory_space<semaphore_mem>>) src(%dma_wait3A_2094 : memref<8x128xf32, #tpu.memory_space<vmem>>) dst(%dma_wait3A_2091 : memref<8x128xf32, #tpu.memory_space<hbm>>)
      } else {
      }
      %parallel_loop3A_1404 = arith.constant 0 : i32
      %parallel_loop3A_1405 = arith.constant 512 : i32
      %parallel_loop3A_1406 = arith.constant 1 : i32
      scf.for %parallel_loop3A_1751 = %parallel_loop3A_1404 to %parallel_loop3A_1405 step %parallel_loop3A_1406  : i32 {
        %parallel_loop3A_1752 = arith.constant 128 : i32
        %parallel_loop3A_1753 = arith.divsi %parallel_loop3A_1751, %parallel_loop3A_1752 : i32
        %parallel_loop3A_1754 = arith.constant 0 : i32
        %parallel_loop3A_1755 = arith.cmpi sgt, %parallel_loop3A_1751, %parallel_loop3A_1754 : i32
        %parallel_loop3A_1756 = arith.extui %parallel_loop3A_1755 : i1 to i32
        %parallel_loop3A_1757 = arith.constant 0 : i32
        %parallel_loop3A_1758 = arith.cmpi slt, %parallel_loop3A_1751, %parallel_loop3A_1757 : i32
        %parallel_loop3A_1759 = arith.extui %parallel_loop3A_1758 : i1 to i32
        %parallel_loop3A_1760 = arith.subi %parallel_loop3A_1756, %parallel_loop3A_1759 : i32
        %parallel_loop3A_1761 = arith.constant 0 : i32
        %parallel_loop3A_1762 = arith.cmpi sgt, %parallel_loop3A_1752, %parallel_loop3A_1761 : i32
        %parallel_loop3A_1763 = arith.extui %parallel_loop3A_1762 : i1 to i32
        %parallel_loop3A_1764 = arith.constant 0 : i32
        %parallel_loop3A_1765 = arith.cmpi slt, %parallel_loop3A_1752, %parallel_loop3A_1764 : i32
        %parallel_loop3A_1766 = arith.extui %parallel_loop3A_1765 : i1 to i32
        %parallel_loop3A_1767 = arith.subi %parallel_loop3A_1763, %parallel_loop3A_1766 : i32
        %parallel_loop3A_1768 = arith.cmpi ne, %parallel_loop3A_1760, %parallel_loop3A_1767 : i32
        %parallel_loop3A_1769 = arith.remsi %parallel_loop3A_1751, %parallel_loop3A_1752 : i32
        %parallel_loop3A_1770 = arith.constant 0 : i32
        %parallel_loop3A_1771 = arith.cmpi ne, %parallel_loop3A_1769, %parallel_loop3A_1770 : i32
        %parallel_loop3A_1772 = arith.andi %parallel_loop3A_1768, %parallel_loop3A_1771 : i1
        %parallel_loop3A_1773 = arith.constant 1 : i32
        %parallel_loop3A_1774 = arith.subi %parallel_loop3A_1753, %parallel_loop3A_1773 : i32
        %parallel_loop3A_1775 = arith.select %parallel_loop3A_1772, %parallel_loop3A_1774, %parallel_loop3A_1753 : i32
        %parallel_loop3A_1776 = arith.constant 128 : i32
        %parallel_loop3A_1777 = arith.muli %parallel_loop3A_1775, %parallel_loop3A_1776 : i32
        %parallel_loop3A_1778 = arith.subi %parallel_loop3A_1751, %parallel_loop3A_1777 : i32
        %parallel_loop3A_1779 = arith.constant 0 : i32
        %parallel_loop3A_1780 = vector.broadcast %parallel_loop3A_1779 : i32 to vector<16xi32>
        %parallel_loop3A_1781 = vector.broadcast %parallel_loop3A_1778 : i32 to vector<16xi32>
        %parallel_loop3A_1782 = arith.addi %parallel_loop3A_1780, %parallel_loop3A_1781 : vector<16xi32>
        %parallel_loop3A_1783 = arith.index_cast %parallel_loop3A_1775 : i32 to index
        %parallel_loop3A_1784 = arith.index_cast %parallel_loop3A_1778 : i32 to index
        %parallel_loop3A_1785 = arith.constant 0 : index
        %parallel_loop3A_1786 = tpu.vector_load %arg8[%parallel_loop3A_1783, %parallel_loop3A_1784, %parallel_loop3A_1785] {strides = array<i32>} : memref<4x128x32xf32, #tpu.memory_space<vmem>>, vector<16xf32>,
        %parallel_loop3A_1787 = arith.constant 32 : i32
        %parallel_loop3A_1788 = arith.muli %parallel_loop3A_1775, %parallel_loop3A_1787 : i32
        %parallel_loop3A_1789 = arith.constant 0 : i32
        %parallel_loop3A_1790 = arith.addi %parallel_loop3A_1789, %parallel_loop3A_1788 : i32
        %parallel_loop3A_1791 = vector.broadcast %parallel_loop3A_1790 : i32 to vector<16xi32>
        %parallel_loop3A_1792 = arith.addi %iota3A, %parallel_loop3A_1791 : vector<16xi32>
        tpu.vector_store_idx %arg10[%parallel_loop3A_1792, %parallel_loop3A_1782], %parallel_loop3A_1786 : memref<128x129xf32, #tpu.memory_space<vmem>>[vector<16xi32>, vector<16xi32>], vector<16xf32>,
        %parallel_loop3A_1793 = arith.index_cast %parallel_loop3A_1775 : i32 to index
        %parallel_loop3A_1794 = arith.index_cast %parallel_loop3A_1778 : i32 to index
        %parallel_loop3A_1795 = arith.constant 16 : index
        %parallel_loop3A_1796 = tpu.vector_load %arg8[%parallel_loop3A_1793, %parallel_loop3A_1794, %parallel_loop3A_1795] {strides = array<i32>} : memref<4x128x32xf32, #tpu.memory_space<vmem>>, vector<16xf32>,
        %parallel_loop3A_1797 = arith.constant 32 : i32
        %parallel_loop3A_1798 = arith.muli %parallel_loop3A_1775, %parallel_loop3A_1797 : i32
        %parallel_loop3A_1799 = arith.constant 16 : i32
        %parallel_loop3A_1800 = arith.addi %parallel_loop3A_1799, %parallel_loop3A_1798 : i32
        %parallel_loop3A_1801 = vector.broadcast %parallel_loop3A_1800 : i32 to vector<16xi32>
        %parallel_loop3A_1802 = arith.addi %iota3A, %parallel_loop3A_1801 : vector<16xi32>
        tpu.vector_store_idx %arg10[%parallel_loop3A_1802, %parallel_loop3A_1782], %parallel_loop3A_1796 : memref<128x129xf32, #tpu.memory_space<vmem>>[vector<16xi32>, vector<16xi32>], vector<16xf32>,
      } {sc.loop_unroll_factor = 8 : i64, sc.parallel_access}
      %jit3A_1407 = arith.constant 32 : i32
      %div3A_1408 = arith.divsi %add3A_1336, %jit3A_1407 : i32
      %sign3A_1409 = arith.constant 0 : i32
      %sign3A_1410 = arith.cmpi sgt, %add3A_1336, %sign3A_1409 : i32
      %sign3A_1411 = arith.extui %sign3A_1410 : i1 to i32
      %sign3A_1412 = arith.constant 0 : i32
      %sign3A_1413 = arith.cmpi slt, %add3A_1336, %sign3A_1412 : i32
      %sign3A_1414 = arith.extui %sign3A_1413 : i1 to i32
      %sign3A_1415 = arith.subi %sign3A_1411, %sign3A_1414 : i32
      %sign3A_1416 = arith.constant 0 : i32
      %sign3A_1417 = arith.cmpi sgt, %jit3A_1407, %sign3A_1416 : i32
      %sign3A_1418 = arith.extui %sign3A_1417 : i1 to i32
      %sign3A_1419 = arith.constant 0 : i32
      %sign3A_1420 = arith.cmpi slt, %jit3A_1407, %sign3A_1419 : i32
      %sign3A_1421 = arith.extui %sign3A_1420 : i1 to i32
      %sign3A_1422 = arith.subi %sign3A_1418, %sign3A_1421 : i32
      %ne3A_1423 = arith.cmpi ne, %sign3A_1415, %sign3A_1422 : i32
      %rem3A_1424 = arith.remsi %add3A_1336, %jit3A_1407 : i32
      %ne3A_1425 = arith.constant 0 : i32
      %ne3A_1426 = arith.cmpi ne, %rem3A_1424, %ne3A_1425 : i32
      %and3A_1427 = arith.andi %ne3A_1423, %ne3A_1426 : i1
      %sub3A_1428 = arith.constant 1 : i32
      %sub3A_1429 = arith.subi %div3A_1408, %sub3A_1428 : i32
      %select_n3A_1430 = arith.select %and3A_1427, %sub3A_1429, %div3A_1408 : i32
      %jit3A_1431 = arith.constant 32 : i32
      %eq3A_1432 = arith.constant 0 : i32
      %eq3A_1433 = arith.cmpi eq, %jit3A_1431, %eq3A_1432 : i32
      %jit3A_1434 = arith.constant 1 : i32
      %select_n3A_1435 = arith.select %eq3A_1433, %jit3A_1434, %jit3A_1431 : i32
      %rem3A_1436 = arith.remsi %add3A_1336, %select_n3A_1435 : i32
      %ne3A_1437 = arith.constant 0 : i32
      %ne3A_1438 = arith.cmpi ne, %rem3A_1436, %ne3A_1437 : i32
      %lt3A_1439 = arith.constant 0 : i32
      %lt3A_1440 = arith.cmpi slt, %rem3A_1436, %lt3A_1439 : i32
      %lt3A_1441 = arith.constant 0 : i32
      %lt3A_1442 = arith.cmpi slt, %select_n3A_1435, %lt3A_1441 : i32
      %ne3A_1443 = arith.xori %lt3A_1440, %lt3A_1442 : i1
      %and3A_1444 = arith.andi %ne3A_1443, %ne3A_1438 : i1
      %add3A_1445 = arith.addi %rem3A_1436, %select_n3A_1435 : i32
      %select_n3A_1446 = arith.select %and3A_1444, %add3A_1445, %rem3A_1436 : i32
      %mul3A_1447 = arith.constant 4 : i32
      %mul3A_1448 = arith.muli %select_n3A_1446, %mul3A_1447 : i32
      %add3A_1449 = arith.constant 0 : i32
      %add3A_1450 = arith.addi %mul3A_1448, %add3A_1449 : i32
      %dma_start3A_1451 = arith.constant 0 : i32
      %dma_start3A_1452 = arith.constant 0 : i32
      %dma_start3A_1453 = arith.constant 0 : i32
      %dma_start3A_1454 = tpu.memref_slice %arg10[%dma_start3A_1452, %dma_start3A_1453] : memref<128x129xf32, #tpu.memory_space<vmem>> -> memref<8x128xf32, #tpu.memory_space<vmem>>
      %dma_start3A_1455 = arith.constant 0 : i32
      %dma_start3A_1456 = arith.constant 0 : i32
      %dma_start3A_1457 = tpu.memref_slice %arg4[%select_n3A_1430, %dma_start3A_1451, %add3A_1450, %dma_start3A_1455, %dma_start3A_1456] : memref<200x4x128x8x128xf32, #tpu.memory_space<hbm>> -> memref<1x1x1x8x128xf32, #tpu.memory_space<hbm>>
      %dma_start3A_1458 = tpu.memref_squeeze %dma_start3A_1457 : memref<1x1x1x8x128xf32, #tpu.memory_space<hbm>> -> memref<8x128xf32, #tpu.memory_space<hbm>>
      %dma_start3A_1459 = arith.constant 0 : i32
      %dma_start3A_1460 = arith.constant 0 : i32
      %dma_start3A_1461 = tpu.memref_slice %arg4[%select_n3A_1430, %dma_start3A_1451, %add3A_1450, %dma_start3A_1459, %dma_start3A_1460] : memref<200x4x128x8x128xf32, #tpu.memory_space<hbm>> -> memref<1x1x1x8x128xf32, #tpu.memory_space<hbm>>
      %dma_start3A_1462 = tpu.memref_squeeze %dma_start3A_1461 : memref<1x1x1x8x128xf32, #tpu.memory_space<hbm>> -> memref<8x128xf32, #tpu.memory_space<hbm>>
      %dma_start3A_1463 = arith.constant 0 : i32
      %dma_start3A_1464 = arith.constant 0 : i32
      %dma_start3A_1465 = tpu.memref_slice %arg10[%dma_start3A_1463, %dma_start3A_1464] : memref<128x129xf32, #tpu.memory_space<vmem>> -> memref<8x128xf32, #tpu.memory_space<vmem>>
      tpu.enqueue_dma source(%dma_start3A_1465 : memref<8x128xf32, #tpu.memory_space<vmem>>) target(%dma_start3A_1462 : memref<8x128xf32, #tpu.memory_space<hbm>>) target_semaphore(%arg16 : memref<!tpu.dma_semaphore, #tpu.memory_space<semaphore_mem>>)
      %mul3A_1466 = arith.constant 4 : i32
      %mul3A_1467 = arith.muli %select_n3A_1446, %mul3A_1466 : i32
      %add3A_1468 = arith.constant 1 : i32
      %add3A_1469 = arith.addi %mul3A_1467, %add3A_1468 : i32
      %dma_start3A_1470 = arith.constant 0 : i32
      %dma_start3A_1471 = arith.constant 32 : i32
      %dma_start3A_1472 = arith.constant 0 : i32
      %dma_start3A_1473 = tpu.memref_slice %arg10[%dma_start3A_1471, %dma_start3A_1472] : memref<128x129xf32, #tpu.memory_space<vmem>> -> memref<8x128xf32, #tpu.memory_space<vmem>>
      %dma_start3A_1474 = arith.constant 0 : i32
      %dma_start3A_1475 = arith.constant 0 : i32
      %dma_start3A_1476 = tpu.memref_slice %arg4[%select_n3A_1430, %dma_start3A_1470, %add3A_1469, %dma_start3A_1474, %dma_start3A_1475] : memref<200x4x128x8x128xf32, #tpu.memory_space<hbm>> -> memref<1x1x1x8x128xf32, #tpu.memory_space<hbm>>
      %dma_start3A_1477 = tpu.memref_squeeze %dma_start3A_1476 : memref<1x1x1x8x128xf32, #tpu.memory_space<hbm>> -> memref<8x128xf32, #tpu.memory_space<hbm>>
      %dma_start3A_1478 = arith.constant 0 : i32
      %dma_start3A_1479 = arith.constant 0 : i32
      %dma_start3A_1480 = tpu.memref_slice %arg4[%select_n3A_1430, %dma_start3A_1470, %add3A_1469, %dma_start3A_1478, %dma_start3A_1479] : memref<200x4x128x8x128xf32, #tpu.memory_space<hbm>> -> memref<1x1x1x8x128xf32, #tpu.memory_space<hbm>>
      %dma_start3A_1481 = tpu.memref_squeeze %dma_start3A_1480 : memref<1x1x1x8x128xf32, #tpu.memory_space<hbm>> -> memref<8x128xf32, #tpu.memory_space<hbm>>
      %dma_start3A_1482 = arith.constant 32 : i32
      %dma_start3A_1483 = arith.constant 0 : i32
      %dma_start3A_1484 = tpu.memref_slice %arg10[%dma_start3A_1482, %dma_start3A_1483] : memref<128x129xf32, #tpu.memory_space<vmem>> -> memref<8x128xf32, #tpu.memory_space<vmem>>
      tpu.enqueue_dma source(%dma_start3A_1484 : memref<8x128xf32, #tpu.memory_space<vmem>>) target(%dma_start3A_1481 : memref<8x128xf32, #tpu.memory_space<hbm>>) target_semaphore(%arg16 : memref<!tpu.dma_semaphore, #tpu.memory_space<semaphore_mem>>)
      %mul3A_1485 = arith.constant 4 : i32
      %mul3A_1486 = arith.muli %select_n3A_1446, %mul3A_1485 : i32
      %add3A_1487 = arith.constant 2 : i32
      %add3A_1488 = arith.addi %mul3A_1486, %add3A_1487 : i32
      %dma_start3A_1489 = arith.constant 0 : i32
      %dma_start3A_1490 = arith.constant 64 : i32
      %dma_start3A_1491 = arith.constant 0 : i32
      %dma_start3A_1492 = tpu.memref_slice %arg10[%dma_start3A_1490, %dma_start3A_1491] : memref<128x129xf32, #tpu.memory_space<vmem>> -> memref<8x128xf32, #tpu.memory_space<vmem>>
      %dma_start3A_1493 = arith.constant 0 : i32
      %dma_start3A_1494 = arith.constant 0 : i32
      %dma_start3A_1495 = tpu.memref_slice %arg4[%select_n3A_1430, %dma_start3A_1489, %add3A_1488, %dma_start3A_1493, %dma_start3A_1494] : memref<200x4x128x8x128xf32, #tpu.memory_space<hbm>> -> memref<1x1x1x8x128xf32, #tpu.memory_space<hbm>>
      %dma_start3A_1496 = tpu.memref_squeeze %dma_start3A_1495 : memref<1x1x1x8x128xf32, #tpu.memory_space<hbm>> -> memref<8x128xf32, #tpu.memory_space<hbm>>
      %dma_start3A_1497 = arith.constant 0 : i32
      %dma_start3A_1498 = arith.constant 0 : i32
      %dma_start3A_1499 = tpu.memref_slice %arg4[%select_n3A_1430, %dma_start3A_1489, %add3A_1488, %dma_start3A_1497, %dma_start3A_1498] : memref<200x4x128x8x128xf32, #tpu.memory_space<hbm>> -> memref<1x1x1x8x128xf32, #tpu.memory_space<hbm>>
      %dma_start3A_1500 = tpu.memref_squeeze %dma_start3A_1499 : memref<1x1x1x8x128xf32, #tpu.memory_space<hbm>> -> memref<8x128xf32, #tpu.memory_space<hbm>>
      %dma_start3A_1501 = arith.constant 64 : i32
      %dma_start3A_1502 = arith.constant 0 : i32
      %dma_start3A_1503 = tpu.memref_slice %arg10[%dma_start3A_1501, %dma_start3A_1502] : memref<128x129xf32, #tpu.memory_space<vmem>> -> memref<8x128xf32, #tpu.memory_space<vmem>>
      tpu.enqueue_dma source(%dma_start3A_1503 : memref<8x128xf32, #tpu.memory_space<vmem>>) target(%dma_start3A_1500 : memref<8x128xf32, #tpu.memory_space<hbm>>) target_semaphore(%arg16 : memref<!tpu.dma_semaphore, #tpu.memory_space<semaphore_mem>>)
      %mul3A_1504 = arith.constant 4 : i32
      %mul3A_1505 = arith.muli %select_n3A_1446, %mul3A_1504 : i32
      %add3A_1506 = arith.constant 3 : i32
      %add3A_1507 = arith.addi %mul3A_1505, %add3A_1506 : i32
      %dma_start3A_1508 = arith.constant 0 : i32
      %dma_start3A_1509 = arith.constant 96 : i32
      %dma_start3A_1510 = arith.constant 0 : i32
      %dma_start3A_1511 = tpu.memref_slice %arg10[%dma_start3A_1509, %dma_start3A_1510] : memref<128x129xf32, #tpu.memory_space<vmem>> -> memref<8x128xf32, #tpu.memory_space<vmem>>
      %dma_start3A_1512 = arith.constant 0 : i32
      %dma_start3A_1513 = arith.constant 0 : i32
      %dma_start3A_1514 = tpu.memref_slice %arg4[%select_n3A_1430, %dma_start3A_1508, %add3A_1507, %dma_start3A_1512, %dma_start3A_1513] : memref<200x4x128x8x128xf32, #tpu.memory_space<hbm>> -> memref<1x1x1x8x128xf32, #tpu.memory_space<hbm>>
      %dma_start3A_1515 = tpu.memref_squeeze %dma_start3A_1514 : memref<1x1x1x8x128xf32, #tpu.memory_space<hbm>> -> memref<8x128xf32, #tpu.memory_space<hbm>>
      %dma_start3A_1516 = arith.constant 0 : i32
      %dma_start3A_1517 = arith.constant 0 : i32
      %dma_start3A_1518 = tpu.memref_slice %arg4[%select_n3A_1430, %dma_start3A_1508, %add3A_1507, %dma_start3A_1516, %dma_start3A_1517] : memref<200x4x128x8x128xf32, #tpu.memory_space<hbm>> -> memref<1x1x1x8x128xf32, #tpu.memory_space<hbm>>
      %dma_start3A_1519 = tpu.memref_squeeze %dma_start3A_1518 : memref<1x1x1x8x128xf32, #tpu.memory_space<hbm>> -> memref<8x128xf32, #tpu.memory_space<hbm>>
      %dma_start3A_1520 = arith.constant 96 : i32
      %dma_start3A_1521 = arith.constant 0 : i32
      %dma_start3A_1522 = tpu.memref_slice %arg10[%dma_start3A_1520, %dma_start3A_1521] : memref<128x129xf32, #tpu.memory_space<vmem>> -> memref<8x128xf32, #tpu.memory_space<vmem>>
      tpu.enqueue_dma source(%dma_start3A_1522 : memref<8x128xf32, #tpu.memory_space<vmem>>) target(%dma_start3A_1519 : memref<8x128xf32, #tpu.memory_space<hbm>>) target_semaphore(%arg16 : memref<!tpu.dma_semaphore, #tpu.memory_space<semaphore_mem>>)
      %mul3A_1523 = arith.constant 4 : i32
      %mul3A_1524 = arith.muli %select_n3A_1446, %mul3A_1523 : i32
      %add3A_1525 = arith.constant 0 : i32
      %add3A_1526 = arith.addi %mul3A_1524, %add3A_1525 : i32
      %dma_start3A_1527 = arith.constant 1 : i32
      %dma_start3A_1528 = arith.constant 8 : i32
      %dma_start3A_1529 = arith.constant 0 : i32
      %dma_start3A_1530 = tpu.memref_slice %arg10[%dma_start3A_1528, %dma_start3A_1529] : memref<128x129xf32, #tpu.memory_space<vmem>> -> memref<8x128xf32, #tpu.memory_space<vmem>>
      %dma_start3A_1531 = arith.constant 0 : i32
      %dma_start3A_1532 = arith.constant 0 : i32
      %dma_start3A_1533 = tpu.memref_slice %arg4[%select_n3A_1430, %dma_start3A_1527, %add3A_1526, %dma_start3A_1531, %dma_start3A_1532] : memref<200x4x128x8x128xf32, #tpu.memory_space<hbm>> -> memref<1x1x1x8x128xf32, #tpu.memory_space<hbm>>
      %dma_start3A_1534 = tpu.memref_squeeze %dma_start3A_1533 : memref<1x1x1x8x128xf32, #tpu.memory_space<hbm>> -> memref<8x128xf32, #tpu.memory_space<hbm>>
      %dma_start3A_1535 = arith.constant 0 : i32
      %dma_start3A_1536 = arith.constant 0 : i32
      %dma_start3A_1537 = tpu.memref_slice %arg4[%select_n3A_1430, %dma_start3A_1527, %add3A_1526, %dma_start3A_1535, %dma_start3A_1536] : memref<200x4x128x8x128xf32, #tpu.memory_space<hbm>> -> memref<1x1x1x8x128xf32, #tpu.memory_space<hbm>>
      %dma_start3A_1538 = tpu.memref_squeeze %dma_start3A_1537 : memref<1x1x1x8x128xf32, #tpu.memory_space<hbm>> -> memref<8x128xf32, #tpu.memory_space<hbm>>
      %dma_start3A_1539 = arith.constant 8 : i32
      %dma_start3A_1540 = arith.constant 0 : i32
      %dma_start3A_1541 = tpu.memref_slice %arg10[%dma_start3A_1539, %dma_start3A_1540] : memref<128x129xf32, #tpu.memory_space<vmem>> -> memref<8x128xf32, #tpu.memory_space<vmem>>
      tpu.enqueue_dma source(%dma_start3A_1541 : memref<8x128xf32, #tpu.memory_space<vmem>>) target(%dma_start3A_1538 : memref<8x128xf32, #tpu.memory_space<hbm>>) target_semaphore(%arg16 : memref<!tpu.dma_semaphore, #tpu.memory_space<semaphore_mem>>)
      %mul3A_1542 = arith.constant 4 : i32
      %mul3A_1543 = arith.muli %select_n3A_1446, %mul3A_1542 : i32
      %add3A_1544 = arith.constant 1 : i32
      %add3A_1545 = arith.addi %mul3A_1543, %add3A_1544 : i32
      %dma_start3A_1546 = arith.constant 1 : i32
      %dma_start3A_1547 = arith.constant 40 : i32
      %dma_start3A_1548 = arith.constant 0 : i32
      %dma_start3A_1549 = tpu.memref_slice %arg10[%dma_start3A_1547, %dma_start3A_1548] : memref<128x129xf32, #tpu.memory_space<vmem>> -> memref<8x128xf32, #tpu.memory_space<vmem>>
      %dma_start3A_1550 = arith.constant 0 : i32
      %dma_start3A_1551 = arith.constant 0 : i32
      %dma_start3A_1552 = tpu.memref_slice %arg4[%select_n3A_1430, %dma_start3A_1546, %add3A_1545, %dma_start3A_1550, %dma_start3A_1551] : memref<200x4x128x8x128xf32, #tpu.memory_space<hbm>> -> memref<1x1x1x8x128xf32, #tpu.memory_space<hbm>>
      %dma_start3A_1553 = tpu.memref_squeeze %dma_start3A_1552 : memref<1x1x1x8x128xf32, #tpu.memory_space<hbm>> -> memref<8x128xf32, #tpu.memory_space<hbm>>
      %dma_start3A_1554 = arith.constant 0 : i32
      %dma_start3A_1555 = arith.constant 0 : i32
      %dma_start3A_1556 = tpu.memref_slice %arg4[%select_n3A_1430, %dma_start3A_1546, %add3A_1545, %dma_start3A_1554, %dma_start3A_1555] : memref<200x4x128x8x128xf32, #tpu.memory_space<hbm>> -> memref<1x1x1x8x128xf32, #tpu.memory_space<hbm>>
      %dma_start3A_1557 = tpu.memref_squeeze %dma_start3A_1556 : memref<1x1x1x8x128xf32, #tpu.memory_space<hbm>> -> memref<8x128xf32, #tpu.memory_space<hbm>>
      %dma_start3A_1558 = arith.constant 40 : i32
      %dma_start3A_1559 = arith.constant 0 : i32
      %dma_start3A_1560 = tpu.memref_slice %arg10[%dma_start3A_1558, %dma_start3A_1559] : memref<128x129xf32, #tpu.memory_space<vmem>> -> memref<8x128xf32, #tpu.memory_space<vmem>>
      tpu.enqueue_dma source(%dma_start3A_1560 : memref<8x128xf32, #tpu.memory_space<vmem>>) target(%dma_start3A_1557 : memref<8x128xf32, #tpu.memory_space<hbm>>) target_semaphore(%arg16 : memref<!tpu.dma_semaphore, #tpu.memory_space<semaphore_mem>>)
      %mul3A_1561 = arith.constant 4 : i32
      %mul3A_1562 = arith.muli %select_n3A_1446, %mul3A_1561 : i32
      %add3A_1563 = arith.constant 2 : i32
      %add3A_1564 = arith.addi %mul3A_1562, %add3A_1563 : i32
      %dma_start3A_1565 = arith.constant 1 : i32
      %dma_start3A_1566 = arith.constant 72 : i32
      %dma_start3A_1567 = arith.constant 0 : i32
      %dma_start3A_1568 = tpu.memref_slice %arg10[%dma_start3A_1566, %dma_start3A_1567] : memref<128x129xf32, #tpu.memory_space<vmem>> -> memref<8x128xf32, #tpu.memory_space<vmem>>
      %dma_start3A_1569 = arith.constant 0 : i32
      %dma_start3A_1570 = arith.constant 0 : i32
      %dma_start3A_1571 = tpu.memref_slice %arg4[%select_n3A_1430, %dma_start3A_1565, %add3A_1564, %dma_start3A_1569, %dma_start3A_1570] : memref<200x4x128x8x128xf32, #tpu.memory_space<hbm>> -> memref<1x1x1x8x128xf32, #tpu.memory_space<hbm>>
      %dma_start3A_1572 = tpu.memref_squeeze %dma_start3A_1571 : memref<1x1x1x8x128xf32, #tpu.memory_space<hbm>> -> memref<8x128xf32, #tpu.memory_space<hbm>>
      %dma_start3A_1573 = arith.constant 0 : i32
      %dma_start3A_1574 = arith.constant 0 : i32
      %dma_start3A_1575 = tpu.memref_slice %arg4[%select_n3A_1430, %dma_start3A_1565, %add3A_1564, %dma_start3A_1573, %dma_start3A_1574] : memref<200x4x128x8x128xf32, #tpu.memory_space<hbm>> -> memref<1x1x1x8x128xf32, #tpu.memory_space<hbm>>
      %dma_start3A_1576 = tpu.memref_squeeze %dma_start3A_1575 : memref<1x1x1x8x128xf32, #tpu.memory_space<hbm>> -> memref<8x128xf32, #tpu.memory_space<hbm>>
      %dma_start3A_1577 = arith.constant 72 : i32
      %dma_start3A_1578 = arith.constant 0 : i32
      %dma_start3A_1579 = tpu.memref_slice %arg10[%dma_start3A_1577, %dma_start3A_1578] : memref<128x129xf32, #tpu.memory_space<vmem>> -> memref<8x128xf32, #tpu.memory_space<vmem>>
      tpu.enqueue_dma source(%dma_start3A_1579 : memref<8x128xf32, #tpu.memory_space<vmem>>) target(%dma_start3A_1576 : memref<8x128xf32, #tpu.memory_space<hbm>>) target_semaphore(%arg16 : memref<!tpu.dma_semaphore, #tpu.memory_space<semaphore_mem>>)
      %mul3A_1580 = arith.constant 4 : i32
      %mul3A_1581 = arith.muli %select_n3A_1446, %mul3A_1580 : i32
      %add3A_1582 = arith.constant 3 : i32
      %add3A_1583 = arith.addi %mul3A_1581, %add3A_1582 : i32
      %dma_start3A_1584 = arith.constant 1 : i32
      %dma_start3A_1585 = arith.constant 104 : i32
      %dma_start3A_1586 = arith.constant 0 : i32
      %dma_start3A_1587 = tpu.memref_slice %arg10[%dma_start3A_1585, %dma_start3A_1586] : memref<128x129xf32, #tpu.memory_space<vmem>> -> memref<8x128xf32, #tpu.memory_space<vmem>>
      %dma_start3A_1588 = arith.constant 0 : i32
      %dma_start3A_1589 = arith.constant 0 : i32
      %dma_start3A_1590 = tpu.memref_slice %arg4[%select_n3A_1430, %dma_start3A_1584, %add3A_1583, %dma_start3A_1588, %dma_start3A_1589] : memref<200x4x128x8x128xf32, #tpu.memory_space<hbm>> -> memref<1x1x1x8x128xf32, #tpu.memory_space<hbm>>
      %dma_start3A_1591 = tpu.memref_squeeze %dma_start3A_1590 : memref<1x1x1x8x128xf32, #tpu.memory_space<hbm>> -> memref<8x128xf32, #tpu.memory_space<hbm>>
      %dma_start3A_1592 = arith.constant 0 : i32
      %dma_start3A_1593 = arith.constant 0 : i32
      %dma_start3A_1594 = tpu.memref_slice %arg4[%select_n3A_1430, %dma_start3A_1584, %add3A_1583, %dma_start3A_1592, %dma_start3A_1593] : memref<200x4x128x8x128xf32, #tpu.memory_space<hbm>> -> memref<1x1x1x8x128xf32, #tpu.memory_space<hbm>>
      %dma_start3A_1595 = tpu.memref_squeeze %dma_start3A_1594 : memref<1x1x1x8x128xf32, #tpu.memory_space<hbm>> -> memref<8x128xf32, #tpu.memory_space<hbm>>
      %dma_start3A_1596 = arith.constant 104 : i32
      %dma_start3A_1597 = arith.constant 0 : i32
      %dma_start3A_1598 = tpu.memref_slice %arg10[%dma_start3A_1596, %dma_start3A_1597] : memref<128x129xf32, #tpu.memory_space<vmem>> -> memref<8x128xf32, #tpu.memory_space<vmem>>
      tpu.enqueue_dma source(%dma_start3A_1598 : memref<8x128xf32, #tpu.memory_space<vmem>>) target(%dma_start3A_1595 : memref<8x128xf32, #tpu.memory_space<hbm>>) target_semaphore(%arg16 : memref<!tpu.dma_semaphore, #tpu.memory_space<semaphore_mem>>)
      %mul3A_1599 = arith.constant 4 : i32
      %mul3A_1600 = arith.muli %select_n3A_1446, %mul3A_1599 : i32
      %add3A_1601 = arith.constant 0 : i32
      %add3A_1602 = arith.addi %mul3A_1600, %add3A_1601 : i32
      %dma_start3A_1603 = arith.constant 2 : i32
      %dma_start3A_1604 = arith.constant 16 : i32
      %dma_start3A_1605 = arith.constant 0 : i32
      %dma_start3A_1606 = tpu.memref_slice %arg10[%dma_start3A_1604, %dma_start3A_1605] : memref<128x129xf32, #tpu.memory_space<vmem>> -> memref<8x128xf32, #tpu.memory_space<vmem>>
      %dma_start3A_1607 = arith.constant 0 : i32
      %dma_start3A_1608 = arith.constant 0 : i32
      %dma_start3A_1609 = tpu.memref_slice %arg4[%select_n3A_1430, %dma_start3A_1603, %add3A_1602, %dma_start3A_1607, %dma_start3A_1608] : memref<200x4x128x8x128xf32, #tpu.memory_space<hbm>> -> memref<1x1x1x8x128xf32, #tpu.memory_space<hbm>>
      %dma_start3A_1610 = tpu.memref_squeeze %dma_start3A_1609 : memref<1x1x1x8x128xf32, #tpu.memory_space<hbm>> -> memref<8x128xf32, #tpu.memory_space<hbm>>
      %dma_start3A_1611 = arith.constant 0 : i32
      %dma_start3A_1612 = arith.constant 0 : i32
      %dma_start3A_1613 = tpu.memref_slice %arg4[%select_n3A_1430, %dma_start3A_1603, %add3A_1602, %dma_start3A_1611, %dma_start3A_1612] : memref<200x4x128x8x128xf32, #tpu.memory_space<hbm>> -> memref<1x1x1x8x128xf32, #tpu.memory_space<hbm>>
      %dma_start3A_1614 = tpu.memref_squeeze %dma_start3A_1613 : memref<1x1x1x8x128xf32, #tpu.memory_space<hbm>> -> memref<8x128xf32, #tpu.memory_space<hbm>>
      %dma_start3A_1615 = arith.constant 16 : i32
      %dma_start3A_1616 = arith.constant 0 : i32
      %dma_start3A_1617 = tpu.memref_slice %arg10[%dma_start3A_1615, %dma_start3A_1616] : memref<128x129xf32, #tpu.memory_space<vmem>> -> memref<8x128xf32, #tpu.memory_space<vmem>>
      tpu.enqueue_dma source(%dma_start3A_1617 : memref<8x128xf32, #tpu.memory_space<vmem>>) target(%dma_start3A_1614 : memref<8x128xf32, #tpu.memory_space<hbm>>) target_semaphore(%arg16 : memref<!tpu.dma_semaphore, #tpu.memory_space<semaphore_mem>>)
      %mul3A_1618 = arith.constant 4 : i32
      %mul3A_1619 = arith.muli %select_n3A_1446, %mul3A_1618 : i32
      %add3A_1620 = arith.constant 1 : i32
      %add3A_1621 = arith.addi %mul3A_1619, %add3A_1620 : i32
      %dma_start3A_1622 = arith.constant 2 : i32
      %dma_start3A_1623 = arith.constant 48 : i32
      %dma_start3A_1624 = arith.constant 0 : i32
      %dma_start3A_1625 = tpu.memref_slice %arg10[%dma_start3A_1623, %dma_start3A_1624] : memref<128x129xf32, #tpu.memory_space<vmem>> -> memref<8x128xf32, #tpu.memory_space<vmem>>
      %dma_start3A_1626 = arith.constant 0 : i32
      %dma_start3A_1627 = arith.constant 0 : i32
      %dma_start3A_1628 = tpu.memref_slice %arg4[%select_n3A_1430, %dma_start3A_1622, %add3A_1621, %dma_start3A_1626, %dma_start3A_1627] : memref<200x4x128x8x128xf32, #tpu.memory_space<hbm>> -> memref<1x1x1x8x128xf32, #tpu.memory_space<hbm>>
      %dma_start3A_1629 = tpu.memref_squeeze %dma_start3A_1628 : memref<1x1x1x8x128xf32, #tpu.memory_space<hbm>> -> memref<8x128xf32, #tpu.memory_space<hbm>>
      %dma_start3A_1630 = arith.constant 0 : i32
      %dma_start3A_1631 = arith.constant 0 : i32
      %dma_start3A_1632 = tpu.memref_slice %arg4[%select_n3A_1430, %dma_start3A_1622, %add3A_1621, %dma_start3A_1630, %dma_start3A_1631] : memref<200x4x128x8x128xf32, #tpu.memory_space<hbm>> -> memref<1x1x1x8x128xf32, #tpu.memory_space<hbm>>
      %dma_start3A_1633 = tpu.memref_squeeze %dma_start3A_1632 : memref<1x1x1x8x128xf32, #tpu.memory_space<hbm>> -> memref<8x128xf32, #tpu.memory_space<hbm>>
      %dma_start3A_1634 = arith.constant 48 : i32
      %dma_start3A_1635 = arith.constant 0 : i32
      %dma_start3A_1636 = tpu.memref_slice %arg10[%dma_start3A_1634, %dma_start3A_1635] : memref<128x129xf32, #tpu.memory_space<vmem>> -> memref<8x128xf32, #tpu.memory_space<vmem>>
      tpu.enqueue_dma source(%dma_start3A_1636 : memref<8x128xf32, #tpu.memory_space<vmem>>) target(%dma_start3A_1633 : memref<8x128xf32, #tpu.memory_space<hbm>>) target_semaphore(%arg16 : memref<!tpu.dma_semaphore, #tpu.memory_space<semaphore_mem>>)
      %mul3A_1637 = arith.constant 4 : i32
      %mul3A_1638 = arith.muli %select_n3A_1446, %mul3A_1637 : i32
      %add3A_1639 = arith.constant 2 : i32
      %add3A_1640 = arith.addi %mul3A_1638, %add3A_1639 : i32
      %dma_start3A_1641 = arith.constant 2 : i32
      %dma_start3A_1642 = arith.constant 80 : i32
      %dma_start3A_1643 = arith.constant 0 : i32
      %dma_start3A_1644 = tpu.memref_slice %arg10[%dma_start3A_1642, %dma_start3A_1643] : memref<128x129xf32, #tpu.memory_space<vmem>> -> memref<8x128xf32, #tpu.memory_space<vmem>>
      %dma_start3A_1645 = arith.constant 0 : i32
      %dma_start3A_1646 = arith.constant 0 : i32
      %dma_start3A_1647 = tpu.memref_slice %arg4[%select_n3A_1430, %dma_start3A_1641, %add3A_1640, %dma_start3A_1645, %dma_start3A_1646] : memref<200x4x128x8x128xf32, #tpu.memory_space<hbm>> -> memref<1x1x1x8x128xf32, #tpu.memory_space<hbm>>
      %dma_start3A_1648 = tpu.memref_squeeze %dma_start3A_1647 : memref<1x1x1x8x128xf32, #tpu.memory_space<hbm>> -> memref<8x128xf32, #tpu.memory_space<hbm>>
      %dma_start3A_1649 = arith.constant 0 : i32
      %dma_start3A_1650 = arith.constant 0 : i32
      %dma_start3A_1651 = tpu.memref_slice %arg4[%select_n3A_1430, %dma_start3A_1641, %add3A_1640, %dma_start3A_1649, %dma_start3A_1650] : memref<200x4x128x8x128xf32, #tpu.memory_space<hbm>> -> memref<1x1x1x8x128xf32, #tpu.memory_space<hbm>>
      %dma_start3A_1652 = tpu.memref_squeeze %dma_start3A_1651 : memref<1x1x1x8x128xf32, #tpu.memory_space<hbm>> -> memref<8x128xf32, #tpu.memory_space<hbm>>
      %dma_start3A_1653 = arith.constant 80 : i32
      %dma_start3A_1654 = arith.constant 0 : i32
      %dma_start3A_1655 = tpu.memref_slice %arg10[%dma_start3A_1653, %dma_start3A_1654] : memref<128x129xf32, #tpu.memory_space<vmem>> -> memref<8x128xf32, #tpu.memory_space<vmem>>
      tpu.enqueue_dma source(%dma_start3A_1655 : memref<8x128xf32, #tpu.memory_space<vmem>>) target(%dma_start3A_1652 : memref<8x128xf32, #tpu.memory_space<hbm>>) target_semaphore(%arg16 : memref<!tpu.dma_semaphore, #tpu.memory_space<semaphore_mem>>)
      %mul3A_1656 = arith.constant 4 : i32
      %mul3A_1657 = arith.muli %select_n3A_1446, %mul3A_1656 : i32
      %add3A_1658 = arith.constant 3 : i32
      %add3A_1659 = arith.addi %mul3A_1657, %add3A_1658 : i32
      %dma_start3A_1660 = arith.constant 2 : i32
      %dma_start3A_1661 = arith.constant 112 : i32
      %dma_start3A_1662 = arith.constant 0 : i32
      %dma_start3A_1663 = tpu.memref_slice %arg10[%dma_start3A_1661, %dma_start3A_1662] : memref<128x129xf32, #tpu.memory_space<vmem>> -> memref<8x128xf32, #tpu.memory_space<vmem>>
      %dma_start3A_1664 = arith.constant 0 : i32
      %dma_start3A_1665 = arith.constant 0 : i32
      %dma_start3A_1666 = tpu.memref_slice %arg4[%select_n3A_1430, %dma_start3A_1660, %add3A_1659, %dma_start3A_1664, %dma_start3A_1665] : memref<200x4x128x8x128xf32, #tpu.memory_space<hbm>> -> memref<1x1x1x8x128xf32, #tpu.memory_space<hbm>>
      %dma_start3A_1667 = tpu.memref_squeeze %dma_start3A_1666 : memref<1x1x1x8x128xf32, #tpu.memory_space<hbm>> -> memref<8x128xf32, #tpu.memory_space<hbm>>
      %dma_start3A_1668 = arith.constant 0 : i32
      %dma_start3A_1669 = arith.constant 0 : i32
      %dma_start3A_1670 = tpu.memref_slice %arg4[%select_n3A_1430, %dma_start3A_1660, %add3A_1659, %dma_start3A_1668, %dma_start3A_1669] : memref<200x4x128x8x128xf32, #tpu.memory_space<hbm>> -> memref<1x1x1x8x128xf32, #tpu.memory_space<hbm>>
      %dma_start3A_1671 = tpu.memref_squeeze %dma_start3A_1670 : memref<1x1x1x8x128xf32, #tpu.memory_space<hbm>> -> memref<8x128xf32, #tpu.memory_space<hbm>>
      %dma_start3A_1672 = arith.constant 112 : i32
      %dma_start3A_1673 = arith.constant 0 : i32
      %dma_start3A_1674 = tpu.memref_slice %arg10[%dma_start3A_1672, %dma_start3A_1673] : memref<128x129xf32, #tpu.memory_space<vmem>> -> memref<8x128xf32, #tpu.memory_space<vmem>>
      tpu.enqueue_dma source(%dma_start3A_1674 : memref<8x128xf32, #tpu.memory_space<vmem>>) target(%dma_start3A_1671 : memref<8x128xf32, #tpu.memory_space<hbm>>) target_semaphore(%arg16 : memref<!tpu.dma_semaphore, #tpu.memory_space<semaphore_mem>>)
      %mul3A_1675 = arith.constant 4 : i32
      %mul3A_1676 = arith.muli %select_n3A_1446, %mul3A_1675 : i32
      %add3A_1677 = arith.constant 0 : i32
      %add3A_1678 = arith.addi %mul3A_1676, %add3A_1677 : i32
      %dma_start3A_1679 = arith.constant 3 : i32
      %dma_start3A_1680 = arith.constant 24 : i32
      %dma_start3A_1681 = arith.constant 0 : i32
      %dma_start3A_1682 = tpu.memref_slice %arg10[%dma_start3A_1680, %dma_start3A_1681] : memref<128x129xf32, #tpu.memory_space<vmem>> -> memref<8x128xf32, #tpu.memory_space<vmem>>
      %dma_start3A_1683 = arith.constant 0 : i32
      %dma_start3A_1684 = arith.constant 0 : i32
      %dma_start3A_1685 = tpu.memref_slice %arg4[%select_n3A_1430, %dma_start3A_1679, %add3A_1678, %dma_start3A_1683, %dma_start3A_1684] : memref<200x4x128x8x128xf32, #tpu.memory_space<hbm>> -> memref<1x1x1x8x128xf32, #tpu.memory_space<hbm>>
      %dma_start3A_1686 = tpu.memref_squeeze %dma_start3A_1685 : memref<1x1x1x8x128xf32, #tpu.memory_space<hbm>> -> memref<8x128xf32, #tpu.memory_space<hbm>>
      %dma_start3A_1687 = arith.constant 0 : i32
      %dma_start3A_1688 = arith.constant 0 : i32
      %dma_start3A_1689 = tpu.memref_slice %arg4[%select_n3A_1430, %dma_start3A_1679, %add3A_1678, %dma_start3A_1687, %dma_start3A_1688] : memref<200x4x128x8x128xf32, #tpu.memory_space<hbm>> -> memref<1x1x1x8x128xf32, #tpu.memory_space<hbm>>
      %dma_start3A_1690 = tpu.memref_squeeze %dma_start3A_1689 : memref<1x1x1x8x128xf32, #tpu.memory_space<hbm>> -> memref<8x128xf32, #tpu.memory_space<hbm>>
      %dma_start3A_1691 = arith.constant 24 : i32
      %dma_start3A_1692 = arith.constant 0 : i32
      %dma_start3A_1693 = tpu.memref_slice %arg10[%dma_start3A_1691, %dma_start3A_1692] : memref<128x129xf32, #tpu.memory_space<vmem>> -> memref<8x128xf32, #tpu.memory_space<vmem>>
      tpu.enqueue_dma source(%dma_start3A_1693 : memref<8x128xf32, #tpu.memory_space<vmem>>) target(%dma_start3A_1690 : memref<8x128xf32, #tpu.memory_space<hbm>>) target_semaphore(%arg16 : memref<!tpu.dma_semaphore, #tpu.memory_space<semaphore_mem>>)
      %mul3A_1694 = arith.constant 4 : i32
      %mul3A_1695 = arith.muli %select_n3A_1446, %mul3A_1694 : i32
      %add3A_1696 = arith.constant 1 : i32
      %add3A_1697 = arith.addi %mul3A_1695, %add3A_1696 : i32
      %dma_start3A_1698 = arith.constant 3 : i32
      %dma_start3A_1699 = arith.constant 56 : i32
      %dma_start3A_1700 = arith.constant 0 : i32
      %dma_start3A_1701 = tpu.memref_slice %arg10[%dma_start3A_1699, %dma_start3A_1700] : memref<128x129xf32, #tpu.memory_space<vmem>> -> memref<8x128xf32, #tpu.memory_space<vmem>>
      %dma_start3A_1702 = arith.constant 0 : i32
      %dma_start3A_1703 = arith.constant 0 : i32
      %dma_start3A_1704 = tpu.memref_slice %arg4[%select_n3A_1430, %dma_start3A_1698, %add3A_1697, %dma_start3A_1702, %dma_start3A_1703] : memref<200x4x128x8x128xf32, #tpu.memory_space<hbm>> -> memref<1x1x1x8x128xf32, #tpu.memory_space<hbm>>
      %dma_start3A_1705 = tpu.memref_squeeze %dma_start3A_1704 : memref<1x1x1x8x128xf32, #tpu.memory_space<hbm>> -> memref<8x128xf32, #tpu.memory_space<hbm>>
      %dma_start3A_1706 = arith.constant 0 : i32
      %dma_start3A_1707 = arith.constant 0 : i32
      %dma_start3A_1708 = tpu.memref_slice %arg4[%select_n3A_1430, %dma_start3A_1698, %add3A_1697, %dma_start3A_1706, %dma_start3A_1707] : memref<200x4x128x8x128xf32, #tpu.memory_space<hbm>> -> memref<1x1x1x8x128xf32, #tpu.memory_space<hbm>>
      %dma_start3A_1709 = tpu.memref_squeeze %dma_start3A_1708 : memref<1x1x1x8x128xf32, #tpu.memory_space<hbm>> -> memref<8x128xf32, #tpu.memory_space<hbm>>
      %dma_start3A_1710 = arith.constant 56 : i32
      %dma_start3A_1711 = arith.constant 0 : i32
      %dma_start3A_1712 = tpu.memref_slice %arg10[%dma_start3A_1710, %dma_start3A_1711] : memref<128x129xf32, #tpu.memory_space<vmem>> -> memref<8x128xf32, #tpu.memory_space<vmem>>
      tpu.enqueue_dma source(%dma_start3A_1712 : memref<8x128xf32, #tpu.memory_space<vmem>>) target(%dma_start3A_1709 : memref<8x128xf32, #tpu.memory_space<hbm>>) target_semaphore(%arg16 : memref<!tpu.dma_semaphore, #tpu.memory_space<semaphore_mem>>)
      %mul3A_1713 = arith.constant 4 : i32
      %mul3A_1714 = arith.muli %select_n3A_1446, %mul3A_1713 : i32
      %add3A_1715 = arith.constant 2 : i32
      %add3A_1716 = arith.addi %mul3A_1714, %add3A_1715 : i32
      %dma_start3A_1717 = arith.constant 3 : i32
      %dma_start3A_1718 = arith.constant 88 : i32
      %dma_start3A_1719 = arith.constant 0 : i32
      %dma_start3A_1720 = tpu.memref_slice %arg10[%dma_start3A_1718, %dma_start3A_1719] : memref<128x129xf32, #tpu.memory_space<vmem>> -> memref<8x128xf32, #tpu.memory_space<vmem>>
      %dma_start3A_1721 = arith.constant 0 : i32
      %dma_start3A_1722 = arith.constant 0 : i32
      %dma_start3A_1723 = tpu.memref_slice %arg4[%select_n3A_1430, %dma_start3A_1717, %add3A_1716, %dma_start3A_1721, %dma_start3A_1722] : memref<200x4x128x8x128xf32, #tpu.memory_space<hbm>> -> memref<1x1x1x8x128xf32, #tpu.memory_space<hbm>>
      %dma_start3A_1724 = tpu.memref_squeeze %dma_start3A_1723 : memref<1x1x1x8x128xf32, #tpu.memory_space<hbm>> -> memref<8x128xf32, #tpu.memory_space<hbm>>
      %dma_start3A_1725 = arith.constant 0 : i32
      %dma_start3A_1726 = arith.constant 0 : i32
      %dma_start3A_1727 = tpu.memref_slice %arg4[%select_n3A_1430, %dma_start3A_1717, %add3A_1716, %dma_start3A_1725, %dma_start3A_1726] : memref<200x4x128x8x128xf32, #tpu.memory_space<hbm>> -> memref<1x1x1x8x128xf32, #tpu.memory_space<hbm>>
      %dma_start3A_1728 = tpu.memref_squeeze %dma_start3A_1727 : memref<1x1x1x8x128xf32, #tpu.memory_space<hbm>> -> memref<8x128xf32, #tpu.memory_space<hbm>>
      %dma_start3A_1729 = arith.constant 88 : i32
      %dma_start3A_1730 = arith.constant 0 : i32
      %dma_start3A_1731 = tpu.memref_slice %arg10[%dma_start3A_1729, %dma_start3A_1730] : memref<128x129xf32, #tpu.memory_space<vmem>> -> memref<8x128xf32, #tpu.memory_space<vmem>>
      tpu.enqueue_dma source(%dma_start3A_1731 : memref<8x128xf32, #tpu.memory_space<vmem>>) target(%dma_start3A_1728 : memref<8x128xf32, #tpu.memory_space<hbm>>) target_semaphore(%arg16 : memref<!tpu.dma_semaphore, #tpu.memory_space<semaphore_mem>>)
      %mul3A_1732 = arith.constant 4 : i32
      %mul3A_1733 = arith.muli %select_n3A_1446, %mul3A_1732 : i32
      %add3A_1734 = arith.constant 3 : i32
      %add3A_1735 = arith.addi %mul3A_1733, %add3A_1734 : i32
      %dma_start3A_1736 = arith.constant 3 : i32
      %dma_start3A_1737 = arith.constant 120 : i32
      %dma_start3A_1738 = arith.constant 0 : i32
      %dma_start3A_1739 = tpu.memref_slice %arg10[%dma_start3A_1737, %dma_start3A_1738] : memref<128x129xf32, #tpu.memory_space<vmem>> -> memref<8x128xf32, #tpu.memory_space<vmem>>
      %dma_start3A_1740 = arith.constant 0 : i32
      %dma_start3A_1741 = arith.constant 0 : i32
      %dma_start3A_1742 = tpu.memref_slice %arg4[%select_n3A_1430, %dma_start3A_1736, %add3A_1735, %dma_start3A_1740, %dma_start3A_1741] : memref<200x4x128x8x128xf32, #tpu.memory_space<hbm>> -> memref<1x1x1x8x128xf32, #tpu.memory_space<hbm>>
      %dma_start3A_1743 = tpu.memref_squeeze %dma_start3A_1742 : memref<1x1x1x8x128xf32, #tpu.memory_space<hbm>> -> memref<8x128xf32, #tpu.memory_space<hbm>>
      %dma_start3A_1744 = arith.constant 0 : i32
      %dma_start3A_1745 = arith.constant 0 : i32
      %dma_start3A_1746 = tpu.memref_slice %arg4[%select_n3A_1430, %dma_start3A_1736, %add3A_1735, %dma_start3A_1744, %dma_start3A_1745] : memref<200x4x128x8x128xf32, #tpu.memory_space<hbm>> -> memref<1x1x1x8x128xf32, #tpu.memory_space<hbm>>
      %dma_start3A_1747 = tpu.memref_squeeze %dma_start3A_1746 : memref<1x1x1x8x128xf32, #tpu.memory_space<hbm>> -> memref<8x128xf32, #tpu.memory_space<hbm>>
      %dma_start3A_1748 = arith.constant 120 : i32
      %dma_start3A_1749 = arith.constant 0 : i32
      %dma_start3A_1750 = tpu.memref_slice %arg10[%dma_start3A_1748, %dma_start3A_1749] : memref<128x129xf32, #tpu.memory_space<vmem>> -> memref<8x128xf32, #tpu.memory_space<vmem>>
      tpu.enqueue_dma source(%dma_start3A_1750 : memref<8x128xf32, #tpu.memory_space<vmem>>) target(%dma_start3A_1747 : memref<8x128xf32, #tpu.memory_space<hbm>>) target_semaphore(%arg16 : memref<!tpu.dma_semaphore, #tpu.memory_space<semaphore_mem>>)
    }
    %scan3A_216 = arith.constant 100 : i32
    %add3A_217 = arith.constant 200 : i32
    %add3A_218 = arith.addi %mul3A_2, %add3A_217 : i32
    %sub3A_219 = arith.constant 2 : i32
    %sub3A_220 = arith.subi %add3A_218, %sub3A_219 : i32
    %add3A_221 = arith.constant 0 : i32
    %add3A_222 = arith.addi %sub3A_220, %add3A_221 : i32
    %jit3A_223 = arith.constant 32 : i32
    %div3A_224 = arith.divsi %add3A_222, %jit3A_223 : i32
    %sign3A_225 = arith.constant 0 : i32
    %sign3A_226 = arith.cmpi sgt, %add3A_222, %sign3A_225 : i32
    %sign3A_227 = arith.extui %sign3A_226 : i1 to i32
    %sign3A_228 = arith.constant 0 : i32
    %sign3A_229 = arith.cmpi slt, %add3A_222, %sign3A_228 : i32
    %sign3A_230 = arith.extui %sign3A_229 : i1 to i32
    %sign3A_231 = arith.subi %sign3A_227, %sign3A_230 : i32
    %sign3A_232 = arith.constant 0 : i32
    %sign3A_233 = arith.cmpi sgt, %jit3A_223, %sign3A_232 : i32
    %sign3A_234 = arith.extui %sign3A_233 : i1 to i32
    %sign3A_235 = arith.constant 0 : i32
    %sign3A_236 = arith.cmpi slt, %jit3A_223, %sign3A_235 : i32
    %sign3A_237 = arith.extui %sign3A_236 : i1 to i32
    %sign3A_238 = arith.subi %sign3A_234, %sign3A_237 : i32
    %ne3A_239 = arith.cmpi ne, %sign3A_231, %sign3A_238 : i32
    %rem3A_240 = arith.remsi %add3A_222, %jit3A_223 : i32
    %ne3A_241 = arith.constant 0 : i32
    %ne3A_242 = arith.cmpi ne, %rem3A_240, %ne3A_241 : i32
    %and3A_243 = arith.andi %ne3A_239, %ne3A_242 : i1
    %sub3A_244 = arith.constant 1 : i32
    %sub3A_245 = arith.subi %div3A_224, %sub3A_244 : i32
    %select_n3A_246 = arith.select %and3A_243, %sub3A_245, %div3A_224 : i32
    %jit3A_247 = arith.constant 32 : i32
    %eq3A_248 = arith.constant 0 : i32
    %eq3A_249 = arith.cmpi eq, %jit3A_247, %eq3A_248 : i32
    %jit3A_250 = arith.constant 1 : i32
    %select_n3A_251 = arith.select %eq3A_249, %jit3A_250, %jit3A_247 : i32
    %rem3A_252 = arith.remsi %add3A_222, %select_n3A_251 : i32
    %ne3A_253 = arith.constant 0 : i32
    %ne3A_254 = arith.cmpi ne, %rem3A_252, %ne3A_253 : i32
    %lt3A_255 = arith.constant 0 : i32
    %lt3A_256 = arith.cmpi slt, %rem3A_252, %lt3A_255 : i32
    %lt3A_257 = arith.constant 0 : i32
    %lt3A_258 = arith.cmpi slt, %select_n3A_251, %lt3A_257 : i32
    %ne3A_259 = arith.xori %lt3A_256, %lt3A_258 : i1
    %and3A_260 = arith.andi %ne3A_259, %ne3A_254 : i1
    %add3A_261 = arith.addi %rem3A_252, %select_n3A_251 : i32
    %select_n3A_262 = arith.select %and3A_260, %add3A_261, %rem3A_252 : i32
    %mul3A_263 = arith.constant 4 : i32
    %mul3A_264 = arith.muli %select_n3A_262, %mul3A_263 : i32
    %add3A_265 = arith.constant 0 : i32
    %add3A_266 = arith.addi %mul3A_264, %add3A_265 : i32
    %dma_wait3A = arith.constant 0 : i32
    %dma_wait3A_267 = arith.constant 0 : i32
    %dma_wait3A_268 = arith.constant 0 : i32
    %dma_wait3A_269 = tpu.memref_slice %arg9[%dma_wait3A_267, %dma_wait3A_268] : memref<128x129xf32, #tpu.memory_space<vmem>> -> memref<8x128xf32, #tpu.memory_space<vmem>>
    %dma_wait3A_270 = arith.constant 0 : i32
    %dma_wait3A_271 = arith.constant 0 : i32
    %dma_wait3A_272 = tpu.memref_slice %arg4[%select_n3A_246, %dma_wait3A, %add3A_266, %dma_wait3A_270, %dma_wait3A_271] : memref<200x4x128x8x128xf32, #tpu.memory_space<hbm>> -> memref<1x1x1x8x128xf32, #tpu.memory_space<hbm>>
    %dma_wait3A_273 = tpu.memref_squeeze %dma_wait3A_272 : memref<1x1x1x8x128xf32, #tpu.memory_space<hbm>> -> memref<8x128xf32, #tpu.memory_space<hbm>>
    %dma_wait3A_274 = arith.constant 0 : i32
    %dma_wait3A_275 = arith.constant 0 : i32
    %dma_wait3A_276 = tpu.memref_slice %arg4[%select_n3A_246, %dma_wait3A, %add3A_266, %dma_wait3A_274, %dma_wait3A_275] : memref<200x4x128x8x128xf32, #tpu.memory_space<hbm>> -> memref<1x1x1x8x128xf32, #tpu.memory_space<hbm>>
    %dma_wait3A_277 = tpu.memref_squeeze %dma_wait3A_276 : memref<1x1x1x8x128xf32, #tpu.memory_space<hbm>> -> memref<8x128xf32, #tpu.memory_space<hbm>>
    %dma_wait3A_278 = arith.constant 0 : i32
    %dma_wait3A_279 = arith.constant 0 : i32
    %dma_wait3A_280 = tpu.memref_slice %arg9[%dma_wait3A_278, %dma_wait3A_279] : memref<128x129xf32, #tpu.memory_space<vmem>> -> memref<8x128xf32, #tpu.memory_space<vmem>>
    tpu.wait_dma2 semaphore(%arg15 : memref<!tpu.dma_semaphore, #tpu.memory_space<semaphore_mem>>) src(%dma_wait3A_280 : memref<8x128xf32, #tpu.memory_space<vmem>>) dst(%dma_wait3A_277 : memref<8x128xf32, #tpu.memory_space<hbm>>)
    %mul3A_281 = arith.constant 4 : i32
    %mul3A_282 = arith.muli %select_n3A_262, %mul3A_281 : i32
    %add3A_283 = arith.constant 1 : i32
    %add3A_284 = arith.addi %mul3A_282, %add3A_283 : i32
    %dma_wait3A_285 = arith.constant 0 : i32
    %dma_wait3A_286 = arith.constant 32 : i32
    %dma_wait3A_287 = arith.constant 0 : i32
    %dma_wait3A_288 = tpu.memref_slice %arg9[%dma_wait3A_286, %dma_wait3A_287] : memref<128x129xf32, #tpu.memory_space<vmem>> -> memref<8x128xf32, #tpu.memory_space<vmem>>
    %dma_wait3A_289 = arith.constant 0 : i32
    %dma_wait3A_290 = arith.constant 0 : i32
    %dma_wait3A_291 = tpu.memref_slice %arg4[%select_n3A_246, %dma_wait3A_285, %add3A_284, %dma_wait3A_289, %dma_wait3A_290] : memref<200x4x128x8x128xf32, #tpu.memory_space<hbm>> -> memref<1x1x1x8x128xf32, #tpu.memory_space<hbm>>
    %dma_wait3A_292 = tpu.memref_squeeze %dma_wait3A_291 : memref<1x1x1x8x128xf32, #tpu.memory_space<hbm>> -> memref<8x128xf32, #tpu.memory_space<hbm>>
    %dma_wait3A_293 = arith.constant 0 : i32
    %dma_wait3A_294 = arith.constant 0 : i32
    %dma_wait3A_295 = tpu.memref_slice %arg4[%select_n3A_246, %dma_wait3A_285, %add3A_284, %dma_wait3A_293, %dma_wait3A_294] : memref<200x4x128x8x128xf32, #tpu.memory_space<hbm>> -> memref<1x1x1x8x128xf32, #tpu.memory_space<hbm>>
    %dma_wait3A_296 = tpu.memref_squeeze %dma_wait3A_295 : memref<1x1x1x8x128xf32, #tpu.memory_space<hbm>> -> memref<8x128xf32, #tpu.memory_space<hbm>>
    %dma_wait3A_297 = arith.constant 32 : i32
    %dma_wait3A_298 = arith.constant 0 : i32
    %dma_wait3A_299 = tpu.memref_slice %arg9[%dma_wait3A_297, %dma_wait3A_298] : memref<128x129xf32, #tpu.memory_space<vmem>> -> memref<8x128xf32, #tpu.memory_space<vmem>>
    tpu.wait_dma2 semaphore(%arg15 : memref<!tpu.dma_semaphore, #tpu.memory_space<semaphore_mem>>) src(%dma_wait3A_299 : memref<8x128xf32, #tpu.memory_space<vmem>>) dst(%dma_wait3A_296 : memref<8x128xf32, #tpu.memory_space<hbm>>)
    %mul3A_300 = arith.constant 4 : i32
    %mul3A_301 = arith.muli %select_n3A_262, %mul3A_300 : i32
    %add3A_302 = arith.constant 2 : i32
    %add3A_303 = arith.addi %mul3A_301, %add3A_302 : i32
    %dma_wait3A_304 = arith.constant 0 : i32
    %dma_wait3A_305 = arith.constant 64 : i32
    %dma_wait3A_306 = arith.constant 0 : i32
    %dma_wait3A_307 = tpu.memref_slice %arg9[%dma_wait3A_305, %dma_wait3A_306] : memref<128x129xf32, #tpu.memory_space<vmem>> -> memref<8x128xf32, #tpu.memory_space<vmem>>
    %dma_wait3A_308 = arith.constant 0 : i32
    %dma_wait3A_309 = arith.constant 0 : i32
    %dma_wait3A_310 = tpu.memref_slice %arg4[%select_n3A_246, %dma_wait3A_304, %add3A_303, %dma_wait3A_308, %dma_wait3A_309] : memref<200x4x128x8x128xf32, #tpu.memory_space<hbm>> -> memref<1x1x1x8x128xf32, #tpu.memory_space<hbm>>
    %dma_wait3A_311 = tpu.memref_squeeze %dma_wait3A_310 : memref<1x1x1x8x128xf32, #tpu.memory_space<hbm>> -> memref<8x128xf32, #tpu.memory_space<hbm>>
    %dma_wait3A_312 = arith.constant 0 : i32
    %dma_wait3A_313 = arith.constant 0 : i32
    %dma_wait3A_314 = tpu.memref_slice %arg4[%select_n3A_246, %dma_wait3A_304, %add3A_303, %dma_wait3A_312, %dma_wait3A_313] : memref<200x4x128x8x128xf32, #tpu.memory_space<hbm>> -> memref<1x1x1x8x128xf32, #tpu.memory_space<hbm>>
    %dma_wait3A_315 = tpu.memref_squeeze %dma_wait3A_314 : memref<1x1x1x8x128xf32, #tpu.memory_space<hbm>> -> memref<8x128xf32, #tpu.memory_space<hbm>>
    %dma_wait3A_316 = arith.constant 64 : i32
    %dma_wait3A_317 = arith.constant 0 : i32
    %dma_wait3A_318 = tpu.memref_slice %arg9[%dma_wait3A_316, %dma_wait3A_317] : memref<128x129xf32, #tpu.memory_space<vmem>> -> memref<8x128xf32, #tpu.memory_space<vmem>>
    tpu.wait_dma2 semaphore(%arg15 : memref<!tpu.dma_semaphore, #tpu.memory_space<semaphore_mem>>) src(%dma_wait3A_318 : memref<8x128xf32, #tpu.memory_space<vmem>>) dst(%dma_wait3A_315 : memref<8x128xf32, #tpu.memory_space<hbm>>)
    %mul3A_319 = arith.constant 4 : i32
    %mul3A_320 = arith.muli %select_n3A_262, %mul3A_319 : i32
    %add3A_321 = arith.constant 3 : i32
    %add3A_322 = arith.addi %mul3A_320, %add3A_321 : i32
    %dma_wait3A_323 = arith.constant 0 : i32
    %dma_wait3A_324 = arith.constant 96 : i32
    %dma_wait3A_325 = arith.constant 0 : i32
    %dma_wait3A_326 = tpu.memref_slice %arg9[%dma_wait3A_324, %dma_wait3A_325] : memref<128x129xf32, #tpu.memory_space<vmem>> -> memref<8x128xf32, #tpu.memory_space<vmem>>
    %dma_wait3A_327 = arith.constant 0 : i32
    %dma_wait3A_328 = arith.constant 0 : i32
    %dma_wait3A_329 = tpu.memref_slice %arg4[%select_n3A_246, %dma_wait3A_323, %add3A_322, %dma_wait3A_327, %dma_wait3A_328] : memref<200x4x128x8x128xf32, #tpu.memory_space<hbm>> -> memref<1x1x1x8x128xf32, #tpu.memory_space<hbm>>
    %dma_wait3A_330 = tpu.memref_squeeze %dma_wait3A_329 : memref<1x1x1x8x128xf32, #tpu.memory_space<hbm>> -> memref<8x128xf32, #tpu.memory_space<hbm>>
    %dma_wait3A_331 = arith.constant 0 : i32
    %dma_wait3A_332 = arith.constant 0 : i32
    %dma_wait3A_333 = tpu.memref_slice %arg4[%select_n3A_246, %dma_wait3A_323, %add3A_322, %dma_wait3A_331, %dma_wait3A_332] : memref<200x4x128x8x128xf32, #tpu.memory_space<hbm>> -> memref<1x1x1x8x128xf32, #tpu.memory_space<hbm>>
    %dma_wait3A_334 = tpu.memref_squeeze %dma_wait3A_333 : memref<1x1x1x8x128xf32, #tpu.memory_space<hbm>> -> memref<8x128xf32, #tpu.memory_space<hbm>>
    %dma_wait3A_335 = arith.constant 96 : i32
    %dma_wait3A_336 = arith.constant 0 : i32
    %dma_wait3A_337 = tpu.memref_slice %arg9[%dma_wait3A_335, %dma_wait3A_336] : memref<128x129xf32, #tpu.memory_space<vmem>> -> memref<8x128xf32, #tpu.memory_space<vmem>>
    tpu.wait_dma2 semaphore(%arg15 : memref<!tpu.dma_semaphore, #tpu.memory_space<semaphore_mem>>) src(%dma_wait3A_337 : memref<8x128xf32, #tpu.memory_space<vmem>>) dst(%dma_wait3A_334 : memref<8x128xf32, #tpu.memory_space<hbm>>)
    %mul3A_338 = arith.constant 4 : i32
    %mul3A_339 = arith.muli %select_n3A_262, %mul3A_338 : i32
    %add3A_340 = arith.constant 0 : i32
    %add3A_341 = arith.addi %mul3A_339, %add3A_340 : i32
    %dma_wait3A_342 = arith.constant 1 : i32
    %dma_wait3A_343 = arith.constant 8 : i32
    %dma_wait3A_344 = arith.constant 0 : i32
    %dma_wait3A_345 = tpu.memref_slice %arg9[%dma_wait3A_343, %dma_wait3A_344] : memref<128x129xf32, #tpu.memory_space<vmem>> -> memref<8x128xf32, #tpu.memory_space<vmem>>
    %dma_wait3A_346 = arith.constant 0 : i32
    %dma_wait3A_347 = arith.constant 0 : i32
    %dma_wait3A_348 = tpu.memref_slice %arg4[%select_n3A_246, %dma_wait3A_342, %add3A_341, %dma_wait3A_346, %dma_wait3A_347] : memref<200x4x128x8x128xf32, #tpu.memory_space<hbm>> -> memref<1x1x1x8x128xf32, #tpu.memory_space<hbm>>
    %dma_wait3A_349 = tpu.memref_squeeze %dma_wait3A_348 : memref<1x1x1x8x128xf32, #tpu.memory_space<hbm>> -> memref<8x128xf32, #tpu.memory_space<hbm>>
    %dma_wait3A_350 = arith.constant 0 : i32
    %dma_wait3A_351 = arith.constant 0 : i32
    %dma_wait3A_352 = tpu.memref_slice %arg4[%select_n3A_246, %dma_wait3A_342, %add3A_341, %dma_wait3A_350, %dma_wait3A_351] : memref<200x4x128x8x128xf32, #tpu.memory_space<hbm>> -> memref<1x1x1x8x128xf32, #tpu.memory_space<hbm>>
    %dma_wait3A_353 = tpu.memref_squeeze %dma_wait3A_352 : memref<1x1x1x8x128xf32, #tpu.memory_space<hbm>> -> memref<8x128xf32, #tpu.memory_space<hbm>>
    %dma_wait3A_354 = arith.constant 8 : i32
    %dma_wait3A_355 = arith.constant 0 : i32
    %dma_wait3A_356 = tpu.memref_slice %arg9[%dma_wait3A_354, %dma_wait3A_355] : memref<128x129xf32, #tpu.memory_space<vmem>> -> memref<8x128xf32, #tpu.memory_space<vmem>>
    tpu.wait_dma2 semaphore(%arg15 : memref<!tpu.dma_semaphore, #tpu.memory_space<semaphore_mem>>) src(%dma_wait3A_356 : memref<8x128xf32, #tpu.memory_space<vmem>>) dst(%dma_wait3A_353 : memref<8x128xf32, #tpu.memory_space<hbm>>)
    %mul3A_357 = arith.constant 4 : i32
    %mul3A_358 = arith.muli %select_n3A_262, %mul3A_357 : i32
    %add3A_359 = arith.constant 1 : i32
    %add3A_360 = arith.addi %mul3A_358, %add3A_359 : i32
    %dma_wait3A_361 = arith.constant 1 : i32
    %dma_wait3A_362 = arith.constant 40 : i32
    %dma_wait3A_363 = arith.constant 0 : i32
    %dma_wait3A_364 = tpu.memref_slice %arg9[%dma_wait3A_362, %dma_wait3A_363] : memref<128x129xf32, #tpu.memory_space<vmem>> -> memref<8x128xf32, #tpu.memory_space<vmem>>
    %dma_wait3A_365 = arith.constant 0 : i32
    %dma_wait3A_366 = arith.constant 0 : i32
    %dma_wait3A_367 = tpu.memref_slice %arg4[%select_n3A_246, %dma_wait3A_361, %add3A_360, %dma_wait3A_365, %dma_wait3A_366] : memref<200x4x128x8x128xf32, #tpu.memory_space<hbm>> -> memref<1x1x1x8x128xf32, #tpu.memory_space<hbm>>
    %dma_wait3A_368 = tpu.memref_squeeze %dma_wait3A_367 : memref<1x1x1x8x128xf32, #tpu.memory_space<hbm>> -> memref<8x128xf32, #tpu.memory_space<hbm>>
    %dma_wait3A_369 = arith.constant 0 : i32
    %dma_wait3A_370 = arith.constant 0 : i32
    %dma_wait3A_371 = tpu.memref_slice %arg4[%select_n3A_246, %dma_wait3A_361, %add3A_360, %dma_wait3A_369, %dma_wait3A_370] : memref<200x4x128x8x128xf32, #tpu.memory_space<hbm>> -> memref<1x1x1x8x128xf32, #tpu.memory_space<hbm>>
    %dma_wait3A_372 = tpu.memref_squeeze %dma_wait3A_371 : memref<1x1x1x8x128xf32, #tpu.memory_space<hbm>> -> memref<8x128xf32, #tpu.memory_space<hbm>>
    %dma_wait3A_373 = arith.constant 40 : i32
    %dma_wait3A_374 = arith.constant 0 : i32
    %dma_wait3A_375 = tpu.memref_slice %arg9[%dma_wait3A_373, %dma_wait3A_374] : memref<128x129xf32, #tpu.memory_space<vmem>> -> memref<8x128xf32, #tpu.memory_space<vmem>>
    tpu.wait_dma2 semaphore(%arg15 : memref<!tpu.dma_semaphore, #tpu.memory_space<semaphore_mem>>) src(%dma_wait3A_375 : memref<8x128xf32, #tpu.memory_space<vmem>>) dst(%dma_wait3A_372 : memref<8x128xf32, #tpu.memory_space<hbm>>)
    %mul3A_376 = arith.constant 4 : i32
    %mul3A_377 = arith.muli %select_n3A_262, %mul3A_376 : i32
    %add3A_378 = arith.constant 2 : i32
    %add3A_379 = arith.addi %mul3A_377, %add3A_378 : i32
    %dma_wait3A_380 = arith.constant 1 : i32
    %dma_wait3A_381 = arith.constant 72 : i32
    %dma_wait3A_382 = arith.constant 0 : i32
    %dma_wait3A_383 = tpu.memref_slice %arg9[%dma_wait3A_381, %dma_wait3A_382] : memref<128x129xf32, #tpu.memory_space<vmem>> -> memref<8x128xf32, #tpu.memory_space<vmem>>
    %dma_wait3A_384 = arith.constant 0 : i32
    %dma_wait3A_385 = arith.constant 0 : i32
    %dma_wait3A_386 = tpu.memref_slice %arg4[%select_n3A_246, %dma_wait3A_380, %add3A_379, %dma_wait3A_384, %dma_wait3A_385] : memref<200x4x128x8x128xf32, #tpu.memory_space<hbm>> -> memref<1x1x1x8x128xf32, #tpu.memory_space<hbm>>
    %dma_wait3A_387 = tpu.memref_squeeze %dma_wait3A_386 : memref<1x1x1x8x128xf32, #tpu.memory_space<hbm>> -> memref<8x128xf32, #tpu.memory_space<hbm>>
    %dma_wait3A_388 = arith.constant 0 : i32
    %dma_wait3A_389 = arith.constant 0 : i32
    %dma_wait3A_390 = tpu.memref_slice %arg4[%select_n3A_246, %dma_wait3A_380, %add3A_379, %dma_wait3A_388, %dma_wait3A_389] : memref<200x4x128x8x128xf32, #tpu.memory_space<hbm>> -> memref<1x1x1x8x128xf32, #tpu.memory_space<hbm>>
    %dma_wait3A_391 = tpu.memref_squeeze %dma_wait3A_390 : memref<1x1x1x8x128xf32, #tpu.memory_space<hbm>> -> memref<8x128xf32, #tpu.memory_space<hbm>>
    %dma_wait3A_392 = arith.constant 72 : i32
    %dma_wait3A_393 = arith.constant 0 : i32
    %dma_wait3A_394 = tpu.memref_slice %arg9[%dma_wait3A_392, %dma_wait3A_393] : memref<128x129xf32, #tpu.memory_space<vmem>> -> memref<8x128xf32, #tpu.memory_space<vmem>>
    tpu.wait_dma2 semaphore(%arg15 : memref<!tpu.dma_semaphore, #tpu.memory_space<semaphore_mem>>) src(%dma_wait3A_394 : memref<8x128xf32, #tpu.memory_space<vmem>>) dst(%dma_wait3A_391 : memref<8x128xf32, #tpu.memory_space<hbm>>)
    %mul3A_395 = arith.constant 4 : i32
    %mul3A_396 = arith.muli %select_n3A_262, %mul3A_395 : i32
    %add3A_397 = arith.constant 3 : i32
    %add3A_398 = arith.addi %mul3A_396, %add3A_397 : i32
    %dma_wait3A_399 = arith.constant 1 : i32
    %dma_wait3A_400 = arith.constant 104 : i32
    %dma_wait3A_401 = arith.constant 0 : i32
    %dma_wait3A_402 = tpu.memref_slice %arg9[%dma_wait3A_400, %dma_wait3A_401] : memref<128x129xf32, #tpu.memory_space<vmem>> -> memref<8x128xf32, #tpu.memory_space<vmem>>
    %dma_wait3A_403 = arith.constant 0 : i32
    %dma_wait3A_404 = arith.constant 0 : i32
    %dma_wait3A_405 = tpu.memref_slice %arg4[%select_n3A_246, %dma_wait3A_399, %add3A_398, %dma_wait3A_403, %dma_wait3A_404] : memref<200x4x128x8x128xf32, #tpu.memory_space<hbm>> -> memref<1x1x1x8x128xf32, #tpu.memory_space<hbm>>
    %dma_wait3A_406 = tpu.memref_squeeze %dma_wait3A_405 : memref<1x1x1x8x128xf32, #tpu.memory_space<hbm>> -> memref<8x128xf32, #tpu.memory_space<hbm>>
    %dma_wait3A_407 = arith.constant 0 : i32
    %dma_wait3A_408 = arith.constant 0 : i32
    %dma_wait3A_409 = tpu.memref_slice %arg4[%select_n3A_246, %dma_wait3A_399, %add3A_398, %dma_wait3A_407, %dma_wait3A_408] : memref<200x4x128x8x128xf32, #tpu.memory_space<hbm>> -> memref<1x1x1x8x128xf32, #tpu.memory_space<hbm>>
    %dma_wait3A_410 = tpu.memref_squeeze %dma_wait3A_409 : memref<1x1x1x8x128xf32, #tpu.memory_space<hbm>> -> memref<8x128xf32, #tpu.memory_space<hbm>>
    %dma_wait3A_411 = arith.constant 104 : i32
    %dma_wait3A_412 = arith.constant 0 : i32
    %dma_wait3A_413 = tpu.memref_slice %arg9[%dma_wait3A_411, %dma_wait3A_412] : memref<128x129xf32, #tpu.memory_space<vmem>> -> memref<8x128xf32, #tpu.memory_space<vmem>>
    tpu.wait_dma2 semaphore(%arg15 : memref<!tpu.dma_semaphore, #tpu.memory_space<semaphore_mem>>) src(%dma_wait3A_413 : memref<8x128xf32, #tpu.memory_space<vmem>>) dst(%dma_wait3A_410 : memref<8x128xf32, #tpu.memory_space<hbm>>)
    %mul3A_414 = arith.constant 4 : i32
    %mul3A_415 = arith.muli %select_n3A_262, %mul3A_414 : i32
    %add3A_416 = arith.constant 0 : i32
    %add3A_417 = arith.addi %mul3A_415, %add3A_416 : i32
    %dma_wait3A_418 = arith.constant 2 : i32
    %dma_wait3A_419 = arith.constant 16 : i32
    %dma_wait3A_420 = arith.constant 0 : i32
    %dma_wait3A_421 = tpu.memref_slice %arg9[%dma_wait3A_419, %dma_wait3A_420] : memref<128x129xf32, #tpu.memory_space<vmem>> -> memref<8x128xf32, #tpu.memory_space<vmem>>
    %dma_wait3A_422 = arith.constant 0 : i32
    %dma_wait3A_423 = arith.constant 0 : i32
    %dma_wait3A_424 = tpu.memref_slice %arg4[%select_n3A_246, %dma_wait3A_418, %add3A_417, %dma_wait3A_422, %dma_wait3A_423] : memref<200x4x128x8x128xf32, #tpu.memory_space<hbm>> -> memref<1x1x1x8x128xf32, #tpu.memory_space<hbm>>
    %dma_wait3A_425 = tpu.memref_squeeze %dma_wait3A_424 : memref<1x1x1x8x128xf32, #tpu.memory_space<hbm>> -> memref<8x128xf32, #tpu.memory_space<hbm>>
    %dma_wait3A_426 = arith.constant 0 : i32
    %dma_wait3A_427 = arith.constant 0 : i32
    %dma_wait3A_428 = tpu.memref_slice %arg4[%select_n3A_246, %dma_wait3A_418, %add3A_417, %dma_wait3A_426, %dma_wait3A_427] : memref<200x4x128x8x128xf32, #tpu.memory_space<hbm>> -> memref<1x1x1x8x128xf32, #tpu.memory_space<hbm>>
    %dma_wait3A_429 = tpu.memref_squeeze %dma_wait3A_428 : memref<1x1x1x8x128xf32, #tpu.memory_space<hbm>> -> memref<8x128xf32, #tpu.memory_space<hbm>>
    %dma_wait3A_430 = arith.constant 16 : i32
    %dma_wait3A_431 = arith.constant 0 : i32
    %dma_wait3A_432 = tpu.memref_slice %arg9[%dma_wait3A_430, %dma_wait3A_431] : memref<128x129xf32, #tpu.memory_space<vmem>> -> memref<8x128xf32, #tpu.memory_space<vmem>>
    tpu.wait_dma2 semaphore(%arg15 : memref<!tpu.dma_semaphore, #tpu.memory_space<semaphore_mem>>) src(%dma_wait3A_432 : memref<8x128xf32, #tpu.memory_space<vmem>>) dst(%dma_wait3A_429 : memref<8x128xf32, #tpu.memory_space<hbm>>)
    %mul3A_433 = arith.constant 4 : i32
    %mul3A_434 = arith.muli %select_n3A_262, %mul3A_433 : i32
    %add3A_435 = arith.constant 1 : i32
    %add3A_436 = arith.addi %mul3A_434, %add3A_435 : i32
    %dma_wait3A_437 = arith.constant 2 : i32
    %dma_wait3A_438 = arith.constant 48 : i32
    %dma_wait3A_439 = arith.constant 0 : i32
    %dma_wait3A_440 = tpu.memref_slice %arg9[%dma_wait3A_438, %dma_wait3A_439] : memref<128x129xf32, #tpu.memory_space<vmem>> -> memref<8x128xf32, #tpu.memory_space<vmem>>
    %dma_wait3A_441 = arith.constant 0 : i32
    %dma_wait3A_442 = arith.constant 0 : i32
    %dma_wait3A_443 = tpu.memref_slice %arg4[%select_n3A_246, %dma_wait3A_437, %add3A_436, %dma_wait3A_441, %dma_wait3A_442] : memref<200x4x128x8x128xf32, #tpu.memory_space<hbm>> -> memref<1x1x1x8x128xf32, #tpu.memory_space<hbm>>
    %dma_wait3A_444 = tpu.memref_squeeze %dma_wait3A_443 : memref<1x1x1x8x128xf32, #tpu.memory_space<hbm>> -> memref<8x128xf32, #tpu.memory_space<hbm>>
    %dma_wait3A_445 = arith.constant 0 : i32
    %dma_wait3A_446 = arith.constant 0 : i32
    %dma_wait3A_447 = tpu.memref_slice %arg4[%select_n3A_246, %dma_wait3A_437, %add3A_436, %dma_wait3A_445, %dma_wait3A_446] : memref<200x4x128x8x128xf32, #tpu.memory_space<hbm>> -> memref<1x1x1x8x128xf32, #tpu.memory_space<hbm>>
    %dma_wait3A_448 = tpu.memref_squeeze %dma_wait3A_447 : memref<1x1x1x8x128xf32, #tpu.memory_space<hbm>> -> memref<8x128xf32, #tpu.memory_space<hbm>>
    %dma_wait3A_449 = arith.constant 48 : i32
    %dma_wait3A_450 = arith.constant 0 : i32
    %dma_wait3A_451 = tpu.memref_slice %arg9[%dma_wait3A_449, %dma_wait3A_450] : memref<128x129xf32, #tpu.memory_space<vmem>> -> memref<8x128xf32, #tpu.memory_space<vmem>>
    tpu.wait_dma2 semaphore(%arg15 : memref<!tpu.dma_semaphore, #tpu.memory_space<semaphore_mem>>) src(%dma_wait3A_451 : memref<8x128xf32, #tpu.memory_space<vmem>>) dst(%dma_wait3A_448 : memref<8x128xf32, #tpu.memory_space<hbm>>)
    %mul3A_452 = arith.constant 4 : i32
    %mul3A_453 = arith.muli %select_n3A_262, %mul3A_452 : i32
    %add3A_454 = arith.constant 2 : i32
    %add3A_455 = arith.addi %mul3A_453, %add3A_454 : i32
    %dma_wait3A_456 = arith.constant 2 : i32
    %dma_wait3A_457 = arith.constant 80 : i32
    %dma_wait3A_458 = arith.constant 0 : i32
    %dma_wait3A_459 = tpu.memref_slice %arg9[%dma_wait3A_457, %dma_wait3A_458] : memref<128x129xf32, #tpu.memory_space<vmem>> -> memref<8x128xf32, #tpu.memory_space<vmem>>
    %dma_wait3A_460 = arith.constant 0 : i32
    %dma_wait3A_461 = arith.constant 0 : i32
    %dma_wait3A_462 = tpu.memref_slice %arg4[%select_n3A_246, %dma_wait3A_456, %add3A_455, %dma_wait3A_460, %dma_wait3A_461] : memref<200x4x128x8x128xf32, #tpu.memory_space<hbm>> -> memref<1x1x1x8x128xf32, #tpu.memory_space<hbm>>
    %dma_wait3A_463 = tpu.memref_squeeze %dma_wait3A_462 : memref<1x1x1x8x128xf32, #tpu.memory_space<hbm>> -> memref<8x128xf32, #tpu.memory_space<hbm>>
    %dma_wait3A_464 = arith.constant 0 : i32
    %dma_wait3A_465 = arith.constant 0 : i32
    %dma_wait3A_466 = tpu.memref_slice %arg4[%select_n3A_246, %dma_wait3A_456, %add3A_455, %dma_wait3A_464, %dma_wait3A_465] : memref<200x4x128x8x128xf32, #tpu.memory_space<hbm>> -> memref<1x1x1x8x128xf32, #tpu.memory_space<hbm>>
    %dma_wait3A_467 = tpu.memref_squeeze %dma_wait3A_466 : memref<1x1x1x8x128xf32, #tpu.memory_space<hbm>> -> memref<8x128xf32, #tpu.memory_space<hbm>>
    %dma_wait3A_468 = arith.constant 80 : i32
    %dma_wait3A_469 = arith.constant 0 : i32
    %dma_wait3A_470 = tpu.memref_slice %arg9[%dma_wait3A_468, %dma_wait3A_469] : memref<128x129xf32, #tpu.memory_space<vmem>> -> memref<8x128xf32, #tpu.memory_space<vmem>>
    tpu.wait_dma2 semaphore(%arg15 : memref<!tpu.dma_semaphore, #tpu.memory_space<semaphore_mem>>) src(%dma_wait3A_470 : memref<8x128xf32, #tpu.memory_space<vmem>>) dst(%dma_wait3A_467 : memref<8x128xf32, #tpu.memory_space<hbm>>)
    %mul3A_471 = arith.constant 4 : i32
    %mul3A_472 = arith.muli %select_n3A_262, %mul3A_471 : i32
    %add3A_473 = arith.constant 3 : i32
    %add3A_474 = arith.addi %mul3A_472, %add3A_473 : i32
    %dma_wait3A_475 = arith.constant 2 : i32
    %dma_wait3A_476 = arith.constant 112 : i32
    %dma_wait3A_477 = arith.constant 0 : i32
    %dma_wait3A_478 = tpu.memref_slice %arg9[%dma_wait3A_476, %dma_wait3A_477] : memref<128x129xf32, #tpu.memory_space<vmem>> -> memref<8x128xf32, #tpu.memory_space<vmem>>
    %dma_wait3A_479 = arith.constant 0 : i32
    %dma_wait3A_480 = arith.constant 0 : i32
    %dma_wait3A_481 = tpu.memref_slice %arg4[%select_n3A_246, %dma_wait3A_475, %add3A_474, %dma_wait3A_479, %dma_wait3A_480] : memref<200x4x128x8x128xf32, #tpu.memory_space<hbm>> -> memref<1x1x1x8x128xf32, #tpu.memory_space<hbm>>
    %dma_wait3A_482 = tpu.memref_squeeze %dma_wait3A_481 : memref<1x1x1x8x128xf32, #tpu.memory_space<hbm>> -> memref<8x128xf32, #tpu.memory_space<hbm>>
    %dma_wait3A_483 = arith.constant 0 : i32
    %dma_wait3A_484 = arith.constant 0 : i32
    %dma_wait3A_485 = tpu.memref_slice %arg4[%select_n3A_246, %dma_wait3A_475, %add3A_474, %dma_wait3A_483, %dma_wait3A_484] : memref<200x4x128x8x128xf32, #tpu.memory_space<hbm>> -> memref<1x1x1x8x128xf32, #tpu.memory_space<hbm>>
    %dma_wait3A_486 = tpu.memref_squeeze %dma_wait3A_485 : memref<1x1x1x8x128xf32, #tpu.memory_space<hbm>> -> memref<8x128xf32, #tpu.memory_space<hbm>>
    %dma_wait3A_487 = arith.constant 112 : i32
    %dma_wait3A_488 = arith.constant 0 : i32
    %dma_wait3A_489 = tpu.memref_slice %arg9[%dma_wait3A_487, %dma_wait3A_488] : memref<128x129xf32, #tpu.memory_space<vmem>> -> memref<8x128xf32, #tpu.memory_space<vmem>>
    tpu.wait_dma2 semaphore(%arg15 : memref<!tpu.dma_semaphore, #tpu.memory_space<semaphore_mem>>) src(%dma_wait3A_489 : memref<8x128xf32, #tpu.memory_space<vmem>>) dst(%dma_wait3A_486 : memref<8x128xf32, #tpu.memory_space<hbm>>)
    %mul3A_490 = arith.constant 4 : i32
    %mul3A_491 = arith.muli %select_n3A_262, %mul3A_490 : i32
    %add3A_492 = arith.constant 0 : i32
    %add3A_493 = arith.addi %mul3A_491, %add3A_492 : i32
    %dma_wait3A_494 = arith.constant 3 : i32
    %dma_wait3A_495 = arith.constant 24 : i32
    %dma_wait3A_496 = arith.constant 0 : i32
    %dma_wait3A_497 = tpu.memref_slice %arg9[%dma_wait3A_495, %dma_wait3A_496] : memref<128x129xf32, #tpu.memory_space<vmem>> -> memref<8x128xf32, #tpu.memory_space<vmem>>
    %dma_wait3A_498 = arith.constant 0 : i32
    %dma_wait3A_499 = arith.constant 0 : i32
    %dma_wait3A_500 = tpu.memref_slice %arg4[%select_n3A_246, %dma_wait3A_494, %add3A_493, %dma_wait3A_498, %dma_wait3A_499] : memref<200x4x128x8x128xf32, #tpu.memory_space<hbm>> -> memref<1x1x1x8x128xf32, #tpu.memory_space<hbm>>
    %dma_wait3A_501 = tpu.memref_squeeze %dma_wait3A_500 : memref<1x1x1x8x128xf32, #tpu.memory_space<hbm>> -> memref<8x128xf32, #tpu.memory_space<hbm>>
    %dma_wait3A_502 = arith.constant 0 : i32
    %dma_wait3A_503 = arith.constant 0 : i32
    %dma_wait3A_504 = tpu.memref_slice %arg4[%select_n3A_246, %dma_wait3A_494, %add3A_493, %dma_wait3A_502, %dma_wait3A_503] : memref<200x4x128x8x128xf32, #tpu.memory_space<hbm>> -> memref<1x1x1x8x128xf32, #tpu.memory_space<hbm>>
    %dma_wait3A_505 = tpu.memref_squeeze %dma_wait3A_504 : memref<1x1x1x8x128xf32, #tpu.memory_space<hbm>> -> memref<8x128xf32, #tpu.memory_space<hbm>>
    %dma_wait3A_506 = arith.constant 24 : i32
    %dma_wait3A_507 = arith.constant 0 : i32
    %dma_wait3A_508 = tpu.memref_slice %arg9[%dma_wait3A_506, %dma_wait3A_507] : memref<128x129xf32, #tpu.memory_space<vmem>> -> memref<8x128xf32, #tpu.memory_space<vmem>>
    tpu.wait_dma2 semaphore(%arg15 : memref<!tpu.dma_semaphore, #tpu.memory_space<semaphore_mem>>) src(%dma_wait3A_508 : memref<8x128xf32, #tpu.memory_space<vmem>>) dst(%dma_wait3A_505 : memref<8x128xf32, #tpu.memory_space<hbm>>)
    %mul3A_509 = arith.constant 4 : i32
    %mul3A_510 = arith.muli %select_n3A_262, %mul3A_509 : i32
    %add3A_511 = arith.constant 1 : i32
    %add3A_512 = arith.addi %mul3A_510, %add3A_511 : i32
    %dma_wait3A_513 = arith.constant 3 : i32
    %dma_wait3A_514 = arith.constant 56 : i32
    %dma_wait3A_515 = arith.constant 0 : i32
    %dma_wait3A_516 = tpu.memref_slice %arg9[%dma_wait3A_514, %dma_wait3A_515] : memref<128x129xf32, #tpu.memory_space<vmem>> -> memref<8x128xf32, #tpu.memory_space<vmem>>
    %dma_wait3A_517 = arith.constant 0 : i32
    %dma_wait3A_518 = arith.constant 0 : i32
    %dma_wait3A_519 = tpu.memref_slice %arg4[%select_n3A_246, %dma_wait3A_513, %add3A_512, %dma_wait3A_517, %dma_wait3A_518] : memref<200x4x128x8x128xf32, #tpu.memory_space<hbm>> -> memref<1x1x1x8x128xf32, #tpu.memory_space<hbm>>
    %dma_wait3A_520 = tpu.memref_squeeze %dma_wait3A_519 : memref<1x1x1x8x128xf32, #tpu.memory_space<hbm>> -> memref<8x128xf32, #tpu.memory_space<hbm>>
    %dma_wait3A_521 = arith.constant 0 : i32
    %dma_wait3A_522 = arith.constant 0 : i32
    %dma_wait3A_523 = tpu.memref_slice %arg4[%select_n3A_246, %dma_wait3A_513, %add3A_512, %dma_wait3A_521, %dma_wait3A_522] : memref<200x4x128x8x128xf32, #tpu.memory_space<hbm>> -> memref<1x1x1x8x128xf32, #tpu.memory_space<hbm>>
    %dma_wait3A_524 = tpu.memref_squeeze %dma_wait3A_523 : memref<1x1x1x8x128xf32, #tpu.memory_space<hbm>> -> memref<8x128xf32, #tpu.memory_space<hbm>>
    %dma_wait3A_525 = arith.constant 56 : i32
    %dma_wait3A_526 = arith.constant 0 : i32
    %dma_wait3A_527 = tpu.memref_slice %arg9[%dma_wait3A_525, %dma_wait3A_526] : memref<128x129xf32, #tpu.memory_space<vmem>> -> memref<8x128xf32, #tpu.memory_space<vmem>>
    tpu.wait_dma2 semaphore(%arg15 : memref<!tpu.dma_semaphore, #tpu.memory_space<semaphore_mem>>) src(%dma_wait3A_527 : memref<8x128xf32, #tpu.memory_space<vmem>>) dst(%dma_wait3A_524 : memref<8x128xf32, #tpu.memory_space<hbm>>)
    %mul3A_528 = arith.constant 4 : i32
    %mul3A_529 = arith.muli %select_n3A_262, %mul3A_528 : i32
    %add3A_530 = arith.constant 2 : i32
    %add3A_531 = arith.addi %mul3A_529, %add3A_530 : i32
    %dma_wait3A_532 = arith.constant 3 : i32
    %dma_wait3A_533 = arith.constant 88 : i32
    %dma_wait3A_534 = arith.constant 0 : i32
    %dma_wait3A_535 = tpu.memref_slice %arg9[%dma_wait3A_533, %dma_wait3A_534] : memref<128x129xf32, #tpu.memory_space<vmem>> -> memref<8x128xf32, #tpu.memory_space<vmem>>
    %dma_wait3A_536 = arith.constant 0 : i32
    %dma_wait3A_537 = arith.constant 0 : i32
    %dma_wait3A_538 = tpu.memref_slice %arg4[%select_n3A_246, %dma_wait3A_532, %add3A_531, %dma_wait3A_536, %dma_wait3A_537] : memref<200x4x128x8x128xf32, #tpu.memory_space<hbm>> -> memref<1x1x1x8x128xf32, #tpu.memory_space<hbm>>
    %dma_wait3A_539 = tpu.memref_squeeze %dma_wait3A_538 : memref<1x1x1x8x128xf32, #tpu.memory_space<hbm>> -> memref<8x128xf32, #tpu.memory_space<hbm>>
    %dma_wait3A_540 = arith.constant 0 : i32
    %dma_wait3A_541 = arith.constant 0 : i32
    %dma_wait3A_542 = tpu.memref_slice %arg4[%select_n3A_246, %dma_wait3A_532, %add3A_531, %dma_wait3A_540, %dma_wait3A_541] : memref<200x4x128x8x128xf32, #tpu.memory_space<hbm>> -> memref<1x1x1x8x128xf32, #tpu.memory_space<hbm>>
    %dma_wait3A_543 = tpu.memref_squeeze %dma_wait3A_542 : memref<1x1x1x8x128xf32, #tpu.memory_space<hbm>> -> memref<8x128xf32, #tpu.memory_space<hbm>>
    %dma_wait3A_544 = arith.constant 88 : i32
    %dma_wait3A_545 = arith.constant 0 : i32
    %dma_wait3A_546 = tpu.memref_slice %arg9[%dma_wait3A_544, %dma_wait3A_545] : memref<128x129xf32, #tpu.memory_space<vmem>> -> memref<8x128xf32, #tpu.memory_space<vmem>>
    tpu.wait_dma2 semaphore(%arg15 : memref<!tpu.dma_semaphore, #tpu.memory_space<semaphore_mem>>) src(%dma_wait3A_546 : memref<8x128xf32, #tpu.memory_space<vmem>>) dst(%dma_wait3A_543 : memref<8x128xf32, #tpu.memory_space<hbm>>)
    %mul3A_547 = arith.constant 4 : i32
    %mul3A_548 = arith.muli %select_n3A_262, %mul3A_547 : i32
    %add3A_549 = arith.constant 3 : i32
    %add3A_550 = arith.addi %mul3A_548, %add3A_549 : i32
    %dma_wait3A_551 = arith.constant 3 : i32
    %dma_wait3A_552 = arith.constant 120 : i32
    %dma_wait3A_553 = arith.constant 0 : i32
    %dma_wait3A_554 = tpu.memref_slice %arg9[%dma_wait3A_552, %dma_wait3A_553] : memref<128x129xf32, #tpu.memory_space<vmem>> -> memref<8x128xf32, #tpu.memory_space<vmem>>
    %dma_wait3A_555 = arith.constant 0 : i32
    %dma_wait3A_556 = arith.constant 0 : i32
    %dma_wait3A_557 = tpu.memref_slice %arg4[%select_n3A_246, %dma_wait3A_551, %add3A_550, %dma_wait3A_555, %dma_wait3A_556] : memref<200x4x128x8x128xf32, #tpu.memory_space<hbm>> -> memref<1x1x1x8x128xf32, #tpu.memory_space<hbm>>
    %dma_wait3A_558 = tpu.memref_squeeze %dma_wait3A_557 : memref<1x1x1x8x128xf32, #tpu.memory_space<hbm>> -> memref<8x128xf32, #tpu.memory_space<hbm>>
    %dma_wait3A_559 = arith.constant 0 : i32
    %dma_wait3A_560 = arith.constant 0 : i32
    %dma_wait3A_561 = tpu.memref_slice %arg4[%select_n3A_246, %dma_wait3A_551, %add3A_550, %dma_wait3A_559, %dma_wait3A_560] : memref<200x4x128x8x128xf32, #tpu.memory_space<hbm>> -> memref<1x1x1x8x128xf32, #tpu.memory_space<hbm>>
    %dma_wait3A_562 = tpu.memref_squeeze %dma_wait3A_561 : memref<1x1x1x8x128xf32, #tpu.memory_space<hbm>> -> memref<8x128xf32, #tpu.memory_space<hbm>>
    %dma_wait3A_563 = arith.constant 120 : i32
    %dma_wait3A_564 = arith.constant 0 : i32
    %dma_wait3A_565 = tpu.memref_slice %arg9[%dma_wait3A_563, %dma_wait3A_564] : memref<128x129xf32, #tpu.memory_space<vmem>> -> memref<8x128xf32, #tpu.memory_space<vmem>>
    tpu.wait_dma2 semaphore(%arg15 : memref<!tpu.dma_semaphore, #tpu.memory_space<semaphore_mem>>) src(%dma_wait3A_565 : memref<8x128xf32, #tpu.memory_space<vmem>>) dst(%dma_wait3A_562 : memref<8x128xf32, #tpu.memory_space<hbm>>)
    %add3A_566 = arith.constant 200 : i32
    %add3A_567 = arith.addi %mul3A_2, %add3A_566 : i32
    %sub3A_568 = arith.constant 2 : i32
    %sub3A_569 = arith.subi %add3A_567, %sub3A_568 : i32
    %add3A_570 = arith.constant 1 : i32
    %add3A_571 = arith.addi %sub3A_569, %add3A_570 : i32
    %jit3A_572 = arith.constant 32 : i32
    %div3A_573 = arith.divsi %add3A_571, %jit3A_572 : i32
    %sign3A_574 = arith.constant 0 : i32
    %sign3A_575 = arith.cmpi sgt, %add3A_571, %sign3A_574 : i32
    %sign3A_576 = arith.extui %sign3A_575 : i1 to i32
    %sign3A_577 = arith.constant 0 : i32
    %sign3A_578 = arith.cmpi slt, %add3A_571, %sign3A_577 : i32
    %sign3A_579 = arith.extui %sign3A_578 : i1 to i32
    %sign3A_580 = arith.subi %sign3A_576, %sign3A_579 : i32
    %sign3A_581 = arith.constant 0 : i32
    %sign3A_582 = arith.cmpi sgt, %jit3A_572, %sign3A_581 : i32
    %sign3A_583 = arith.extui %sign3A_582 : i1 to i32
    %sign3A_584 = arith.constant 0 : i32
    %sign3A_585 = arith.cmpi slt, %jit3A_572, %sign3A_584 : i32
    %sign3A_586 = arith.extui %sign3A_585 : i1 to i32
    %sign3A_587 = arith.subi %sign3A_583, %sign3A_586 : i32
    %ne3A_588 = arith.cmpi ne, %sign3A_580, %sign3A_587 : i32
    %rem3A_589 = arith.remsi %add3A_571, %jit3A_572 : i32
    %ne3A_590 = arith.constant 0 : i32
    %ne3A_591 = arith.cmpi ne, %rem3A_589, %ne3A_590 : i32
    %and3A_592 = arith.andi %ne3A_588, %ne3A_591 : i1
    %sub3A_593 = arith.constant 1 : i32
    %sub3A_594 = arith.subi %div3A_573, %sub3A_593 : i32
    %select_n3A_595 = arith.select %and3A_592, %sub3A_594, %div3A_573 : i32
    %jit3A_596 = arith.constant 32 : i32
    %eq3A_597 = arith.constant 0 : i32
    %eq3A_598 = arith.cmpi eq, %jit3A_596, %eq3A_597 : i32
    %jit3A_599 = arith.constant 1 : i32
    %select_n3A_600 = arith.select %eq3A_598, %jit3A_599, %jit3A_596 : i32
    %rem3A_601 = arith.remsi %add3A_571, %select_n3A_600 : i32
    %ne3A_602 = arith.constant 0 : i32
    %ne3A_603 = arith.cmpi ne, %rem3A_601, %ne3A_602 : i32
    %lt3A_604 = arith.constant 0 : i32
    %lt3A_605 = arith.cmpi slt, %rem3A_601, %lt3A_604 : i32
    %lt3A_606 = arith.constant 0 : i32
    %lt3A_607 = arith.cmpi slt, %select_n3A_600, %lt3A_606 : i32
    %ne3A_608 = arith.xori %lt3A_605, %lt3A_607 : i1
    %and3A_609 = arith.andi %ne3A_608, %ne3A_603 : i1
    %add3A_610 = arith.addi %rem3A_601, %select_n3A_600 : i32
    %select_n3A_611 = arith.select %and3A_609, %add3A_610, %rem3A_601 : i32
    %mul3A_612 = arith.constant 4 : i32
    %mul3A_613 = arith.muli %select_n3A_611, %mul3A_612 : i32
    %add3A_614 = arith.constant 0 : i32
    %add3A_615 = arith.addi %mul3A_613, %add3A_614 : i32
    %dma_wait3A_616 = arith.constant 0 : i32
    %dma_wait3A_617 = arith.constant 0 : i32
    %dma_wait3A_618 = arith.constant 0 : i32
    %dma_wait3A_619 = tpu.memref_slice %arg10[%dma_wait3A_617, %dma_wait3A_618] : memref<128x129xf32, #tpu.memory_space<vmem>> -> memref<8x128xf32, #tpu.memory_space<vmem>>
    %dma_wait3A_620 = arith.constant 0 : i32
    %dma_wait3A_621 = arith.constant 0 : i32
    %dma_wait3A_622 = tpu.memref_slice %arg4[%select_n3A_595, %dma_wait3A_616, %add3A_615, %dma_wait3A_620, %dma_wait3A_621] : memref<200x4x128x8x128xf32, #tpu.memory_space<hbm>> -> memref<1x1x1x8x128xf32, #tpu.memory_space<hbm>>
    %dma_wait3A_623 = tpu.memref_squeeze %dma_wait3A_622 : memref<1x1x1x8x128xf32, #tpu.memory_space<hbm>> -> memref<8x128xf32, #tpu.memory_space<hbm>>
    %dma_wait3A_624 = arith.constant 0 : i32
    %dma_wait3A_625 = arith.constant 0 : i32
    %dma_wait3A_626 = tpu.memref_slice %arg4[%select_n3A_595, %dma_wait3A_616, %add3A_615, %dma_wait3A_624, %dma_wait3A_625] : memref<200x4x128x8x128xf32, #tpu.memory_space<hbm>> -> memref<1x1x1x8x128xf32, #tpu.memory_space<hbm>>
    %dma_wait3A_627 = tpu.memref_squeeze %dma_wait3A_626 : memref<1x1x1x8x128xf32, #tpu.memory_space<hbm>> -> memref<8x128xf32, #tpu.memory_space<hbm>>
    %dma_wait3A_628 = arith.constant 0 : i32
    %dma_wait3A_629 = arith.constant 0 : i32
    %dma_wait3A_630 = tpu.memref_slice %arg10[%dma_wait3A_628, %dma_wait3A_629] : memref<128x129xf32, #tpu.memory_space<vmem>> -> memref<8x128xf32, #tpu.memory_space<vmem>>
    tpu.wait_dma2 semaphore(%arg16 : memref<!tpu.dma_semaphore, #tpu.memory_space<semaphore_mem>>) src(%dma_wait3A_630 : memref<8x128xf32, #tpu.memory_space<vmem>>) dst(%dma_wait3A_627 : memref<8x128xf32, #tpu.memory_space<hbm>>)
    %mul3A_631 = arith.constant 4 : i32
    %mul3A_632 = arith.muli %select_n3A_611, %mul3A_631 : i32
    %add3A_633 = arith.constant 1 : i32
    %add3A_634 = arith.addi %mul3A_632, %add3A_633 : i32
    %dma_wait3A_635 = arith.constant 0 : i32
    %dma_wait3A_636 = arith.constant 32 : i32
    %dma_wait3A_637 = arith.constant 0 : i32
    %dma_wait3A_638 = tpu.memref_slice %arg10[%dma_wait3A_636, %dma_wait3A_637] : memref<128x129xf32, #tpu.memory_space<vmem>> -> memref<8x128xf32, #tpu.memory_space<vmem>>
    %dma_wait3A_639 = arith.constant 0 : i32
    %dma_wait3A_640 = arith.constant 0 : i32
    %dma_wait3A_641 = tpu.memref_slice %arg4[%select_n3A_595, %dma_wait3A_635, %add3A_634, %dma_wait3A_639, %dma_wait3A_640] : memref<200x4x128x8x128xf32, #tpu.memory_space<hbm>> -> memref<1x1x1x8x128xf32, #tpu.memory_space<hbm>>
    %dma_wait3A_642 = tpu.memref_squeeze %dma_wait3A_641 : memref<1x1x1x8x128xf32, #tpu.memory_space<hbm>> -> memref<8x128xf32, #tpu.memory_space<hbm>>
    %dma_wait3A_643 = arith.constant 0 : i32
    %dma_wait3A_644 = arith.constant 0 : i32
    %dma_wait3A_645 = tpu.memref_slice %arg4[%select_n3A_595, %dma_wait3A_635, %add3A_634, %dma_wait3A_643, %dma_wait3A_644] : memref<200x4x128x8x128xf32, #tpu.memory_space<hbm>> -> memref<1x1x1x8x128xf32, #tpu.memory_space<hbm>>
    %dma_wait3A_646 = tpu.memref_squeeze %dma_wait3A_645 : memref<1x1x1x8x128xf32, #tpu.memory_space<hbm>> -> memref<8x128xf32, #tpu.memory_space<hbm>>
    %dma_wait3A_647 = arith.constant 32 : i32
    %dma_wait3A_648 = arith.constant 0 : i32
    %dma_wait3A_649 = tpu.memref_slice %arg10[%dma_wait3A_647, %dma_wait3A_648] : memref<128x129xf32, #tpu.memory_space<vmem>> -> memref<8x128xf32, #tpu.memory_space<vmem>>
    tpu.wait_dma2 semaphore(%arg16 : memref<!tpu.dma_semaphore, #tpu.memory_space<semaphore_mem>>) src(%dma_wait3A_649 : memref<8x128xf32, #tpu.memory_space<vmem>>) dst(%dma_wait3A_646 : memref<8x128xf32, #tpu.memory_space<hbm>>)
    %mul3A_650 = arith.constant 4 : i32
    %mul3A_651 = arith.muli %select_n3A_611, %mul3A_650 : i32
    %add3A_652 = arith.constant 2 : i32
    %add3A_653 = arith.addi %mul3A_651, %add3A_652 : i32
    %dma_wait3A_654 = arith.constant 0 : i32
    %dma_wait3A_655 = arith.constant 64 : i32
    %dma_wait3A_656 = arith.constant 0 : i32
    %dma_wait3A_657 = tpu.memref_slice %arg10[%dma_wait3A_655, %dma_wait3A_656] : memref<128x129xf32, #tpu.memory_space<vmem>> -> memref<8x128xf32, #tpu.memory_space<vmem>>
    %dma_wait3A_658 = arith.constant 0 : i32
    %dma_wait3A_659 = arith.constant 0 : i32
    %dma_wait3A_660 = tpu.memref_slice %arg4[%select_n3A_595, %dma_wait3A_654, %add3A_653, %dma_wait3A_658, %dma_wait3A_659] : memref<200x4x128x8x128xf32, #tpu.memory_space<hbm>> -> memref<1x1x1x8x128xf32, #tpu.memory_space<hbm>>
    %dma_wait3A_661 = tpu.memref_squeeze %dma_wait3A_660 : memref<1x1x1x8x128xf32, #tpu.memory_space<hbm>> -> memref<8x128xf32, #tpu.memory_space<hbm>>
    %dma_wait3A_662 = arith.constant 0 : i32
    %dma_wait3A_663 = arith.constant 0 : i32
    %dma_wait3A_664 = tpu.memref_slice %arg4[%select_n3A_595, %dma_wait3A_654, %add3A_653, %dma_wait3A_662, %dma_wait3A_663] : memref<200x4x128x8x128xf32, #tpu.memory_space<hbm>> -> memref<1x1x1x8x128xf32, #tpu.memory_space<hbm>>
    %dma_wait3A_665 = tpu.memref_squeeze %dma_wait3A_664 : memref<1x1x1x8x128xf32, #tpu.memory_space<hbm>> -> memref<8x128xf32, #tpu.memory_space<hbm>>
    %dma_wait3A_666 = arith.constant 64 : i32
    %dma_wait3A_667 = arith.constant 0 : i32
    %dma_wait3A_668 = tpu.memref_slice %arg10[%dma_wait3A_666, %dma_wait3A_667] : memref<128x129xf32, #tpu.memory_space<vmem>> -> memref<8x128xf32, #tpu.memory_space<vmem>>
    tpu.wait_dma2 semaphore(%arg16 : memref<!tpu.dma_semaphore, #tpu.memory_space<semaphore_mem>>) src(%dma_wait3A_668 : memref<8x128xf32, #tpu.memory_space<vmem>>) dst(%dma_wait3A_665 : memref<8x128xf32, #tpu.memory_space<hbm>>)
    %mul3A_669 = arith.constant 4 : i32
    %mul3A_670 = arith.muli %select_n3A_611, %mul3A_669 : i32
    %add3A_671 = arith.constant 3 : i32
    %add3A_672 = arith.addi %mul3A_670, %add3A_671 : i32
    %dma_wait3A_673 = arith.constant 0 : i32
    %dma_wait3A_674 = arith.constant 96 : i32
    %dma_wait3A_675 = arith.constant 0 : i32
    %dma_wait3A_676 = tpu.memref_slice %arg10[%dma_wait3A_674, %dma_wait3A_675] : memref<128x129xf32, #tpu.memory_space<vmem>> -> memref<8x128xf32, #tpu.memory_space<vmem>>
    %dma_wait3A_677 = arith.constant 0 : i32
    %dma_wait3A_678 = arith.constant 0 : i32
    %dma_wait3A_679 = tpu.memref_slice %arg4[%select_n3A_595, %dma_wait3A_673, %add3A_672, %dma_wait3A_677, %dma_wait3A_678] : memref<200x4x128x8x128xf32, #tpu.memory_space<hbm>> -> memref<1x1x1x8x128xf32, #tpu.memory_space<hbm>>
    %dma_wait3A_680 = tpu.memref_squeeze %dma_wait3A_679 : memref<1x1x1x8x128xf32, #tpu.memory_space<hbm>> -> memref<8x128xf32, #tpu.memory_space<hbm>>
    %dma_wait3A_681 = arith.constant 0 : i32
    %dma_wait3A_682 = arith.constant 0 : i32
    %dma_wait3A_683 = tpu.memref_slice %arg4[%select_n3A_595, %dma_wait3A_673, %add3A_672, %dma_wait3A_681, %dma_wait3A_682] : memref<200x4x128x8x128xf32, #tpu.memory_space<hbm>> -> memref<1x1x1x8x128xf32, #tpu.memory_space<hbm>>
    %dma_wait3A_684 = tpu.memref_squeeze %dma_wait3A_683 : memref<1x1x1x8x128xf32, #tpu.memory_space<hbm>> -> memref<8x128xf32, #tpu.memory_space<hbm>>
    %dma_wait3A_685 = arith.constant 96 : i32
    %dma_wait3A_686 = arith.constant 0 : i32
    %dma_wait3A_687 = tpu.memref_slice %arg10[%dma_wait3A_685, %dma_wait3A_686] : memref<128x129xf32, #tpu.memory_space<vmem>> -> memref<8x128xf32, #tpu.memory_space<vmem>>
    tpu.wait_dma2 semaphore(%arg16 : memref<!tpu.dma_semaphore, #tpu.memory_space<semaphore_mem>>) src(%dma_wait3A_687 : memref<8x128xf32, #tpu.memory_space<vmem>>) dst(%dma_wait3A_684 : memref<8x128xf32, #tpu.memory_space<hbm>>)
    %mul3A_688 = arith.constant 4 : i32
    %mul3A_689 = arith.muli %select_n3A_611, %mul3A_688 : i32
    %add3A_690 = arith.constant 0 : i32
    %add3A_691 = arith.addi %mul3A_689, %add3A_690 : i32
    %dma_wait3A_692 = arith.constant 1 : i32
    %dma_wait3A_693 = arith.constant 8 : i32
    %dma_wait3A_694 = arith.constant 0 : i32
    %dma_wait3A_695 = tpu.memref_slice %arg10[%dma_wait3A_693, %dma_wait3A_694] : memref<128x129xf32, #tpu.memory_space<vmem>> -> memref<8x128xf32, #tpu.memory_space<vmem>>
    %dma_wait3A_696 = arith.constant 0 : i32
    %dma_wait3A_697 = arith.constant 0 : i32
    %dma_wait3A_698 = tpu.memref_slice %arg4[%select_n3A_595, %dma_wait3A_692, %add3A_691, %dma_wait3A_696, %dma_wait3A_697] : memref<200x4x128x8x128xf32, #tpu.memory_space<hbm>> -> memref<1x1x1x8x128xf32, #tpu.memory_space<hbm>>
    %dma_wait3A_699 = tpu.memref_squeeze %dma_wait3A_698 : memref<1x1x1x8x128xf32, #tpu.memory_space<hbm>> -> memref<8x128xf32, #tpu.memory_space<hbm>>
    %dma_wait3A_700 = arith.constant 0 : i32
    %dma_wait3A_701 = arith.constant 0 : i32
    %dma_wait3A_702 = tpu.memref_slice %arg4[%select_n3A_595, %dma_wait3A_692, %add3A_691, %dma_wait3A_700, %dma_wait3A_701] : memref<200x4x128x8x128xf32, #tpu.memory_space<hbm>> -> memref<1x1x1x8x128xf32, #tpu.memory_space<hbm>>
    %dma_wait3A_703 = tpu.memref_squeeze %dma_wait3A_702 : memref<1x1x1x8x128xf32, #tpu.memory_space<hbm>> -> memref<8x128xf32, #tpu.memory_space<hbm>>
    %dma_wait3A_704 = arith.constant 8 : i32
    %dma_wait3A_705 = arith.constant 0 : i32
    %dma_wait3A_706 = tpu.memref_slice %arg10[%dma_wait3A_704, %dma_wait3A_705] : memref<128x129xf32, #tpu.memory_space<vmem>> -> memref<8x128xf32, #tpu.memory_space<vmem>>
    tpu.wait_dma2 semaphore(%arg16 : memref<!tpu.dma_semaphore, #tpu.memory_space<semaphore_mem>>) src(%dma_wait3A_706 : memref<8x128xf32, #tpu.memory_space<vmem>>) dst(%dma_wait3A_703 : memref<8x128xf32, #tpu.memory_space<hbm>>)
    %mul3A_707 = arith.constant 4 : i32
    %mul3A_708 = arith.muli %select_n3A_611, %mul3A_707 : i32
    %add3A_709 = arith.constant 1 : i32
    %add3A_710 = arith.addi %mul3A_708, %add3A_709 : i32
    %dma_wait3A_711 = arith.constant 1 : i32
    %dma_wait3A_712 = arith.constant 40 : i32
    %dma_wait3A_713 = arith.constant 0 : i32
    %dma_wait3A_714 = tpu.memref_slice %arg10[%dma_wait3A_712, %dma_wait3A_713] : memref<128x129xf32, #tpu.memory_space<vmem>> -> memref<8x128xf32, #tpu.memory_space<vmem>>
    %dma_wait3A_715 = arith.constant 0 : i32
    %dma_wait3A_716 = arith.constant 0 : i32
    %dma_wait3A_717 = tpu.memref_slice %arg4[%select_n3A_595, %dma_wait3A_711, %add3A_710, %dma_wait3A_715, %dma_wait3A_716] : memref<200x4x128x8x128xf32, #tpu.memory_space<hbm>> -> memref<1x1x1x8x128xf32, #tpu.memory_space<hbm>>
    %dma_wait3A_718 = tpu.memref_squeeze %dma_wait3A_717 : memref<1x1x1x8x128xf32, #tpu.memory_space<hbm>> -> memref<8x128xf32, #tpu.memory_space<hbm>>
    %dma_wait3A_719 = arith.constant 0 : i32
    %dma_wait3A_720 = arith.constant 0 : i32
    %dma_wait3A_721 = tpu.memref_slice %arg4[%select_n3A_595, %dma_wait3A_711, %add3A_710, %dma_wait3A_719, %dma_wait3A_720] : memref<200x4x128x8x128xf32, #tpu.memory_space<hbm>> -> memref<1x1x1x8x128xf32, #tpu.memory_space<hbm>>
    %dma_wait3A_722 = tpu.memref_squeeze %dma_wait3A_721 : memref<1x1x1x8x128xf32, #tpu.memory_space<hbm>> -> memref<8x128xf32, #tpu.memory_space<hbm>>
    %dma_wait3A_723 = arith.constant 40 : i32
    %dma_wait3A_724 = arith.constant 0 : i32
    %dma_wait3A_725 = tpu.memref_slice %arg10[%dma_wait3A_723, %dma_wait3A_724] : memref<128x129xf32, #tpu.memory_space<vmem>> -> memref<8x128xf32, #tpu.memory_space<vmem>>
    tpu.wait_dma2 semaphore(%arg16 : memref<!tpu.dma_semaphore, #tpu.memory_space<semaphore_mem>>) src(%dma_wait3A_725 : memref<8x128xf32, #tpu.memory_space<vmem>>) dst(%dma_wait3A_722 : memref<8x128xf32, #tpu.memory_space<hbm>>)
    %mul3A_726 = arith.constant 4 : i32
    %mul3A_727 = arith.muli %select_n3A_611, %mul3A_726 : i32
    %add3A_728 = arith.constant 2 : i32
    %add3A_729 = arith.addi %mul3A_727, %add3A_728 : i32
    %dma_wait3A_730 = arith.constant 1 : i32
    %dma_wait3A_731 = arith.constant 72 : i32
    %dma_wait3A_732 = arith.constant 0 : i32
    %dma_wait3A_733 = tpu.memref_slice %arg10[%dma_wait3A_731, %dma_wait3A_732] : memref<128x129xf32, #tpu.memory_space<vmem>> -> memref<8x128xf32, #tpu.memory_space<vmem>>
    %dma_wait3A_734 = arith.constant 0 : i32
    %dma_wait3A_735 = arith.constant 0 : i32
    %dma_wait3A_736 = tpu.memref_slice %arg4[%select_n3A_595, %dma_wait3A_730, %add3A_729, %dma_wait3A_734, %dma_wait3A_735] : memref<200x4x128x8x128xf32, #tpu.memory_space<hbm>> -> memref<1x1x1x8x128xf32, #tpu.memory_space<hbm>>
    %dma_wait3A_737 = tpu.memref_squeeze %dma_wait3A_736 : memref<1x1x1x8x128xf32, #tpu.memory_space<hbm>> -> memref<8x128xf32, #tpu.memory_space<hbm>>
    %dma_wait3A_738 = arith.constant 0 : i32
    %dma_wait3A_739 = arith.constant 0 : i32
    %dma_wait3A_740 = tpu.memref_slice %arg4[%select_n3A_595, %dma_wait3A_730, %add3A_729, %dma_wait3A_738, %dma_wait3A_739] : memref<200x4x128x8x128xf32, #tpu.memory_space<hbm>> -> memref<1x1x1x8x128xf32, #tpu.memory_space<hbm>>
    %dma_wait3A_741 = tpu.memref_squeeze %dma_wait3A_740 : memref<1x1x1x8x128xf32, #tpu.memory_space<hbm>> -> memref<8x128xf32, #tpu.memory_space<hbm>>
    %dma_wait3A_742 = arith.constant 72 : i32
    %dma_wait3A_743 = arith.constant 0 : i32
    %dma_wait3A_744 = tpu.memref_slice %arg10[%dma_wait3A_742, %dma_wait3A_743] : memref<128x129xf32, #tpu.memory_space<vmem>> -> memref<8x128xf32, #tpu.memory_space<vmem>>
    tpu.wait_dma2 semaphore(%arg16 : memref<!tpu.dma_semaphore, #tpu.memory_space<semaphore_mem>>) src(%dma_wait3A_744 : memref<8x128xf32, #tpu.memory_space<vmem>>) dst(%dma_wait3A_741 : memref<8x128xf32, #tpu.memory_space<hbm>>)
    %mul3A_745 = arith.constant 4 : i32
    %mul3A_746 = arith.muli %select_n3A_611, %mul3A_745 : i32
    %add3A_747 = arith.constant 3 : i32
    %add3A_748 = arith.addi %mul3A_746, %add3A_747 : i32
    %dma_wait3A_749 = arith.constant 1 : i32
    %dma_wait3A_750 = arith.constant 104 : i32
    %dma_wait3A_751 = arith.constant 0 : i32
    %dma_wait3A_752 = tpu.memref_slice %arg10[%dma_wait3A_750, %dma_wait3A_751] : memref<128x129xf32, #tpu.memory_space<vmem>> -> memref<8x128xf32, #tpu.memory_space<vmem>>
    %dma_wait3A_753 = arith.constant 0 : i32
    %dma_wait3A_754 = arith.constant 0 : i32
    %dma_wait3A_755 = tpu.memref_slice %arg4[%select_n3A_595, %dma_wait3A_749, %add3A_748, %dma_wait3A_753, %dma_wait3A_754] : memref<200x4x128x8x128xf32, #tpu.memory_space<hbm>> -> memref<1x1x1x8x128xf32, #tpu.memory_space<hbm>>
    %dma_wait3A_756 = tpu.memref_squeeze %dma_wait3A_755 : memref<1x1x1x8x128xf32, #tpu.memory_space<hbm>> -> memref<8x128xf32, #tpu.memory_space<hbm>>
    %dma_wait3A_757 = arith.constant 0 : i32
    %dma_wait3A_758 = arith.constant 0 : i32
    %dma_wait3A_759 = tpu.memref_slice %arg4[%select_n3A_595, %dma_wait3A_749, %add3A_748, %dma_wait3A_757, %dma_wait3A_758] : memref<200x4x128x8x128xf32, #tpu.memory_space<hbm>> -> memref<1x1x1x8x128xf32, #tpu.memory_space<hbm>>
    %dma_wait3A_760 = tpu.memref_squeeze %dma_wait3A_759 : memref<1x1x1x8x128xf32, #tpu.memory_space<hbm>> -> memref<8x128xf32, #tpu.memory_space<hbm>>
    %dma_wait3A_761 = arith.constant 104 : i32
    %dma_wait3A_762 = arith.constant 0 : i32
    %dma_wait3A_763 = tpu.memref_slice %arg10[%dma_wait3A_761, %dma_wait3A_762] : memref<128x129xf32, #tpu.memory_space<vmem>> -> memref<8x128xf32, #tpu.memory_space<vmem>>
    tpu.wait_dma2 semaphore(%arg16 : memref<!tpu.dma_semaphore, #tpu.memory_space<semaphore_mem>>) src(%dma_wait3A_763 : memref<8x128xf32, #tpu.memory_space<vmem>>) dst(%dma_wait3A_760 : memref<8x128xf32, #tpu.memory_space<hbm>>)
    %mul3A_764 = arith.constant 4 : i32
    %mul3A_765 = arith.muli %select_n3A_611, %mul3A_764 : i32
    %add3A_766 = arith.constant 0 : i32
    %add3A_767 = arith.addi %mul3A_765, %add3A_766 : i32
    %dma_wait3A_768 = arith.constant 2 : i32
    %dma_wait3A_769 = arith.constant 16 : i32
    %dma_wait3A_770 = arith.constant 0 : i32
    %dma_wait3A_771 = tpu.memref_slice %arg10[%dma_wait3A_769, %dma_wait3A_770] : memref<128x129xf32, #tpu.memory_space<vmem>> -> memref<8x128xf32, #tpu.memory_space<vmem>>
    %dma_wait3A_772 = arith.constant 0 : i32
    %dma_wait3A_773 = arith.constant 0 : i32
    %dma_wait3A_774 = tpu.memref_slice %arg4[%select_n3A_595, %dma_wait3A_768, %add3A_767, %dma_wait3A_772, %dma_wait3A_773] : memref<200x4x128x8x128xf32, #tpu.memory_space<hbm>> -> memref<1x1x1x8x128xf32, #tpu.memory_space<hbm>>
    %dma_wait3A_775 = tpu.memref_squeeze %dma_wait3A_774 : memref<1x1x1x8x128xf32, #tpu.memory_space<hbm>> -> memref<8x128xf32, #tpu.memory_space<hbm>>
    %dma_wait3A_776 = arith.constant 0 : i32
    %dma_wait3A_777 = arith.constant 0 : i32
    %dma_wait3A_778 = tpu.memref_slice %arg4[%select_n3A_595, %dma_wait3A_768, %add3A_767, %dma_wait3A_776, %dma_wait3A_777] : memref<200x4x128x8x128xf32, #tpu.memory_space<hbm>> -> memref<1x1x1x8x128xf32, #tpu.memory_space<hbm>>
    %dma_wait3A_779 = tpu.memref_squeeze %dma_wait3A_778 : memref<1x1x1x8x128xf32, #tpu.memory_space<hbm>> -> memref<8x128xf32, #tpu.memory_space<hbm>>
    %dma_wait3A_780 = arith.constant 16 : i32
    %dma_wait3A_781 = arith.constant 0 : i32
    %dma_wait3A_782 = tpu.memref_slice %arg10[%dma_wait3A_780, %dma_wait3A_781] : memref<128x129xf32, #tpu.memory_space<vmem>> -> memref<8x128xf32, #tpu.memory_space<vmem>>
    tpu.wait_dma2 semaphore(%arg16 : memref<!tpu.dma_semaphore, #tpu.memory_space<semaphore_mem>>) src(%dma_wait3A_782 : memref<8x128xf32, #tpu.memory_space<vmem>>) dst(%dma_wait3A_779 : memref<8x128xf32, #tpu.memory_space<hbm>>)
    %mul3A_783 = arith.constant 4 : i32
    %mul3A_784 = arith.muli %select_n3A_611, %mul3A_783 : i32
    %add3A_785 = arith.constant 1 : i32
    %add3A_786 = arith.addi %mul3A_784, %add3A_785 : i32
    %dma_wait3A_787 = arith.constant 2 : i32
    %dma_wait3A_788 = arith.constant 48 : i32
    %dma_wait3A_789 = arith.constant 0 : i32
    %dma_wait3A_790 = tpu.memref_slice %arg10[%dma_wait3A_788, %dma_wait3A_789] : memref<128x129xf32, #tpu.memory_space<vmem>> -> memref<8x128xf32, #tpu.memory_space<vmem>>
    %dma_wait3A_791 = arith.constant 0 : i32
    %dma_wait3A_792 = arith.constant 0 : i32
    %dma_wait3A_793 = tpu.memref_slice %arg4[%select_n3A_595, %dma_wait3A_787, %add3A_786, %dma_wait3A_791, %dma_wait3A_792] : memref<200x4x128x8x128xf32, #tpu.memory_space<hbm>> -> memref<1x1x1x8x128xf32, #tpu.memory_space<hbm>>
    %dma_wait3A_794 = tpu.memref_squeeze %dma_wait3A_793 : memref<1x1x1x8x128xf32, #tpu.memory_space<hbm>> -> memref<8x128xf32, #tpu.memory_space<hbm>>
    %dma_wait3A_795 = arith.constant 0 : i32
    %dma_wait3A_796 = arith.constant 0 : i32
    %dma_wait3A_797 = tpu.memref_slice %arg4[%select_n3A_595, %dma_wait3A_787, %add3A_786, %dma_wait3A_795, %dma_wait3A_796] : memref<200x4x128x8x128xf32, #tpu.memory_space<hbm>> -> memref<1x1x1x8x128xf32, #tpu.memory_space<hbm>>
    %dma_wait3A_798 = tpu.memref_squeeze %dma_wait3A_797 : memref<1x1x1x8x128xf32, #tpu.memory_space<hbm>> -> memref<8x128xf32, #tpu.memory_space<hbm>>
    %dma_wait3A_799 = arith.constant 48 : i32
    %dma_wait3A_800 = arith.constant 0 : i32
    %dma_wait3A_801 = tpu.memref_slice %arg10[%dma_wait3A_799, %dma_wait3A_800] : memref<128x129xf32, #tpu.memory_space<vmem>> -> memref<8x128xf32, #tpu.memory_space<vmem>>
    tpu.wait_dma2 semaphore(%arg16 : memref<!tpu.dma_semaphore, #tpu.memory_space<semaphore_mem>>) src(%dma_wait3A_801 : memref<8x128xf32, #tpu.memory_space<vmem>>) dst(%dma_wait3A_798 : memref<8x128xf32, #tpu.memory_space<hbm>>)
    %mul3A_802 = arith.constant 4 : i32
    %mul3A_803 = arith.muli %select_n3A_611, %mul3A_802 : i32
    %add3A_804 = arith.constant 2 : i32
    %add3A_805 = arith.addi %mul3A_803, %add3A_804 : i32
    %dma_wait3A_806 = arith.constant 2 : i32
    %dma_wait3A_807 = arith.constant 80 : i32
    %dma_wait3A_808 = arith.constant 0 : i32
    %dma_wait3A_809 = tpu.memref_slice %arg10[%dma_wait3A_807, %dma_wait3A_808] : memref<128x129xf32, #tpu.memory_space<vmem>> -> memref<8x128xf32, #tpu.memory_space<vmem>>
    %dma_wait3A_810 = arith.constant 0 : i32
    %dma_wait3A_811 = arith.constant 0 : i32
    %dma_wait3A_812 = tpu.memref_slice %arg4[%select_n3A_595, %dma_wait3A_806, %add3A_805, %dma_wait3A_810, %dma_wait3A_811] : memref<200x4x128x8x128xf32, #tpu.memory_space<hbm>> -> memref<1x1x1x8x128xf32, #tpu.memory_space<hbm>>
    %dma_wait3A_813 = tpu.memref_squeeze %dma_wait3A_812 : memref<1x1x1x8x128xf32, #tpu.memory_space<hbm>> -> memref<8x128xf32, #tpu.memory_space<hbm>>
    %dma_wait3A_814 = arith.constant 0 : i32
    %dma_wait3A_815 = arith.constant 0 : i32
    %dma_wait3A_816 = tpu.memref_slice %arg4[%select_n3A_595, %dma_wait3A_806, %add3A_805, %dma_wait3A_814, %dma_wait3A_815] : memref<200x4x128x8x128xf32, #tpu.memory_space<hbm>> -> memref<1x1x1x8x128xf32, #tpu.memory_space<hbm>>
    %dma_wait3A_817 = tpu.memref_squeeze %dma_wait3A_816 : memref<1x1x1x8x128xf32, #tpu.memory_space<hbm>> -> memref<8x128xf32, #tpu.memory_space<hbm>>
    %dma_wait3A_818 = arith.constant 80 : i32
    %dma_wait3A_819 = arith.constant 0 : i32
    %dma_wait3A_820 = tpu.memref_slice %arg10[%dma_wait3A_818, %dma_wait3A_819] : memref<128x129xf32, #tpu.memory_space<vmem>> -> memref<8x128xf32, #tpu.memory_space<vmem>>
    tpu.wait_dma2 semaphore(%arg16 : memref<!tpu.dma_semaphore, #tpu.memory_space<semaphore_mem>>) src(%dma_wait3A_820 : memref<8x128xf32, #tpu.memory_space<vmem>>) dst(%dma_wait3A_817 : memref<8x128xf32, #tpu.memory_space<hbm>>)
    %mul3A_821 = arith.constant 4 : i32
    %mul3A_822 = arith.muli %select_n3A_611, %mul3A_821 : i32
    %add3A_823 = arith.constant 3 : i32
    %add3A_824 = arith.addi %mul3A_822, %add3A_823 : i32
    %dma_wait3A_825 = arith.constant 2 : i32
    %dma_wait3A_826 = arith.constant 112 : i32
    %dma_wait3A_827 = arith.constant 0 : i32
    %dma_wait3A_828 = tpu.memref_slice %arg10[%dma_wait3A_826, %dma_wait3A_827] : memref<128x129xf32, #tpu.memory_space<vmem>> -> memref<8x128xf32, #tpu.memory_space<vmem>>
    %dma_wait3A_829 = arith.constant 0 : i32
    %dma_wait3A_830 = arith.constant 0 : i32
    %dma_wait3A_831 = tpu.memref_slice %arg4[%select_n3A_595, %dma_wait3A_825, %add3A_824, %dma_wait3A_829, %dma_wait3A_830] : memref<200x4x128x8x128xf32, #tpu.memory_space<hbm>> -> memref<1x1x1x8x128xf32, #tpu.memory_space<hbm>>
    %dma_wait3A_832 = tpu.memref_squeeze %dma_wait3A_831 : memref<1x1x1x8x128xf32, #tpu.memory_space<hbm>> -> memref<8x128xf32, #tpu.memory_space<hbm>>
    %dma_wait3A_833 = arith.constant 0 : i32
    %dma_wait3A_834 = arith.constant 0 : i32
    %dma_wait3A_835 = tpu.memref_slice %arg4[%select_n3A_595, %dma_wait3A_825, %add3A_824, %dma_wait3A_833, %dma_wait3A_834] : memref<200x4x128x8x128xf32, #tpu.memory_space<hbm>> -> memref<1x1x1x8x128xf32, #tpu.memory_space<hbm>>
    %dma_wait3A_836 = tpu.memref_squeeze %dma_wait3A_835 : memref<1x1x1x8x128xf32, #tpu.memory_space<hbm>> -> memref<8x128xf32, #tpu.memory_space<hbm>>
    %dma_wait3A_837 = arith.constant 112 : i32
    %dma_wait3A_838 = arith.constant 0 : i32
    %dma_wait3A_839 = tpu.memref_slice %arg10[%dma_wait3A_837, %dma_wait3A_838] : memref<128x129xf32, #tpu.memory_space<vmem>> -> memref<8x128xf32, #tpu.memory_space<vmem>>
    tpu.wait_dma2 semaphore(%arg16 : memref<!tpu.dma_semaphore, #tpu.memory_space<semaphore_mem>>) src(%dma_wait3A_839 : memref<8x128xf32, #tpu.memory_space<vmem>>) dst(%dma_wait3A_836 : memref<8x128xf32, #tpu.memory_space<hbm>>)
    %mul3A_840 = arith.constant 4 : i32
    %mul3A_841 = arith.muli %select_n3A_611, %mul3A_840 : i32
    %add3A_842 = arith.constant 0 : i32
    %add3A_843 = arith.addi %mul3A_841, %add3A_842 : i32
    %dma_wait3A_844 = arith.constant 3 : i32
    %dma_wait3A_845 = arith.constant 24 : i32
    %dma_wait3A_846 = arith.constant 0 : i32
    %dma_wait3A_847 = tpu.memref_slice %arg10[%dma_wait3A_845, %dma_wait3A_846] : memref<128x129xf32, #tpu.memory_space<vmem>> -> memref<8x128xf32, #tpu.memory_space<vmem>>
    %dma_wait3A_848 = arith.constant 0 : i32
    %dma_wait3A_849 = arith.constant 0 : i32
    %dma_wait3A_850 = tpu.memref_slice %arg4[%select_n3A_595, %dma_wait3A_844, %add3A_843, %dma_wait3A_848, %dma_wait3A_849] : memref<200x4x128x8x128xf32, #tpu.memory_space<hbm>> -> memref<1x1x1x8x128xf32, #tpu.memory_space<hbm>>
    %dma_wait3A_851 = tpu.memref_squeeze %dma_wait3A_850 : memref<1x1x1x8x128xf32, #tpu.memory_space<hbm>> -> memref<8x128xf32, #tpu.memory_space<hbm>>
    %dma_wait3A_852 = arith.constant 0 : i32
    %dma_wait3A_853 = arith.constant 0 : i32
    %dma_wait3A_854 = tpu.memref_slice %arg4[%select_n3A_595, %dma_wait3A_844, %add3A_843, %dma_wait3A_852, %dma_wait3A_853] : memref<200x4x128x8x128xf32, #tpu.memory_space<hbm>> -> memref<1x1x1x8x128xf32, #tpu.memory_space<hbm>>
    %dma_wait3A_855 = tpu.memref_squeeze %dma_wait3A_854 : memref<1x1x1x8x128xf32, #tpu.memory_space<hbm>> -> memref<8x128xf32, #tpu.memory_space<hbm>>
    %dma_wait3A_856 = arith.constant 24 : i32
    %dma_wait3A_857 = arith.constant 0 : i32
    %dma_wait3A_858 = tpu.memref_slice %arg10[%dma_wait3A_856, %dma_wait3A_857] : memref<128x129xf32, #tpu.memory_space<vmem>> -> memref<8x128xf32, #tpu.memory_space<vmem>>
    tpu.wait_dma2 semaphore(%arg16 : memref<!tpu.dma_semaphore, #tpu.memory_space<semaphore_mem>>) src(%dma_wait3A_858 : memref<8x128xf32, #tpu.memory_space<vmem>>) dst(%dma_wait3A_855 : memref<8x128xf32, #tpu.memory_space<hbm>>)
    %mul3A_859 = arith.constant 4 : i32
    %mul3A_860 = arith.muli %select_n3A_611, %mul3A_859 : i32
    %add3A_861 = arith.constant 1 : i32
    %add3A_862 = arith.addi %mul3A_860, %add3A_861 : i32
    %dma_wait3A_863 = arith.constant 3 : i32
    %dma_wait3A_864 = arith.constant 56 : i32
    %dma_wait3A_865 = arith.constant 0 : i32
    %dma_wait3A_866 = tpu.memref_slice %arg10[%dma_wait3A_864, %dma_wait3A_865] : memref<128x129xf32, #tpu.memory_space<vmem>> -> memref<8x128xf32, #tpu.memory_space<vmem>>
    %dma_wait3A_867 = arith.constant 0 : i32
    %dma_wait3A_868 = arith.constant 0 : i32
    %dma_wait3A_869 = tpu.memref_slice %arg4[%select_n3A_595, %dma_wait3A_863, %add3A_862, %dma_wait3A_867, %dma_wait3A_868] : memref<200x4x128x8x128xf32, #tpu.memory_space<hbm>> -> memref<1x1x1x8x128xf32, #tpu.memory_space<hbm>>
    %dma_wait3A_870 = tpu.memref_squeeze %dma_wait3A_869 : memref<1x1x1x8x128xf32, #tpu.memory_space<hbm>> -> memref<8x128xf32, #tpu.memory_space<hbm>>
    %dma_wait3A_871 = arith.constant 0 : i32
    %dma_wait3A_872 = arith.constant 0 : i32
    %dma_wait3A_873 = tpu.memref_slice %arg4[%select_n3A_595, %dma_wait3A_863, %add3A_862, %dma_wait3A_871, %dma_wait3A_872] : memref<200x4x128x8x128xf32, #tpu.memory_space<hbm>> -> memref<1x1x1x8x128xf32, #tpu.memory_space<hbm>>
    %dma_wait3A_874 = tpu.memref_squeeze %dma_wait3A_873 : memref<1x1x1x8x128xf32, #tpu.memory_space<hbm>> -> memref<8x128xf32, #tpu.memory_space<hbm>>
    %dma_wait3A_875 = arith.constant 56 : i32
    %dma_wait3A_876 = arith.constant 0 : i32
    %dma_wait3A_877 = tpu.memref_slice %arg10[%dma_wait3A_875, %dma_wait3A_876] : memref<128x129xf32, #tpu.memory_space<vmem>> -> memref<8x128xf32, #tpu.memory_space<vmem>>
    tpu.wait_dma2 semaphore(%arg16 : memref<!tpu.dma_semaphore, #tpu.memory_space<semaphore_mem>>) src(%dma_wait3A_877 : memref<8x128xf32, #tpu.memory_space<vmem>>) dst(%dma_wait3A_874 : memref<8x128xf32, #tpu.memory_space<hbm>>)
    %mul3A_878 = arith.constant 4 : i32
    %mul3A_879 = arith.muli %select_n3A_611, %mul3A_878 : i32
    %add3A_880 = arith.constant 2 : i32
    %add3A_881 = arith.addi %mul3A_879, %add3A_880 : i32
    %dma_wait3A_882 = arith.constant 3 : i32
    %dma_wait3A_883 = arith.constant 88 : i32
    %dma_wait3A_884 = arith.constant 0 : i32
    %dma_wait3A_885 = tpu.memref_slice %arg10[%dma_wait3A_883, %dma_wait3A_884] : memref<128x129xf32, #tpu.memory_space<vmem>> -> memref<8x128xf32, #tpu.memory_space<vmem>>
    %dma_wait3A_886 = arith.constant 0 : i32
    %dma_wait3A_887 = arith.constant 0 : i32
    %dma_wait3A_888 = tpu.memref_slice %arg4[%select_n3A_595, %dma_wait3A_882, %add3A_881, %dma_wait3A_886, %dma_wait3A_887] : memref<200x4x128x8x128xf32, #tpu.memory_space<hbm>> -> memref<1x1x1x8x128xf32, #tpu.memory_space<hbm>>
    %dma_wait3A_889 = tpu.memref_squeeze %dma_wait3A_888 : memref<1x1x1x8x128xf32, #tpu.memory_space<hbm>> -> memref<8x128xf32, #tpu.memory_space<hbm>>
    %dma_wait3A_890 = arith.constant 0 : i32
    %dma_wait3A_891 = arith.constant 0 : i32
    %dma_wait3A_892 = tpu.memref_slice %arg4[%select_n3A_595, %dma_wait3A_882, %add3A_881, %dma_wait3A_890, %dma_wait3A_891] : memref<200x4x128x8x128xf32, #tpu.memory_space<hbm>> -> memref<1x1x1x8x128xf32, #tpu.memory_space<hbm>>
    %dma_wait3A_893 = tpu.memref_squeeze %dma_wait3A_892 : memref<1x1x1x8x128xf32, #tpu.memory_space<hbm>> -> memref<8x128xf32, #tpu.memory_space<hbm>>
    %dma_wait3A_894 = arith.constant 88 : i32
    %dma_wait3A_895 = arith.constant 0 : i32
    %dma_wait3A_896 = tpu.memref_slice %arg10[%dma_wait3A_894, %dma_wait3A_895] : memref<128x129xf32, #tpu.memory_space<vmem>> -> memref<8x128xf32, #tpu.memory_space<vmem>>
    tpu.wait_dma2 semaphore(%arg16 : memref<!tpu.dma_semaphore, #tpu.memory_space<semaphore_mem>>) src(%dma_wait3A_896 : memref<8x128xf32, #tpu.memory_space<vmem>>) dst(%dma_wait3A_893 : memref<8x128xf32, #tpu.memory_space<hbm>>)
    %mul3A_897 = arith.constant 4 : i32
    %mul3A_898 = arith.muli %select_n3A_611, %mul3A_897 : i32
    %add3A_899 = arith.constant 3 : i32
    %add3A_900 = arith.addi %mul3A_898, %add3A_899 : i32
    %dma_wait3A_901 = arith.constant 3 : i32
    %dma_wait3A_902 = arith.constant 120 : i32
    %dma_wait3A_903 = arith.constant 0 : i32
    %dma_wait3A_904 = tpu.memref_slice %arg10[%dma_wait3A_902, %dma_wait3A_903] : memref<128x129xf32, #tpu.memory_space<vmem>> -> memref<8x128xf32, #tpu.memory_space<vmem>>
    %dma_wait3A_905 = arith.constant 0 : i32
    %dma_wait3A_906 = arith.constant 0 : i32
    %dma_wait3A_907 = tpu.memref_slice %arg4[%select_n3A_595, %dma_wait3A_901, %add3A_900, %dma_wait3A_905, %dma_wait3A_906] : memref<200x4x128x8x128xf32, #tpu.memory_space<hbm>> -> memref<1x1x1x8x128xf32, #tpu.memory_space<hbm>>
    %dma_wait3A_908 = tpu.memref_squeeze %dma_wait3A_907 : memref<1x1x1x8x128xf32, #tpu.memory_space<hbm>> -> memref<8x128xf32, #tpu.memory_space<hbm>>
    %dma_wait3A_909 = arith.constant 0 : i32
    %dma_wait3A_910 = arith.constant 0 : i32
    %dma_wait3A_911 = tpu.memref_slice %arg4[%select_n3A_595, %dma_wait3A_901, %add3A_900, %dma_wait3A_909, %dma_wait3A_910] : memref<200x4x128x8x128xf32, #tpu.memory_space<hbm>> -> memref<1x1x1x8x128xf32, #tpu.memory_space<hbm>>
    %dma_wait3A_912 = tpu.memref_squeeze %dma_wait3A_911 : memref<1x1x1x8x128xf32, #tpu.memory_space<hbm>> -> memref<8x128xf32, #tpu.memory_space<hbm>>
    %dma_wait3A_913 = arith.constant 120 : i32
    %dma_wait3A_914 = arith.constant 0 : i32
    %dma_wait3A_915 = tpu.memref_slice %arg10[%dma_wait3A_913, %dma_wait3A_914] : memref<128x129xf32, #tpu.memory_space<vmem>> -> memref<8x128xf32, #tpu.memory_space<vmem>>
    tpu.wait_dma2 semaphore(%arg16 : memref<!tpu.dma_semaphore, #tpu.memory_space<semaphore_mem>>) src(%dma_wait3A_915 : memref<8x128xf32, #tpu.memory_space<vmem>>) dst(%dma_wait3A_912 : memref<8x128xf32, #tpu.memory_space<hbm>>)
    return
  }
}

</mosaic_0001>

<sc_bundles>
// kernel: _sc_embed.3.cloned.1.call-start
scs
__scs_entry_jumppad:
0x0: {  	(pc) =	sbr.rel $0x88, $3  }
0x1: {  	(tag) =	ssettag $0x0;
	lr =	simm.s32 $0x1  }
0x2: {  	[smem:$0x3F9F] =	sst lr;
	_ =	strace $0xD0000000  }
0x3: {  	_ = 	snop  }
0x4: {  	_ = 	snop  }
0x5: {  	_ = 	snop  }
0x6: {  	_ = 	snop  }
0x7: {  	_ = 	snop  }
__scs_overlays_trampoline_lowered:
0x8: {  	[smem:$0x3FAE] =	sst s0  }
0x9: {  	[smem:$0x3FAF] =	sst s1  }
0xa: {  	[smem:$0x3FB0] =	sst s2  }
0xb: {  	[smem:$0x3FB1] =	sst s3  }
0xc: {  	[smem:$0x3FB2] =	sst s4  }
0xd: {  	[smem:$0x3FB3] =	sst s5  }
0xe: {  	[smem:$0x3FB4] =	sst s6  }
0xf: {  	[smem:$0x3FB5] =	sst s7  }
0x10: {  	[smem:$0x3FB6] =	sst s8  }
0x11: {  	[smem:$0x3FB7] =	sst s9;
	s0 =	simm.s32 @!p0 $0x0  }
0x12: {  	s1 =	sld [smem:$0x3F9D];
	s0 =	simm.s32 @p0 $0x1  }
0x13: {  	[smem:$0x3FB8] =	sst s0;
	s0 =	simm.s32 @!p1 $0x0  }
0x14: {  	s2 =	sld [smem:$0x3F9C];
	s0 =	simm.s32 @p1 $0x1  }
0x15: {  	[smem:$0x3FB9] =	sst s0;
	s0 =	simm.s32 @!p2 $0x0  }
0x16: {  	s3 =	sld [smem:$0x3FDB];
	s0 =	simm.s32 @p2 $0x1  }
0x17: {  	s4 =	simm.s32 $0x1BF5;
	[smem:$0x3FBB] =	sst s0  }
0x18: {  	s0 =	sld [smem:$0x3F9E];
	_ =	swait.ge [sflag:s4], $0x0  }
0x19: {  	s7 =	sld [smem:$0x3F9F]  }
0x1a: {  	s8 =	sadd.s32 $0xFFFFE003, lr  }
0x1b: {  	s9 =	sadd.s32 $0xFFFFFEF7, lr;
	s5 =	simm.s32 $0xFFFFFFFF;
	p2 =	slt.u32 s8, $0xFFFFF086  }
0x1c: {  	p1 =	slt.u32 s9, $0xF7A;
	s5 =	simm.s32 @!p2 $0x0  }
0x1d: {  	s5 =	simm.s32 @p1 $0x1;
	p0 =	seq.s32 s7, s2  }
0x1e: {  	s7 =	smul.u32 @!p0 $0xF7A, s2;
	p2 =	seq.s32 @!p0 s5, $0x0  }
0x1f: {  	s9 =	smul.u32 $0xF7A, s1;
	s8 =	simm.s32 @!p0 $0x1BF5;
	p2 =	por !p2, p0  }
0x20: {  	[sflag:s8] =	ssyncset.s32 @!p0 $0xFFFFF086;
	s6 =	sadd.s32 @!p0 s3, s7;
	s7 =	simm.s32 @!p0 $0x108  }
0x21: {  	s3 =	sadd.s32 s3, s9;
	s6 =	sadd.s32 @!p0 $0x88, s6;
	s7 =	simm.s32 @p2 $0x1082  }
0x22: {  	[simem:s7], [sflag:s8] =	dma.local @!p0 [hbm:s6], $0xF7A  }
0x23: {  	s9 =	sor.u32 $0xD0000000, s2;
	s6 =	simm.s32 $0x108;
	_ =	swait.ge @!p0 [sflag:s8], $0x0  }
0x24: {  	s3 =	sadd.s32 $0x88, s3;
	s6 =	simm.s32 @!p1 $0x1082;
	[sflag:s4] =	ssyncset.s32 $0xFFFFF086  }
0x25: {  	[simem:s6], [sflag:s4] =	dma.local [hbm:s3], $0xF7A  }
0x26: {  	[smem:$0x3F9F] =	sst s1;
	(tag) =	ssettag s2;
	_ =	strace s9  }
0x27: {  	s1 =	sld [smem:$0x3FAF]  }
0x28: {  	s2 =	sld [smem:$0x3FB0]  }
0x29: {  	s4 =	sld [smem:$0x3FB2]  }
0x2a: {  	p0 =	seq.s32 s5, $0x0;
	s5 =	sld [smem:$0x3FB3]  }
0x2b: {  	s6 =	sld [smem:$0x3FB4]  }
0x2c: {  	s7 =	sld [smem:$0x3FB5]  }
0x2d: {  	s3 =	simm.s32 $0x108;
	s8 =	sld [smem:$0x3FB6]  }
0x2e: {  	s3 =	simm.s32 @!p0 $0x1082;
	s9 =	sld [smem:$0x3FB7]  }
0x2f: {  	lr =	sadd.s32 s0, s3;
	s0 =	sld [smem:$0x3FAE]  }
0x30: {  	s3 =	sld [smem:$0x3FB1]  }
0x31: {  	[smem:$0x3FBA] =	sst s10  }
0x32: {  	s10 =	sld [smem:$0x3FB8];
	_ =	sdelay $0x3  }
0x33: {  	p0 =	seq.s32 s10, $0x1;
	s10 =	sld [smem:$0x3FBA];
	_ =	sdelay $0x3  }
0x34: {  	[smem:$0x3FBA] =	sst s10  }
0x35: {  	s10 =	sld [smem:$0x3FB9];
	_ =	sdelay $0x3  }
0x36: {  	p1 =	seq.s32 s10, $0x1;
	s10 =	sld [smem:$0x3FBA];
	_ =	sdelay $0x3  }
0x37: {  	[smem:$0x3FBA] =	sst s10  }
0x38: {  	s10 =	sld [smem:$0x3FBB]  }
0x39: {  	_ = 	snop;
	(pc) =	sbr.ind lr, $3  }
0x3a: {  	_ = 	snop  }
0x3b: {  	_ = 	snop  }
0x3c: {  	p2 =	seq.s32 s10, $0x1;
	s10 =	sld [smem:$0x3FBA]  }
0x3d: {  	_ =	shalt  }
0x3e: {  	_ =	shalt  }
0x3f: {  	_ =	shalt  }
0x40: {  	_ =	shalt  }
0x41: {  	_ =	shalt  }
0x42: {  	_ =	shalt  }
0x43: {  	_ =	shalt  }
0x44: {  	_ =	shalt  }
0x45: {  	_ =	shalt  }
0x46: {  	_ =	shalt  }
0x47: {  	_ =	shalt  }
0x48: {  	_ =	shalt  }
0x49: {  	_ =	shalt  }
0x4a: {  	_ =	shalt  }
0x4b: {  	_ =	shalt  }
0x4c: {  	_ =	shalt  }
0x4d: {  	_ =	shalt  }
0x4e: {  	_ =	shalt  }
0x4f: {  	_ =	shalt  }
0x50: {  	_ =	shalt  }
0x51: {  	_ =	shalt  }
0x52: {  	_ =	shalt  }
0x53: {  	_ =	shalt  }
0x54: {  	_ =	shalt  }
0x55: {  	_ =	shalt  }
0x56: {  	_ =	shalt  }
0x57: {  	_ =	shalt  }
0x58: {  	_ =	shalt  }
0x59: {  	_ =	shalt  }
0x5a: {  	_ =	shalt  }
0x5b: {  	_ =	shalt  }
0x5c: {  	_ =	shalt  }
0x5d: {  	_ =	shalt  }
0x5e: {  	_ =	shalt  }
0x5f: {  	_ =	shalt  }
0x60: {  	_ =	shalt  }
0x61: {  	_ =	shalt  }
0x62: {  	_ =	shalt  }
0x63: {  	_ =	shalt  }
0x64: {  	_ =	shalt  }
0x65: {  	_ =	shalt  }
0x66: {  	_ =	shalt  }
0x67: {  	_ =	shalt  }
0x68: {  	_ =	shalt  }
0x69: {  	_ =	shalt  }
0x6a: {  	_ =	shalt  }
0x6b: {  	_ =	shalt  }
0x6c: {  	_ =	shalt  }
0x6d: {  	_ =	shalt  }
0x6e: {  	_ =	shalt  }
0x6f: {  	_ =	shalt  }
0x70: {  	_ =	shalt  }
0x71: {  	_ =	shalt  }
0x72: {  	_ =	shalt  }
0x73: {  	_ =	shalt  }
0x74: {  	_ =	shalt  }
0x75: {  	_ =	shalt  }
0x76: {  	_ =	shalt  }
0x77: {  	_ =	shalt  }
0x78: {  	_ =	shalt  }
0x79: {  	_ =	shalt  }
0x7a: {  	_ =	shalt  }
0x7b: {  	_ =	shalt  }
0x7c: {  	_ =	shalt  }
0x7d: {  	_ =	shalt  }
0x7e: {  	_ =	shalt  }
0x7f: {  	_ =	shalt  }
0x80: {  	_ =	shalt  }
0x81: {  	_ =	shalt  }
0x82: {  	_ =	shalt  }
0x83: {  	_ =	shalt  }
0x84: {  	_ =	shalt  }
0x85: {  	_ =	shalt  }
0x86: {  	_ =	shalt  }
0x87: {  	_ =	shalt  }
.Lfunc_end0:
.L_simem_size_0:
called_computation_lowered:
.L_overlay_start_0:
0x88: {  	s2 =	sld [smem:$0x3FD9]  }
0x89: {  	s3 =	sld [smem:$0x3FFE];
	_ =	sdelay $0x1  }
0x8a: {  	s1 =	srdreg.scid  }
0x8b: {  	s0 =	sand.u32 $0x1, s1  }
0x8c: {  	s17 =	sshll.u32 s0, $0xA;
	s2 =	sadd.s32 s3, s2  }
0x8d: {  	s2 =	sadd.s32 s2, s17  }
0x8e: {  	[smem:$0x3FC6] =	sst s2  }
0x8f: {  	_ = 	snop  }
0x90: {  	s2 =	sld [smem:$0x3FC9]  }
0x91: {  	s18 =	sld [smem:$0x3FD0];
	(tm) =	ssettm $0x1  }
0x92: {  	s4 =	sld [smem:$0x3FFB];
	_ =	sdelay $0x3  }
0x93: {  	_ =	strace s4  }
0x94: {  	s4 =	sld [smem:$0x3FFC];
	_ =	sdelay $0x3  }
0x95: {  	_ =	strace s4  }
0x96: {  	s4 =	sld [smem:$0x3FFD];
	_ =	sdelay $0x3  }
0x97: {  	_ =	strace s4  }
0x98: {  	_ =	strace $0x8FFFFFFF  }
0x99: {  	s19 =	sld [smem:$0x3FDB];
	_ =	sdelay $0x1  }
0x9a: {  	s5 =	simm.s32 $_scs_section_size  }
0x9b: {  	s6 =	simm.s32 $_size__tile_overlayer_lowered;
	s7 =	simm.s32 $_tile_overlayer_lowered  }
0x9c: {  	s22 =	simm.s32 $0x1BFF;
	s21 =	sshll.u32 s7, $0x1;
	s4 =	sadd.s32 s5, s19  }
0x9d: {  	s8 =	simm.s32 $0x0;
	s20 =	sshll.u32 s6, $0x1;
	s6 =	sadd.s32 s21, s4  }
0x9e: {  	[timem:s8], [sflag:s22] =	dma.local [hbm:s6], s20  }
0x9f: {  	_ =	swait.ge [sflag:s22], s20  }
0xa0: {  	s5 =	ssub.s32 $0x0, s20;
	[sflag:s22] =	ssyncset.done $0x0  }
0xa1: {  	[sflag:s22] =	ssyncadd.s32 s5;
	_ =	sdelay $0x1  }
0xa2: {  	s23 =	simm.s32 $0x1B8B  }
0xa3: {  	_ =	swait.ge [sflag:s23], $0x1  }
0xa4: {  	[sflag:s23] =	ssyncset.done $0x0  }
0xa5: {  	s25 =	simm.s32 $0x1B8E;
	s24 =	sld [smem:$0x3FFE];
	[sflag:s23] =	ssyncadd.s32 $0xFFFFFFFF  }
0xa6: {  	s26 =	simm.s32 $execute0_lowered;
	[smem:$0x3FD2] =	sst s25  }
0xa7: {  	s6 =	sshll.u32 s26, $0x1;
	_ =	strace $0x80000046;
	[dreg:$0x1] =	wrdreg $0xFFFFFFFF  }
0xa8: {  	s28 =	simm.s32 $_size_execute0_lowered;
	s4 =	sadd.s32 s4, s6;
	[dreg:$0x0] =	wrdreg $0x0  }
0xa9: {  	s6 =	sshll.u32 s28, $0x1;
	[dreg:$0x2] =	wrdreg s4  }
0xaa: {  	[dreg:$0x3] =	wrdreg s6  }
0xab: {  	[dreg:$0x4] =	wrdreg $0xC0  }
0xac: {  	_ =	task [dreg:s8], $0x5FFFF  }
0xad: {  	[dreg:$0x1] =	wrdreg $0xFFFFFFFF  }
0xae: {  	[dreg:$0x0] =	wrdreg $0x60  }
0xaf: {  	[dreg:$0x2] =	wrdreg s2  }
0xb0: {  	[dreg:$0x3] =	wrdreg s24  }
0xb1: {  	[dreg:$0x4] =	wrdreg s18  }
0xb2: {  	[dreg:$0x5] =	wrdreg $0x9  }
0xb3: {  	_ =	task.clear_ibuf [dreg:s8], $0x6FFFF;
	_ =	strace $0x90000046  }
0xb4: {  	s29 =	simm.s32 $0x9;
	_ =	strace $0x80000048  }
0xb5: {  	_ =	swait.ge [sflag:s29], $0x1  }
0xb6: {  	[sflag:s29] =	ssyncadd.s32 $0xFFFFFFFF  }
0xb7: {  	_ =	strace $0x90000048  }
0xb8: {  	_ =	sfence  }
0xb9: {  	s30 =	sld [smem:$0x0];
	_ =	sdelay $0x2  }
0xba: {  	s31 =	sshll.u32 s1, $0xD;
	s1 =	sshrl.u32 s1, $0x2  }
0xbb: {  	s3 =	sand.u32 $0x4000, s31;
	s1 =	sadd.s32 s1, s30  }
0xbc: {  	s0 =	sor.u32 s3, s0;
	s1 =	sshll.u32 s1, $0x11  }
0xbd: {  	s0 =	sor.u32 s1, s0  }
0xbe: {  	s0 =	sadd.s32 $0x8F2B, s0  }
0xbf: {  	[sflag:s0] =	ssyncadd.remote.s32 $0x1  }
0xc0: {  	_ =	sfence.sel $0xFFFF  }
0xc1: {  	[dreg:$0x0] =	wrdreg $0xFFFFFFFF;
	(pc) =	sbr.abs _section_cstart, $3  }
0xc2: {  	[dreg:$0x1] =	wrdreg $0xFFFFFFFF  }
0xc3: {  	_ =	task.clear_ibuf [dreg:s8], $0x2FFFF;
	_ =	strace $0x9FFFFFFF  }
0xc4: {  	(tm) =	ssettm $0x7FFFFFFF  }
0xc5: {  	_ =	shalt  }
tec
execute0_lowered:
.L_overlay_start_1:
0x0: {  	(tag) =	ssettag $0x1  }
0x1: {  	s0 =	srdreg.scid;
	s5 =	rddreg [dreg:$0x1]  }
0x2: {  	s1 =	stileid.u32;
	s3 =	rddreg [dreg:$0x2]  }
0x3: {  	s13 =	simm.s32 $0x80;
	s22 =	simm.s32 $0x3;
	s23 =	simm.s32 $0x2  }
0x4: {  	s29 =	simm.s32 $0x4;
	s30 =	simm.s32 $0xC800;
	s12 =	simm.s32 $0x6  }
0x5: {  	s0 =	sand.u32 $0x1, s0;
	s2 =	sshll.u32 s1, $0x1;
	s1 =	rddreg [dreg:$0x0]  }
0x6: {  	s5 =	sadd.s32 $0x400, s5;
	s9 =	sadd.s32 $0x4000, s3;
	s2 =	sor.u32 s0, s2  }
0x7: {  	s10 =	sadd.s32 $0x8000, s3;
	s11 =	sadd.s32 $0xC000, s3;
	s4 =	smul.u32 $0x19000, s2  }
0x8: {  	s0 =	ssub.s32 $0x2, s0;
	s6 =	sshll.u32 s2, $0xF;
	s7 =	smul.u32 $0x320, s2  }
0x9: {  	s28 =	sshrl.u32 s0, $0x1;
	s6 =	sand.u32 $0x18000, s6;
	s8 =	sand.u32 $0x3E0000, s4  }
0xa: {  	s0 =	ssub.s32 s0, s28;
	s7 =	sand.u32 $0x380, s7;
	s6 =	sor.u32 s6, s8  }
0xb: {  	s4 =	simm.s32 $0x0;
	s0 =	smax.u32 s0, $0x1;
	s6 =	sor.u32 s7, s6  }
0xc: {  	[smem:$0x7FF] =	sst s4;
	s8 =	simm.s32 $0x5;
	s6 =	sshrl.u32 s6, $0x3  }
0xd: {  	_ =	strace $0x80000047;
	[dreg:$0x6] =	wrdreg s0;
	s6 =	sadd.s32 s1, s6  }
0xe: {  	v0 =	vlaneseq.u32;
	v1 =	vimm.s32 $0x0;
	vm0 =	vcmask $0x300;
	s7 =	smul.u32 $0xC8, s2;
	[dreg:$0x4] =	wrdreg s6;
	s31 =	sadd.s32 $0x200, s6  }
0xf: {  	v0 =	vmul.u32 $0x88, v0;
	v1 =	vsel vm0, $0x3, v1;
	s2 =	simm.s32 $0x8400;
	s6 =	simm.s32 $0x0;
	[dreg:$0x5] =	wrdreg s31  }
.LBB2_1:
0x10: {  	[dreg:$0x7] =	wrdreg s6  }
0x11: {  	s0 =	rddreg [dreg:$0x4];
	s19 =	simm.s32 $0x400;
	s20 =	simm.s32 $0x7  }
0x12: {  	[tilespmem:s4], [sflag:$0x7] =	stream.strided.gather [hbm4b:s0+s13], $0x200, s19, s13, $0x38;
	[tilespmem:$0x10C00] =	vst v63  }
0x13: {  	_ =	swait.ge [sflag:s20], $0x200  }
0x14: {  	[sflag:s20] =	ssyncset.done $0x0  }
0x15: {  	[sflag:s20] =	ssyncadd.s32 $0xFFFFFE00  }
0x16: {  	[tilespmem:s19], [sflag:$0x3] =	stream.indirect.gather [hbm4b:s5+s13], $0x20, s4, s13, $0xb8;
	[tilespmem:$0x10C00] =	vst v63  }
0x17: {  	s21 =	simm.s32 $0x1400  }
0x18: {  	[tilespmem:s21], [sflag:$0x3] =	stream.indirect.gather [hbm4b:s5+s13], $0x20, s13, s13, $0xb8;
	[tilespmem:$0x10C00] =	vst v63  }
0x19: {  	s24 =	simm.s32 $0x100;
	s14 =	simm.s32 $0x2400  }
0x1a: {  	[tilespmem:s14], [sflag:$0x3] =	stream.indirect.gather [hbm4b:s5+s13], $0x20, s24, s13, $0xb8;
	[tilespmem:$0x10C00] =	vst v63  }
0x1b: {  	s25 =	simm.s32 $0x180;
	s26 =	simm.s32 $0x3400  }
0x1c: {  	[tilespmem:s26], [sflag:$0x3] =	stream.indirect.gather [hbm4b:s5+s13], $0x20, s25, s13, $0xb8;
	[tilespmem:$0x10C00] =	vst v63  }
0x1d: {  	s31 =	simm.s32 $0x200;
	s6 =	simm.s32 $0x0;
	s28 =	rddreg [dreg:$0x5]  }
0x1e: {  	[tilespmem:s31], [sflag:$0x2] =	stream.strided.gather [hbm4b:s28+s13], $0x200, s19, s13, $0x38;
	[tilespmem:$0x10C00] =	vst v63  }
.LBB2_2:
0x1f: {  	_ =	swait.ge [sflag:s22], $0x1000  }
0x20: {  	[sflag:s22] =	ssyncset.done $0x0  }
0x21: {  	[sflag:s22] =	ssyncadd.s32 $0xFFFFF000  }
0x22: {  	_ =	swait.ge [sflag:s22], $0x1000  }
0x23: {  	[sflag:s22] =	ssyncset.done $0x0  }
0x24: {  	[sflag:s22] =	ssyncadd.s32 $0xFFFFF000  }
0x25: {  	_ =	swait.ge [sflag:s22], $0x1000  }
0x26: {  	[sflag:s22] =	ssyncset.done $0x0  }
0x27: {  	[sflag:s22] =	ssyncadd.s32 $0xFFFFF000  }
0x28: {  	_ =	swait.ge [sflag:s22], $0x1000  }
0x29: {  	[sflag:s22] =	ssyncset.done $0x0  }
0x2a: {  	[sflag:s22] =	ssyncadd.s32 $0xFFFFF000  }
0x2b: {  	_ =	swait.ge [sflag:s23], $0x200  }
0x2c: {  	[sflag:s23] =	ssyncset.done $0x0  }
0x2d: {  	s0 =	simm.s32 $0x200;
	s14 =	simm.s32 $0x4400;
	[sflag:s23] =	ssyncadd.s32 $0xFFFFFE00  }
0x2e: {  	[tilespmem:s14], [sflag:$0x4] =	stream.indirect.gather [hbm4b:s5+s13], $0x20, s0, s13, $0xb8;
	[tilespmem:$0x10C00] =	vst v63  }
0x2f: {  	s21 =	simm.s32 $0x280;
	s24 =	simm.s32 $0x5400  }
0x30: {  	[tilespmem:s24], [sflag:$0x4] =	stream.indirect.gather [hbm4b:s5+s13], $0x20, s21, s13, $0xb8;
	[tilespmem:$0x10C00] =	vst v63  }
0x31: {  	s25 =	simm.s32 $0x300;
	s26 =	simm.s32 $0x6400  }
0x32: {  	[tilespmem:s26], [sflag:$0x4] =	stream.indirect.gather [hbm4b:s5+s13], $0x20, s25, s13, $0xb8;
	[tilespmem:$0x10C00] =	vst v63  }
0x33: {  	s28 =	sshll.u32 s6, $0x1;
	s31 =	simm.s32 $0x380;
	s15 =	simm.s32 $0x7400  }
0x34: {  	[tilespmem:s15], [sflag:$0x4] =	stream.indirect.gather [hbm4b:s5+s13], $0x20, s31, s13, $0xb8;
	[tilespmem:$0x10C00] =	vst v63  }
0x35: {  	p0 =	seq.s32 s6, $0x63;
	s15 =	sadd.s32 s7, s28  }
0x36: {  	p1 =	seq.s32 @!p0 s6, $0x0;
	s14 =	sadd.s32 @!p0 $0x2, s15  }
0x37: {  	p1 =	por p0, !p1;
	s24 =	sshll.u32 @!p0 s14, $0x9;
	s25 =	sshll.u32 @!p0 s14, $0xC  }
0x38: {  	s14 =	sshll.u32 @!p0 s14, $0x2;
	s24 =	sand.u32 @!p0 $0x7FFE0000, s24;
	s25 =	sand.u32 @!p0 $0x1E000, s25  }
.Ltmp0:
0x39: {  	s14 =	sand.u32 @!p0 $0x380, s14;
	s24 =	sor.u32 @!p0 s25, s24;
	(pc) =	sbr.rel @!p1 .LBB2_3-.Ltmp0, $4  }
0x3a: {  	s14 =	sor.u32 @!p0 s14, s24  }
0x3b: {  	s26 =	simm.s32 @!p0 $0x0;
	s14 =	sshrl.u32 @!p0 s14, $0x3  }
0x3c: {  	s25 =	simm.s32 @!p0 $0x400;
	s24 =	simm.s32 @!p0 $0x80;
	s14 =	sadd.s32 @!p0 s1, s14  }
0x3d: {  	[tilespmem:s26], [sflag:$0x1] =	stream.strided.gather @!p0 [hbm4b:s14+s24], $0x200, s25, s24, $0x38;
	[tilespmem:$0x10C00] =	vst v63  }
0x3e: {  	_ =	swait.ge [sflag:s8], $0x400  }
0x3f: {  	[sflag:s8] =	ssyncset.done $0x0  }
0x40: {  	[sflag:s8] =	ssyncadd.s32 $0xFFFFFC00  }
0x41: {  	_ =	swait.ge [sflag:s8], $0x400  }
0x42: {  	[sflag:s8] =	ssyncset.done $0x0  }
0x43: {  	[sflag:s8] =	ssyncadd.s32 $0xFFFFFC00  }
0x44: {  	_ =	swait.ge [sflag:s8], $0x400  }
0x45: {  	[sflag:s8] =	ssyncset.done $0x0  }
0x46: {  	[sflag:s8] =	ssyncadd.s32 $0xFFFFFC00  }
0x47: {  	_ =	swait.ge [sflag:s8], $0x400  }
0x48: {  	[sflag:s8] =	ssyncset.done $0x0  }
0x49: {  	[sflag:s8] =	ssyncadd.s32 $0xFFFFFC00  }
0x4a: {  	_ =	swait.ge [sflag:s8], $0x400  }
0x4b: {  	[sflag:s8] =	ssyncset.done $0x0  }
0x4c: {  	[sflag:s8] =	ssyncadd.s32 $0xFFFFFC00  }
0x4d: {  	_ =	swait.ge [sflag:s8], $0x400  }
0x4e: {  	[sflag:s8] =	ssyncset.done $0x0  }
0x4f: {  	[sflag:s8] =	ssyncadd.s32 $0xFFFFFC00  }
0x50: {  	_ =	swait.ge [sflag:s8], $0x400  }
0x51: {  	[sflag:s8] =	ssyncset.done $0x0  }
0x52: {  	[sflag:s8] =	ssyncadd.s32 $0xFFFFFC00  }
0x53: {  	_ =	swait.ge [sflag:s8], $0x400  }
0x54: {  	[sflag:s8] =	ssyncset.done $0x0  }
0x55: {  	[sflag:s8] =	ssyncadd.s32 $0xFFFFFC00  }
0x56: {  	_ =	swait.ge [sflag:s8], $0x400  }
0x57: {  	[sflag:s8] =	ssyncset.done $0x0  }
0x58: {  	[sflag:s8] =	ssyncadd.s32 $0xFFFFFC00  }
0x59: {  	_ =	swait.ge [sflag:s8], $0x400  }
0x5a: {  	[sflag:s8] =	ssyncset.done $0x0  }
0x5b: {  	[sflag:s8] =	ssyncadd.s32 $0xFFFFFC00  }
0x5c: {  	_ =	swait.ge [sflag:s8], $0x400  }
0x5d: {  	[sflag:s8] =	ssyncset.done $0x0  }
0x5e: {  	[sflag:s8] =	ssyncadd.s32 $0xFFFFFC00  }
0x5f: {  	_ =	swait.ge [sflag:s8], $0x400  }
0x60: {  	[sflag:s8] =	ssyncset.done $0x0  }
0x61: {  	[sflag:s8] =	ssyncadd.s32 $0xFFFFFC00  }
0x62: {  	_ =	swait.ge [sflag:s8], $0x400  }
0x63: {  	[sflag:s8] =	ssyncset.done $0x0  }
0x64: {  	[sflag:s8] =	ssyncadd.s32 $0xFFFFFC00  }
0x65: {  	_ =	swait.ge [sflag:s8], $0x400  }
0x66: {  	[sflag:s8] =	ssyncset.done $0x0  }
0x67: {  	[sflag:s8] =	ssyncadd.s32 $0xFFFFFC00  }
0x68: {  	_ =	swait.ge [sflag:s8], $0x400  }
.Ltmp1:
0x69: {  	[sflag:s8] =	ssyncset.done $0x0;
	(pc) =	sbr.rel .LBB2_5-.Ltmp1, $4  }
0x6a: {  	[sflag:s8] =	ssyncadd.s32 $0xFFFFFC00  }
0x6b: {  	_ =	swait.ge [sflag:s8], $0x400  }
0x6c: {  	[sflag:s8] =	ssyncset.done $0x0  }
0x6d: {  	p1 =	por $0x0, $0x0;
	[sflag:s8] =	ssyncadd.s32 $0xFFFFFC00  }
.LBB2_3:
0x6e: {  	p1 =	por @!p0 $0x1, $0x1  }
.LBB2_5:
0x6f: {  	s24 =	simm.s32 $0x0;
	s25 =	simm.s32 $0x0;
	s26 =	simm.s32 $0x0  }
0x70: {  	s14 =	sand.u32 $0xFFFFFF80, s24;
	s28 =	sand.u32 $0x78, s25;
	s26 =	sand.u32 $0x3FFFFFE0, s26  }
0x71: {  	v2 =	vmov s28;
	s31 =	ssub.s32 $0x0, s14;
	s14 =	ssub.s32 $0xFFFFFFF8, s14;
	v3 =	vmov s26  }
0x72: {  	v4 =	vshrl.u32 v2, $0x3;
	s0 =	sadd.s32 $0x1, s31;
	s16 =	sadd.s32 $0xF, s14;
	s17 =	sadd.s32 $0x2, s31;
	v2 =	vmul.u32 $0x88, v3  }
0x73: {  	s21 =	sadd.s32 $0xB, s14;
	s14 =	sadd.s32 $0xC, s14;
	s18 =	sadd.s32 $0x5, s31;
	v3 =	vmov s0;
	v5 =	vmov s16;
	v6 =	vmov s17  }
0x74: {  	s19 =	sadd.s32 $0x6, s31;
	v7 =	vmov s21;
	v8 =	vmov s14;
	v9 =	vmov s18  }
0x75: {  	v10 =	vmov s19;
	v4 =	vshll.u32 v4, v1;
	v5 =	vshrl.u32 v5, $0x3  }
0x76: {  	v2 =	vbroadcast v2, $0x0;
	v7 =	vshrl.u32 v7, $0x3;
	v8 =	vshrl.u32 v8, $0x3  }
0x77: {  	v9 =	vshrl.u32 v9, $0x3;
	v10 =	vshrl.u32 v10, $0x3;
	v5 =	vshll.u32 v5, v1  }
0x78: {  	v7 =	vshll.u32 v7, v1;
	v8 =	vshll.u32 v8, v1;
	v5 =	vbroadcast v5, $0x0  }
0x79: {  	s20 =	sor.u32 $0x10, s26;
	v9 =	vshll.u32 v9, v1;
	v12 =	vadd.s32 v0, v2;
	v2 =	vshrl.u32 v3, $0x3  }
0x7a: {  	s26 =	simm.s32 $0x480;
	v3 =	vshrl.u32 v6, $0x3;
	v6 =	vmov s20;
	v11 =	vadd.s32 v5, v12  }
0x7b: {  	v13 =	vld [tilespmem:s26+$0x60];
	v20 =	vbroadcast v7, $0x0;
	v6 =	vmul.u32 $0x88, v6;
	v11 =	vor.u32 $0x7, v11  }
0x7c: {  	v10 =	vshll.u32 v10, v1;
	v24 =	vbroadcast v8, $0x0;
	v25 =	vbroadcast v9, $0x0  }
0x7d: {  	v26 =	vbroadcast v10, $0x0;
	v2 =	vshll.u32 v2, v1;
	v6 =	vbroadcast v6, $0x0  }
0x7e: {  	v10 =	vbroadcast v4, $0x0;
	v14 =	vshll.u32 v3, v1;
	v18 =	vbroadcast v2, $0x0  }
0x7f: {  	v9 =	vld [tilespmem:s26+$0xFFFFFFC0];
	v19 =	vbroadcast v14, $0x0;
	v4 =	vadd.s32 v20, v12;
	v3 =	vadd.s32 v0, v6  }
0x80: {  	v22 =	vadd.s32 v25, v12;
	v15 =	vor.u32 $0x3, v4;
	v4 =	vld [tilespmem:s26+$0x20];
	v2 =	vadd.s32 v5, v3;
	[tilespmem:v11+s2+$0x0] =	vst.idx.msk $0xffff, v13  }
0x81: {  	v7 =	vadd.s32 v19, v12;
	v5 =	vadd.s32 v18, v12;
	v21 =	vor.u32 $0x7, v2;
	v8 =	vld [tilespmem:s26+$0x70]  }
0x82: {  	s21 =	simm.s32 $0x0;
	v23 =	vadd.s32 v26, v12;
	v16 =	vor.u32 $0x2, v7;
	v17 =	vor.u32 $0x1, v5;
	v11 =	vld [tilespmem:s26+$0xFFFFFFA0]  }
0x83: {  	s31 =	sshll.u32 s28, $0x5;
	s0 =	sand.u32 $0x3FFFF000, s21;
	v6 =	vld [tilespmem:s26+$0xFFFFFFE0];
	v5 =	vadd.s32 v10, v12;
	v13 =	vadd.s32 v24, v12;
	v12 =	vor.u32 $0x6, v23  }
0x84: {  	s28 =	sor.u32 s31, s0;
	v7 =	vld [tilespmem:s26+$0x0];
	v23 =	vadd.s32 v18, v3;
	v18 =	vadd.s32 v26, v3;
	v14 =	vor.u32 $0x4, v13  }
0x85: {  	v2 =	vld [tilespmem:s28+$0x400];
	v13 =	vor.u32 $0x5, v22;
	v22 =	vadd.s32 v19, v3;
	v19 =	vadd.s32 v25, v3  }
0x86: {  	s14 =	sshllo.u32 s6, $0x1;
	[tilespmem:v21+s2+$0x0] =	vst.idx.msk $0xffff, v8;
	v21 =	vadd.s32 v20, v3;
	v8 =	vld [tilespmem:s26+$0x40];
	v20 =	vadd.s32 v24, v3  }
.LBB2_6:
0x87: {  	[tilespmem:v17+s2+$0x0] =	vst.idx.msk $0xffff, v11;
	v11 =	vor.u32 $0x1, v23;
	v17 =	vor.u32 $0x2, v22;
	v21 =	vor.u32 $0x3, v21;
	s24 =	sadd.s32 $0x8, s24;
	s0 =	smov.u32 s25;
	s25 =	sadd.s32 $0x8, s25  }
0x88: {  	v18 =	vor.u32 $0x6, v18;
	s16 =	sand.u32 $0xFFFFFF80, s24;
	s17 =	sand.u32 $0x78, s25;
	s31 =	sshrl.u32 s25, $0x2;
	v22 =	vld [tilespmem:s26+$0xFFFFFFB0];
	[tilespmem:v16+s2+$0x0] =	vst.idx.msk $0xffff, v9;
	v9 =	vor.u32 $0x4, v20;
	v16 =	vor.u32 $0x5, v19  }
0x89: {  	v10 =	vadd.s32 v10, v3;
	v19 =	vmov s17;
	s31 =	sand.u32 $0x3FFFFFE0, s31;
	s18 =	ssub.s32 s25, s16;
	s0 =	ssub.s32 s0, s16;
	v3 =	vld [tilespmem:s26+$0xFFFFFFD0];
	[tilespmem:v15+s2+$0x0] =	vst.idx.msk $0xffff, v6  }
0x8a: {  	v6 =	vmov s31;
	v15 =	vshrl.u32 v19, $0x3;
	s16 =	sadd.s32 $0x1, s18;
	s19 =	sadd.s32 $0x2, s18;
	s21 =	sadd.s32 $0xF, s0;
	v19 =	vld [tilespmem:s26+$0xFFFFFFF0];
	[tilespmem:v14+s2+$0x0] =	vst.idx.msk $0xffff, v7  }
0x8b: {  	s20 =	sadd.s32 $0x5, s18;
	v6 =	vmul.u32 $0x88, v6;
	v7 =	vmov s16;
	s16 =	sadd.s32 $0xB, s0;
	s0 =	sadd.s32 $0xC, s0;
	v14 =	vmov s21;
	v20 =	vld [tilespmem:s26+$0x10];
	[tilespmem:v13+s2+$0x0] =	vst.idx.msk $0xffff, v4  }
0x8c: {  	s17 =	sshll.u32 s17, $0x5;
	s21 =	sshll.u32 s25, $0x5;
	v4 =	vmov s19;
	v13 =	vmov s16;
	s16 =	sadd.s32 $0x6, s18;
	v14 =	vshrl.u32 v14, $0x3;
	v23 =	vld [tilespmem:s26+$0x30];
	[tilespmem:v12+s2+$0x0] =	vst.idx.msk $0xffff, v8  }
0x8d: {  	p2 =	slt.u32 s25, $0x1F8;
	s18 =	sand.u32 $0x3FFFF000, s21;
	v8 =	vmov s0;
	v6 =	vbroadcast v6, $0x0;
	v12 =	vshll.u32 v14, v1;
	[tilespmem:v5+s2+$0x0] =	vst.idx.msk $0xffff, v2;
	v5 =	vld [tilespmem:s26+$0x50]  }
0x8e: {  	v14 =	vmov s20;
	v24 =	vmov s16;
	v12 =	vbroadcast v12, $0x0;
	v25 =	vld [tilespmem:s28+$0x410];
	s28 =	sor.u32 s17, s18;
	[tilespmem:v11+s2+$0x0] =	vst.idx.msk $0xffff, v22  }
0x8f: {  	s0 =	sor.u32 $0x10, s31;
	v4 =	vshrl.u32 v4, $0x3;
	v2 =	vld [tilespmem:s28+$0x400];
	v22 =	vadd.s32 v0, v6;
	v6 =	vshrl.u32 v7, $0x3;
	[tilespmem:v17+s2+$0x0] =	vst.idx.msk $0xffff, v3  }
0x90: {  	s26 =	sadd.s32 $0x100, s26;
	v3 =	vmov s0;
	v7 =	vshrl.u32 v13, $0x3;
	v11 =	vadd.s32 v12, v22;
	[tilespmem:v21+s2+$0x0] =	vst.idx.msk $0xffff, v19  }
0x91: {  	v8 =	vshrl.u32 v8, $0x3;
	v3 =	vmul.u32 $0x88, v3;
	v13 =	vld [tilespmem:s26+$0x60];
	v17 =	vor.u32 $0x7, v11;
	[tilespmem:v9+s2+$0x0] =	vst.idx.msk $0xffff, v20  }
0x92: {  	v14 =	vshrl.u32 v14, $0x3;
	v19 =	vshll.u32 v6, v1;
	v20 =	vshrl.u32 v24, $0x3;
	v11 =	vld [tilespmem:s26+$0xFFFFFFA0];
	[tilespmem:v16+s2+$0x0] =	vst.idx.msk $0xffff, v23  }
0x93: {  	v4 =	vshll.u32 v4, v1;
	v3 =	vbroadcast v3, $0x0;
	v16 =	vshll.u32 v7, v1;
	v9 =	vld [tilespmem:s26+$0xFFFFFFC0];
	[tilespmem:v18+s2+$0x0] =	vst.idx.msk $0xffff, v5  }
0x94: {  	v5 =	vshll.u32 v8, v1;
	v8 =	vshll.u32 v14, v1;
	v14 =	vshll.u32 v20, v1;
	v6 =	vld [tilespmem:s26+$0xFFFFFFE0]  }
0x95: {  	v18 =	vbroadcast v19, $0x0;
	v19 =	vbroadcast v4, $0x0;
	v3 =	vadd.s32 v0, v3;
	v7 =	vld [tilespmem:s26+$0x0];
	[tilespmem:v10+s2+$0x0] =	vst.idx.msk $0xffff, v25  }
0x96: {  	v20 =	vbroadcast v16, $0x0;
	v24 =	vbroadcast v5, $0x0;
	v5 =	vadd.s32 v12, v3;
	v4 =	vld [tilespmem:s26+$0x20];
	[tilespmem:v17+s2+$0x0] =	vst.idx.msk $0xffff, v13  }
0x97: {  	v26 =	vbroadcast v14, $0x0;
	v25 =	vbroadcast v8, $0x0;
	v23 =	vor.u32 $0x7, v5;
	v21 =	vld [tilespmem:s26+$0x70]  }
0x98: {  	v12 =	vadd.s32 v18, v22;
	v5 =	vshll.u32 v15, v1;
	v13 =	vadd.s32 v19, v22;
	v8 =	vld [tilespmem:s26+$0x40]  }
0x99: {  	v14 =	vadd.s32 v24, v22;
	v10 =	vbroadcast v5, $0x0;
	v5 =	vadd.s32 v20, v22  }
.Ltmp2:
0x9a: {  	v17 =	vor.u32 $0x1, v12;
	v27 =	vadd.s32 v26, v22;
	v12 =	vadd.s32 v25, v22;
	(pc) =	sbr.rel @p2 .LBB2_6-.Ltmp2, $4  }
0x9b: {  	v16 =	vor.u32 $0x2, v13;
	v14 =	vor.u32 $0x4, v14;
	v15 =	vor.u32 $0x3, v5  }
0x9c: {  	v13 =	vor.u32 $0x5, v12;
	v12 =	vor.u32 $0x6, v27;
	v5 =	vadd.s32 v10, v22;
	[tilespmem:v23+s2+$0x0] =	vst.idx.msk $0xffff, v21  }
0x9d: {  	v22 =	vadd.s32 v19, v3;
	v23 =	vadd.s32 v18, v3;
	v21 =	vadd.s32 v20, v3  }
0x9e: {  	v19 =	vadd.s32 v25, v3;
	v20 =	vadd.s32 v24, v3;
	v18 =	vadd.s32 v26, v3  }
0x9f: {  	_ =	sdelay $0x3  }
0xa0: {  	[tilespmem:v17+s2+$0x0] =	vst.idx.msk $0xffff, v11  }
0xa1: {  	[tilespmem:v16+s2+$0x0] =	vst.idx.msk $0xffff, v9  }
0xa2: {  	v9 =	vor.u32 $0x1, v23;
	[tilespmem:v15+s2+$0x0] =	vst.idx.msk $0xffff, v6;
	v11 =	vld [tilespmem:s26+$0xFFFFFFB0]  }
0xa3: {  	v6 =	vor.u32 $0x2, v22;
	[tilespmem:v14+s2+$0x0] =	vst.idx.msk $0xffff, v7;
	v15 =	vld [tilespmem:s26+$0xFFFFFFD0]  }
0xa4: {  	v7 =	vor.u32 $0x3, v21;
	[tilespmem:v13+s2+$0x0] =	vst.idx.msk $0xffff, v4;
	v14 =	vld [tilespmem:s26+$0xFFFFFFF0]  }
0xa5: {  	v4 =	vor.u32 $0x4, v20;
	[tilespmem:v12+s2+$0x0] =	vst.idx.msk $0xffff, v8;
	v13 =	vld [tilespmem:s26+$0x10]  }
0xa6: {  	v8 =	vor.u32 $0x5, v19;
	[tilespmem:v5+s2+$0x0] =	vst.idx.msk $0xffff, v2;
	v12 =	vld [tilespmem:s26+$0x30]  }
0xa7: {  	v2 =	vor.u32 $0x6, v18;
	v5 =	vld [tilespmem:s26+$0x50];
	[tilespmem:v9+s2+$0x0] =	vst.idx.msk $0xffff, v11  }
0xa8: {  	v3 =	vadd.s32 v10, v3;
	v9 =	vld [tilespmem:s28+$0x410];
	[tilespmem:v6+s2+$0x0] =	vst.idx.msk $0xffff, v15  }
0xa9: {  	s0 =	sshll.u32 s15, $0xC;
	s18 =	sshll.u32 s15, $0xE;
	[tilespmem:v7+s2+$0x0] =	vst.idx.msk $0xffff, v14  }
0xaa: {  	s0 =	sand.u32 $0x1E000, s0;
	s15 =	sand.u32 $0x7FF80000, s18;
	[tilespmem:v4+s2+$0x0] =	vst.idx.msk $0xffff, v13  }
0xab: {  	s0 =	sor.u32 s0, s15;
	[tilespmem:v8+s2+$0x0] =	vst.idx.msk $0xffff, v12  }
0xac: {  	s15 =	sshrl.u32 s0, $0x3;
	[tilespmem:v2+s2+$0x0] =	vst.idx.msk $0xffff, v5  }
0xad: {  	s0 =	sadd.s32 s3, s15;
	[tilespmem:v3+s2+$0x0] =	vst.idx.msk $0xffff, v9  }
0xae: {  	[hbm4b:s0+s4] =	stream.linear.scatter [tilespmem:s2], [sflag:$0x5], $0x80, $0x38;
	[tilespmem:$0x10C00] =	vst v63  }
0xaf: {  	s17 =	simm.s32 $0x8488;
	s16 =	sadd.s32 $0x10, s0  }
0xb0: {  	[hbm4b:s16+s4] =	stream.linear.scatter [tilespmem:s17], [sflag:$0x5], $0x80, $0x38;
	[tilespmem:$0x10C00] =	vst v63  }
0xb1: {  	s20 =	simm.s32 $0x8510;
	s19 =	sadd.s32 $0x20, s0  }
0xb2: {  	[hbm4b:s19+s4] =	stream.linear.scatter [tilespmem:s20], [sflag:$0x5], $0x80, $0x38;
	[tilespmem:$0x10C00] =	vst v63  }
0xb3: {  	s24 =	simm.s32 $0x8598;
	s21 =	sadd.s32 $0x30, s0  }
0xb4: {  	[hbm4b:s21+s4] =	stream.linear.scatter [tilespmem:s24], [sflag:$0x5], $0x80, $0x38;
	[tilespmem:$0x10C00] =	vst v63  }
0xb5: {  	s26 =	simm.s32 $0x8620;
	s25 =	sadd.s32 $0x40, s0  }
0xb6: {  	[hbm4b:s25+s4] =	stream.linear.scatter [tilespmem:s26], [sflag:$0x5], $0x80, $0x38;
	[tilespmem:$0x10C00] =	vst v63  }
0xb7: {  	s31 =	simm.s32 $0x86A8;
	s28 =	sadd.s32 $0x50, s0  }
0xb8: {  	[hbm4b:s28+s4] =	stream.linear.scatter [tilespmem:s31], [sflag:$0x5], $0x80, $0x38;
	[tilespmem:$0x10C00] =	vst v63  }
0xb9: {  	s18 =	sadd.s32 $0x60, s0;
	s19 =	simm.s32 $0x8730  }
0xba: {  	[hbm4b:s18+s4] =	stream.linear.scatter [tilespmem:s19], [sflag:$0x5], $0x80, $0x38;
	[tilespmem:$0x10C00] =	vst v63  }
0xbb: {  	s0 =	sadd.s32 $0x70, s0;
	s20 =	simm.s32 $0x87B8;
	s24 =	sor.u32 $0x80, s15  }
0xbc: {  	[hbm4b:s0+s4] =	stream.linear.scatter [tilespmem:s20], [sflag:$0x5], $0x80, $0x38;
	[tilespmem:$0x10C00] =	vst v63  }
0xbd: {  	s21 =	simm.s32 $0x9500;
	s0 =	sadd.s32 s3, s24  }
0xbe: {  	[hbm4b:s0+s4] =	stream.linear.scatter [tilespmem:s21], [sflag:$0x5], $0x80, $0x38;
	[tilespmem:$0x10C00] =	vst v63  }
0xbf: {  	s26 =	simm.s32 $0x9588;
	s25 =	sadd.s32 $0x10, s0  }
0xc0: {  	[hbm4b:s25+s4] =	stream.linear.scatter [tilespmem:s26], [sflag:$0x5], $0x80, $0x38;
	[tilespmem:$0x10C00] =	vst v63  }
0xc1: {  	s31 =	simm.s32 $0x9610;
	s28 =	sadd.s32 $0x20, s0  }
0xc2: {  	[hbm4b:s28+s4] =	stream.linear.scatter [tilespmem:s31], [sflag:$0x5], $0x80, $0x38;
	[tilespmem:$0x10C00] =	vst v63  }
0xc3: {  	s19 =	simm.s32 $0x9698;
	s18 =	sadd.s32 $0x30, s0  }
0xc4: {  	[hbm4b:s18+s4] =	stream.linear.scatter [tilespmem:s19], [sflag:$0x5], $0x80, $0x38;
	[tilespmem:$0x10C00] =	vst v63  }
0xc5: {  	s20 =	sadd.s32 $0x40, s0;
	s21 =	simm.s32 $0x9720  }
0xc6: {  	[hbm4b:s20+s4] =	stream.linear.scatter [tilespmem:s21], [sflag:$0x5], $0x80, $0x38;
	[tilespmem:$0x10C00] =	vst v63  }
0xc7: {  	s25 =	sadd.s32 $0x50, s0;
	s26 =	simm.s32 $0x97A8  }
0xc8: {  	[hbm4b:s25+s4] =	stream.linear.scatter [tilespmem:s26], [sflag:$0x5], $0x80, $0x38;
	[tilespmem:$0x10C00] =	vst v63  }
0xc9: {  	s28 =	sadd.s32 $0x60, s0;
	s31 =	simm.s32 $0x9830  }
0xca: {  	[hbm4b:s28+s4] =	stream.linear.scatter [tilespmem:s31], [sflag:$0x5], $0x80, $0x38;
	[tilespmem:$0x10C00] =	vst v63  }
0xcb: {  	s17 =	simm.s32 $0x98B8;
	s0 =	sadd.s32 $0x70, s0;
	s25 =	sor.u32 $0x100, s15  }
0xcc: {  	[hbm4b:s0+s4] =	stream.linear.scatter [tilespmem:s17], [sflag:$0x5], $0x80, $0x38;
	[tilespmem:$0x10C00] =	vst v63  }
0xcd: {  	s18 =	simm.s32 $0xA600;
	s0 =	sadd.s32 s3, s25  }
0xce: {  	[hbm4b:s0+s4] =	stream.linear.scatter [tilespmem:s18], [sflag:$0x5], $0x80, $0x38;
	[tilespmem:$0x10C00] =	vst v63  }
0xcf: {  	s20 =	simm.s32 $0xA688;
	s19 =	sadd.s32 $0x10, s0  }
0xd0: {  	[hbm4b:s19+s4] =	stream.linear.scatter [tilespmem:s20], [sflag:$0x5], $0x80, $0x38;
	[tilespmem:$0x10C00] =	vst v63  }
0xd1: {  	s26 =	simm.s32 $0xA710;
	s21 =	sadd.s32 $0x20, s0  }
0xd2: {  	[hbm4b:s21+s4] =	stream.linear.scatter [tilespmem:s26], [sflag:$0x5], $0x80, $0x38;
	[tilespmem:$0x10C00] =	vst v63  }
0xd3: {  	s31 =	simm.s32 $0xA798;
	s28 =	sadd.s32 $0x30, s0  }
0xd4: {  	[hbm4b:s28+s4] =	stream.linear.scatter [tilespmem:s31], [sflag:$0x5], $0x80, $0x38;
	[tilespmem:$0x10C00] =	vst v63  }
0xd5: {  	s18 =	sadd.s32 $0x40, s0;
	s19 =	simm.s32 $0xA820  }
0xd6: {  	[hbm4b:s18+s4] =	stream.linear.scatter [tilespmem:s19], [sflag:$0x5], $0x80, $0x38;
	[tilespmem:$0x10C00] =	vst v63  }
0xd7: {  	s20 =	sadd.s32 $0x50, s0;
	s21 =	simm.s32 $0xA8A8  }
0xd8: {  	[hbm4b:s20+s4] =	stream.linear.scatter [tilespmem:s21], [sflag:$0x5], $0x80, $0x38;
	[tilespmem:$0x10C00] =	vst v63  }
0xd9: {  	s26 =	sadd.s32 $0x60, s0;
	s28 =	simm.s32 $0xA930  }
0xda: {  	[hbm4b:s26+s4] =	stream.linear.scatter [tilespmem:s28], [sflag:$0x5], $0x80, $0x38;
	[tilespmem:$0x10C00] =	vst v63  }
0xdb: {  	s0 =	sadd.s32 $0x70, s0;
	s31 =	simm.s32 $0xA9B8;
	s26 =	sor.u32 $0x180, s15  }
0xdc: {  	[hbm4b:s0+s4] =	stream.linear.scatter [tilespmem:s31], [sflag:$0x5], $0x80, $0x38;
	[tilespmem:$0x10C00] =	vst v63  }
0xdd: {  	s17 =	simm.s32 $0xB700;
	s0 =	sadd.s32 s3, s26  }
0xde: {  	[hbm4b:s0+s4] =	stream.linear.scatter [tilespmem:s17], [sflag:$0x5], $0x80, $0x38;
	[tilespmem:$0x10C00] =	vst v63  }
0xdf: {  	s19 =	simm.s32 $0xB788;
	s18 =	sadd.s32 $0x10, s0  }
0xe0: {  	[hbm4b:s18+s4] =	stream.linear.scatter [tilespmem:s19], [sflag:$0x5], $0x80, $0x38;
	[tilespmem:$0x10C00] =	vst v63  }
0xe1: {  	s21 =	simm.s32 $0xB810;
	s20 =	sadd.s32 $0x20, s0  }
0xe2: {  	[hbm4b:s20+s4] =	stream.linear.scatter [tilespmem:s21], [sflag:$0x5], $0x80, $0x38;
	[tilespmem:$0x10C00] =	vst v63  }
0xe3: {  	s31 =	simm.s32 $0xB898;
	s28 =	sadd.s32 $0x30, s0  }
0xe4: {  	[hbm4b:s28+s4] =	stream.linear.scatter [tilespmem:s31], [sflag:$0x5], $0x80, $0x38;
	[tilespmem:$0x10C00] =	vst v63  }
0xe5: {  	s17 =	sadd.s32 $0x40, s0;
	s18 =	simm.s32 $0xB920  }
0xe6: {  	[hbm4b:s17+s4] =	stream.linear.scatter [tilespmem:s18], [sflag:$0x5], $0x80, $0x38;
	[tilespmem:$0x10C00] =	vst v63  }
0xe7: {  	s19 =	sadd.s32 $0x50, s0;
	s20 =	simm.s32 $0xB9A8  }
0xe8: {  	[hbm4b:s19+s4] =	stream.linear.scatter [tilespmem:s20], [sflag:$0x5], $0x80, $0x38;
	[tilespmem:$0x10C00] =	vst v63  }
0xe9: {  	s21 =	sadd.s32 $0x60, s0;
	s28 =	simm.s32 $0xBA30  }
0xea: {  	[hbm4b:s21+s4] =	stream.linear.scatter [tilespmem:s28], [sflag:$0x5], $0x80, $0x38;
	[tilespmem:$0x10C00] =	vst v63  }
0xeb: {  	s0 =	sadd.s32 $0x70, s0;
	s31 =	simm.s32 $0xBAB8  }
0xec: {  	[hbm4b:s0+s4] =	stream.linear.scatter [tilespmem:s31], [sflag:$0x5], $0x80, $0x38;
	[tilespmem:$0x10C00] =	vst v63  }
0xed: {  	s17 =	simm.s32 $0x8840;
	s0 =	sadd.s32 s15, s9  }
0xee: {  	[hbm4b:s0+s4] =	stream.linear.scatter [tilespmem:s17], [sflag:$0x5], $0x80, $0x38;
	[tilespmem:$0x10C00] =	vst v63  }
0xef: {  	s19 =	simm.s32 $0x88C8;
	s18 =	sadd.s32 $0x10, s0  }
0xf0: {  	[hbm4b:s18+s4] =	stream.linear.scatter [tilespmem:s19], [sflag:$0x5], $0x80, $0x38;
	[tilespmem:$0x10C00] =	vst v63  }
0xf1: {  	s21 =	simm.s32 $0x8950;
	s20 =	sadd.s32 $0x20, s0  }
0xf2: {  	[hbm4b:s20+s4] =	stream.linear.scatter [tilespmem:s21], [sflag:$0x5], $0x80, $0x38;
	[tilespmem:$0x10C00] =	vst v63  }
0xf3: {  	s31 =	simm.s32 $0x89D8;
	s28 =	sadd.s32 $0x30, s0  }
0xf4: {  	[hbm4b:s28+s4] =	stream.linear.scatter [tilespmem:s31], [sflag:$0x5], $0x80, $0x38;
	[tilespmem:$0x10C00] =	vst v63  }
0xf5: {  	s17 =	sadd.s32 $0x40, s0;
	s18 =	simm.s32 $0x8A60  }
0xf6: {  	[hbm4b:s17+s4] =	stream.linear.scatter [tilespmem:s18], [sflag:$0x5], $0x80, $0x38;
	[tilespmem:$0x10C00] =	vst v63  }
0xf7: {  	s19 =	sadd.s32 $0x50, s0;
	s20 =	simm.s32 $0x8AE8  }
0xf8: {  	[hbm4b:s19+s4] =	stream.linear.scatter [tilespmem:s20], [sflag:$0x5], $0x80, $0x38;
	[tilespmem:$0x10C00] =	vst v63  }
0xf9: {  	s21 =	sadd.s32 $0x60, s0;
	s28 =	simm.s32 $0x8B70  }
0xfa: {  	[hbm4b:s21+s4] =	stream.linear.scatter [tilespmem:s28], [sflag:$0x5], $0x80, $0x38;
	[tilespmem:$0x10C00] =	vst v63  }
0xfb: {  	s0 =	sadd.s32 $0x70, s0;
	s31 =	simm.s32 $0x8BF8  }
0xfc: {  	[hbm4b:s0+s4] =	stream.linear.scatter [tilespmem:s31], [sflag:$0x5], $0x80, $0x38;
	[tilespmem:$0x10C00] =	vst v63  }
0xfd: {  	s17 =	simm.s32 $0x9940;
	s0 =	sadd.s32 s24, s9  }
0xfe: {  	[hbm4b:s0+s4] =	stream.linear.scatter [tilespmem:s17], [sflag:$0x5], $0x80, $0x38;
	[tilespmem:$0x10C00] =	vst v63  }
0xff: {  	s19 =	simm.s32 $0x99C8;
	s18 =	sadd.s32 $0x10, s0  }
0x100: {  	[hbm4b:s18+s4] =	stream.linear.scatter [tilespmem:s19], [sflag:$0x5], $0x80, $0x38;
	[tilespmem:$0x10C00] =	vst v63  }
0x101: {  	s21 =	simm.s32 $0x9A50;
	s20 =	sadd.s32 $0x20, s0  }
0x102: {  	[hbm4b:s20+s4] =	stream.linear.scatter [tilespmem:s21], [sflag:$0x5], $0x80, $0x38;
	[tilespmem:$0x10C00] =	vst v63  }
0x103: {  	s31 =	simm.s32 $0x9AD8;
	s28 =	sadd.s32 $0x30, s0  }
0x104: {  	[hbm4b:s28+s4] =	stream.linear.scatter [tilespmem:s31], [sflag:$0x5], $0x80, $0x38;
	[tilespmem:$0x10C00] =	vst v63  }
0x105: {  	s17 =	sadd.s32 $0x40, s0;
	s18 =	simm.s32 $0x9B60  }
0x106: {  	[hbm4b:s17+s4] =	stream.linear.scatter [tilespmem:s18], [sflag:$0x5], $0x80, $0x38;
	[tilespmem:$0x10C00] =	vst v63  }
0x107: {  	s19 =	sadd.s32 $0x50, s0;
	s20 =	simm.s32 $0x9BE8  }
0x108: {  	[hbm4b:s19+s4] =	stream.linear.scatter [tilespmem:s20], [sflag:$0x5], $0x80, $0x38;
	[tilespmem:$0x10C00] =	vst v63  }
0x109: {  	s21 =	sadd.s32 $0x60, s0;
	s28 =	simm.s32 $0x9C70  }
0x10a: {  	[hbm4b:s21+s4] =	stream.linear.scatter [tilespmem:s28], [sflag:$0x5], $0x80, $0x38;
	[tilespmem:$0x10C00] =	vst v63  }
0x10b: {  	s0 =	sadd.s32 $0x70, s0;
	s31 =	simm.s32 $0x9CF8  }
0x10c: {  	[hbm4b:s0+s4] =	stream.linear.scatter [tilespmem:s31], [sflag:$0x5], $0x80, $0x38;
	[tilespmem:$0x10C00] =	vst v63  }
0x10d: {  	s17 =	simm.s32 $0xAA40;
	s0 =	sadd.s32 s25, s9  }
0x10e: {  	[hbm4b:s0+s4] =	stream.linear.scatter [tilespmem:s17], [sflag:$0x5], $0x80, $0x38;
	[tilespmem:$0x10C00] =	vst v63  }
0x10f: {  	s19 =	simm.s32 $0xAAC8;
	s18 =	sadd.s32 $0x10, s0  }
0x110: {  	[hbm4b:s18+s4] =	stream.linear.scatter [tilespmem:s19], [sflag:$0x5], $0x80, $0x38;
	[tilespmem:$0x10C00] =	vst v63  }
0x111: {  	s21 =	simm.s32 $0xAB50;
	s20 =	sadd.s32 $0x20, s0  }
0x112: {  	[hbm4b:s20+s4] =	stream.linear.scatter [tilespmem:s21], [sflag:$0x5], $0x80, $0x38;
	[tilespmem:$0x10C00] =	vst v63  }
0x113: {  	s31 =	simm.s32 $0xABD8;
	s28 =	sadd.s32 $0x30, s0  }
0x114: {  	[hbm4b:s28+s4] =	stream.linear.scatter [tilespmem:s31], [sflag:$0x5], $0x80, $0x38;
	[tilespmem:$0x10C00] =	vst v63  }
0x115: {  	s17 =	sadd.s32 $0x40, s0;
	s18 =	simm.s32 $0xAC60  }
0x116: {  	[hbm4b:s17+s4] =	stream.linear.scatter [tilespmem:s18], [sflag:$0x5], $0x80, $0x38;
	[tilespmem:$0x10C00] =	vst v63  }
0x117: {  	s19 =	sadd.s32 $0x50, s0;
	s20 =	simm.s32 $0xACE8  }
0x118: {  	[hbm4b:s19+s4] =	stream.linear.scatter [tilespmem:s20], [sflag:$0x5], $0x80, $0x38;
	[tilespmem:$0x10C00] =	vst v63  }
0x119: {  	s21 =	sadd.s32 $0x60, s0;
	s28 =	simm.s32 $0xAD70  }
0x11a: {  	[hbm4b:s21+s4] =	stream.linear.scatter [tilespmem:s28], [sflag:$0x5], $0x80, $0x38;
	[tilespmem:$0x10C00] =	vst v63  }
0x11b: {  	s0 =	sadd.s32 $0x70, s0;
	s31 =	simm.s32 $0xADF8  }
0x11c: {  	[hbm4b:s0+s4] =	stream.linear.scatter [tilespmem:s31], [sflag:$0x5], $0x80, $0x38;
	[tilespmem:$0x10C00] =	vst v63  }
0x11d: {  	s17 =	simm.s32 $0xBB40;
	s0 =	sadd.s32 s26, s9  }
0x11e: {  	[hbm4b:s0+s4] =	stream.linear.scatter [tilespmem:s17], [sflag:$0x5], $0x80, $0x38;
	[tilespmem:$0x10C00] =	vst v63  }
0x11f: {  	s19 =	simm.s32 $0xBBC8;
	s18 =	sadd.s32 $0x10, s0  }
0x120: {  	[hbm4b:s18+s4] =	stream.linear.scatter [tilespmem:s19], [sflag:$0x5], $0x80, $0x38;
	[tilespmem:$0x10C00] =	vst v63  }
0x121: {  	s21 =	simm.s32 $0xBC50;
	s20 =	sadd.s32 $0x20, s0  }
0x122: {  	[hbm4b:s20+s4] =	stream.linear.scatter [tilespmem:s21], [sflag:$0x5], $0x80, $0x38;
	[tilespmem:$0x10C00] =	vst v63  }
0x123: {  	s31 =	simm.s32 $0xBCD8;
	s28 =	sadd.s32 $0x30, s0  }
0x124: {  	[hbm4b:s28+s4] =	stream.linear.scatter [tilespmem:s31], [sflag:$0x5], $0x80, $0x38;
	[tilespmem:$0x10C00] =	vst v63  }
0x125: {  	s17 =	sadd.s32 $0x40, s0;
	s18 =	simm.s32 $0xBD60  }
0x126: {  	[hbm4b:s17+s4] =	stream.linear.scatter [tilespmem:s18], [sflag:$0x5], $0x80, $0x38;
	[tilespmem:$0x10C00] =	vst v63  }
0x127: {  	s19 =	sadd.s32 $0x50, s0;
	s20 =	simm.s32 $0xBDE8  }
0x128: {  	[hbm4b:s19+s4] =	stream.linear.scatter [tilespmem:s20], [sflag:$0x5], $0x80, $0x38;
	[tilespmem:$0x10C00] =	vst v63  }
0x129: {  	s21 =	sadd.s32 $0x60, s0;
	s28 =	simm.s32 $0xBE70  }
0x12a: {  	[hbm4b:s21+s4] =	stream.linear.scatter [tilespmem:s28], [sflag:$0x5], $0x80, $0x38;
	[tilespmem:$0x10C00] =	vst v63  }
0x12b: {  	s0 =	sadd.s32 $0x70, s0;
	s31 =	simm.s32 $0xBEF8  }
0x12c: {  	[hbm4b:s0+s4] =	stream.linear.scatter [tilespmem:s31], [sflag:$0x5], $0x80, $0x38;
	[tilespmem:$0x10C00] =	vst v63  }
0x12d: {  	s17 =	simm.s32 $0x8C80;
	s0 =	sadd.s32 s15, s10  }
0x12e: {  	[hbm4b:s0+s4] =	stream.linear.scatter [tilespmem:s17], [sflag:$0x5], $0x80, $0x38;
	[tilespmem:$0x10C00] =	vst v63  }
0x12f: {  	s19 =	simm.s32 $0x8D08;
	s18 =	sadd.s32 $0x10, s0  }
0x130: {  	[hbm4b:s18+s4] =	stream.linear.scatter [tilespmem:s19], [sflag:$0x5], $0x80, $0x38;
	[tilespmem:$0x10C00] =	vst v63  }
0x131: {  	s21 =	simm.s32 $0x8D90;
	s20 =	sadd.s32 $0x20, s0  }
0x132: {  	[hbm4b:s20+s4] =	stream.linear.scatter [tilespmem:s21], [sflag:$0x5], $0x80, $0x38;
	[tilespmem:$0x10C00] =	vst v63  }
0x133: {  	s31 =	simm.s32 $0x8E18;
	s28 =	sadd.s32 $0x30, s0  }
0x134: {  	[hbm4b:s28+s4] =	stream.linear.scatter [tilespmem:s31], [sflag:$0x5], $0x80, $0x38;
	[tilespmem:$0x10C00] =	vst v63  }
0x135: {  	s17 =	sadd.s32 $0x40, s0;
	s18 =	simm.s32 $0x8EA0  }
0x136: {  	[hbm4b:s17+s4] =	stream.linear.scatter [tilespmem:s18], [sflag:$0x5], $0x80, $0x38;
	[tilespmem:$0x10C00] =	vst v63  }
0x137: {  	s19 =	sadd.s32 $0x50, s0;
	s20 =	simm.s32 $0x8F28  }
0x138: {  	[hbm4b:s19+s4] =	stream.linear.scatter [tilespmem:s20], [sflag:$0x5], $0x80, $0x38;
	[tilespmem:$0x10C00] =	vst v63  }
0x139: {  	s21 =	sadd.s32 $0x60, s0;
	s28 =	simm.s32 $0x8FB0  }
0x13a: {  	[hbm4b:s21+s4] =	stream.linear.scatter [tilespmem:s28], [sflag:$0x5], $0x80, $0x38;
	[tilespmem:$0x10C00] =	vst v63  }
0x13b: {  	s0 =	sadd.s32 $0x70, s0;
	s31 =	simm.s32 $0x9038  }
0x13c: {  	[hbm4b:s0+s4] =	stream.linear.scatter [tilespmem:s31], [sflag:$0x5], $0x80, $0x38;
	[tilespmem:$0x10C00] =	vst v63  }
0x13d: {  	s17 =	simm.s32 $0x9D80;
	s0 =	sadd.s32 s24, s10  }
0x13e: {  	[hbm4b:s0+s4] =	stream.linear.scatter [tilespmem:s17], [sflag:$0x5], $0x80, $0x38;
	[tilespmem:$0x10C00] =	vst v63  }
0x13f: {  	s19 =	simm.s32 $0x9E08;
	s18 =	sadd.s32 $0x10, s0  }
0x140: {  	[hbm4b:s18+s4] =	stream.linear.scatter [tilespmem:s19], [sflag:$0x5], $0x80, $0x38;
	[tilespmem:$0x10C00] =	vst v63  }
0x141: {  	s21 =	simm.s32 $0x9E90;
	s20 =	sadd.s32 $0x20, s0  }
0x142: {  	[hbm4b:s20+s4] =	stream.linear.scatter [tilespmem:s21], [sflag:$0x5], $0x80, $0x38;
	[tilespmem:$0x10C00] =	vst v63  }
0x143: {  	s31 =	simm.s32 $0x9F18;
	s28 =	sadd.s32 $0x30, s0  }
0x144: {  	[hbm4b:s28+s4] =	stream.linear.scatter [tilespmem:s31], [sflag:$0x5], $0x80, $0x38;
	[tilespmem:$0x10C00] =	vst v63  }
0x145: {  	s17 =	sadd.s32 $0x40, s0;
	s18 =	simm.s32 $0x9FA0  }
0x146: {  	[hbm4b:s17+s4] =	stream.linear.scatter [tilespmem:s18], [sflag:$0x5], $0x80, $0x38;
	[tilespmem:$0x10C00] =	vst v63  }
0x147: {  	s19 =	sadd.s32 $0x50, s0;
	s20 =	simm.s32 $0xA028  }
0x148: {  	[hbm4b:s19+s4] =	stream.linear.scatter [tilespmem:s20], [sflag:$0x5], $0x80, $0x38;
	[tilespmem:$0x10C00] =	vst v63  }
0x149: {  	s21 =	sadd.s32 $0x60, s0;
	s28 =	simm.s32 $0xA0B0  }
0x14a: {  	[hbm4b:s21+s4] =	stream.linear.scatter [tilespmem:s28], [sflag:$0x5], $0x80, $0x38;
	[tilespmem:$0x10C00] =	vst v63  }
0x14b: {  	s0 =	sadd.s32 $0x70, s0;
	s31 =	simm.s32 $0xA138  }
0x14c: {  	[hbm4b:s0+s4] =	stream.linear.scatter [tilespmem:s31], [sflag:$0x5], $0x80, $0x38;
	[tilespmem:$0x10C00] =	vst v63  }
0x14d: {  	s17 =	simm.s32 $0xAE80;
	s0 =	sadd.s32 s25, s10  }
0x14e: {  	[hbm4b:s0+s4] =	stream.linear.scatter [tilespmem:s17], [sflag:$0x5], $0x80, $0x38;
	[tilespmem:$0x10C00] =	vst v63  }
0x14f: {  	s19 =	simm.s32 $0xAF08;
	s18 =	sadd.s32 $0x10, s0  }
0x150: {  	[hbm4b:s18+s4] =	stream.linear.scatter [tilespmem:s19], [sflag:$0x5], $0x80, $0x38;
	[tilespmem:$0x10C00] =	vst v63  }
0x151: {  	s21 =	simm.s32 $0xAF90;
	s20 =	sadd.s32 $0x20, s0  }
0x152: {  	[hbm4b:s20+s4] =	stream.linear.scatter [tilespmem:s21], [sflag:$0x5], $0x80, $0x38;
	[tilespmem:$0x10C00] =	vst v63  }
0x153: {  	s31 =	simm.s32 $0xB018;
	s28 =	sadd.s32 $0x30, s0  }
0x154: {  	[hbm4b:s28+s4] =	stream.linear.scatter [tilespmem:s31], [sflag:$0x5], $0x80, $0x38;
	[tilespmem:$0x10C00] =	vst v63  }
0x155: {  	s17 =	sadd.s32 $0x40, s0;
	s18 =	simm.s32 $0xB0A0  }
0x156: {  	[hbm4b:s17+s4] =	stream.linear.scatter [tilespmem:s18], [sflag:$0x5], $0x80, $0x38;
	[tilespmem:$0x10C00] =	vst v63  }
0x157: {  	s19 =	sadd.s32 $0x50, s0;
	s20 =	simm.s32 $0xB128  }
0x158: {  	[hbm4b:s19+s4] =	stream.linear.scatter [tilespmem:s20], [sflag:$0x5], $0x80, $0x38;
	[tilespmem:$0x10C00] =	vst v63  }
0x159: {  	s21 =	sadd.s32 $0x60, s0;
	s28 =	simm.s32 $0xB1B0  }
0x15a: {  	[hbm4b:s21+s4] =	stream.linear.scatter [tilespmem:s28], [sflag:$0x5], $0x80, $0x38;
	[tilespmem:$0x10C00] =	vst v63  }
0x15b: {  	s0 =	sadd.s32 $0x70, s0;
	s31 =	simm.s32 $0xB238  }
0x15c: {  	[hbm4b:s0+s4] =	stream.linear.scatter [tilespmem:s31], [sflag:$0x5], $0x80, $0x38;
	[tilespmem:$0x10C00] =	vst v63  }
0x15d: {  	s17 =	simm.s32 $0xBF80;
	s0 =	sadd.s32 s26, s10  }
0x15e: {  	[hbm4b:s0+s4] =	stream.linear.scatter [tilespmem:s17], [sflag:$0x5], $0x80, $0x38;
	[tilespmem:$0x10C00] =	vst v63  }
0x15f: {  	s19 =	simm.s32 $0xC008;
	s18 =	sadd.s32 $0x10, s0  }
0x160: {  	[hbm4b:s18+s4] =	stream.linear.scatter [tilespmem:s19], [sflag:$0x5], $0x80, $0x38;
	[tilespmem:$0x10C00] =	vst v63  }
0x161: {  	s21 =	simm.s32 $0xC090;
	s20 =	sadd.s32 $0x20, s0  }
0x162: {  	[hbm4b:s20+s4] =	stream.linear.scatter [tilespmem:s21], [sflag:$0x5], $0x80, $0x38;
	[tilespmem:$0x10C00] =	vst v63  }
0x163: {  	s31 =	simm.s32 $0xC118;
	s28 =	sadd.s32 $0x30, s0  }
0x164: {  	[hbm4b:s28+s4] =	stream.linear.scatter [tilespmem:s31], [sflag:$0x5], $0x80, $0x38;
	[tilespmem:$0x10C00] =	vst v63  }
0x165: {  	s18 =	sadd.s32 $0x40, s0;
	s19 =	simm.s32 $0xC1A0  }
0x166: {  	[hbm4b:s18+s4] =	stream.linear.scatter [tilespmem:s19], [sflag:$0x5], $0x80, $0x38;
	[tilespmem:$0x10C00] =	vst v63  }
0x167: {  	s20 =	sadd.s32 $0x50, s0;
	s21 =	simm.s32 $0xC228  }
0x168: {  	[hbm4b:s20+s4] =	stream.linear.scatter [tilespmem:s21], [sflag:$0x5], $0x80, $0x38;
	[tilespmem:$0x10C00] =	vst v63  }
0x169: {  	s28 =	sadd.s32 $0x60, s0;
	s31 =	simm.s32 $0xC2B0  }
0x16a: {  	[hbm4b:s28+s4] =	stream.linear.scatter [tilespmem:s31], [sflag:$0x5], $0x80, $0x38;
	[tilespmem:$0x10C00] =	vst v63  }
0x16b: {  	s0 =	sadd.s32 $0x70, s0;
	s18 =	simm.s32 $0xC338  }
0x16c: {  	[hbm4b:s0+s4] =	stream.linear.scatter [tilespmem:s18], [sflag:$0x5], $0x80, $0x38;
	[tilespmem:$0x10C00] =	vst v63  }
0x16d: {  	s19 =	simm.s32 $0x90C0;
	s0 =	sadd.s32 s15, s11  }
0x16e: {  	[hbm4b:s0+s4] =	stream.linear.scatter [tilespmem:s19], [sflag:$0x5], $0x80, $0x38;
	[tilespmem:$0x10C00] =	vst v63  }
0x16f: {  	s21 =	simm.s32 $0x9148;
	s20 =	sadd.s32 $0x10, s0  }
0x170: {  	[hbm4b:s20+s4] =	stream.linear.scatter [tilespmem:s21], [sflag:$0x5], $0x80, $0x38;
	[tilespmem:$0x10C00] =	vst v63  }
0x171: {  	s31 =	simm.s32 $0x91D0;
	s28 =	sadd.s32 $0x20, s0  }
0x172: {  	[hbm4b:s28+s4] =	stream.linear.scatter [tilespmem:s31], [sflag:$0x5], $0x80, $0x38;
	[tilespmem:$0x10C00] =	vst v63  }
0x173: {  	s17 =	simm.s32 $0x9258;
	s16 =	sadd.s32 $0x30, s0  }
0x174: {  	[hbm4b:s16+s4] =	stream.linear.scatter [tilespmem:s17], [sflag:$0x5], $0x80, $0x38;
	[tilespmem:$0x10C00] =	vst v63  }
0x175: {  	s18 =	sadd.s32 $0x40, s0;
	s19 =	simm.s32 $0x92E0  }
0x176: {  	[hbm4b:s18+s4] =	stream.linear.scatter [tilespmem:s19], [sflag:$0x5], $0x80, $0x38;
	[tilespmem:$0x10C00] =	vst v63  }
0x177: {  	s20 =	sadd.s32 $0x50, s0;
	s21 =	simm.s32 $0x9368  }
0x178: {  	[hbm4b:s20+s4] =	stream.linear.scatter [tilespmem:s21], [sflag:$0x5], $0x80, $0x38;
	[tilespmem:$0x10C00] =	vst v63  }
0x179: {  	s28 =	sadd.s32 $0x60, s0;
	s31 =	simm.s32 $0x93F0  }
0x17a: {  	[hbm4b:s28+s4] =	stream.linear.scatter [tilespmem:s31], [sflag:$0x5], $0x80, $0x38;
	[tilespmem:$0x10C00] =	vst v63  }
0x17b: {  	s0 =	sadd.s32 $0x70, s0;
	s17 =	simm.s32 $0x9478  }
0x17c: {  	[hbm4b:s0+s4] =	stream.linear.scatter [tilespmem:s17], [sflag:$0x5], $0x80, $0x38;
	[tilespmem:$0x10C00] =	vst v63  }
0x17d: {  	s18 =	simm.s32 $0xA1C0;
	s0 =	sadd.s32 s24, s11  }
0x17e: {  	[hbm4b:s0+s4] =	stream.linear.scatter [tilespmem:s18], [sflag:$0x5], $0x80, $0x38;
	[tilespmem:$0x10C00] =	vst v63  }
0x17f: {  	s20 =	simm.s32 $0xA248;
	s19 =	sadd.s32 $0x10, s0  }
0x180: {  	[hbm4b:s19+s4] =	stream.linear.scatter [tilespmem:s20], [sflag:$0x5], $0x80, $0x38;
	[tilespmem:$0x10C00] =	vst v63  }
0x181: {  	s24 =	simm.s32 $0xA2D0;
	s21 =	sadd.s32 $0x20, s0  }
0x182: {  	[hbm4b:s21+s4] =	stream.linear.scatter [tilespmem:s24], [sflag:$0x5], $0x80, $0x38;
	[tilespmem:$0x10C00] =	vst v63  }
0x183: {  	s31 =	simm.s32 $0xA358;
	s28 =	sadd.s32 $0x30, s0  }
0x184: {  	[hbm4b:s28+s4] =	stream.linear.scatter [tilespmem:s31], [sflag:$0x5], $0x80, $0x38;
	[tilespmem:$0x10C00] =	vst v63  }
0x185: {  	s17 =	sadd.s32 $0x40, s0;
	s18 =	simm.s32 $0xA3E0  }
0x186: {  	[hbm4b:s17+s4] =	stream.linear.scatter [tilespmem:s18], [sflag:$0x5], $0x80, $0x38;
	[tilespmem:$0x10C00] =	vst v63  }
0x187: {  	s19 =	sadd.s32 $0x50, s0;
	s20 =	simm.s32 $0xA468  }
0x188: {  	[hbm4b:s19+s4] =	stream.linear.scatter [tilespmem:s20], [sflag:$0x5], $0x80, $0x38;
	[tilespmem:$0x10C00] =	vst v63  }
0x189: {  	s21 =	sadd.s32 $0x60, s0;
	s24 =	simm.s32 $0xA4F0  }
0x18a: {  	[hbm4b:s21+s4] =	stream.linear.scatter [tilespmem:s24], [sflag:$0x5], $0x80, $0x38;
	[tilespmem:$0x10C00] =	vst v63  }
0x18b: {  	s0 =	sadd.s32 $0x70, s0;
	s28 =	simm.s32 $0xA578  }
0x18c: {  	[hbm4b:s0+s4] =	stream.linear.scatter [tilespmem:s28], [sflag:$0x5], $0x80, $0x38;
	[tilespmem:$0x10C00] =	vst v63  }
0x18d: {  	s31 =	simm.s32 $0xB2C0;
	s0 =	sadd.s32 s25, s11  }
0x18e: {  	[hbm4b:s0+s4] =	stream.linear.scatter [tilespmem:s31], [sflag:$0x5], $0x80, $0x38;
	[tilespmem:$0x10C00] =	vst v63  }
0x18f: {  	s17 =	simm.s32 $0xB348;
	s16 =	sadd.s32 $0x10, s0  }
0x190: {  	[hbm4b:s16+s4] =	stream.linear.scatter [tilespmem:s17], [sflag:$0x5], $0x80, $0x38;
	[tilespmem:$0x10C00] =	vst v63  }
0x191: {  	s19 =	simm.s32 $0xB3D0;
	s18 =	sadd.s32 $0x20, s0  }
0x192: {  	[hbm4b:s18+s4] =	stream.linear.scatter [tilespmem:s19], [sflag:$0x5], $0x80, $0x38;
	[tilespmem:$0x10C00] =	vst v63  }
0x193: {  	s21 =	simm.s32 $0xB458;
	s20 =	sadd.s32 $0x30, s0  }
0x194: {  	[hbm4b:s20+s4] =	stream.linear.scatter [tilespmem:s21], [sflag:$0x5], $0x80, $0x38;
	[tilespmem:$0x10C00] =	vst v63  }
0x195: {  	s25 =	simm.s32 $0xB4E0;
	s24 =	sadd.s32 $0x40, s0  }
0x196: {  	[hbm4b:s24+s4] =	stream.linear.scatter [tilespmem:s25], [sflag:$0x5], $0x80, $0x38;
	[tilespmem:$0x10C00] =	vst v63  }
0x197: {  	s28 =	sadd.s32 $0x50, s0;
	s31 =	simm.s32 $0xB568  }
0x198: {  	[hbm4b:s28+s4] =	stream.linear.scatter [tilespmem:s31], [sflag:$0x5], $0x80, $0x38;
	[tilespmem:$0x10C00] =	vst v63  }
0x199: {  	s17 =	sadd.s32 $0x60, s0;
	s18 =	simm.s32 $0xB5F0  }
0x19a: {  	[hbm4b:s17+s4] =	stream.linear.scatter [tilespmem:s18], [sflag:$0x5], $0x80, $0x38;
	[tilespmem:$0x10C00] =	vst v63  }
0x19b: {  	s0 =	sadd.s32 $0x70, s0;
	s19 =	simm.s32 $0xB678  }
0x19c: {  	[hbm4b:s0+s4] =	stream.linear.scatter [tilespmem:s19], [sflag:$0x5], $0x80, $0x38;
	[tilespmem:$0x10C00] =	vst v63  }
0x19d: {  	s20 =	simm.s32 $0xC3C0;
	s0 =	sadd.s32 s26, s11  }
0x19e: {  	[hbm4b:s0+s4] =	stream.linear.scatter [tilespmem:s20], [sflag:$0x5], $0x80, $0x38;
	[tilespmem:$0x10C00] =	vst v63  }
0x19f: {  	s24 =	simm.s32 $0xC448;
	s21 =	sadd.s32 $0x10, s0  }
0x1a0: {  	[hbm4b:s21+s4] =	stream.linear.scatter [tilespmem:s24], [sflag:$0x5], $0x80, $0x38;
	[tilespmem:$0x10C00] =	vst v63  }
0x1a1: {  	s26 =	simm.s32 $0xC4D0;
	s25 =	sadd.s32 $0x20, s0  }
0x1a2: {  	[hbm4b:s25+s4] =	stream.linear.scatter [tilespmem:s26], [sflag:$0x5], $0x80, $0x38;
	[tilespmem:$0x10C00] =	vst v63  }
0x1a3: {  	s31 =	simm.s32 $0xC558;
	s28 =	sadd.s32 $0x30, s0  }
0x1a4: {  	[hbm4b:s28+s4] =	stream.linear.scatter [tilespmem:s31], [sflag:$0x5], $0x80, $0x38;
	[tilespmem:$0x10C00] =	vst v63  }
0x1a5: {  	s18 =	simm.s32 $0xC5E0;
	s17 =	sadd.s32 $0x40, s0  }
0x1a6: {  	[hbm4b:s17+s4] =	stream.linear.scatter [tilespmem:s18], [sflag:$0x5], $0x80, $0x38;
	[tilespmem:$0x10C00] =	vst v63  }
0x1a7: {  	s19 =	sadd.s32 $0x50, s0;
	s20 =	simm.s32 $0xC668  }
0x1a8: {  	[hbm4b:s19+s4] =	stream.linear.scatter [tilespmem:s20], [sflag:$0x5], $0x80, $0x38;
	[tilespmem:$0x10C00] =	vst v63  }
0x1a9: {  	s21 =	sadd.s32 $0x60, s0;
	s24 =	simm.s32 $0xC6F0  }
0x1aa: {  	[hbm4b:s21+s4] =	stream.linear.scatter [tilespmem:s24], [sflag:$0x5], $0x80, $0x38;
	[tilespmem:$0x10C00] =	vst v63  }
0x1ab: {  	s0 =	sadd.s32 $0x70, s0;
	s25 =	simm.s32 $0xC778  }
0x1ac: {  	[hbm4b:s0+s4] =	stream.linear.scatter [tilespmem:s25], [sflag:$0x5], $0x80, $0x38;
	[tilespmem:$0x10C00] =	vst v63  }
0x1ad: {  	_ =	swait.ge [sflag:s29], $0x1000  }
0x1ae: {  	[sflag:s29] =	ssyncset.done $0x0  }
0x1af: {  	[sflag:s29] =	ssyncadd.s32 $0xFFFFF000  }
0x1b0: {  	_ =	swait.ge [sflag:s29], $0x1000  }
0x1b1: {  	[sflag:s29] =	ssyncset.done $0x0  }
0x1b2: {  	[sflag:s29] =	ssyncadd.s32 $0xFFFFF000  }
0x1b3: {  	_ =	swait.ge [sflag:s29], $0x1000  }
0x1b4: {  	[sflag:s29] =	ssyncset.done $0x0  }
0x1b5: {  	[sflag:s29] =	ssyncadd.s32 $0xFFFFF000  }
0x1b6: {  	_ =	swait.ge [sflag:s29], $0x1000  }
0x1b7: {  	[sflag:s29] =	ssyncset.done $0x0  }
0x1b8: {  	s0 =	simm.s32 @!p0 $0x1;
	[sflag:s29] =	ssyncadd.s32 $0xFFFFF000  }
0x1b9: {  	_ =	swait.ge @!p0 [sflag:s0], $0x200  }
0x1ba: {  	s15 =	simm.s32 @!p0 $0x0;
	[sflag:s0] =	ssyncset.done @!p0 $0x0  }
0x1bb: {  	s16 =	simm.s32 @!p0 $0x400;
	[sflag:s0] =	ssyncadd.s32 @!p0 $0xFFFFFE00;
	s0 =	simm.s32 @!p0 $0x80  }
0x1bc: {  	[tilespmem:s16], [sflag:$0x3] =	stream.indirect.gather @!p0 [hbm4b:s5+s0], $0x20, s15, s0, $0xb8;
	[tilespmem:$0x10C00] =	vst v63  }
0x1bd: {  	s15 =	simm.s32 @!p0 $0x1400  }
0x1be: {  	[tilespmem:s15], [sflag:$0x3] =	stream.indirect.gather @!p0 [hbm4b:s5+s0], $0x20, s0, s0, $0xb8;
	[tilespmem:$0x10C00] =	vst v63  }
0x1bf: {  	s17 =	simm.s32 @!p0 $0x2400;
	s15 =	simm.s32 @!p0 $0x100  }
0x1c0: {  	[tilespmem:s17], [sflag:$0x3] =	stream.indirect.gather @!p0 [hbm4b:s5+s0], $0x20, s15, s0, $0xb8;
	[tilespmem:$0x10C00] =	vst v63  }
0x1c1: {  	s14 =	sadd.s32 s7, s14;
	s15 =	simm.s32 @!p0 $0x180;
	s17 =	simm.s32 @!p0 $0x3400  }
0x1c2: {  	[tilespmem:s17], [sflag:$0x3] =	stream.indirect.gather @!p0 [hbm4b:s5+s0], $0x20, s15, s0, $0xb8;
	[tilespmem:$0x10C00] =	vst v63  }
0x1c3: {  	s15 =	sadd.s32 @!p0 $0x2, s14  }
0x1c4: {  	s17 =	sshll.u32 @!p0 s15, $0x9;
	s18 =	sshll.u32 @!p0 s15, $0xC  }
0x1c5: {  	s15 =	sshll.u32 @!p0 s15, $0x2;
	s17 =	sand.u32 @!p0 $0x7FFE0000, s17;
	s18 =	sand.u32 @!p0 $0x1F000, s18  }
0x1c6: {  	s15 =	sand.u32 @!p0 $0x380, s15;
	s17 =	sor.u32 @!p0 s18, s17  }
0x1c7: {  	s15 =	sor.u32 @!p0 s15, s17  }
0x1c8: {  	s15 =	sshrl.u32 @!p0 s15, $0x3  }
0x1c9: {  	s17 =	simm.s32 @!p0 $0x200;
	s15 =	sadd.s32 @!p0 s1, s15  }
0x1ca: {  	[tilespmem:s17], [sflag:$0x2] =	stream.strided.gather @!p0 [hbm4b:s15+s0], $0x200, s16, s0, $0x38;
	[tilespmem:$0x10C00] =	vst v63  }
0x1cb: {  	p0 =	por p0, !p1  }
0x1cc: {  	_ =	swait.ge @p0 [sflag:s12], $0x400  }
0x1cd: {  	[sflag:s12] =	ssyncset.done @p0 $0x0  }
0x1ce: {  	[sflag:s12] =	ssyncadd.s32 @p0 $0xFFFFFC00  }
0x1cf: {  	_ =	swait.ge @p0 [sflag:s12], $0x400  }
0x1d0: {  	[sflag:s12] =	ssyncset.done @p0 $0x0  }
0x1d1: {  	[sflag:s12] =	ssyncadd.s32 @p0 $0xFFFFFC00  }
0x1d2: {  	_ =	swait.ge @p0 [sflag:s12], $0x400  }
0x1d3: {  	[sflag:s12] =	ssyncset.done @p0 $0x0  }
0x1d4: {  	[sflag:s12] =	ssyncadd.s32 @p0 $0xFFFFFC00  }
0x1d5: {  	_ =	swait.ge @p0 [sflag:s12], $0x400  }
0x1d6: {  	[sflag:s12] =	ssyncset.done @p0 $0x0  }
0x1d7: {  	[sflag:s12] =	ssyncadd.s32 @p0 $0xFFFFFC00  }
0x1d8: {  	_ =	swait.ge @p0 [sflag:s12], $0x400  }
0x1d9: {  	[sflag:s12] =	ssyncset.done @p0 $0x0  }
0x1da: {  	[sflag:s12] =	ssyncadd.s32 @p0 $0xFFFFFC00  }
0x1db: {  	_ =	swait.ge @p0 [sflag:s12], $0x400  }
0x1dc: {  	[sflag:s12] =	ssyncset.done @p0 $0x0  }
0x1dd: {  	[sflag:s12] =	ssyncadd.s32 @p0 $0xFFFFFC00  }
0x1de: {  	_ =	swait.ge @p0 [sflag:s12], $0x400  }
0x1df: {  	[sflag:s12] =	ssyncset.done @p0 $0x0  }
0x1e0: {  	[sflag:s12] =	ssyncadd.s32 @p0 $0xFFFFFC00  }
0x1e1: {  	_ =	swait.ge @p0 [sflag:s12], $0x400  }
0x1e2: {  	[sflag:s12] =	ssyncset.done @p0 $0x0  }
0x1e3: {  	[sflag:s12] =	ssyncadd.s32 @p0 $0xFFFFFC00  }
0x1e4: {  	_ =	swait.ge @p0 [sflag:s12], $0x400  }
0x1e5: {  	[sflag:s12] =	ssyncset.done @p0 $0x0  }
0x1e6: {  	[sflag:s12] =	ssyncadd.s32 @p0 $0xFFFFFC00  }
0x1e7: {  	_ =	swait.ge @p0 [sflag:s12], $0x400  }
0x1e8: {  	[sflag:s12] =	ssyncset.done @p0 $0x0  }
0x1e9: {  	[sflag:s12] =	ssyncadd.s32 @p0 $0xFFFFFC00  }
0x1ea: {  	_ =	swait.ge @p0 [sflag:s12], $0x400  }
0x1eb: {  	[sflag:s12] =	ssyncset.done @p0 $0x0  }
0x1ec: {  	[sflag:s12] =	ssyncadd.s32 @p0 $0xFFFFFC00  }
0x1ed: {  	_ =	swait.ge @p0 [sflag:s12], $0x400  }
0x1ee: {  	s28 =	simm.s32 $0x0;
	[sflag:s12] =	ssyncset.done @p0 $0x0  }
0x1ef: {  	s24 =	simm.s32 $0x0;
	s15 =	simm.s32 $0x0;
	[sflag:s12] =	ssyncadd.s32 @p0 $0xFFFFFC00  }
0x1f0: {  	s16 =	sand.u32 $0x78, s24;
	s26 =	sand.u32 $0xFFFFFF80, s15;
	_ =	swait.ge @p0 [sflag:s12], $0x400  }
0x1f1: {  	s17 =	sand.u32 $0x3FFFFFE0, s28;
	s31 =	ssub.s32 $0x0, s26;
	[sflag:s12] =	ssyncset.done @p0 $0x0  }
0x1f2: {  	v2 =	vmov s16;
	v3 =	vmov s17;
	s0 =	ssub.s32 $0xFFFFFFF8, s26;
	s19 =	sadd.s32 $0x1, s31;
	[sflag:s12] =	ssyncadd.s32 @p0 $0xFFFFFC00  }
0x1f3: {  	v4 =	vshrl.u32 v2, $0x3;
	v2 =	vmul.u32 $0x88, v3;
	s20 =	sadd.s32 $0xF, s0;
	s21 =	sadd.s32 $0x2, s31;
	_ =	swait.ge @p0 [sflag:s12], $0x400  }
0x1f4: {  	s25 =	sadd.s32 $0xB, s0;
	s0 =	sadd.s32 $0xC, s0;
	v4 =	vshll.u32 v4, v1;
	v3 =	vmov s19;
	v5 =	vmov s20;
	[sflag:s12] =	ssyncset.done @p0 $0x0  }
0x1f5: {  	s26 =	sadd.s32 $0x5, s31;
	s18 =	sadd.s32 $0x6, s31;
	v6 =	vmov s21;
	v7 =	vmov s25;
	v2 =	vbroadcast v2, $0x0;
	[sflag:s12] =	ssyncadd.s32 @p0 $0xFFFFFC00  }
0x1f6: {  	v8 =	vmov s0;
	v9 =	vmov s26;
	v10 =	vmov s18;
	_ =	swait.ge @p0 [sflag:s12], $0x400  }
0x1f7: {  	v5 =	vshrl.u32 v5, $0x3;
	v7 =	vshrl.u32 v7, $0x3;
	v8 =	vshrl.u32 v8, $0x3;
	[sflag:s12] =	ssyncset.done @p0 $0x0  }
0x1f8: {  	s28 =	sor.u32 $0x10, s17;
	v5 =	vshll.u32 v5, v1;
	v12 =	vadd.s32 v0, v2;
	v2 =	vshrl.u32 v3, $0x3;
	[sflag:s12] =	ssyncadd.s32 @p0 $0xFFFFFC00  }
0x1f9: {  	v3 =	vshrl.u32 v6, $0x3;
	v6 =	vmov s28;
	v5 =	vbroadcast v5, $0x0;
	_ =	swait.ge @p0 [sflag:s12], $0x400  }
0x1fa: {  	v9 =	vshrl.u32 v9, $0x3;
	v10 =	vshrl.u32 v10, $0x3;
	v6 =	vmul.u32 $0x88, v6;
	[sflag:s12] =	ssyncset.done @p0 $0x0  }
0x1fb: {  	s25 =	simm.s32 $0x4480;
	v7 =	vshll.u32 v7, v1;
	v8 =	vshll.u32 v8, v1;
	v11 =	vadd.s32 v5, v12;
	[sflag:s12] =	ssyncadd.s32 @p0 $0xFFFFFC00  }
0x1fc: {  	v9 =	vshll.u32 v9, v1;
	v6 =	vbroadcast v6, $0x0;
	v11 =	vor.u32 $0x7, v11;
	v13 =	vld [tilespmem:s25+$0x60]  }
0x1fd: {  	s31 =	simm.s32 $0x0;
	v10 =	vshll.u32 v10, v1;
	v2 =	vshll.u32 v2, v1;
	v14 =	vshll.u32 v3, v1  }
0x1fe: {  	s16 =	sshll.u32 s16, $0x5;
	s0 =	sand.u32 $0x3FFFF000, s31;
	v20 =	vbroadcast v7, $0x0;
	v24 =	vbroadcast v8, $0x0;
	v3 =	vadd.s32 v0, v6  }
0x1ff: {  	s26 =	sor.u32 s16, s0;
	v25 =	vbroadcast v9, $0x0;
	v18 =	vbroadcast v2, $0x0;
	v2 =	vadd.s32 v5, v3  }
0x200: {  	v26 =	vbroadcast v10, $0x0;
	v19 =	vbroadcast v14, $0x0;
	v21 =	vor.u32 $0x7, v2;
	v2 =	vld [tilespmem:s26+$0x4400]  }
0x201: {  	v10 =	vbroadcast v4, $0x0;
	v4 =	vadd.s32 v20, v12;
	v22 =	vadd.s32 v25, v12;
	v9 =	vld [tilespmem:s25+$0xFFFFFFC0];
	[tilespmem:v11+s30+$0x0] =	vst.idx.msk $0xffff, v13  }
0x202: {  	v23 =	vadd.s32 v26, v12;
	v7 =	vadd.s32 v19, v12;
	v5 =	vadd.s32 v18, v12;
	v8 =	vld [tilespmem:s25+$0x70]  }
0x203: {  	v15 =	vor.u32 $0x3, v4;
	v16 =	vor.u32 $0x2, v7;
	v17 =	vor.u32 $0x1, v5;
	v11 =	vld [tilespmem:s25+$0xFFFFFFA0]  }
0x204: {  	v5 =	vadd.s32 v10, v12;
	v6 =	vld [tilespmem:s25+$0xFFFFFFE0];
	v13 =	vadd.s32 v24, v12;
	v12 =	vor.u32 $0x6, v23  }
0x205: {  	v7 =	vld [tilespmem:s25+$0x0];
	v23 =	vadd.s32 v18, v3;
	v18 =	vadd.s32 v26, v3;
	v14 =	vor.u32 $0x4, v13  }
0x206: {  	v4 =	vld [tilespmem:s25+$0x20];
	v13 =	vor.u32 $0x5, v22;
	v22 =	vadd.s32 v19, v3;
	v19 =	vadd.s32 v25, v3  }
0x207: {  	[tilespmem:v21+s30+$0x0] =	vst.idx.msk $0xffff, v8;
	v21 =	vadd.s32 v20, v3;
	v8 =	vld [tilespmem:s25+$0x40];
	v20 =	vadd.s32 v24, v3  }
.LBB2_8:
0x208: {  	[tilespmem:v17+s30+$0x0] =	vst.idx.msk $0xffff, v11;
	v11 =	vor.u32 $0x1, v23;
	v17 =	vor.u32 $0x2, v22;
	v21 =	vor.u32 $0x3, v21;
	s15 =	sadd.s32 $0x8, s15;
	s0 =	smov.u32 s24;
	s24 =	sadd.s32 $0x8, s24  }
0x209: {  	v18 =	vor.u32 $0x6, v18;
	s16 =	sand.u32 $0xFFFFFF80, s15;
	s17 =	sand.u32 $0x78, s24;
	s18 =	sshrl.u32 s24, $0x2;
	v22 =	vld [tilespmem:s25+$0xFFFFFFB0];
	[tilespmem:v16+s30+$0x0] =	vst.idx.msk $0xffff, v9;
	v9 =	vor.u32 $0x4, v20;
	v16 =	vor.u32 $0x5, v19  }
0x20a: {  	v10 =	vadd.s32 v10, v3;
	v19 =	vmov s17;
	s18 =	sand.u32 $0x3FFFFFE0, s18;
	s19 =	ssub.s32 s24, s16;
	s0 =	ssub.s32 s0, s16;
	v3 =	vld [tilespmem:s25+$0xFFFFFFD0];
	[tilespmem:v15+s30+$0x0] =	vst.idx.msk $0xffff, v6  }
0x20b: {  	v6 =	vmov s18;
	v15 =	vshrl.u32 v19, $0x3;
	s16 =	sadd.s32 $0x1, s19;
	s20 =	sadd.s32 $0x2, s19;
	s21 =	sadd.s32 $0xF, s0;
	v19 =	vld [tilespmem:s25+$0xFFFFFFF0];
	[tilespmem:v14+s30+$0x0] =	vst.idx.msk $0xffff, v7  }
0x20c: {  	s28 =	sadd.s32 $0x5, s19;
	v6 =	vmul.u32 $0x88, v6;
	v7 =	vmov s16;
	s16 =	sadd.s32 $0xB, s0;
	s0 =	sadd.s32 $0xC, s0;
	v14 =	vmov s21;
	v20 =	vld [tilespmem:s25+$0x10];
	[tilespmem:v13+s30+$0x0] =	vst.idx.msk $0xffff, v4  }
0x20d: {  	s17 =	sshll.u32 s17, $0x5;
	s21 =	sshll.u32 s24, $0x5;
	v4 =	vmov s20;
	v13 =	vmov s16;
	s16 =	sadd.s32 $0x6, s19;
	v14 =	vshrl.u32 v14, $0x3;
	v23 =	vld [tilespmem:s25+$0x30];
	[tilespmem:v12+s30+$0x0] =	vst.idx.msk $0xffff, v8  }
0x20e: {  	p0 =	slt.u32 s24, $0x1F8;
	s19 =	sand.u32 $0x3FFFF000, s21;
	v8 =	vmov s0;
	v6 =	vbroadcast v6, $0x0;
	v12 =	vshll.u32 v14, v1;
	[tilespmem:v5+s30+$0x0] =	vst.idx.msk $0xffff, v2;
	v5 =	vld [tilespmem:s25+$0x50]  }
0x20f: {  	v14 =	vmov s28;
	v24 =	vmov s16;
	v12 =	vbroadcast v12, $0x0;
	v25 =	vld [tilespmem:s26+$0x4410];
	s26 =	sor.u32 s17, s19;
	[tilespmem:v11+s30+$0x0] =	vst.idx.msk $0xffff, v22  }
0x210: {  	s0 =	sor.u32 $0x10, s18;
	v4 =	vshrl.u32 v4, $0x3;
	v2 =	vld [tilespmem:s26+$0x4400];
	v22 =	vadd.s32 v0, v6;
	v6 =	vshrl.u32 v7, $0x3;
	[tilespmem:v17+s30+$0x0] =	vst.idx.msk $0xffff, v3  }
0x211: {  	s25 =	sadd.s32 $0x100, s25;
	v3 =	vmov s0;
	v7 =	vshrl.u32 v13, $0x3;
	v11 =	vadd.s32 v12, v22;
	[tilespmem:v21+s30+$0x0] =	vst.idx.msk $0xffff, v19  }
0x212: {  	v8 =	vshrl.u32 v8, $0x3;
	v3 =	vmul.u32 $0x88, v3;
	v13 =	vld [tilespmem:s25+$0x60];
	v17 =	vor.u32 $0x7, v11;
	[tilespmem:v9+s30+$0x0] =	vst.idx.msk $0xffff, v20  }
0x213: {  	v14 =	vshrl.u32 v14, $0x3;
	v19 =	vshll.u32 v6, v1;
	v20 =	vshrl.u32 v24, $0x3;
	v11 =	vld [tilespmem:s25+$0xFFFFFFA0];
	[tilespmem:v16+s30+$0x0] =	vst.idx.msk $0xffff, v23  }
0x214: {  	v4 =	vshll.u32 v4, v1;
	v3 =	vbroadcast v3, $0x0;
	v16 =	vshll.u32 v7, v1;
	v9 =	vld [tilespmem:s25+$0xFFFFFFC0];
	[tilespmem:v18+s30+$0x0] =	vst.idx.msk $0xffff, v5  }
0x215: {  	v5 =	vshll.u32 v8, v1;
	v8 =	vshll.u32 v14, v1;
	v14 =	vshll.u32 v20, v1;
	v6 =	vld [tilespmem:s25+$0xFFFFFFE0]  }
0x216: {  	v18 =	vbroadcast v19, $0x0;
	v19 =	vbroadcast v4, $0x0;
	v3 =	vadd.s32 v0, v3;
	v7 =	vld [tilespmem:s25+$0x0];
	[tilespmem:v10+s30+$0x0] =	vst.idx.msk $0xffff, v25  }
0x217: {  	v20 =	vbroadcast v16, $0x0;
	v24 =	vbroadcast v5, $0x0;
	v5 =	vadd.s32 v12, v3;
	v4 =	vld [tilespmem:s25+$0x20];
	[tilespmem:v17+s30+$0x0] =	vst.idx.msk $0xffff, v13  }
0x218: {  	v26 =	vbroadcast v14, $0x0;
	v25 =	vbroadcast v8, $0x0;
	v23 =	vor.u32 $0x7, v5;
	v21 =	vld [tilespmem:s25+$0x70]  }
0x219: {  	v12 =	vadd.s32 v18, v22;
	v5 =	vshll.u32 v15, v1;
	v13 =	vadd.s32 v19, v22;
	v8 =	vld [tilespmem:s25+$0x40]  }
0x21a: {  	v14 =	vadd.s32 v24, v22;
	v10 =	vbroadcast v5, $0x0;
	v5 =	vadd.s32 v20, v22  }
.Ltmp3:
0x21b: {  	v17 =	vor.u32 $0x1, v12;
	v27 =	vadd.s32 v26, v22;
	v12 =	vadd.s32 v25, v22;
	(pc) =	sbr.rel @p0 .LBB2_8-.Ltmp3, $4  }
0x21c: {  	v16 =	vor.u32 $0x2, v13;
	v14 =	vor.u32 $0x4, v14;
	v15 =	vor.u32 $0x3, v5  }
0x21d: {  	v13 =	vor.u32 $0x5, v12;
	v12 =	vor.u32 $0x6, v27;
	v5 =	vadd.s32 v10, v22;
	[tilespmem:v23+s30+$0x0] =	vst.idx.msk $0xffff, v21  }
0x21e: {  	v22 =	vadd.s32 v19, v3;
	v23 =	vadd.s32 v18, v3;
	v21 =	vadd.s32 v20, v3  }
0x21f: {  	v19 =	vadd.s32 v25, v3;
	v20 =	vadd.s32 v24, v3;
	v18 =	vadd.s32 v26, v3  }
0x220: {  	_ =	sdelay $0x3  }
0x221: {  	[tilespmem:v17+s30+$0x0] =	vst.idx.msk $0xffff, v11  }
0x222: {  	[tilespmem:v16+s30+$0x0] =	vst.idx.msk $0xffff, v9  }
0x223: {  	v53 =	vor.u32 $0x1, v23;
	[tilespmem:v15+s30+$0x0] =	vst.idx.msk $0xffff, v6;
	v11 =	vld [tilespmem:s25+$0xFFFFFFB0]  }
0x224: {  	v54 =	vor.u32 $0x2, v22;
	[tilespmem:v14+s30+$0x0] =	vst.idx.msk $0xffff, v7;
	v55 =	vld [tilespmem:s25+$0xFFFFFFD0]  }
0x225: {  	v56 =	vor.u32 $0x3, v21;
	[tilespmem:v13+s30+$0x0] =	vst.idx.msk $0xffff, v4;
	v57 =	vld [tilespmem:s25+$0xFFFFFFF0]  }
0x226: {  	v58 =	vor.u32 $0x4, v20;
	[tilespmem:v12+s30+$0x0] =	vst.idx.msk $0xffff, v8;
	v59 =	vld [tilespmem:s25+$0x10]  }
0x227: {  	v60 =	vor.u32 $0x5, v19;
	[tilespmem:v5+s30+$0x0] =	vst.idx.msk $0xffff, v2;
	v61 =	vld [tilespmem:s25+$0x30]  }
0x228: {  	v2 =	vor.u32 $0x6, v18;
	v62 =	vld [tilespmem:s25+$0x50];
	[tilespmem:v53+s30+$0x0] =	vst.idx.msk $0xffff, v11  }
0x229: {  	v3 =	vadd.s32 v10, v3;
	v63 =	vld [tilespmem:s26+$0x4410];
	[tilespmem:v54+s30+$0x0] =	vst.idx.msk $0xffff, v55  }
0x22a: {  	s0 =	sshll.u32 s14, $0xC;
	s20 =	sshll.u32 s14, $0xE;
	[tilespmem:v56+s30+$0x0] =	vst.idx.msk $0xffff, v57  }
0x22b: {  	s0 =	sand.u32 $0x1F000, s0;
	s14 =	sand.u32 $0x7FF80000, s20;
	[tilespmem:v58+s30+$0x0] =	vst.idx.msk $0xffff, v59  }
0x22c: {  	s0 =	sor.u32 s0, s14;
	[tilespmem:v60+s30+$0x0] =	vst.idx.msk $0xffff, v61  }
0x22d: {  	s14 =	sshrl.u32 s0, $0x3;
	[tilespmem:v2+s30+$0x0] =	vst.idx.msk $0xffff, v62  }
0x22e: {  	s0 =	sadd.s32 s3, s14;
	[tilespmem:v3+s30+$0x0] =	vst.idx.msk $0xffff, v63  }
0x22f: {  	[hbm4b:s0+s4] =	stream.linear.scatter [tilespmem:s30], [sflag:$0x6], $0x80, $0x38;
	[tilespmem:$0x10C00] =	vst v63  }
0x230: {  	s16 =	simm.s32 $0xC888;
	s15 =	sadd.s32 $0x10, s0  }
0x231: {  	[hbm4b:s15+s4] =	stream.linear.scatter [tilespmem:s16], [sflag:$0x6], $0x80, $0x38;
	[tilespmem:$0x10C00] =	vst v63  }
0x232: {  	s24 =	simm.s32 $0xC910;
	s21 =	sadd.s32 $0x20, s0  }
0x233: {  	[hbm4b:s21+s4] =	stream.linear.scatter [tilespmem:s24], [sflag:$0x6], $0x80, $0x38;
	[tilespmem:$0x10C00] =	vst v63  }
0x234: {  	s26 =	simm.s32 $0xC998;
	s25 =	sadd.s32 $0x30, s0  }
0x235: {  	[hbm4b:s25+s4] =	stream.linear.scatter [tilespmem:s26], [sflag:$0x6], $0x80, $0x38;
	[tilespmem:$0x10C00] =	vst v63  }
0x236: {  	s31 =	simm.s32 $0xCA20;
	s28 =	sadd.s32 $0x40, s0  }
0x237: {  	[hbm4b:s28+s4] =	stream.linear.scatter [tilespmem:s31], [sflag:$0x6], $0x80, $0x38;
	[tilespmem:$0x10C00] =	vst v63  }
0x238: {  	s17 =	simm.s32 $0xCAA8;
	s16 =	sadd.s32 $0x50, s0  }
0x239: {  	[hbm4b:s16+s4] =	stream.linear.scatter [tilespmem:s17], [sflag:$0x6], $0x80, $0x38;
	[tilespmem:$0x10C00] =	vst v63  }
0x23a: {  	s19 =	simm.s32 $0xCB30;
	s18 =	sadd.s32 $0x60, s0  }
0x23b: {  	[hbm4b:s18+s4] =	stream.linear.scatter [tilespmem:s19], [sflag:$0x6], $0x80, $0x38;
	[tilespmem:$0x10C00] =	vst v63  }
0x23c: {  	s20 =	simm.s32 $0xCBB8;
	s0 =	sadd.s32 $0x70, s0;
	s15 =	sor.u32 $0x80, s14  }
0x23d: {  	[hbm4b:s0+s4] =	stream.linear.scatter [tilespmem:s20], [sflag:$0x6], $0x80, $0x38;
	[tilespmem:$0x10C00] =	vst v63  }
0x23e: {  	s21 =	simm.s32 $0xD900;
	s0 =	sadd.s32 s3, s15  }
0x23f: {  	[hbm4b:s0+s4] =	stream.linear.scatter [tilespmem:s21], [sflag:$0x6], $0x80, $0x38;
	[tilespmem:$0x10C00] =	vst v63  }
0x240: {  	s17 =	simm.s32 $0xD988;
	s24 =	sadd.s32 $0x10, s0  }
0x241: {  	[hbm4b:s24+s4] =	stream.linear.scatter [tilespmem:s17], [sflag:$0x6], $0x80, $0x38;
	[tilespmem:$0x10C00] =	vst v63  }
0x242: {  	s26 =	simm.s32 $0xDA10;
	s25 =	sadd.s32 $0x20, s0  }
0x243: {  	[hbm4b:s25+s4] =	stream.linear.scatter [tilespmem:s26], [sflag:$0x6], $0x80, $0x38;
	[tilespmem:$0x10C00] =	vst v63  }
0x244: {  	s31 =	simm.s32 $0xDA98;
	s28 =	sadd.s32 $0x30, s0  }
0x245: {  	[hbm4b:s28+s4] =	stream.linear.scatter [tilespmem:s31], [sflag:$0x6], $0x80, $0x38;
	[tilespmem:$0x10C00] =	vst v63  }
0x246: {  	s18 =	simm.s32 $0xDB20;
	s17 =	sadd.s32 $0x40, s0  }
0x247: {  	[hbm4b:s17+s4] =	stream.linear.scatter [tilespmem:s18], [sflag:$0x6], $0x80, $0x38;
	[tilespmem:$0x10C00] =	vst v63  }
0x248: {  	s20 =	simm.s32 $0xDBA8;
	s19 =	sadd.s32 $0x50, s0  }
0x249: {  	[hbm4b:s19+s4] =	stream.linear.scatter [tilespmem:s20], [sflag:$0x6], $0x80, $0x38;
	[tilespmem:$0x10C00] =	vst v63  }
0x24a: {  	s21 =	sadd.s32 $0x60, s0;
	s24 =	simm.s32 $0xDC30  }
0x24b: {  	[hbm4b:s21+s4] =	stream.linear.scatter [tilespmem:s24], [sflag:$0x6], $0x80, $0x38;
	[tilespmem:$0x10C00] =	vst v63  }
0x24c: {  	s0 =	sadd.s32 $0x70, s0;
	s25 =	simm.s32 $0xDCB8;
	s24 =	sor.u32 $0x100, s14  }
0x24d: {  	[hbm4b:s0+s4] =	stream.linear.scatter [tilespmem:s25], [sflag:$0x6], $0x80, $0x38;
	[tilespmem:$0x10C00] =	vst v63  }
0x24e: {  	s26 =	simm.s32 $0xEA00;
	s0 =	sadd.s32 s3, s24  }
0x24f: {  	[hbm4b:s0+s4] =	stream.linear.scatter [tilespmem:s26], [sflag:$0x6], $0x80, $0x38;
	[tilespmem:$0x10C00] =	vst v63  }
0x250: {  	s31 =	simm.s32 $0xEA88;
	s28 =	sadd.s32 $0x10, s0  }
0x251: {  	[hbm4b:s28+s4] =	stream.linear.scatter [tilespmem:s31], [sflag:$0x6], $0x80, $0x38;
	[tilespmem:$0x10C00] =	vst v63  }
0x252: {  	s19 =	simm.s32 $0xEB10;
	s18 =	sadd.s32 $0x20, s0  }
0x253: {  	[hbm4b:s18+s4] =	stream.linear.scatter [tilespmem:s19], [sflag:$0x6], $0x80, $0x38;
	[tilespmem:$0x10C00] =	vst v63  }
0x254: {  	s21 =	simm.s32 $0xEB98;
	s20 =	sadd.s32 $0x30, s0  }
0x255: {  	[hbm4b:s20+s4] =	stream.linear.scatter [tilespmem:s21], [sflag:$0x6], $0x80, $0x38;
	[tilespmem:$0x10C00] =	vst v63  }
0x256: {  	s25 =	sadd.s32 $0x40, s0;
	s26 =	simm.s32 $0xEC20  }
0x257: {  	[hbm4b:s25+s4] =	stream.linear.scatter [tilespmem:s26], [sflag:$0x6], $0x80, $0x38;
	[tilespmem:$0x10C00] =	vst v63  }
0x258: {  	s28 =	sadd.s32 $0x50, s0;
	s31 =	simm.s32 $0xECA8  }
0x259: {  	[hbm4b:s28+s4] =	stream.linear.scatter [tilespmem:s31], [sflag:$0x6], $0x80, $0x38;
	[tilespmem:$0x10C00] =	vst v63  }
0x25a: {  	s17 =	sadd.s32 $0x60, s0;
	s18 =	simm.s32 $0xED30  }
0x25b: {  	[hbm4b:s17+s4] =	stream.linear.scatter [tilespmem:s18], [sflag:$0x6], $0x80, $0x38;
	[tilespmem:$0x10C00] =	vst v63  }
0x25c: {  	s0 =	sadd.s32 $0x70, s0;
	s19 =	simm.s32 $0xEDB8;
	s25 =	sor.u32 $0x180, s14  }
0x25d: {  	[hbm4b:s0+s4] =	stream.linear.scatter [tilespmem:s19], [sflag:$0x6], $0x80, $0x38;
	[tilespmem:$0x10C00] =	vst v63  }
0x25e: {  	s20 =	simm.s32 $0xFB00;
	s0 =	sadd.s32 s3, s25  }
0x25f: {  	[hbm4b:s0+s4] =	stream.linear.scatter [tilespmem:s20], [sflag:$0x6], $0x80, $0x38;
	[tilespmem:$0x10C00] =	vst v63  }
0x260: {  	s26 =	simm.s32 $0xFB88;
	s21 =	sadd.s32 $0x10, s0  }
0x261: {  	[hbm4b:s21+s4] =	stream.linear.scatter [tilespmem:s26], [sflag:$0x6], $0x80, $0x38;
	[tilespmem:$0x10C00] =	vst v63  }
0x262: {  	s31 =	simm.s32 $0xFC10;
	s28 =	sadd.s32 $0x20, s0  }
0x263: {  	[hbm4b:s28+s4] =	stream.linear.scatter [tilespmem:s31], [sflag:$0x6], $0x80, $0x38;
	[tilespmem:$0x10C00] =	vst v63  }
0x264: {  	s18 =	simm.s32 $0xFC98;
	s17 =	sadd.s32 $0x30, s0  }
0x265: {  	[hbm4b:s17+s4] =	stream.linear.scatter [tilespmem:s18], [sflag:$0x6], $0x80, $0x38;
	[tilespmem:$0x10C00] =	vst v63  }
0x266: {  	s19 =	sadd.s32 $0x40, s0;
	s20 =	simm.s32 $0xFD20  }
0x267: {  	[hbm4b:s19+s4] =	stream.linear.scatter [tilespmem:s20], [sflag:$0x6], $0x80, $0x38;
	[tilespmem:$0x10C00] =	vst v63  }
0x268: {  	s21 =	sadd.s32 $0x50, s0;
	s26 =	simm.s32 $0xFDA8  }
0x269: {  	[hbm4b:s21+s4] =	stream.linear.scatter [tilespmem:s26], [sflag:$0x6], $0x80, $0x38;
	[tilespmem:$0x10C00] =	vst v63  }
0x26a: {  	s28 =	sadd.s32 $0x60, s0;
	s31 =	simm.s32 $0xFE30  }
0x26b: {  	[hbm4b:s28+s4] =	stream.linear.scatter [tilespmem:s31], [sflag:$0x6], $0x80, $0x38;
	[tilespmem:$0x10C00] =	vst v63  }
0x26c: {  	s0 =	sadd.s32 $0x70, s0;
	s17 =	simm.s32 $0xFEB8  }
0x26d: {  	[hbm4b:s0+s4] =	stream.linear.scatter [tilespmem:s17], [sflag:$0x6], $0x80, $0x38;
	[tilespmem:$0x10C00] =	vst v63  }
0x26e: {  	s18 =	simm.s32 $0xCC40;
	s0 =	sadd.s32 s14, s9  }
0x26f: {  	[hbm4b:s0+s4] =	stream.linear.scatter [tilespmem:s18], [sflag:$0x6], $0x80, $0x38;
	[tilespmem:$0x10C00] =	vst v63  }
0x270: {  	s20 =	simm.s32 $0xCCC8;
	s19 =	sadd.s32 $0x10, s0  }
0x271: {  	[hbm4b:s19+s4] =	stream.linear.scatter [tilespmem:s20], [sflag:$0x6], $0x80, $0x38;
	[tilespmem:$0x10C00] =	vst v63  }
0x272: {  	s26 =	simm.s32 $0xCD50;
	s21 =	sadd.s32 $0x20, s0  }
0x273: {  	[hbm4b:s21+s4] =	stream.linear.scatter [tilespmem:s26], [sflag:$0x6], $0x80, $0x38;
	[tilespmem:$0x10C00] =	vst v63  }
0x274: {  	s31 =	simm.s32 $0xCDD8;
	s28 =	sadd.s32 $0x30, s0  }
0x275: {  	[hbm4b:s28+s4] =	stream.linear.scatter [tilespmem:s31], [sflag:$0x6], $0x80, $0x38;
	[tilespmem:$0x10C00] =	vst v63  }
0x276: {  	s17 =	sadd.s32 $0x40, s0;
	s18 =	simm.s32 $0xCE60  }
0x277: {  	[hbm4b:s17+s4] =	stream.linear.scatter [tilespmem:s18], [sflag:$0x6], $0x80, $0x38;
	[tilespmem:$0x10C00] =	vst v63  }
0x278: {  	s19 =	sadd.s32 $0x50, s0;
	s20 =	simm.s32 $0xCEE8  }
0x279: {  	[hbm4b:s19+s4] =	stream.linear.scatter [tilespmem:s20], [sflag:$0x6], $0x80, $0x38;
	[tilespmem:$0x10C00] =	vst v63  }
0x27a: {  	s21 =	sadd.s32 $0x60, s0;
	s26 =	simm.s32 $0xCF70  }
0x27b: {  	[hbm4b:s21+s4] =	stream.linear.scatter [tilespmem:s26], [sflag:$0x6], $0x80, $0x38;
	[tilespmem:$0x10C00] =	vst v63  }
0x27c: {  	s0 =	sadd.s32 $0x70, s0;
	s28 =	simm.s32 $0xCFF8  }
0x27d: {  	[hbm4b:s0+s4] =	stream.linear.scatter [tilespmem:s28], [sflag:$0x6], $0x80, $0x38;
	[tilespmem:$0x10C00] =	vst v63  }
0x27e: {  	s31 =	simm.s32 $0xDD40;
	s0 =	sadd.s32 s15, s9  }
0x27f: {  	[hbm4b:s0+s4] =	stream.linear.scatter [tilespmem:s31], [sflag:$0x6], $0x80, $0x38;
	[tilespmem:$0x10C00] =	vst v63  }
0x280: {  	s18 =	simm.s32 $0xDDC8;
	s17 =	sadd.s32 $0x10, s0  }
0x281: {  	[hbm4b:s17+s4] =	stream.linear.scatter [tilespmem:s18], [sflag:$0x6], $0x80, $0x38;
	[tilespmem:$0x10C00] =	vst v63  }
0x282: {  	s20 =	simm.s32 $0xDE50;
	s19 =	sadd.s32 $0x20, s0  }
0x283: {  	[hbm4b:s19+s4] =	stream.linear.scatter [tilespmem:s20], [sflag:$0x6], $0x80, $0x38;
	[tilespmem:$0x10C00] =	vst v63  }
0x284: {  	s26 =	simm.s32 $0xDED8;
	s21 =	sadd.s32 $0x30, s0  }
0x285: {  	[hbm4b:s21+s4] =	stream.linear.scatter [tilespmem:s26], [sflag:$0x6], $0x80, $0x38;
	[tilespmem:$0x10C00] =	vst v63  }
0x286: {  	s28 =	sadd.s32 $0x40, s0;
	s31 =	simm.s32 $0xDF60  }
0x287: {  	[hbm4b:s28+s4] =	stream.linear.scatter [tilespmem:s31], [sflag:$0x6], $0x80, $0x38;
	[tilespmem:$0x10C00] =	vst v63  }
0x288: {  	s17 =	sadd.s32 $0x50, s0;
	s18 =	simm.s32 $0xDFE8  }
0x289: {  	[hbm4b:s17+s4] =	stream.linear.scatter [tilespmem:s18], [sflag:$0x6], $0x80, $0x38;
	[tilespmem:$0x10C00] =	vst v63  }
0x28a: {  	s19 =	sadd.s32 $0x60, s0;
	s20 =	simm.s32 $0xE070  }
0x28b: {  	[hbm4b:s19+s4] =	stream.linear.scatter [tilespmem:s20], [sflag:$0x6], $0x80, $0x38;
	[tilespmem:$0x10C00] =	vst v63  }
0x28c: {  	s0 =	sadd.s32 $0x70, s0;
	s21 =	simm.s32 $0xE0F8  }
0x28d: {  	[hbm4b:s0+s4] =	stream.linear.scatter [tilespmem:s21], [sflag:$0x6], $0x80, $0x38;
	[tilespmem:$0x10C00] =	vst v63  }
0x28e: {  	s26 =	simm.s32 $0xEE40;
	s0 =	sadd.s32 s24, s9  }
0x28f: {  	[hbm4b:s0+s4] =	stream.linear.scatter [tilespmem:s26], [sflag:$0x6], $0x80, $0x38;
	[tilespmem:$0x10C00] =	vst v63  }
0x290: {  	s31 =	simm.s32 $0xEEC8;
	s28 =	sadd.s32 $0x10, s0  }
0x291: {  	[hbm4b:s28+s4] =	stream.linear.scatter [tilespmem:s31], [sflag:$0x6], $0x80, $0x38;
	[tilespmem:$0x10C00] =	vst v63  }
0x292: {  	s18 =	simm.s32 $0xEF50;
	s17 =	sadd.s32 $0x20, s0  }
0x293: {  	[hbm4b:s17+s4] =	stream.linear.scatter [tilespmem:s18], [sflag:$0x6], $0x80, $0x38;
	[tilespmem:$0x10C00] =	vst v63  }
0x294: {  	s20 =	simm.s32 $0xEFD8;
	s19 =	sadd.s32 $0x30, s0  }
0x295: {  	[hbm4b:s19+s4] =	stream.linear.scatter [tilespmem:s20], [sflag:$0x6], $0x80, $0x38;
	[tilespmem:$0x10C00] =	vst v63  }
0x296: {  	s21 =	sadd.s32 $0x40, s0;
	s26 =	simm.s32 $0xF060  }
0x297: {  	[hbm4b:s21+s4] =	stream.linear.scatter [tilespmem:s26], [sflag:$0x6], $0x80, $0x38;
	[tilespmem:$0x10C00] =	vst v63  }
0x298: {  	s28 =	sadd.s32 $0x50, s0;
	s31 =	simm.s32 $0xF0E8  }
0x299: {  	[hbm4b:s28+s4] =	stream.linear.scatter [tilespmem:s31], [sflag:$0x6], $0x80, $0x38;
	[tilespmem:$0x10C00] =	vst v63  }
0x29a: {  	s17 =	sadd.s32 $0x60, s0;
	s18 =	simm.s32 $0xF170  }
0x29b: {  	[hbm4b:s17+s4] =	stream.linear.scatter [tilespmem:s18], [sflag:$0x6], $0x80, $0x38;
	[tilespmem:$0x10C00] =	vst v63  }
0x29c: {  	s0 =	sadd.s32 $0x70, s0;
	s19 =	simm.s32 $0xF1F8  }
0x29d: {  	[hbm4b:s0+s4] =	stream.linear.scatter [tilespmem:s19], [sflag:$0x6], $0x80, $0x38;
	[tilespmem:$0x10C00] =	vst v63  }
0x29e: {  	s20 =	simm.s32 $0xFF40;
	s0 =	sadd.s32 s25, s9  }
0x29f: {  	[hbm4b:s0+s4] =	stream.linear.scatter [tilespmem:s20], [sflag:$0x6], $0x80, $0x38;
	[tilespmem:$0x10C00] =	vst v63  }
0x2a0: {  	s26 =	simm.s32 $0xFFC8;
	s21 =	sadd.s32 $0x10, s0  }
0x2a1: {  	[hbm4b:s21+s4] =	stream.linear.scatter [tilespmem:s26], [sflag:$0x6], $0x80, $0x38;
	[tilespmem:$0x10C00] =	vst v63  }
0x2a2: {  	s31 =	simm.s32 $0x10050;
	s28 =	sadd.s32 $0x20, s0  }
0x2a3: {  	[hbm4b:s28+s4] =	stream.linear.scatter [tilespmem:s31], [sflag:$0x6], $0x80, $0x38;
	[tilespmem:$0x10C00] =	vst v63  }
0x2a4: {  	s18 =	simm.s32 $0x100D8;
	s17 =	sadd.s32 $0x30, s0  }
0x2a5: {  	[hbm4b:s17+s4] =	stream.linear.scatter [tilespmem:s18], [sflag:$0x6], $0x80, $0x38;
	[tilespmem:$0x10C00] =	vst v63  }
0x2a6: {  	s19 =	sadd.s32 $0x40, s0;
	s20 =	simm.s32 $0x10160  }
0x2a7: {  	[hbm4b:s19+s4] =	stream.linear.scatter [tilespmem:s20], [sflag:$0x6], $0x80, $0x38;
	[tilespmem:$0x10C00] =	vst v63  }
0x2a8: {  	s21 =	sadd.s32 $0x50, s0;
	s26 =	simm.s32 $0x101E8  }
0x2a9: {  	[hbm4b:s21+s4] =	stream.linear.scatter [tilespmem:s26], [sflag:$0x6], $0x80, $0x38;
	[tilespmem:$0x10C00] =	vst v63  }
0x2aa: {  	s28 =	sadd.s32 $0x60, s0;
	s31 =	simm.s32 $0x10270  }
0x2ab: {  	[hbm4b:s28+s4] =	stream.linear.scatter [tilespmem:s31], [sflag:$0x6], $0x80, $0x38;
	[tilespmem:$0x10C00] =	vst v63  }
0x2ac: {  	s0 =	sadd.s32 $0x70, s0;
	s17 =	simm.s32 $0x102F8  }
0x2ad: {  	[hbm4b:s0+s4] =	stream.linear.scatter [tilespmem:s17], [sflag:$0x6], $0x80, $0x38;
	[tilespmem:$0x10C00] =	vst v63  }
0x2ae: {  	s18 =	simm.s32 $0xD080;
	s0 =	sadd.s32 s14, s10  }
0x2af: {  	[hbm4b:s0+s4] =	stream.linear.scatter [tilespmem:s18], [sflag:$0x6], $0x80, $0x38;
	[tilespmem:$0x10C00] =	vst v63  }
0x2b0: {  	s20 =	simm.s32 $0xD108;
	s19 =	sadd.s32 $0x10, s0  }
0x2b1: {  	[hbm4b:s19+s4] =	stream.linear.scatter [tilespmem:s20], [sflag:$0x6], $0x80, $0x38;
	[tilespmem:$0x10C00] =	vst v63  }
0x2b2: {  	s26 =	simm.s32 $0xD190;
	s21 =	sadd.s32 $0x20, s0  }
0x2b3: {  	[hbm4b:s21+s4] =	stream.linear.scatter [tilespmem:s26], [sflag:$0x6], $0x80, $0x38;
	[tilespmem:$0x10C00] =	vst v63  }
0x2b4: {  	s31 =	simm.s32 $0xD218;
	s28 =	sadd.s32 $0x30, s0  }
0x2b5: {  	[hbm4b:s28+s4] =	stream.linear.scatter [tilespmem:s31], [sflag:$0x6], $0x80, $0x38;
	[tilespmem:$0x10C00] =	vst v63  }
0x2b6: {  	s17 =	sadd.s32 $0x40, s0;
	s18 =	simm.s32 $0xD2A0  }
0x2b7: {  	[hbm4b:s17+s4] =	stream.linear.scatter [tilespmem:s18], [sflag:$0x6], $0x80, $0x38;
	[tilespmem:$0x10C00] =	vst v63  }
0x2b8: {  	s19 =	sadd.s32 $0x50, s0;
	s20 =	simm.s32 $0xD328  }
0x2b9: {  	[hbm4b:s19+s4] =	stream.linear.scatter [tilespmem:s20], [sflag:$0x6], $0x80, $0x38;
	[tilespmem:$0x10C00] =	vst v63  }
0x2ba: {  	s21 =	sadd.s32 $0x60, s0;
	s26 =	simm.s32 $0xD3B0  }
0x2bb: {  	[hbm4b:s21+s4] =	stream.linear.scatter [tilespmem:s26], [sflag:$0x6], $0x80, $0x38;
	[tilespmem:$0x10C00] =	vst v63  }
0x2bc: {  	s0 =	sadd.s32 $0x70, s0;
	s28 =	simm.s32 $0xD438  }
0x2bd: {  	[hbm4b:s0+s4] =	stream.linear.scatter [tilespmem:s28], [sflag:$0x6], $0x80, $0x38;
	[tilespmem:$0x10C00] =	vst v63  }
0x2be: {  	s31 =	simm.s32 $0xE180;
	s0 =	sadd.s32 s15, s10  }
0x2bf: {  	[hbm4b:s0+s4] =	stream.linear.scatter [tilespmem:s31], [sflag:$0x6], $0x80, $0x38;
	[tilespmem:$0x10C00] =	vst v63  }
0x2c0: {  	s18 =	simm.s32 $0xE208;
	s17 =	sadd.s32 $0x10, s0  }
0x2c1: {  	[hbm4b:s17+s4] =	stream.linear.scatter [tilespmem:s18], [sflag:$0x6], $0x80, $0x38;
	[tilespmem:$0x10C00] =	vst v63  }
0x2c2: {  	s20 =	simm.s32 $0xE290;
	s19 =	sadd.s32 $0x20, s0  }
0x2c3: {  	[hbm4b:s19+s4] =	stream.linear.scatter [tilespmem:s20], [sflag:$0x6], $0x80, $0x38;
	[tilespmem:$0x10C00] =	vst v63  }
0x2c4: {  	s26 =	simm.s32 $0xE318;
	s21 =	sadd.s32 $0x30, s0  }
0x2c5: {  	[hbm4b:s21+s4] =	stream.linear.scatter [tilespmem:s26], [sflag:$0x6], $0x80, $0x38;
	[tilespmem:$0x10C00] =	vst v63  }
0x2c6: {  	s28 =	sadd.s32 $0x40, s0;
	s31 =	simm.s32 $0xE3A0  }
0x2c7: {  	[hbm4b:s28+s4] =	stream.linear.scatter [tilespmem:s31], [sflag:$0x6], $0x80, $0x38;
	[tilespmem:$0x10C00] =	vst v63  }
0x2c8: {  	s17 =	sadd.s32 $0x50, s0;
	s18 =	simm.s32 $0xE428  }
0x2c9: {  	[hbm4b:s17+s4] =	stream.linear.scatter [tilespmem:s18], [sflag:$0x6], $0x80, $0x38;
	[tilespmem:$0x10C00] =	vst v63  }
0x2ca: {  	s19 =	sadd.s32 $0x60, s0;
	s20 =	simm.s32 $0xE4B0  }
0x2cb: {  	[hbm4b:s19+s4] =	stream.linear.scatter [tilespmem:s20], [sflag:$0x6], $0x80, $0x38;
	[tilespmem:$0x10C00] =	vst v63  }
0x2cc: {  	s0 =	sadd.s32 $0x70, s0;
	s21 =	simm.s32 $0xE538  }
0x2cd: {  	[hbm4b:s0+s4] =	stream.linear.scatter [tilespmem:s21], [sflag:$0x6], $0x80, $0x38;
	[tilespmem:$0x10C00] =	vst v63  }
0x2ce: {  	s26 =	simm.s32 $0xF280;
	s0 =	sadd.s32 s24, s10  }
0x2cf: {  	[hbm4b:s0+s4] =	stream.linear.scatter [tilespmem:s26], [sflag:$0x6], $0x80, $0x38;
	[tilespmem:$0x10C00] =	vst v63  }
0x2d0: {  	s31 =	simm.s32 $0xF308;
	s28 =	sadd.s32 $0x10, s0  }
0x2d1: {  	[hbm4b:s28+s4] =	stream.linear.scatter [tilespmem:s31], [sflag:$0x6], $0x80, $0x38;
	[tilespmem:$0x10C00] =	vst v63  }
0x2d2: {  	s18 =	simm.s32 $0xF390;
	s17 =	sadd.s32 $0x20, s0  }
0x2d3: {  	[hbm4b:s17+s4] =	stream.linear.scatter [tilespmem:s18], [sflag:$0x6], $0x80, $0x38;
	[tilespmem:$0x10C00] =	vst v63  }
0x2d4: {  	s20 =	simm.s32 $0xF418;
	s19 =	sadd.s32 $0x30, s0  }
0x2d5: {  	[hbm4b:s19+s4] =	stream.linear.scatter [tilespmem:s20], [sflag:$0x6], $0x80, $0x38;
	[tilespmem:$0x10C00] =	vst v63  }
0x2d6: {  	s21 =	sadd.s32 $0x40, s0;
	s26 =	simm.s32 $0xF4A0  }
0x2d7: {  	[hbm4b:s21+s4] =	stream.linear.scatter [tilespmem:s26], [sflag:$0x6], $0x80, $0x38;
	[tilespmem:$0x10C00] =	vst v63  }
0x2d8: {  	s28 =	sadd.s32 $0x50, s0;
	s31 =	simm.s32 $0xF528  }
0x2d9: {  	[hbm4b:s28+s4] =	stream.linear.scatter [tilespmem:s31], [sflag:$0x6], $0x80, $0x38;
	[tilespmem:$0x10C00] =	vst v63  }
0x2da: {  	s17 =	sadd.s32 $0x60, s0;
	s18 =	simm.s32 $0xF5B0  }
0x2db: {  	[hbm4b:s17+s4] =	stream.linear.scatter [tilespmem:s18], [sflag:$0x6], $0x80, $0x38;
	[tilespmem:$0x10C00] =	vst v63  }
0x2dc: {  	s0 =	sadd.s32 $0x70, s0;
	s19 =	simm.s32 $0xF638  }
0x2dd: {  	[hbm4b:s0+s4] =	stream.linear.scatter [tilespmem:s19], [sflag:$0x6], $0x80, $0x38;
	[tilespmem:$0x10C00] =	vst v63  }
0x2de: {  	s20 =	simm.s32 $0x10380;
	s0 =	sadd.s32 s25, s10  }
0x2df: {  	[hbm4b:s0+s4] =	stream.linear.scatter [tilespmem:s20], [sflag:$0x6], $0x80, $0x38;
	[tilespmem:$0x10C00] =	vst v63  }
0x2e0: {  	s26 =	simm.s32 $0x10408;
	s21 =	sadd.s32 $0x10, s0  }
0x2e1: {  	[hbm4b:s21+s4] =	stream.linear.scatter [tilespmem:s26], [sflag:$0x6], $0x80, $0x38;
	[tilespmem:$0x10C00] =	vst v63  }
0x2e2: {  	s31 =	simm.s32 $0x10490;
	s28 =	sadd.s32 $0x20, s0  }
0x2e3: {  	[hbm4b:s28+s4] =	stream.linear.scatter [tilespmem:s31], [sflag:$0x6], $0x80, $0x38;
	[tilespmem:$0x10C00] =	vst v63  }
0x2e4: {  	s18 =	simm.s32 $0x10518;
	s17 =	sadd.s32 $0x30, s0  }
0x2e5: {  	[hbm4b:s17+s4] =	stream.linear.scatter [tilespmem:s18], [sflag:$0x6], $0x80, $0x38;
	[tilespmem:$0x10C00] =	vst v63  }
0x2e6: {  	s19 =	sadd.s32 $0x40, s0;
	s20 =	simm.s32 $0x105A0  }
0x2e7: {  	[hbm4b:s19+s4] =	stream.linear.scatter [tilespmem:s20], [sflag:$0x6], $0x80, $0x38;
	[tilespmem:$0x10C00] =	vst v63  }
0x2e8: {  	s21 =	sadd.s32 $0x50, s0;
	s26 =	simm.s32 $0x10628  }
0x2e9: {  	[hbm4b:s21+s4] =	stream.linear.scatter [tilespmem:s26], [sflag:$0x6], $0x80, $0x38;
	[tilespmem:$0x10C00] =	vst v63  }
0x2ea: {  	s28 =	sadd.s32 $0x60, s0;
	s31 =	simm.s32 $0x106B0  }
0x2eb: {  	[hbm4b:s28+s4] =	stream.linear.scatter [tilespmem:s31], [sflag:$0x6], $0x80, $0x38;
	[tilespmem:$0x10C00] =	vst v63  }
0x2ec: {  	s0 =	sadd.s32 $0x70, s0;
	s17 =	simm.s32 $0x10738  }
0x2ed: {  	[hbm4b:s0+s4] =	stream.linear.scatter [tilespmem:s17], [sflag:$0x6], $0x80, $0x38;
	[tilespmem:$0x10C00] =	vst v63  }
0x2ee: {  	s18 =	simm.s32 $0xD4C0;
	s0 =	sadd.s32 s14, s11  }
0x2ef: {  	[hbm4b:s0+s4] =	stream.linear.scatter [tilespmem:s18], [sflag:$0x6], $0x80, $0x38;
	[tilespmem:$0x10C00] =	vst v63  }
0x2f0: {  	s20 =	simm.s32 $0xD548;
	s19 =	sadd.s32 $0x10, s0  }
0x2f1: {  	[hbm4b:s19+s4] =	stream.linear.scatter [tilespmem:s20], [sflag:$0x6], $0x80, $0x38;
	[tilespmem:$0x10C00] =	vst v63  }
0x2f2: {  	s26 =	simm.s32 $0xD5D0;
	s21 =	sadd.s32 $0x20, s0  }
0x2f3: {  	[hbm4b:s21+s4] =	stream.linear.scatter [tilespmem:s26], [sflag:$0x6], $0x80, $0x38;
	[tilespmem:$0x10C00] =	vst v63  }
0x2f4: {  	s31 =	simm.s32 $0xD658;
	s28 =	sadd.s32 $0x30, s0  }
0x2f5: {  	[hbm4b:s28+s4] =	stream.linear.scatter [tilespmem:s31], [sflag:$0x6], $0x80, $0x38;
	[tilespmem:$0x10C00] =	vst v63  }
0x2f6: {  	s17 =	sadd.s32 $0x40, s0;
	s18 =	simm.s32 $0xD6E0  }
0x2f7: {  	[hbm4b:s17+s4] =	stream.linear.scatter [tilespmem:s18], [sflag:$0x6], $0x80, $0x38;
	[tilespmem:$0x10C00] =	vst v63  }
0x2f8: {  	s19 =	sadd.s32 $0x50, s0;
	s20 =	simm.s32 $0xD768  }
0x2f9: {  	[hbm4b:s19+s4] =	stream.linear.scatter [tilespmem:s20], [sflag:$0x6], $0x80, $0x38;
	[tilespmem:$0x10C00] =	vst v63  }
0x2fa: {  	s21 =	sadd.s32 $0x60, s0;
	s26 =	simm.s32 $0xD7F0  }
0x2fb: {  	[hbm4b:s21+s4] =	stream.linear.scatter [tilespmem:s26], [sflag:$0x6], $0x80, $0x38;
	[tilespmem:$0x10C00] =	vst v63  }
0x2fc: {  	s0 =	sadd.s32 $0x70, s0;
	s28 =	simm.s32 $0xD878  }
0x2fd: {  	[hbm4b:s0+s4] =	stream.linear.scatter [tilespmem:s28], [sflag:$0x6], $0x80, $0x38;
	[tilespmem:$0x10C00] =	vst v63  }
0x2fe: {  	s31 =	simm.s32 $0xE5C0;
	s0 =	sadd.s32 s15, s11  }
0x2ff: {  	[hbm4b:s0+s4] =	stream.linear.scatter [tilespmem:s31], [sflag:$0x6], $0x80, $0x38;
	[tilespmem:$0x10C00] =	vst v63  }
0x300: {  	s16 =	simm.s32 $0xE648;
	s15 =	sadd.s32 $0x10, s0  }
0x301: {  	[hbm4b:s15+s4] =	stream.linear.scatter [tilespmem:s16], [sflag:$0x6], $0x80, $0x38;
	[tilespmem:$0x10C00] =	vst v63  }
0x302: {  	s18 =	simm.s32 $0xE6D0;
	s17 =	sadd.s32 $0x20, s0  }
0x303: {  	[hbm4b:s17+s4] =	stream.linear.scatter [tilespmem:s18], [sflag:$0x6], $0x80, $0x38;
	[tilespmem:$0x10C00] =	vst v63  }
0x304: {  	s20 =	simm.s32 $0xE758;
	s19 =	sadd.s32 $0x30, s0  }
0x305: {  	[hbm4b:s19+s4] =	stream.linear.scatter [tilespmem:s20], [sflag:$0x6], $0x80, $0x38;
	[tilespmem:$0x10C00] =	vst v63  }
0x306: {  	s26 =	simm.s32 $0xE7E0;
	s21 =	sadd.s32 $0x40, s0  }
0x307: {  	[hbm4b:s21+s4] =	stream.linear.scatter [tilespmem:s26], [sflag:$0x6], $0x80, $0x38;
	[tilespmem:$0x10C00] =	vst v63  }
0x308: {  	s28 =	sadd.s32 $0x50, s0;
	s31 =	simm.s32 $0xE868  }
0x309: {  	[hbm4b:s28+s4] =	stream.linear.scatter [tilespmem:s31], [sflag:$0x6], $0x80, $0x38;
	[tilespmem:$0x10C00] =	vst v63  }
0x30a: {  	s16 =	sadd.s32 $0x60, s0;
	s17 =	simm.s32 $0xE8F0  }
0x30b: {  	[hbm4b:s16+s4] =	stream.linear.scatter [tilespmem:s17], [sflag:$0x6], $0x80, $0x38;
	[tilespmem:$0x10C00] =	vst v63  }
0x30c: {  	s0 =	sadd.s32 $0x70, s0;
	s18 =	simm.s32 $0xE978  }
0x30d: {  	[hbm4b:s0+s4] =	stream.linear.scatter [tilespmem:s18], [sflag:$0x6], $0x80, $0x38;
	[tilespmem:$0x10C00] =	vst v63  }
0x30e: {  	s19 =	simm.s32 $0xF6C0;
	s0 =	sadd.s32 s24, s11  }
0x30f: {  	[hbm4b:s0+s4] =	stream.linear.scatter [tilespmem:s19], [sflag:$0x6], $0x80, $0x38;
	[tilespmem:$0x10C00] =	vst v63  }
0x310: {  	s21 =	simm.s32 $0xF748;
	s20 =	sadd.s32 $0x10, s0  }
0x311: {  	[hbm4b:s20+s4] =	stream.linear.scatter [tilespmem:s21], [sflag:$0x6], $0x80, $0x38;
	[tilespmem:$0x10C00] =	vst v63  }
0x312: {  	s26 =	simm.s32 $0xF7D0;
	s24 =	sadd.s32 $0x20, s0  }
0x313: {  	[hbm4b:s24+s4] =	stream.linear.scatter [tilespmem:s26], [sflag:$0x6], $0x80, $0x38;
	[tilespmem:$0x10C00] =	vst v63  }
0x314: {  	s31 =	simm.s32 $0xF858;
	s28 =	sadd.s32 $0x30, s0  }
0x315: {  	[hbm4b:s28+s4] =	stream.linear.scatter [tilespmem:s31], [sflag:$0x6], $0x80, $0x38;
	[tilespmem:$0x10C00] =	vst v63  }
0x316: {  	s17 =	simm.s32 $0xF8E0;
	s16 =	sadd.s32 $0x40, s0  }
0x317: {  	[hbm4b:s16+s4] =	stream.linear.scatter [tilespmem:s17], [sflag:$0x6], $0x80, $0x38;
	[tilespmem:$0x10C00] =	vst v63  }
0x318: {  	s18 =	sadd.s32 $0x50, s0;
	s19 =	simm.s32 $0xF968  }
0x319: {  	[hbm4b:s18+s4] =	stream.linear.scatter [tilespmem:s19], [sflag:$0x6], $0x80, $0x38;
	[tilespmem:$0x10C00] =	vst v63  }
0x31a: {  	s20 =	sadd.s32 $0x60, s0;
	s21 =	simm.s32 $0xF9F0  }
0x31b: {  	[hbm4b:s20+s4] =	stream.linear.scatter [tilespmem:s21], [sflag:$0x6], $0x80, $0x38;
	[tilespmem:$0x10C00] =	vst v63  }
0x31c: {  	s0 =	sadd.s32 $0x70, s0;
	s24 =	simm.s32 $0xFA78  }
0x31d: {  	[hbm4b:s0+s4] =	stream.linear.scatter [tilespmem:s24], [sflag:$0x6], $0x80, $0x38;
	[tilespmem:$0x10C00] =	vst v63  }
0x31e: {  	s26 =	simm.s32 $0x107C0;
	s0 =	sadd.s32 s25, s11  }
0x31f: {  	[hbm4b:s0+s4] =	stream.linear.scatter [tilespmem:s26], [sflag:$0x6], $0x80, $0x38;
	[tilespmem:$0x10C00] =	vst v63  }
0x320: {  	s31 =	simm.s32 $0x10848;
	s28 =	sadd.s32 $0x10, s0  }
0x321: {  	[hbm4b:s28+s4] =	stream.linear.scatter [tilespmem:s31], [sflag:$0x6], $0x80, $0x38;
	[tilespmem:$0x10C00] =	vst v63  }
0x322: {  	s17 =	simm.s32 $0x108D0;
	s16 =	sadd.s32 $0x20, s0  }
0x323: {  	[hbm4b:s16+s4] =	stream.linear.scatter [tilespmem:s17], [sflag:$0x6], $0x80, $0x38;
	[tilespmem:$0x10C00] =	vst v63  }
0x324: {  	s19 =	simm.s32 $0x10958;
	s18 =	sadd.s32 $0x30, s0  }
0x325: {  	[hbm4b:s18+s4] =	stream.linear.scatter [tilespmem:s19], [sflag:$0x6], $0x80, $0x38;
	[tilespmem:$0x10C00] =	vst v63  }
0x326: {  	s6 =	sadd.s32 $0x1, s6;
	s21 =	simm.s32 $0x109E0;
	s20 =	sadd.s32 $0x40, s0  }
0x327: {  	[hbm4b:s20+s4] =	stream.linear.scatter [tilespmem:s21], [sflag:$0x6], $0x80, $0x38;
	[tilespmem:$0x10C00] =	vst v63  }
0x328: {  	p0 =	sne.s32 s6, $0x64;
	s25 =	simm.s32 $0x10A68;
	s24 =	sadd.s32 $0x50, s0  }
0x329: {  	[hbm4b:s24+s4] =	stream.linear.scatter [tilespmem:s25], [sflag:$0x6], $0x80, $0x38;
	[tilespmem:$0x10C00] =	vst v63  }
.Ltmp4:
0x32a: {  	_ = 	snop;
	(pc) =	sbr.rel @p0 .LBB2_2-.Ltmp4, $4  }
0x32b: {  	s26 =	sadd.s32 $0x60, s0;
	s28 =	simm.s32 $0x10AF0  }
0x32c: {  	[hbm4b:s26+s4] =	stream.linear.scatter [tilespmem:s28], [sflag:$0x6], $0x80, $0x38;
	[tilespmem:$0x10C00] =	vst v63  }
0x32d: {  	s0 =	sadd.s32 $0x70, s0;
	s31 =	simm.s32 $0x10B78  }
0x32e: {  	[hbm4b:s0+s4] =	stream.linear.scatter [tilespmem:s31], [sflag:$0x6], $0x80, $0x38;
	[tilespmem:$0x10C00] =	vst v63  }
0x32f: {  	_ =	swait.ge [sflag:s8], $0x400  }
0x330: {  	[sflag:s8] =	ssyncset.done $0x0  }
0x331: {  	[sflag:s8] =	ssyncadd.s32 $0xFFFFFC00  }
0x332: {  	_ =	swait.ge [sflag:s8], $0x400  }
0x333: {  	[sflag:s8] =	ssyncset.done $0x0  }
0x334: {  	[sflag:s8] =	ssyncadd.s32 $0xFFFFFC00  }
0x335: {  	_ =	swait.ge [sflag:s8], $0x400  }
0x336: {  	[sflag:s8] =	ssyncset.done $0x0  }
0x337: {  	[sflag:s8] =	ssyncadd.s32 $0xFFFFFC00  }
0x338: {  	_ =	swait.ge [sflag:s8], $0x400  }
0x339: {  	[sflag:s8] =	ssyncset.done $0x0  }
0x33a: {  	[sflag:s8] =	ssyncadd.s32 $0xFFFFFC00  }
0x33b: {  	_ =	swait.ge [sflag:s8], $0x400  }
0x33c: {  	[sflag:s8] =	ssyncset.done $0x0  }
0x33d: {  	[sflag:s8] =	ssyncadd.s32 $0xFFFFFC00  }
0x33e: {  	_ =	swait.ge [sflag:s8], $0x400  }
0x33f: {  	[sflag:s8] =	ssyncset.done $0x0  }
0x340: {  	[sflag:s8] =	ssyncadd.s32 $0xFFFFFC00  }
0x341: {  	_ =	swait.ge [sflag:s8], $0x400  }
0x342: {  	[sflag:s8] =	ssyncset.done $0x0  }
0x343: {  	[sflag:s8] =	ssyncadd.s32 $0xFFFFFC00  }
0x344: {  	_ =	swait.ge [sflag:s8], $0x400  }
0x345: {  	[sflag:s8] =	ssyncset.done $0x0  }
0x346: {  	[sflag:s8] =	ssyncadd.s32 $0xFFFFFC00  }
0x347: {  	_ =	swait.ge [sflag:s8], $0x400  }
0x348: {  	[sflag:s8] =	ssyncset.done $0x0  }
0x349: {  	[sflag:s8] =	ssyncadd.s32 $0xFFFFFC00  }
0x34a: {  	_ =	swait.ge [sflag:s8], $0x400  }
0x34b: {  	[sflag:s8] =	ssyncset.done $0x0  }
0x34c: {  	[sflag:s8] =	ssyncadd.s32 $0xFFFFFC00  }
0x34d: {  	_ =	swait.ge [sflag:s8], $0x400  }
0x34e: {  	[sflag:s8] =	ssyncset.done $0x0  }
0x34f: {  	[sflag:s8] =	ssyncadd.s32 $0xFFFFFC00  }
0x350: {  	_ =	swait.ge [sflag:s8], $0x400  }
0x351: {  	[sflag:s8] =	ssyncset.done $0x0  }
0x352: {  	[sflag:s8] =	ssyncadd.s32 $0xFFFFFC00  }
0x353: {  	_ =	swait.ge [sflag:s8], $0x400  }
0x354: {  	[sflag:s8] =	ssyncset.done $0x0  }
0x355: {  	[sflag:s8] =	ssyncadd.s32 $0xFFFFFC00  }
0x356: {  	_ =	swait.ge [sflag:s8], $0x400  }
0x357: {  	[sflag:s8] =	ssyncset.done $0x0  }
0x358: {  	[sflag:s8] =	ssyncadd.s32 $0xFFFFFC00  }
0x359: {  	_ =	swait.ge [sflag:s8], $0x400  }
0x35a: {  	[sflag:s8] =	ssyncset.done $0x0  }
0x35b: {  	[sflag:s8] =	ssyncadd.s32 $0xFFFFFC00  }
0x35c: {  	_ =	swait.ge [sflag:s8], $0x400  }
0x35d: {  	[sflag:s8] =	ssyncset.done $0x0  }
0x35e: {  	[sflag:s8] =	ssyncadd.s32 $0xFFFFFC00  }
0x35f: {  	_ =	swait.ge [sflag:s12], $0x400  }
0x360: {  	[sflag:s12] =	ssyncset.done $0x0  }
0x361: {  	[sflag:s12] =	ssyncadd.s32 $0xFFFFFC00  }
0x362: {  	_ =	swait.ge [sflag:s12], $0x400  }
0x363: {  	[sflag:s12] =	ssyncset.done $0x0  }
0x364: {  	[sflag:s12] =	ssyncadd.s32 $0xFFFFFC00  }
0x365: {  	_ =	swait.ge [sflag:s12], $0x400  }
0x366: {  	[sflag:s12] =	ssyncset.done $0x0  }
0x367: {  	[sflag:s12] =	ssyncadd.s32 $0xFFFFFC00  }
0x368: {  	_ =	swait.ge [sflag:s12], $0x400  }
0x369: {  	[sflag:s12] =	ssyncset.done $0x0  }
0x36a: {  	[sflag:s12] =	ssyncadd.s32 $0xFFFFFC00  }
0x36b: {  	_ =	swait.ge [sflag:s12], $0x400  }
0x36c: {  	[sflag:s12] =	ssyncset.done $0x0  }
0x36d: {  	[sflag:s12] =	ssyncadd.s32 $0xFFFFFC00  }
0x36e: {  	_ =	swait.ge [sflag:s12], $0x400  }
0x36f: {  	[sflag:s12] =	ssyncset.done $0x0  }
0x370: {  	[sflag:s12] =	ssyncadd.s32 $0xFFFFFC00  }
0x371: {  	_ =	swait.ge [sflag:s12], $0x400  }
0x372: {  	[sflag:s12] =	ssyncset.done $0x0  }
0x373: {  	[sflag:s12] =	ssyncadd.s32 $0xFFFFFC00  }
0x374: {  	_ =	swait.ge [sflag:s12], $0x400  }
0x375: {  	[sflag:s12] =	ssyncset.done $0x0  }
0x376: {  	[sflag:s12] =	ssyncadd.s32 $0xFFFFFC00  }
0x377: {  	_ =	swait.ge [sflag:s12], $0x400  }
0x378: {  	[sflag:s12] =	ssyncset.done $0x0  }
0x379: {  	[sflag:s12] =	ssyncadd.s32 $0xFFFFFC00  }
0x37a: {  	_ =	swait.ge [sflag:s12], $0x400  }
0x37b: {  	[sflag:s12] =	ssyncset.done $0x0  }
0x37c: {  	[sflag:s12] =	ssyncadd.s32 $0xFFFFFC00  }
0x37d: {  	_ =	swait.ge [sflag:s12], $0x400  }
0x37e: {  	[sflag:s12] =	ssyncset.done $0x0  }
0x37f: {  	[sflag:s12] =	ssyncadd.s32 $0xFFFFFC00  }
0x380: {  	_ =	swait.ge [sflag:s12], $0x400  }
0x381: {  	[sflag:s12] =	ssyncset.done $0x0  }
0x382: {  	[sflag:s12] =	ssyncadd.s32 $0xFFFFFC00  }
0x383: {  	_ =	swait.ge [sflag:s12], $0x400  }
0x384: {  	[sflag:s12] =	ssyncset.done $0x0  }
0x385: {  	[sflag:s12] =	ssyncadd.s32 $0xFFFFFC00  }
0x386: {  	_ =	swait.ge [sflag:s12], $0x400  }
0x387: {  	[sflag:s12] =	ssyncset.done $0x0  }
0x388: {  	[sflag:s12] =	ssyncadd.s32 $0xFFFFFC00  }
0x389: {  	_ =	swait.ge [sflag:s12], $0x400  }
0x38a: {  	[sflag:s12] =	ssyncset.done $0x0  }
0x38b: {  	[sflag:s12] =	ssyncadd.s32 $0xFFFFFC00  }
0x38c: {  	_ =	swait.ge [sflag:s12], $0x400  }
0x38d: {  	s6 =	rddreg [dreg:$0x7]  }
0x38e: {  	s0 =	rddreg [dreg:$0x6];
	s6 =	sadd.s32 $0x1, s6  }
0x38f: {  	p0 =	sne.s32 s6, s0  }
.Ltmp5:
0x390: {  	_ = 	snop;
	(pc) =	sbr.rel @p0 .LBB2_1-.Ltmp5, $3  }
0x391: {  	_ =	sdelay $0x1  }
0x392: {  	[sflag:s12] =	ssyncset.done $0x0  }
0x393: {  	[sflag:s12] =	ssyncadd.s32 $0xFFFFFC00  }
0x394: {  	_ =	sfence.sel $0x180000  }
0x395: {  	[bflag:$0x0] =	sbarrier.arrive $0xFFFF  }
0x396: {  	_ =	strace $0x90000047  }
0x397: {  	s0 =	stileid.u32;
	[bflag:$0x2] =	sbarrier.arrive $0xFFFF  }
0x398: {  	p0 =	sne.s32 s0, $0x0;
	s0 =	rddreg [dreg:$0x3]  }
0x399: {  	s0 =	sadd.s32 @!p0 $0x100000, s0  }
0x39a: {  	[sflag:s0] =	ssyncadd.tile.s32 @!p0 $0x1;
	_ =	shalt  }
.Lfunc_end2:
_tile_overlayer_lowered:
.L_overlay_start_2:
0x39b: {  	(tag) =	ssettag $0x2  }
0x39c: {  	s0 =	rddreg [dreg:$0x0];
	s2 =	stileid.u32  }
0x39d: {  	s1 =	rddreg [dreg:$0x1];
	p0 =	sne.s32 s2, $0x0  }
0x39e: {  	s3 =	rddreg [dreg:$0x2];
	[bflag:$0x3] =	sbarrier.arrive $0xFFFF;
	s2 =	simm.s32 @!p0 $0x1C07  }
0x39f: {  	[timem:s3], [sflag:s2] =	dma.local @!p0 [hbm:s0], s1  }
0x3a0: {  	s0 =	simm.s32 @!p0 $0x7  }
0x3a1: {  	_ =	swait.ge @!p0 [sflag:s0], s1  }
0x3a2: {  	s1 =	ssub.s32 @!p0 $0x0, s1;
	[sflag:s0] =	ssyncset.done @!p0 $0x0  }
0x3a3: {  	[sflag:s0] =	ssyncadd.s32 @!p0 s1  }
0x3a4: {  	[bflag:$0x3] =	sbarrier.arrive $0xFFFF  }
0x3a5: {  	_ =	shalt  }

</sc_bundles>
